<compile_context>
chip_gen: v7x
topology: tpu7x:2x2x1
jax: 0.10.2.dev20260603
libtpu: 0.0.44.dev20260713+nightly
codegen_flags: <defaults>
</compile_context>

<pallas_src>
import functools

import jax
import jax.numpy as jnp
from jax import lax
from jax.experimental import pallas as pl
from jax.experimental.pallas import tpu as pltpu
from jax.experimental.pallas import tpu_sc as plsc

NN = 10000
NP = 10240
NE = 320000
EP = 327680
CH = 128
NSUB = 16
ROWS = NP // NSUB

_f32 = jnp.float32


def _make_prop(feat_split: bool, D: int, native_tiling: bool = False):
    mesh = plsc.VectorSubcoreMesh(core_axis_name="c", subcore_axis_name="s")
    out_type = [jax.ShapeDtypeStruct((NP, D), _f32)] * 2
    if feat_split:
        nch = EP // NSUB // CH
    else:
        nch = EP // (2 * NSUB) // CH
    BCH = 40
    nblk = nch // BCH
    scratch = [
        pltpu.VMEM_SHARED((NP, D), _f32),
        pltpu.VMEM((BCH, CH), jnp.int32),
        pltpu.VMEM((BCH, CH), jnp.int32),
        pltpu.VMEM((CH, D), _f32),
        pltpu.VMEM((CH, D), _f32),
        pltpu.SemaphoreType.DMA,
        pltpu.SemaphoreType.DMA,
        pltpu.SemaphoreType.DMA,
        pltpu.SemaphoreType.DMA,
    ]

    cp = (pltpu.CompilerParams(use_tc_tiling_on_sc=False)
          if native_tiling else None)

    @functools.partial(pl.kernel, out_type=out_type, mesh=mesh,
                       scratch_types=scratch, compiler_params=cp)
    def prop(h0, h1, src, dst, out0, out1,
             acc, sidx, didx, m0, m1, g0, g1, s0, s1):
        c = lax.axis_index("c")
        s = lax.axis_index("s")
        row0 = s * ROWS
        zv = jnp.zeros((16,), _f32)

        @pl.loop(0, CH)
        def _(r):
            @pl.loop(0, D, step=16)
            def _(k):
                m0[r, pl.ds(k, 16)] = zv

        @pl.loop(0, ROWS, step=CH)
        def _(r):
            pltpu.sync_copy(m0, acc.at[pl.ds(row0 + r, CH)])

        plsc.subcore_barrier()

        def edge_pass(h, chunk0):
            bufs = ((m0, g0, s0), (m1, g1, s1))

            def phase(j, cur, oth):
                mc, gc, sc = cur
                mo, go, so = oth
                pltpu.make_async_copy(h.at[sidx.at[j]], mc, gc).wait()

                @pl.when(j + 1 < BCH)
                def _():
                    @pl.when(j >= 1)
                    def _():
                        pltpu.make_async_copy(mo, acc.at[didx.at[0]],
                                              so).wait()
                    pltpu.async_copy(h.at[sidx.at[j + 1]], mo, go)

                pltpu.async_copy(mc, acc.at[didx.at[j]], sc, add=True)

            @pl.loop(0, nblk)
            def _(b):
                pltpu.sync_copy(src.at[pl.ds(chunk0 + b * BCH, BCH)], sidx)
                pltpu.sync_copy(dst.at[pl.ds(chunk0 + b * BCH, BCH)], didx)
                pltpu.async_copy(h.at[sidx.at[0]], m0, g0)

                @pl.loop(0, BCH, step=2)
                def _(j):
                    phase(j, bufs[0], bufs[1])
                    phase(j + 1, bufs[1], bufs[0])

                pltpu.make_async_copy(m0, acc.at[didx.at[0]], s0).wait()
                pltpu.make_async_copy(m1, acc.at[didx.at[0]], s1).wait()

        @pl.when(c == 0)
        def _():
            edge_pass(h0, s * nch)

        @pl.when(c == 1)
        def _():
            edge_pass(h1, (s if feat_split else NSUB + s) * nch)

        plsc.subcore_barrier()

        @pl.when(c == 0)
        def _():
            pltpu.sync_copy(acc.at[pl.ds(row0, ROWS)],
                            out0.at[pl.ds(row0, ROWS)])

        @pl.when(c == 1)
        def _():
            pltpu.sync_copy(acc.at[pl.ds(row0, ROWS)],
                            out1.at[pl.ds(row0, ROWS)])

    return prop


def _make_degrees():
    mesh = plsc.VectorSubcoreMesh(core_axis_name="c", subcore_axis_name="s")
    out_type = [jax.ShapeDtypeStruct((NP, 16), _f32)] * 4
    nch = EP // (2 * NSUB) // CH
    scratch = [
        pltpu.VMEM_SHARED((NP, 16), _f32),
        pltpu.VMEM_SHARED((NP, 16), _f32),
        pltpu.VMEM((nch, CH), jnp.int32),
        pltpu.VMEM((nch, CH), jnp.int32),
        pltpu.VMEM((CH, 16), _f32),
    ]

    @functools.partial(pl.kernel, out_type=out_type, mesh=mesh,
                       scratch_types=scratch,
                       compiler_params=pltpu.CompilerParams(
                           use_tc_tiling_on_sc=False))
    def degrees(src, dst, zrows, ones_in, o_s0, o_d0, o_s1, o_d1,
                tsrc, tdst, sbuf, dbuf, ones):
        c = lax.axis_index("c")
        s = lax.axis_index("s")
        row0 = s * ROWS
        pltpu.sync_copy(zrows, tsrc.at[pl.ds(row0, ROWS)])
        pltpu.sync_copy(zrows, tdst.at[pl.ds(row0, ROWS)])
        pltpu.sync_copy(ones_in, ones)
        chunk0 = (c * NSUB + s) * nch
        pltpu.sync_copy(src.at[pl.ds(chunk0, nch)], sbuf)
        pltpu.sync_copy(dst.at[pl.ds(chunk0, nch)], dbuf)
        plsc.subcore_barrier()

        @pl.loop(0, nch)
        def _(j):
            pltpu.sync_copy(ones, tsrc.at[sbuf.at[j]], add=True)
            pltpu.sync_copy(ones, tdst.at[dbuf.at[j]], add=True)

        plsc.subcore_barrier()

        @pl.when(c == 0)
        def _():
            pltpu.sync_copy(tsrc.at[pl.ds(row0, ROWS)],
                            o_s0.at[pl.ds(row0, ROWS)])
            pltpu.sync_copy(tdst.at[pl.ds(row0, ROWS)],
                            o_d0.at[pl.ds(row0, ROWS)])

        @pl.when(c == 1)
        def _():
            pltpu.sync_copy(tsrc.at[pl.ds(row0, ROWS)],
                            o_s1.at[pl.ds(row0, ROWS)])
            pltpu.sync_copy(tdst.at[pl.ds(row0, ROWS)],
                            o_d1.at[pl.ds(row0, ROWS)])

    return degrees


_prop128_edge = _make_prop(False, 128)
_prop128_feat = _make_prop(True, 128)
_prop64_edge = _make_prop(False, 64, native_tiling=True)
_degrees = _make_degrees()

_BR = 5120


def _tc_call(body, out_shapes, in_specs, out_specs):
    return pl.pallas_call(
        body,
        grid=(NP // _BR,),
        in_specs=in_specs,
        out_specs=out_specs,
        out_shape=out_shapes,
    )


def _rows(width):
    return pl.BlockSpec((_BR, width), lambda i: (i, 0))


def _full(a, b):
    return pl.BlockSpec((a, b), lambda i: (0, 0))


def _tcA_body(cs0, cs1, cd0, cd1, x, xs_o, dout_o, din_o):
    scnt = cs0[:, 0] + cs1[:, 0]
    dcnt = cd0[:, 0] + cd1[:, 0]
    dout = lax.rsqrt(jnp.maximum(scnt, 1.0))
    din = lax.rsqrt(jnp.maximum(dcnt, 1.0))
    xs_o[...] = x[...] * dout[:, None]
    dout_o[...] = dout[:, None]
    din_o[...] = din[:, None]


def _tcR_body(x, wr, br, res_o):
    res_o[...] = jnp.dot(x[...], wr[...], preferred_element_type=_f32) + br[...]


def _tcB1_body(p0, p1, din, dout, w1, b1, h0_o, h1_o):
    agg = (p0[...] + p1[...]) * din[...]
    t = jnp.maximum(jnp.dot(agg, w1[...], preferred_element_type=_f32)
                    + b1[...], 0.0) * dout[...]
    h0_o[...] = t[:, :128]
    h1_o[...] = t[:, 128:]


def _tcB2_body(a0, a1, din, dout, w2, b2, w3, z3_o):
    agg = jnp.concatenate([a0[...], a1[...]], axis=1) * din[...]
    h2 = jnp.maximum(jnp.dot(agg, w2[...], preferred_element_type=_f32)
                     + b2[...], 0.0)
    z3_o[...] = jnp.dot(h2, w3[...], preferred_element_type=_f32) * dout[...]


def _tcB3_body(p0, p1, din, dout, w4, b3, z4_o):
    h3 = jnp.maximum((p0[...] + p1[...]) * din[...] + b3[...], 0.0)
    z4_o[...] = jnp.dot(h3, w4[...], preferred_element_type=_f32) * dout[...]


def _tcB4_body(p0, p1, din, b4, res, out_o):
    out_o[...] = (p0[...] + p1[...]) * din[...] + b4[...] + res[...]


def kernel(inputs, edge_index, W1, b1, W2, b2, W3, b3, W4, b4, Wr, br):
    x = jnp.pad(inputs, ((0, NP - NN), (0, 0)))
    pad_idx = NN + jnp.arange(EP - NE, dtype=jnp.int32) % (NP - NN)
    src = jnp.concatenate([edge_index[0], pad_idx]).reshape(EP // CH, CH)
    dst = jnp.concatenate([edge_index[1], pad_idx]).reshape(EP // CH, CH)
    z16 = jnp.zeros((ROWS, 16), _f32)
    ones16 = jnp.ones((CH, 16), _f32)

    cs0, cd0, cs1, cd1 = _degrees(src, dst, z16, ones16)

    sdt = jax.ShapeDtypeStruct
    res = _tc_call(
        _tcR_body,
        [sdt((NP, 64), _f32)],
        [_rows(128), _full(128, 64), _full(1, 64)],
        [_rows(64)],
    )(x, Wr, br.reshape(1, 64))[0]

    xs, dout, din = _tc_call(
        _tcA_body,
        [sdt((NP, 128), _f32), sdt((NP, 1), _f32), sdt((NP, 1), _f32)],
        [_rows(16), _rows(16), _rows(16), _rows(16), _rows(128)],
        [_rows(128), _rows(1), _rows(1)],
    )(cs0, cs1, cd0, cd1, x)

    a1p0, a1p1 = _prop128_edge(xs, xs, src, dst)

    h0, h1 = _tc_call(
        _tcB1_body,
        [sdt((NP, 128), _f32), sdt((NP, 128), _f32)],
        [_rows(128), _rows(128), _rows(1), _rows(1),
         _full(128, 256), _full(1, 256)],
        [_rows(128), _rows(128)],
    )(a1p0, a1p1, din, dout, W1, b1.reshape(1, 256))

    a2h0, a2h1 = _prop128_feat(h0, h1, src, dst)

    z3s = _tc_call(
        _tcB2_body,
        [sdt((NP, 128), _f32)],
        [_rows(128), _rows(128), _rows(1), _rows(1),
         _full(256, 256), _full(1, 256), _full(256, 128)],
        [_rows(128)],
    )(a2h0, a2h1, din, dout, W2, b2.reshape(1, 256), W3)[0]

    a3p0, a3p1 = _prop128_edge(z3s, z3s, src, dst)

    z4s = _tc_call(
        _tcB3_body,
        [sdt((NP, 64), _f32)],
        [_rows(128), _rows(128), _rows(1), _rows(1),
         _full(128, 64), _full(1, 128)],
        [_rows(64)],
    )(a3p0, a3p1, din, dout, W4, b3.reshape(1, 128))[0]

    a4p0, a4p1 = _prop64_edge(z4s, z4s, src, dst)

    out = _tc_call(
        _tcB4_body,
        [sdt((NP, 64), _f32)],
        [_rows(64), _rows(64), _rows(1), _full(1, 64), _rows(64)],
        [_rows(64)],
    )(a4p0, a4p1, din, b4.reshape(1, 64), res)[0]

    return out[:NN]

# --- scband reference (transcript-rebuilt; emitter-appended) ---
"""Pipeline reference for scband-gcn-3-layer-45311904973169 (READ-ONLY COPY).

The authoritative reference and input builder live on the scoring server;
editing this copy changes nothing except your own understanding.
"""

import jax, jax.numpy as jnp
import numpy as np

N_NODES = 10000
N_EDGES = 320000
IN_FEATS = 128
H1 = 256
H2 = 256
H3 = 128
NUM_CLASSES = 64


def setup_inputs(seed: int = 0) -> dict:
    key = jax.random.key(seed)
    ks = jax.random.split(key, 12)
    x = jax.random.normal(ks[0], (N_NODES, IN_FEATS), dtype=jnp.float32)
    edge_index = jax.random.randint(ks[1], (2, N_EDGES), 0, N_NODES, dtype=jnp.int32)

    def glorot(k, fan_in, fan_out):
        lim = (6.0 / (fan_in + fan_out)) ** 0.5
        return jax.random.uniform(k, (fan_in, fan_out), dtype=jnp.float32, minval=-lim, maxval=lim)

    W1 = glorot(ks[2], IN_FEATS, H1)
    b1 = jnp.zeros((H1,), dtype=jnp.float32)
    W2 = glorot(ks[3], H1, H2)
    b2 = jnp.zeros((H2,), dtype=jnp.float32)
    W3 = glorot(ks[4], H2, H3)
    b3 = jnp.zeros((H3,), dtype=jnp.float32)
    W4 = glorot(ks[5], H3, NUM_CLASSES)
    b4 = jnp.zeros((NUM_CLASSES,), dtype=jnp.float32)
    Wr = glorot(ks[6], IN_FEATS, NUM_CLASSES)
    br = jnp.zeros((NUM_CLASSES,), dtype=jnp.float32)
    return {
        "inputs": x,
        "edge_index": edge_index,
        "W1": W1, "b1": b1,
        "W2": W2, "b2": b2,
        "W3": W3, "b3": b3,
        "W4": W4, "b4": b4,
        "Wr": Wr, "br": br,
    }


def _graph_conv(x, src, dst, W, b):
    # DGL GraphConv with norm='both': D_out^{-1/2} A^T D_in^{-1/2} normalization
    n = x.shape[0]
    deg_out = jnp.maximum(jnp.bincount(src, length=n), 1).astype(x.dtype)
    deg_in = jnp.maximum(jnp.bincount(dst, length=n), 1).astype(x.dtype)
    h = x * (deg_out ** -0.5)[:, None]
    msg = jnp.take(h, src, axis=0)
    agg = jnp.zeros((n, x.shape[1]), dtype=x.dtype).at[dst].add(msg)
    agg = agg * (deg_in ** -0.5)[:, None]
    return agg @ W + b


def reference(inputs, edge_index, W1, b1, W2, b2, W3, b3, W4, b4, Wr, br):
    src = edge_index[0]
    dst = edge_index[1]
    res_op = inputs @ Wr + br
    out = jax.nn.relu(_graph_conv(inputs, src, dst, W1, b1))
    out = jax.nn.relu(_graph_conv(out, src, dst, W2, b2))
    out = jax.nn.relu(_graph_conv(out, src, dst, W3, b3))
    out = _graph_conv(out, src, dst, W4, b4)
    out = out + res_op
    return out

if __name__ == "__main__":
    import jax
    _d = setup_inputs()
    print(jax.jit(kernel)(*tuple(_d.values())))

</pallas_src>

<mosaic_0001>
#map = affine_map<(d0, d1) -> (0, 0)>
module attributes {stable_mosaic.version = 14 : i64} {
  func.func @prop(%arg0: i32, %arg1: i32, %arg2: memref<10240x128xf32, #tpu.memory_space<hbm>>, %arg3: memref<10240x128xf32, #tpu.memory_space<hbm>>, %arg4: memref<2560x128xi32, #tpu.memory_space<hbm>>, %arg5: memref<2560x128xi32, #tpu.memory_space<hbm>>, %arg6: memref<10240x128xf32, #tpu.memory_space<hbm>>, %arg7: memref<10240x128xf32, #tpu.memory_space<hbm>>, %arg8: memref<10240x128xf32, #tpu.memory_space<vmem_shared>>, %arg9: memref<40x128xi32, #tpu.memory_space<vmem>>, %arg10: memref<40x128xi32, #tpu.memory_space<vmem>>, %arg11: memref<128x128xf32, #tpu.memory_space<vmem>>, %arg12: memref<128x128xf32, #tpu.memory_space<vmem>>, %arg13: memref<!tpu.dma_semaphore, #tpu.memory_space<semaphore_mem>>, %arg14: memref<!tpu.dma_semaphore, #tpu.memory_space<semaphore_mem>>, %arg15: memref<!tpu.dma_semaphore, #tpu.memory_space<semaphore_mem>>, %arg16: memref<!tpu.dma_semaphore, #tpu.memory_space<semaphore_mem>>) attributes {dimension_semantics = [#tpu.dimension_semantics<core_parallel>, #tpu.dimension_semantics<subcore_parallel>], iteration_bounds = array<i64: 2, 16>, scalar_prefetch = 0 : i64, scratch_operands = 9 : i64, tpu.core_type = #tpu.core_type<sc_vector_subcore>, window_params = [{transform_indices = #map}, {transform_indices = #map}, {transform_indices = #map}, {transform_indices = #map}, {transform_indices = #map}, {transform_indices = #map}]} {
    %mul3A = arith.constant 640 : i32
    %mul3A_0 = arith.muli %arg1, %mul3A : i32
    %broadcast_in_dim3A = arith.constant 0.000000e+00 : f32
    %broadcast_in_dim3A_1 = vector.broadcast %broadcast_in_dim3A : f32 to vector<16xf32>
    %scan3A = arith.constant 0 : i32
    %scan3A_2 = arith.constant 128 : i32
    %scan3A_3 = arith.addi %scan3A, %scan3A_2 : i32
    %scan3A_4 = arith.constant 1 : i32
    scf.for %scan3A_29 = %scan3A to %scan3A_3 step %scan3A_4  : i32 {
      %mul3A_30 = arith.constant 1 : i32
      %mul3A_31 = arith.muli %scan3A_29, %mul3A_30 : i32
      %add3A = arith.constant 0 : i32
      %add3A_32 = arith.addi %add3A, %mul3A_31 : i32
      %scan3A_33 = arith.constant 0 : i32
      %scan3A_34 = arith.constant 8 : i32
      %scan3A_35 = arith.addi %scan3A_33, %scan3A_34 : i32
      %scan3A_36 = arith.constant 1 : i32
      scf.for %scan3A_38 = %scan3A_33 to %scan3A_35 step %scan3A_36  : i32 {
        %mul3A_39 = arith.constant 16 : i32
        %mul3A_40 = arith.muli %scan3A_38, %mul3A_39 : i32
        %add3A_41 = arith.constant 0 : i32
        %add3A_42 = arith.addi %add3A_41, %mul3A_40 : i32
        %swap3A = arith.index_cast %add3A_32 : i32 to index
        %swap3A_43 = arith.index_cast %add3A_42 : i32 to index
        %swap3A_44 = tpu.vector_load %arg11[%swap3A, %swap3A_43] {strides = array<i32>} : memref<128x128xf32, #tpu.memory_space<vmem>>, vector<1x16xf32>,
        %swap3A_45 = vector.shape_cast %swap3A_44 : vector<1x16xf32> to vector<16xf32>
        %swap3A_46 = vector.shape_cast %broadcast_in_dim3A_1 : vector<16xf32> to vector<1x16xf32>
        tpu.vector_store %arg11[%swap3A, %swap3A_43], %swap3A_46 {strides = array<i32>} : memref<128x128xf32, #tpu.memory_space<vmem>>, vector<1x16xf32>,
      }
      %scan3A_37 = arith.constant 8 : i32
    }
    %scan3A_5 = arith.constant 128 : i32
    %scan3A_6 = arith.constant 0 : i32
    %scan3A_7 = arith.constant 5 : i32
    %scan3A_8 = arith.addi %scan3A_6, %scan3A_7 : i32
    %scan3A_9 = arith.constant 1 : i32
    scf.for %scan3A_29 = %scan3A_6 to %scan3A_8 step %scan3A_9  : i32 {
      %mul3A_30 = arith.constant 128 : i32
      %mul3A_31 = arith.muli %scan3A_29, %mul3A_30 : i32
      %add3A = arith.constant 0 : i32
      %add3A_32 = arith.addi %add3A, %mul3A_31 : i32
      %add3A_33 = arith.addi %mul3A_0, %add3A_32 : i32
      "tpu.region"() ({
        %run_scoped3A = tpu.sem_alloc : memref<!tpu.dma_semaphore, #tpu.memory_space<semaphore_mem>>
        %dma_start3A = arith.constant 0 : i32
        %dma_start3A_34 = tpu.memref_slice %arg8[%add3A_33, %dma_start3A] : memref<10240x128xf32, #tpu.memory_space<vmem_shared>> -> memref<128x128xf32, #tpu.memory_space<vmem_shared>>
        %dma_start3A_35 = arith.constant 0 : i32
        %dma_start3A_36 = tpu.memref_slice %arg8[%add3A_33, %dma_start3A_35] : memref<10240x128xf32, #tpu.memory_space<vmem_shared>> -> memref<128x128xf32, #tpu.memory_space<vmem_shared>>
        tpu.enqueue_dma source(%arg11 : memref<128x128xf32, #tpu.memory_space<vmem>>) target(%dma_start3A_36 : memref<128x128xf32, #tpu.memory_space<vmem_shared>>) target_semaphore(%run_scoped3A : memref<!tpu.dma_semaphore, #tpu.memory_space<semaphore_mem>>)
        %dma_wait3A = arith.constant 0 : i32
        %dma_wait3A_37 = tpu.memref_slice %arg8[%add3A_33, %dma_wait3A] : memref<10240x128xf32, #tpu.memory_space<vmem_shared>> -> memref<128x128xf32, #tpu.memory_space<vmem_shared>>
        %dma_wait3A_38 = arith.constant 0 : i32
        %dma_wait3A_39 = tpu.memref_slice %arg8[%add3A_33, %dma_wait3A_38] : memref<10240x128xf32, #tpu.memory_space<vmem_shared>> -> memref<128x128xf32, #tpu.memory_space<vmem_shared>>
        tpu.wait_dma2 semaphore(%run_scoped3A : memref<!tpu.dma_semaphore, #tpu.memory_space<semaphore_mem>>) src(%arg11 : memref<128x128xf32, #tpu.memory_space<vmem>>) dst(%dma_wait3A_39 : memref<128x128xf32, #tpu.memory_space<vmem_shared>>)
        tpu.yield
      }) : () -> ()
    }
    %scan3A_10 = arith.constant 5 : i32
    %barrier3A = arith.constant 0 : index
    tpu.barrier barrier_id(%barrier3A)
    %eq3A = arith.constant 0 : i32
    %eq3A_11 = arith.cmpi eq, %arg0, %eq3A : i32
    %convert_element_type3A = arith.extui %eq3A_11 : i1 to i32
    %cond3A = arith.constant 0 : i32
    %cond3A_12 = arith.cmpi ne, %convert_element_type3A, %cond3A : i32
    scf.if %cond3A_12 {
      %mul3A_29 = arith.constant 80 : i32
      %mul3A_30 = arith.muli %arg1, %mul3A_29 : i32
      %scan3A_31 = arith.constant 0 : i32
      %scan3A_32 = arith.constant 2 : i32
      %scan3A_33 = arith.addi %scan3A_31, %scan3A_32 : i32
      %scan3A_34 = arith.constant 1 : i32
      scf.for %scan3A_36 = %scan3A_31 to %scan3A_33 step %scan3A_34  : i32 {
        %mul3A_37 = arith.constant 1 : i32
        %mul3A_38 = arith.muli %scan3A_36, %mul3A_37 : i32
        %add3A = arith.constant 0 : i32
        %add3A_39 = arith.addi %add3A, %mul3A_38 : i32
        %mul3A_40 = arith.constant 40 : i32
        %mul3A_41 = arith.muli %add3A_39, %mul3A_40 : i32
        %add3A_42 = arith.addi %mul3A_30, %mul3A_41 : i32
        "tpu.region"() ({
          %run_scoped3A = tpu.sem_alloc : memref<!tpu.dma_semaphore, #tpu.memory_space<semaphore_mem>>
          %dma_start3A_70 = arith.constant 0 : i32
          %dma_start3A_71 = tpu.memref_slice %arg4[%add3A_42, %dma_start3A_70] : memref<2560x128xi32, #tpu.memory_space<hbm>> -> memref<40x128xi32, #tpu.memory_space<hbm>>
          %dma_start3A_72 = arith.constant 0 : i32
          %dma_start3A_73 = tpu.memref_slice %arg4[%add3A_42, %dma_start3A_72] : memref<2560x128xi32, #tpu.memory_space<hbm>> -> memref<40x128xi32, #tpu.memory_space<hbm>>
          tpu.enqueue_dma source(%dma_start3A_73 : memref<40x128xi32, #tpu.memory_space<hbm>>) target(%arg9 : memref<40x128xi32, #tpu.memory_space<vmem>>) target_semaphore(%run_scoped3A : memref<!tpu.dma_semaphore, #tpu.memory_space<semaphore_mem>>)
          %dma_wait3A_74 = arith.constant 0 : i32
          %dma_wait3A_75 = tpu.memref_slice %arg4[%add3A_42, %dma_wait3A_74] : memref<2560x128xi32, #tpu.memory_space<hbm>> -> memref<40x128xi32, #tpu.memory_space<hbm>>
          %dma_wait3A_76 = arith.constant 0 : i32
          %dma_wait3A_77 = tpu.memref_slice %arg4[%add3A_42, %dma_wait3A_76] : memref<2560x128xi32, #tpu.memory_space<hbm>> -> memref<40x128xi32, #tpu.memory_space<hbm>>
          tpu.wait_dma2 semaphore(%run_scoped3A : memref<!tpu.dma_semaphore, #tpu.memory_space<semaphore_mem>>) src(%dma_wait3A_77 : memref<40x128xi32, #tpu.memory_space<hbm>>) dst(%arg9 : memref<40x128xi32, #tpu.memory_space<vmem>>)
          tpu.yield
        }) : () -> ()
        %mul3A_43 = arith.constant 40 : i32
        %mul3A_44 = arith.muli %add3A_39, %mul3A_43 : i32
        %add3A_45 = arith.addi %mul3A_30, %mul3A_44 : i32
        "tpu.region"() ({
          %run_scoped3A = tpu.sem_alloc : memref<!tpu.dma_semaphore, #tpu.memory_space<semaphore_mem>>
          %dma_start3A_70 = arith.constant 0 : i32
          %dma_start3A_71 = tpu.memref_slice %arg5[%add3A_45, %dma_start3A_70] : memref<2560x128xi32, #tpu.memory_space<hbm>> -> memref<40x128xi32, #tpu.memory_space<hbm>>
          %dma_start3A_72 = arith.constant 0 : i32
          %dma_start3A_73 = tpu.memref_slice %arg5[%add3A_45, %dma_start3A_72] : memref<2560x128xi32, #tpu.memory_space<hbm>> -> memref<40x128xi32, #tpu.memory_space<hbm>>
          tpu.enqueue_dma source(%dma_start3A_73 : memref<40x128xi32, #tpu.memory_space<hbm>>) target(%arg10 : memref<40x128xi32, #tpu.memory_space<vmem>>) target_semaphore(%run_scoped3A : memref<!tpu.dma_semaphore, #tpu.memory_space<semaphore_mem>>)
          %dma_wait3A_74 = arith.constant 0 : i32
          %dma_wait3A_75 = tpu.memref_slice %arg5[%add3A_45, %dma_wait3A_74] : memref<2560x128xi32, #tpu.memory_space<hbm>> -> memref<40x128xi32, #tpu.memory_space<hbm>>
          %dma_wait3A_76 = arith.constant 0 : i32
          %dma_wait3A_77 = tpu.memref_slice %arg5[%add3A_45, %dma_wait3A_76] : memref<2560x128xi32, #tpu.memory_space<hbm>> -> memref<40x128xi32, #tpu.memory_space<hbm>>
          tpu.wait_dma2 semaphore(%run_scoped3A : memref<!tpu.dma_semaphore, #tpu.memory_space<semaphore_mem>>) src(%dma_wait3A_77 : memref<40x128xi32, #tpu.memory_space<hbm>>) dst(%arg10 : memref<40x128xi32, #tpu.memory_space<vmem>>)
          tpu.yield
        }) : () -> ()
        %dma_start3A = arith.constant 0 : i32
        %dma_start3A_46 = arith.constant 0 : i32
        %dma_start3A_47 = tpu.memref_slice %arg9[%dma_start3A, %dma_start3A_46] : memref<40x128xi32, #tpu.memory_space<vmem>> -> memref<1x128xi32, #tpu.memory_space<vmem>>
        %dma_start3A_48 = tpu.memref_squeeze %dma_start3A_47 : memref<1x128xi32, #tpu.memory_space<vmem>> -> memref<128xi32, #tpu.memory_space<vmem>>
        %dma_start3A_49 = arith.constant 0 : i32
        %dma_start3A_50 = arith.constant 0 : i32
        %dma_start3A_51 = tpu.memref_slice %arg2[%dma_start3A_49, %dma_start3A_50] : memref<10240x128xf32, #tpu.memory_space<hbm>> -> memref<10240x128xf32, #tpu.memory_space<hbm>>
        tpu.enqueue_indirect_dma source(%dma_start3A_51 : memref<10240x128xf32, #tpu.memory_space<hbm>>) target(%arg11 : memref<128x128xf32, #tpu.memory_space<vmem>>) offsets(%dma_start3A_48 : memref<128xi32, #tpu.memory_space<vmem>>) semaphore(%arg13 : memref<!tpu.dma_semaphore, #tpu.memory_space<semaphore_mem>>)
        %scan3A_52 = arith.constant 0 : i32
        %scan3A_53 = arith.constant 20 : i32
        %scan3A_54 = arith.addi %scan3A_52, %scan3A_53 : i32
        %scan3A_55 = arith.constant 1 : i32
        scf.for %scan3A_70 = %scan3A_52 to %scan3A_54 step %scan3A_55  : i32 {
          %mul3A_71 = arith.constant 2 : i32
          %mul3A_72 = arith.muli %scan3A_70, %mul3A_71 : i32
          %add3A_73 = arith.constant 0 : i32
          %add3A_74 = arith.addi %add3A_73, %mul3A_72 : i32
          %dma_wait3A_75 = arith.constant 0 : i32
          %dma_wait3A_76 = tpu.memref_slice %arg9[%add3A_74, %dma_wait3A_75] : memref<40x128xi32, #tpu.memory_space<vmem>> -> memref<1x128xi32, #tpu.memory_space<vmem>>
          %dma_wait3A_77 = tpu.memref_squeeze %dma_wait3A_76 : memref<1x128xi32, #tpu.memory_space<vmem>> -> memref<128xi32, #tpu.memory_space<vmem>>
          %dma_wait3A_78 = arith.constant 0 : i32
          %dma_wait3A_79 = arith.constant 0 : i32
          %dma_wait3A_80 = tpu.memref_slice %arg2[%dma_wait3A_78, %dma_wait3A_79] : memref<10240x128xf32, #tpu.memory_space<hbm>> -> memref<10240x128xf32, #tpu.memory_space<hbm>>
          tpu.wait_indirect_dma semaphore(%arg13 : memref<!tpu.dma_semaphore, #tpu.memory_space<semaphore_mem>>) src(%dma_wait3A_80 : memref<10240x128xf32, #tpu.memory_space<hbm>>) dst(%arg11 : memref<128x128xf32, #tpu.memory_space<vmem>>)
          %add3A_81 = arith.constant 1 : i32
          %add3A_82 = arith.addi %add3A_74, %add3A_81 : i32
          %lt3A = arith.constant 40 : i32
          %lt3A_83 = arith.cmpi slt, %add3A_82, %lt3A : i32
          %convert_element_type3A_84 = arith.extui %lt3A_83 : i1 to i32
          %cond3A_85 = arith.constant 0 : i32
          %cond3A_86 = arith.cmpi ne, %convert_element_type3A_84, %cond3A_85 : i32
          scf.if %cond3A_86 {
            %ge3A = arith.constant 1 : i32
            %ge3A_114 = arith.cmpi sge, %add3A_74, %ge3A : i32
            %convert_element_type3A_115 = arith.extui %ge3A_114 : i1 to i32
            %cond3A_116 = arith.constant 0 : i32
            %cond3A_117 = arith.cmpi ne, %convert_element_type3A_115, %cond3A_116 : i32
            scf.if %cond3A_117 {
              %dma_wait3A_126 = arith.constant 0 : i32
              %dma_wait3A_127 = arith.constant 0 : i32
              %dma_wait3A_128 = tpu.memref_slice %arg10[%dma_wait3A_126, %dma_wait3A_127] : memref<40x128xi32, #tpu.memory_space<vmem>> -> memref<1x128xi32, #tpu.memory_space<vmem>>
              %dma_wait3A_129 = tpu.memref_squeeze %dma_wait3A_128 : memref<1x128xi32, #tpu.memory_space<vmem>> -> memref<128xi32, #tpu.memory_space<vmem>>
              %dma_wait3A_130 = arith.constant 0 : i32
              %dma_wait3A_131 = arith.constant 0 : i32
              %dma_wait3A_132 = tpu.memref_slice %arg8[%dma_wait3A_130, %dma_wait3A_131] : memref<10240x128xf32, #tpu.memory_space<vmem_shared>> -> memref<10240x128xf32, #tpu.memory_space<vmem_shared>>
              tpu.wait_indirect_dma semaphore(%arg16 : memref<!tpu.dma_semaphore, #tpu.memory_space<semaphore_mem>>) src(%arg12 : memref<128x128xf32, #tpu.memory_space<vmem>>) dst(%dma_wait3A_132 : memref<10240x128xf32, #tpu.memory_space<vmem_shared>>)
            } else {
            }
            %add3A_118 = arith.constant 1 : i32
            %add3A_119 = arith.addi %add3A_74, %add3A_118 : i32
            %dma_start3A_120 = arith.constant 0 : i32
            %dma_start3A_121 = tpu.memref_slice %arg9[%add3A_119, %dma_start3A_120] : memref<40x128xi32, #tpu.memory_space<vmem>> -> memref<1x128xi32, #tpu.memory_space<vmem>>
            %dma_start3A_122 = tpu.memref_squeeze %dma_start3A_121 : memref<1x128xi32, #tpu.memory_space<vmem>> -> memref<128xi32, #tpu.memory_space<vmem>>
            %dma_start3A_123 = arith.constant 0 : i32
            %dma_start3A_124 = arith.constant 0 : i32
            %dma_start3A_125 = tpu.memref_slice %arg2[%dma_start3A_123, %dma_start3A_124] : memref<10240x128xf32, #tpu.memory_space<hbm>> -> memref<10240x128xf32, #tpu.memory_space<hbm>>
            tpu.enqueue_indirect_dma source(%dma_start3A_125 : memref<10240x128xf32, #tpu.memory_space<hbm>>) target(%arg12 : memref<128x128xf32, #tpu.memory_space<vmem>>) offsets(%dma_start3A_122 : memref<128xi32, #tpu.memory_space<vmem>>) semaphore(%arg14 : memref<!tpu.dma_semaphore, #tpu.memory_space<semaphore_mem>>)
          } else {
          }
          %dma_start3A_87 = arith.constant 0 : i32
          %dma_start3A_88 = tpu.memref_slice %arg10[%add3A_74, %dma_start3A_87] : memref<40x128xi32, #tpu.memory_space<vmem>> -> memref<1x128xi32, #tpu.memory_space<vmem>>
          %dma_start3A_89 = tpu.memref_squeeze %dma_start3A_88 : memref<1x128xi32, #tpu.memory_space<vmem>> -> memref<128xi32, #tpu.memory_space<vmem>>
          %dma_start3A_90 = arith.constant 0 : i32
          %dma_start3A_91 = arith.constant 0 : i32
          %dma_start3A_92 = tpu.memref_slice %arg8[%dma_start3A_90, %dma_start3A_91] : memref<10240x128xf32, #tpu.memory_space<vmem_shared>> -> memref<10240x128xf32, #tpu.memory_space<vmem_shared>>
          tpu.enqueue_indirect_dma source(%arg11 : memref<128x128xf32, #tpu.memory_space<vmem>>) target(%dma_start3A_92 : memref<10240x128xf32, #tpu.memory_space<vmem_shared>>) offsets(%dma_start3A_89 : memref<128xi32, #tpu.memory_space<vmem>>) semaphore(%arg15 : memref<!tpu.dma_semaphore, #tpu.memory_space<semaphore_mem>>) {add = true}
          %add3A_93 = arith.constant 1 : i32
          %add3A_94 = arith.addi %add3A_74, %add3A_93 : i32
          %dma_wait3A_95 = arith.constant 0 : i32
          %dma_wait3A_96 = tpu.memref_slice %arg9[%add3A_94, %dma_wait3A_95] : memref<40x128xi32, #tpu.memory_space<vmem>> -> memref<1x128xi32, #tpu.memory_space<vmem>>
          %dma_wait3A_97 = tpu.memref_squeeze %dma_wait3A_96 : memref<1x128xi32, #tpu.memory_space<vmem>> -> memref<128xi32, #tpu.memory_space<vmem>>
          %dma_wait3A_98 = arith.constant 0 : i32
          %dma_wait3A_99 = arith.constant 0 : i32
          %dma_wait3A_100 = tpu.memref_slice %arg2[%dma_wait3A_98, %dma_wait3A_99] : memref<10240x128xf32, #tpu.memory_space<hbm>> -> memref<10240x128xf32, #tpu.memory_space<hbm>>
          tpu.wait_indirect_dma semaphore(%arg14 : memref<!tpu.dma_semaphore, #tpu.memory_space<semaphore_mem>>) src(%dma_wait3A_100 : memref<10240x128xf32, #tpu.memory_space<hbm>>) dst(%arg12 : memref<128x128xf32, #tpu.memory_space<vmem>>)
          %add3A_101 = arith.constant 1 : i32
          %add3A_102 = arith.addi %add3A_94, %add3A_101 : i32
          %lt3A_103 = arith.constant 40 : i32
          %lt3A_104 = arith.cmpi slt, %add3A_102, %lt3A_103 : i32
          %convert_element_type3A_105 = arith.extui %lt3A_104 : i1 to i32
          %cond3A_106 = arith.constant 0 : i32
          %cond3A_107 = arith.cmpi ne, %convert_element_type3A_105, %cond3A_106 : i32
          scf.if %cond3A_107 {
            %ge3A = arith.constant 1 : i32
            %ge3A_114 = arith.cmpi sge, %add3A_94, %ge3A : i32
            %convert_element_type3A_115 = arith.extui %ge3A_114 : i1 to i32
            %cond3A_116 = arith.constant 0 : i32
            %cond3A_117 = arith.cmpi ne, %convert_element_type3A_115, %cond3A_116 : i32
            scf.if %cond3A_117 {
              %dma_wait3A_126 = arith.constant 0 : i32
              %dma_wait3A_127 = arith.constant 0 : i32
              %dma_wait3A_128 = tpu.memref_slice %arg10[%dma_wait3A_126, %dma_wait3A_127] : memref<40x128xi32, #tpu.memory_space<vmem>> -> memref<1x128xi32, #tpu.memory_space<vmem>>
              %dma_wait3A_129 = tpu.memref_squeeze %dma_wait3A_128 : memref<1x128xi32, #tpu.memory_space<vmem>> -> memref<128xi32, #tpu.memory_space<vmem>>
              %dma_wait3A_130 = arith.constant 0 : i32
              %dma_wait3A_131 = arith.constant 0 : i32
              %dma_wait3A_132 = tpu.memref_slice %arg8[%dma_wait3A_130, %dma_wait3A_131] : memref<10240x128xf32, #tpu.memory_space<vmem_shared>> -> memref<10240x128xf32, #tpu.memory_space<vmem_shared>>
              tpu.wait_indirect_dma semaphore(%arg15 : memref<!tpu.dma_semaphore, #tpu.memory_space<semaphore_mem>>) src(%arg11 : memref<128x128xf32, #tpu.memory_space<vmem>>) dst(%dma_wait3A_132 : memref<10240x128xf32, #tpu.memory_space<vmem_shared>>)
            } else {
            }
            %add3A_118 = arith.constant 1 : i32
            %add3A_119 = arith.addi %add3A_94, %add3A_118 : i32
            %dma_start3A_120 = arith.constant 0 : i32
            %dma_start3A_121 = tpu.memref_slice %arg9[%add3A_119, %dma_start3A_120] : memref<40x128xi32, #tpu.memory_space<vmem>> -> memref<1x128xi32, #tpu.memory_space<vmem>>
            %dma_start3A_122 = tpu.memref_squeeze %dma_start3A_121 : memref<1x128xi32, #tpu.memory_space<vmem>> -> memref<128xi32, #tpu.memory_space<vmem>>
            %dma_start3A_123 = arith.constant 0 : i32
            %dma_start3A_124 = arith.constant 0 : i32
            %dma_start3A_125 = tpu.memref_slice %arg2[%dma_start3A_123, %dma_start3A_124] : memref<10240x128xf32, #tpu.memory_space<hbm>> -> memref<10240x128xf32, #tpu.memory_space<hbm>>
            tpu.enqueue_indirect_dma source(%dma_start3A_125 : memref<10240x128xf32, #tpu.memory_space<hbm>>) target(%arg11 : memref<128x128xf32, #tpu.memory_space<vmem>>) offsets(%dma_start3A_122 : memref<128xi32, #tpu.memory_space<vmem>>) semaphore(%arg13 : memref<!tpu.dma_semaphore, #tpu.memory_space<semaphore_mem>>)
          } else {
          }
          %dma_start3A_108 = arith.constant 0 : i32
          %dma_start3A_109 = tpu.memref_slice %arg10[%add3A_94, %dma_start3A_108] : memref<40x128xi32, #tpu.memory_space<vmem>> -> memref<1x128xi32, #tpu.memory_space<vmem>>
          %dma_start3A_110 = tpu.memref_squeeze %dma_start3A_109 : memref<1x128xi32, #tpu.memory_space<vmem>> -> memref<128xi32, #tpu.memory_space<vmem>>
          %dma_start3A_111 = arith.constant 0 : i32
          %dma_start3A_112 = arith.constant 0 : i32
          %dma_start3A_113 = tpu.memref_slice %arg8[%dma_start3A_111, %dma_start3A_112] : memref<10240x128xf32, #tpu.memory_space<vmem_shared>> -> memref<10240x128xf32, #tpu.memory_space<vmem_shared>>
          tpu.enqueue_indirect_dma source(%arg12 : memref<128x128xf32, #tpu.memory_space<vmem>>) target(%dma_start3A_113 : memref<10240x128xf32, #tpu.memory_space<vmem_shared>>) offsets(%dma_start3A_110 : memref<128xi32, #tpu.memory_space<vmem>>) semaphore(%arg16 : memref<!tpu.dma_semaphore, #tpu.memory_space<semaphore_mem>>) {add = true}
        }
        %scan3A_56 = arith.constant 20 : i32
        %dma_wait3A = arith.constant 0 : i32
        %dma_wait3A_57 = arith.constant 0 : i32
        %dma_wait3A_58 = tpu.memref_slice %arg10[%dma_wait3A, %dma_wait3A_57] : memref<40x128xi32, #tpu.memory_space<vmem>> -> memref<1x128xi32, #tpu.memory_space<vmem>>
        %dma_wait3A_59 = tpu.memref_squeeze %dma_wait3A_58 : memref<1x128xi32, #tpu.memory_space<vmem>> -> memref<128xi32, #tpu.memory_space<vmem>>
        %dma_wait3A_60 = arith.constant 0 : i32
        %dma_wait3A_61 = arith.constant 0 : i32
        %dma_wait3A_62 = tpu.memref_slice %arg8[%dma_wait3A_60, %dma_wait3A_61] : memref<10240x128xf32, #tpu.memory_space<vmem_shared>> -> memref<10240x128xf32, #tpu.memory_space<vmem_shared>>
        tpu.wait_indirect_dma semaphore(%arg15 : memref<!tpu.dma_semaphore, #tpu.memory_space<semaphore_mem>>) src(%arg11 : memref<128x128xf32, #tpu.memory_space<vmem>>) dst(%dma_wait3A_62 : memref<10240x128xf32, #tpu.memory_space<vmem_shared>>)
        %dma_wait3A_63 = arith.constant 0 : i32
        %dma_wait3A_64 = arith.constant 0 : i32
        %dma_wait3A_65 = tpu.memref_slice %arg10[%dma_wait3A_63, %dma_wait3A_64] : memref<40x128xi32, #tpu.memory_space<vmem>> -> memref<1x128xi32, #tpu.memory_space<vmem>>
        %dma_wait3A_66 = tpu.memref_squeeze %dma_wait3A_65 : memref<1x128xi32, #tpu.memory_space<vmem>> -> memref<128xi32, #tpu.memory_space<vmem>>
        %dma_wait3A_67 = arith.constant 0 : i32
        %dma_wait3A_68 = arith.constant 0 : i32
        %dma_wait3A_69 = tpu.memref_slice %arg8[%dma_wait3A_67, %dma_wait3A_68] : memref<10240x128xf32, #tpu.memory_space<vmem_shared>> -> memref<10240x128xf32, #tpu.memory_space<vmem_shared>>
        tpu.wait_indirect_dma semaphore(%arg16 : memref<!tpu.dma_semaphore, #tpu.memory_space<semaphore_mem>>) src(%arg12 : memref<128x128xf32, #tpu.memory_space<vmem>>) dst(%dma_wait3A_69 : memref<10240x128xf32, #tpu.memory_space<vmem_shared>>)
      }
      %scan3A_35 = arith.constant 2 : i32
    } else {
    }
    %eq3A_13 = arith.constant 1 : i32
    %eq3A_14 = arith.cmpi eq, %arg0, %eq3A_13 : i32
    %convert_element_type3A_15 = arith.extui %eq3A_14 : i1 to i32
    %cond3A_16 = arith.constant 0 : i32
    %cond3A_17 = arith.cmpi ne, %convert_element_type3A_15, %cond3A_16 : i32
    scf.if %cond3A_17 {
      %add3A = arith.constant 16 : i32
      %add3A_29 = arith.addi %add3A, %arg1 : i32
      %mul3A_30 = arith.constant 80 : i32
      %mul3A_31 = arith.muli %add3A_29, %mul3A_30 : i32
      %scan3A_32 = arith.constant 0 : i32
      %scan3A_33 = arith.constant 2 : i32
      %scan3A_34 = arith.addi %scan3A_32, %scan3A_33 : i32
      %scan3A_35 = arith.constant 1 : i32
      scf.for %scan3A_37 = %scan3A_32 to %scan3A_34 step %scan3A_35  : i32 {
        %mul3A_38 = arith.constant 1 : i32
        %mul3A_39 = arith.muli %scan3A_37, %mul3A_38 : i32
        %add3A_40 = arith.constant 0 : i32
        %add3A_41 = arith.addi %add3A_40, %mul3A_39 : i32
        %mul3A_42 = arith.constant 40 : i32
        %mul3A_43 = arith.muli %add3A_41, %mul3A_42 : i32
        %add3A_44 = arith.addi %mul3A_31, %mul3A_43 : i32
        "tpu.region"() ({
          %run_scoped3A = tpu.sem_alloc : memref<!tpu.dma_semaphore, #tpu.memory_space<semaphore_mem>>
          %dma_start3A_72 = arith.constant 0 : i32
          %dma_start3A_73 = tpu.memref_slice %arg4[%add3A_44, %dma_start3A_72] : memref<2560x128xi32, #tpu.memory_space<hbm>> -> memref<40x128xi32, #tpu.memory_space<hbm>>
          %dma_start3A_74 = arith.constant 0 : i32
          %dma_start3A_75 = tpu.memref_slice %arg4[%add3A_44, %dma_start3A_74] : memref<2560x128xi32, #tpu.memory_space<hbm>> -> memref<40x128xi32, #tpu.memory_space<hbm>>
          tpu.enqueue_dma source(%dma_start3A_75 : memref<40x128xi32, #tpu.memory_space<hbm>>) target(%arg9 : memref<40x128xi32, #tpu.memory_space<vmem>>) target_semaphore(%run_scoped3A : memref<!tpu.dma_semaphore, #tpu.memory_space<semaphore_mem>>)
          %dma_wait3A_76 = arith.constant 0 : i32
          %dma_wait3A_77 = tpu.memref_slice %arg4[%add3A_44, %dma_wait3A_76] : memref<2560x128xi32, #tpu.memory_space<hbm>> -> memref<40x128xi32, #tpu.memory_space<hbm>>
          %dma_wait3A_78 = arith.constant 0 : i32
          %dma_wait3A_79 = tpu.memref_slice %arg4[%add3A_44, %dma_wait3A_78] : memref<2560x128xi32, #tpu.memory_space<hbm>> -> memref<40x128xi32, #tpu.memory_space<hbm>>
          tpu.wait_dma2 semaphore(%run_scoped3A : memref<!tpu.dma_semaphore, #tpu.memory_space<semaphore_mem>>) src(%dma_wait3A_79 : memref<40x128xi32, #tpu.memory_space<hbm>>) dst(%arg9 : memref<40x128xi32, #tpu.memory_space<vmem>>)
          tpu.yield
        }) : () -> ()
        %mul3A_45 = arith.constant 40 : i32
        %mul3A_46 = arith.muli %add3A_41, %mul3A_45 : i32
        %add3A_47 = arith.addi %mul3A_31, %mul3A_46 : i32
        "tpu.region"() ({
          %run_scoped3A = tpu.sem_alloc : memref<!tpu.dma_semaphore, #tpu.memory_space<semaphore_mem>>
          %dma_start3A_72 = arith.constant 0 : i32
          %dma_start3A_73 = tpu.memref_slice %arg5[%add3A_47, %dma_start3A_72] : memref<2560x128xi32, #tpu.memory_space<hbm>> -> memref<40x128xi32, #tpu.memory_space<hbm>>
          %dma_start3A_74 = arith.constant 0 : i32
          %dma_start3A_75 = tpu.memref_slice %arg5[%add3A_47, %dma_start3A_74] : memref<2560x128xi32, #tpu.memory_space<hbm>> -> memref<40x128xi32, #tpu.memory_space<hbm>>
          tpu.enqueue_dma source(%dma_start3A_75 : memref<40x128xi32, #tpu.memory_space<hbm>>) target(%arg10 : memref<40x128xi32, #tpu.memory_space<vmem>>) target_semaphore(%run_scoped3A : memref<!tpu.dma_semaphore, #tpu.memory_space<semaphore_mem>>)
          %dma_wait3A_76 = arith.constant 0 : i32
          %dma_wait3A_77 = tpu.memref_slice %arg5[%add3A_47, %dma_wait3A_76] : memref<2560x128xi32, #tpu.memory_space<hbm>> -> memref<40x128xi32, #tpu.memory_space<hbm>>
          %dma_wait3A_78 = arith.constant 0 : i32
          %dma_wait3A_79 = tpu.memref_slice %arg5[%add3A_47, %dma_wait3A_78] : memref<2560x128xi32, #tpu.memory_space<hbm>> -> memref<40x128xi32, #tpu.memory_space<hbm>>
          tpu.wait_dma2 semaphore(%run_scoped3A : memref<!tpu.dma_semaphore, #tpu.memory_space<semaphore_mem>>) src(%dma_wait3A_79 : memref<40x128xi32, #tpu.memory_space<hbm>>) dst(%arg10 : memref<40x128xi32, #tpu.memory_space<vmem>>)
          tpu.yield
        }) : () -> ()
        %dma_start3A = arith.constant 0 : i32
        %dma_start3A_48 = arith.constant 0 : i32
        %dma_start3A_49 = tpu.memref_slice %arg9[%dma_start3A, %dma_start3A_48] : memref<40x128xi32, #tpu.memory_space<vmem>> -> memref<1x128xi32, #tpu.memory_space<vmem>>
        %dma_start3A_50 = tpu.memref_squeeze %dma_start3A_49 : memref<1x128xi32, #tpu.memory_space<vmem>> -> memref<128xi32, #tpu.memory_space<vmem>>
        %dma_start3A_51 = arith.constant 0 : i32
        %dma_start3A_52 = arith.constant 0 : i32
        %dma_start3A_53 = tpu.memref_slice %arg3[%dma_start3A_51, %dma_start3A_52] : memref<10240x128xf32, #tpu.memory_space<hbm>> -> memref<10240x128xf32, #tpu.memory_space<hbm>>
        tpu.enqueue_indirect_dma source(%dma_start3A_53 : memref<10240x128xf32, #tpu.memory_space<hbm>>) target(%arg11 : memref<128x128xf32, #tpu.memory_space<vmem>>) offsets(%dma_start3A_50 : memref<128xi32, #tpu.memory_space<vmem>>) semaphore(%arg13 : memref<!tpu.dma_semaphore, #tpu.memory_space<semaphore_mem>>)
        %scan3A_54 = arith.constant 0 : i32
        %scan3A_55 = arith.constant 20 : i32
        %scan3A_56 = arith.addi %scan3A_54, %scan3A_55 : i32
        %scan3A_57 = arith.constant 1 : i32
        scf.for %scan3A_72 = %scan3A_54 to %scan3A_56 step %scan3A_57  : i32 {
          %mul3A_73 = arith.constant 2 : i32
          %mul3A_74 = arith.muli %scan3A_72, %mul3A_73 : i32
          %add3A_75 = arith.constant 0 : i32
          %add3A_76 = arith.addi %add3A_75, %mul3A_74 : i32
          %dma_wait3A_77 = arith.constant 0 : i32
          %dma_wait3A_78 = tpu.memref_slice %arg9[%add3A_76, %dma_wait3A_77] : memref<40x128xi32, #tpu.memory_space<vmem>> -> memref<1x128xi32, #tpu.memory_space<vmem>>
          %dma_wait3A_79 = tpu.memref_squeeze %dma_wait3A_78 : memref<1x128xi32, #tpu.memory_space<vmem>> -> memref<128xi32, #tpu.memory_space<vmem>>
          %dma_wait3A_80 = arith.constant 0 : i32
          %dma_wait3A_81 = arith.constant 0 : i32
          %dma_wait3A_82 = tpu.memref_slice %arg3[%dma_wait3A_80, %dma_wait3A_81] : memref<10240x128xf32, #tpu.memory_space<hbm>> -> memref<10240x128xf32, #tpu.memory_space<hbm>>
          tpu.wait_indirect_dma semaphore(%arg13 : memref<!tpu.dma_semaphore, #tpu.memory_space<semaphore_mem>>) src(%dma_wait3A_82 : memref<10240x128xf32, #tpu.memory_space<hbm>>) dst(%arg11 : memref<128x128xf32, #tpu.memory_space<vmem>>)
          %add3A_83 = arith.constant 1 : i32
          %add3A_84 = arith.addi %add3A_76, %add3A_83 : i32
          %lt3A = arith.constant 40 : i32
          %lt3A_85 = arith.cmpi slt, %add3A_84, %lt3A : i32
          %convert_element_type3A_86 = arith.extui %lt3A_85 : i1 to i32
          %cond3A_87 = arith.constant 0 : i32
          %cond3A_88 = arith.cmpi ne, %convert_element_type3A_86, %cond3A_87 : i32
          scf.if %cond3A_88 {
            %ge3A = arith.constant 1 : i32
            %ge3A_116 = arith.cmpi sge, %add3A_76, %ge3A : i32
            %convert_element_type3A_117 = arith.extui %ge3A_116 : i1 to i32
            %cond3A_118 = arith.constant 0 : i32
            %cond3A_119 = arith.cmpi ne, %convert_element_type3A_117, %cond3A_118 : i32
            scf.if %cond3A_119 {
              %dma_wait3A_128 = arith.constant 0 : i32
              %dma_wait3A_129 = arith.constant 0 : i32
              %dma_wait3A_130 = tpu.memref_slice %arg10[%dma_wait3A_128, %dma_wait3A_129] : memref<40x128xi32, #tpu.memory_space<vmem>> -> memref<1x128xi32, #tpu.memory_space<vmem>>
              %dma_wait3A_131 = tpu.memref_squeeze %dma_wait3A_130 : memref<1x128xi32, #tpu.memory_space<vmem>> -> memref<128xi32, #tpu.memory_space<vmem>>
              %dma_wait3A_132 = arith.constant 0 : i32
              %dma_wait3A_133 = arith.constant 0 : i32
              %dma_wait3A_134 = tpu.memref_slice %arg8[%dma_wait3A_132, %dma_wait3A_133] : memref<10240x128xf32, #tpu.memory_space<vmem_shared>> -> memref<10240x128xf32, #tpu.memory_space<vmem_shared>>
              tpu.wait_indirect_dma semaphore(%arg16 : memref<!tpu.dma_semaphore, #tpu.memory_space<semaphore_mem>>) src(%arg12 : memref<128x128xf32, #tpu.memory_space<vmem>>) dst(%dma_wait3A_134 : memref<10240x128xf32, #tpu.memory_space<vmem_shared>>)
            } else {
            }
            %add3A_120 = arith.constant 1 : i32
            %add3A_121 = arith.addi %add3A_76, %add3A_120 : i32
            %dma_start3A_122 = arith.constant 0 : i32
            %dma_start3A_123 = tpu.memref_slice %arg9[%add3A_121, %dma_start3A_122] : memref<40x128xi32, #tpu.memory_space<vmem>> -> memref<1x128xi32, #tpu.memory_space<vmem>>
            %dma_start3A_124 = tpu.memref_squeeze %dma_start3A_123 : memref<1x128xi32, #tpu.memory_space<vmem>> -> memref<128xi32, #tpu.memory_space<vmem>>
            %dma_start3A_125 = arith.constant 0 : i32
            %dma_start3A_126 = arith.constant 0 : i32
            %dma_start3A_127 = tpu.memref_slice %arg3[%dma_start3A_125, %dma_start3A_126] : memref<10240x128xf32, #tpu.memory_space<hbm>> -> memref<10240x128xf32, #tpu.memory_space<hbm>>
            tpu.enqueue_indirect_dma source(%dma_start3A_127 : memref<10240x128xf32, #tpu.memory_space<hbm>>) target(%arg12 : memref<128x128xf32, #tpu.memory_space<vmem>>) offsets(%dma_start3A_124 : memref<128xi32, #tpu.memory_space<vmem>>) semaphore(%arg14 : memref<!tpu.dma_semaphore, #tpu.memory_space<semaphore_mem>>)
          } else {
          }
          %dma_start3A_89 = arith.constant 0 : i32
          %dma_start3A_90 = tpu.memref_slice %arg10[%add3A_76, %dma_start3A_89] : memref<40x128xi32, #tpu.memory_space<vmem>> -> memref<1x128xi32, #tpu.memory_space<vmem>>
          %dma_start3A_91 = tpu.memref_squeeze %dma_start3A_90 : memref<1x128xi32, #tpu.memory_space<vmem>> -> memref<128xi32, #tpu.memory_space<vmem>>
          %dma_start3A_92 = arith.constant 0 : i32
          %dma_start3A_93 = arith.constant 0 : i32
          %dma_start3A_94 = tpu.memref_slice %arg8[%dma_start3A_92, %dma_start3A_93] : memref<10240x128xf32, #tpu.memory_space<vmem_shared>> -> memref<10240x128xf32, #tpu.memory_space<vmem_shared>>
          tpu.enqueue_indirect_dma source(%arg11 : memref<128x128xf32, #tpu.memory_space<vmem>>) target(%dma_start3A_94 : memref<10240x128xf32, #tpu.memory_space<vmem_shared>>) offsets(%dma_start3A_91 : memref<128xi32, #tpu.memory_space<vmem>>) semaphore(%arg15 : memref<!tpu.dma_semaphore, #tpu.memory_space<semaphore_mem>>) {add = true}
          %add3A_95 = arith.constant 1 : i32
          %add3A_96 = arith.addi %add3A_76, %add3A_95 : i32
          %dma_wait3A_97 = arith.constant 0 : i32
          %dma_wait3A_98 = tpu.memref_slice %arg9[%add3A_96, %dma_wait3A_97] : memref<40x128xi32, #tpu.memory_space<vmem>> -> memref<1x128xi32, #tpu.memory_space<vmem>>
          %dma_wait3A_99 = tpu.memref_squeeze %dma_wait3A_98 : memref<1x128xi32, #tpu.memory_space<vmem>> -> memref<128xi32, #tpu.memory_space<vmem>>
          %dma_wait3A_100 = arith.constant 0 : i32
          %dma_wait3A_101 = arith.constant 0 : i32
          %dma_wait3A_102 = tpu.memref_slice %arg3[%dma_wait3A_100, %dma_wait3A_101] : memref<10240x128xf32, #tpu.memory_space<hbm>> -> memref<10240x128xf32, #tpu.memory_space<hbm>>
          tpu.wait_indirect_dma semaphore(%arg14 : memref<!tpu.dma_semaphore, #tpu.memory_space<semaphore_mem>>) src(%dma_wait3A_102 : memref<10240x128xf32, #tpu.memory_space<hbm>>) dst(%arg12 : memref<128x128xf32, #tpu.memory_space<vmem>>)
          %add3A_103 = arith.constant 1 : i32
          %add3A_104 = arith.addi %add3A_96, %add3A_103 : i32
          %lt3A_105 = arith.constant 40 : i32
          %lt3A_106 = arith.cmpi slt, %add3A_104, %lt3A_105 : i32
          %convert_element_type3A_107 = arith.extui %lt3A_106 : i1 to i32
          %cond3A_108 = arith.constant 0 : i32
          %cond3A_109 = arith.cmpi ne, %convert_element_type3A_107, %cond3A_108 : i32
          scf.if %cond3A_109 {
            %ge3A = arith.constant 1 : i32
            %ge3A_116 = arith.cmpi sge, %add3A_96, %ge3A : i32
            %convert_element_type3A_117 = arith.extui %ge3A_116 : i1 to i32
            %cond3A_118 = arith.constant 0 : i32
            %cond3A_119 = arith.cmpi ne, %convert_element_type3A_117, %cond3A_118 : i32
            scf.if %cond3A_119 {
              %dma_wait3A_128 = arith.constant 0 : i32
              %dma_wait3A_129 = arith.constant 0 : i32
              %dma_wait3A_130 = tpu.memref_slice %arg10[%dma_wait3A_128, %dma_wait3A_129] : memref<40x128xi32, #tpu.memory_space<vmem>> -> memref<1x128xi32, #tpu.memory_space<vmem>>
              %dma_wait3A_131 = tpu.memref_squeeze %dma_wait3A_130 : memref<1x128xi32, #tpu.memory_space<vmem>> -> memref<128xi32, #tpu.memory_space<vmem>>
              %dma_wait3A_132 = arith.constant 0 : i32
              %dma_wait3A_133 = arith.constant 0 : i32
              %dma_wait3A_134 = tpu.memref_slice %arg8[%dma_wait3A_132, %dma_wait3A_133] : memref<10240x128xf32, #tpu.memory_space<vmem_shared>> -> memref<10240x128xf32, #tpu.memory_space<vmem_shared>>
              tpu.wait_indirect_dma semaphore(%arg15 : memref<!tpu.dma_semaphore, #tpu.memory_space<semaphore_mem>>) src(%arg11 : memref<128x128xf32, #tpu.memory_space<vmem>>) dst(%dma_wait3A_134 : memref<10240x128xf32, #tpu.memory_space<vmem_shared>>)
            } else {
            }
            %add3A_120 = arith.constant 1 : i32
            %add3A_121 = arith.addi %add3A_96, %add3A_120 : i32
            %dma_start3A_122 = arith.constant 0 : i32
            %dma_start3A_123 = tpu.memref_slice %arg9[%add3A_121, %dma_start3A_122] : memref<40x128xi32, #tpu.memory_space<vmem>> -> memref<1x128xi32, #tpu.memory_space<vmem>>
            %dma_start3A_124 = tpu.memref_squeeze %dma_start3A_123 : memref<1x128xi32, #tpu.memory_space<vmem>> -> memref<128xi32, #tpu.memory_space<vmem>>
            %dma_start3A_125 = arith.constant 0 : i32
            %dma_start3A_126 = arith.constant 0 : i32
            %dma_start3A_127 = tpu.memref_slice %arg3[%dma_start3A_125, %dma_start3A_126] : memref<10240x128xf32, #tpu.memory_space<hbm>> -> memref<10240x128xf32, #tpu.memory_space<hbm>>
            tpu.enqueue_indirect_dma source(%dma_start3A_127 : memref<10240x128xf32, #tpu.memory_space<hbm>>) target(%arg11 : memref<128x128xf32, #tpu.memory_space<vmem>>) offsets(%dma_start3A_124 : memref<128xi32, #tpu.memory_space<vmem>>) semaphore(%arg13 : memref<!tpu.dma_semaphore, #tpu.memory_space<semaphore_mem>>)
          } else {
          }
          %dma_start3A_110 = arith.constant 0 : i32
          %dma_start3A_111 = tpu.memref_slice %arg10[%add3A_96, %dma_start3A_110] : memref<40x128xi32, #tpu.memory_space<vmem>> -> memref<1x128xi32, #tpu.memory_space<vmem>>
          %dma_start3A_112 = tpu.memref_squeeze %dma_start3A_111 : memref<1x128xi32, #tpu.memory_space<vmem>> -> memref<128xi32, #tpu.memory_space<vmem>>
          %dma_start3A_113 = arith.constant 0 : i32
          %dma_start3A_114 = arith.constant 0 : i32
          %dma_start3A_115 = tpu.memref_slice %arg8[%dma_start3A_113, %dma_start3A_114] : memref<10240x128xf32, #tpu.memory_space<vmem_shared>> -> memref<10240x128xf32, #tpu.memory_space<vmem_shared>>
          tpu.enqueue_indirect_dma source(%arg12 : memref<128x128xf32, #tpu.memory_space<vmem>>) target(%dma_start3A_115 : memref<10240x128xf32, #tpu.memory_space<vmem_shared>>) offsets(%dma_start3A_112 : memref<128xi32, #tpu.memory_space<vmem>>) semaphore(%arg16 : memref<!tpu.dma_semaphore, #tpu.memory_space<semaphore_mem>>) {add = true}
        }
        %scan3A_58 = arith.constant 20 : i32
        %dma_wait3A = arith.constant 0 : i32
        %dma_wait3A_59 = arith.constant 0 : i32
        %dma_wait3A_60 = tpu.memref_slice %arg10[%dma_wait3A, %dma_wait3A_59] : memref<40x128xi32, #tpu.memory_space<vmem>> -> memref<1x128xi32, #tpu.memory_space<vmem>>
        %dma_wait3A_61 = tpu.memref_squeeze %dma_wait3A_60 : memref<1x128xi32, #tpu.memory_space<vmem>> -> memref<128xi32, #tpu.memory_space<vmem>>
        %dma_wait3A_62 = arith.constant 0 : i32
        %dma_wait3A_63 = arith.constant 0 : i32
        %dma_wait3A_64 = tpu.memref_slice %arg8[%dma_wait3A_62, %dma_wait3A_63] : memref<10240x128xf32, #tpu.memory_space<vmem_shared>> -> memref<10240x128xf32, #tpu.memory_space<vmem_shared>>
        tpu.wait_indirect_dma semaphore(%arg15 : memref<!tpu.dma_semaphore, #tpu.memory_space<semaphore_mem>>) src(%arg11 : memref<128x128xf32, #tpu.memory_space<vmem>>) dst(%dma_wait3A_64 : memref<10240x128xf32, #tpu.memory_space<vmem_shared>>)
        %dma_wait3A_65 = arith.constant 0 : i32
        %dma_wait3A_66 = arith.constant 0 : i32
        %dma_wait3A_67 = tpu.memref_slice %arg10[%dma_wait3A_65, %dma_wait3A_66] : memref<40x128xi32, #tpu.memory_space<vmem>> -> memref<1x128xi32, #tpu.memory_space<vmem>>
        %dma_wait3A_68 = tpu.memref_squeeze %dma_wait3A_67 : memref<1x128xi32, #tpu.memory_space<vmem>> -> memref<128xi32, #tpu.memory_space<vmem>>
        %dma_wait3A_69 = arith.constant 0 : i32
        %dma_wait3A_70 = arith.constant 0 : i32
        %dma_wait3A_71 = tpu.memref_slice %arg8[%dma_wait3A_69, %dma_wait3A_70] : memref<10240x128xf32, #tpu.memory_space<vmem_shared>> -> memref<10240x128xf32, #tpu.memory_space<vmem_shared>>
        tpu.wait_indirect_dma semaphore(%arg16 : memref<!tpu.dma_semaphore, #tpu.memory_space<semaphore_mem>>) src(%arg12 : memref<128x128xf32, #tpu.memory_space<vmem>>) dst(%dma_wait3A_71 : memref<10240x128xf32, #tpu.memory_space<vmem_shared>>)
      }
      %scan3A_36 = arith.constant 2 : i32
    } else {
    }
    %barrier3A_18 = arith.constant 0 : index
    tpu.barrier barrier_id(%barrier3A_18)
    %eq3A_19 = arith.constant 0 : i32
    %eq3A_20 = arith.cmpi eq, %arg0, %eq3A_19 : i32
    %convert_element_type3A_21 = arith.extui %eq3A_20 : i1 to i32
    %cond3A_22 = arith.constant 0 : i32
    %cond3A_23 = arith.cmpi ne, %convert_element_type3A_21, %cond3A_22 : i32
    scf.if %cond3A_23 {
      "tpu.region"() ({
        %run_scoped3A = tpu.sem_alloc : memref<!tpu.dma_semaphore, #tpu.memory_space<semaphore_mem>>
        %dma_start3A = arith.constant 0 : i32
        %dma_start3A_29 = tpu.memref_slice %arg6[%mul3A_0, %dma_start3A] : memref<10240x128xf32, #tpu.memory_space<hbm>> -> memref<640x128xf32, #tpu.memory_space<hbm>>
        %dma_start3A_30 = arith.constant 0 : i32
        %dma_start3A_31 = tpu.memref_slice %arg8[%mul3A_0, %dma_start3A_30] : memref<10240x128xf32, #tpu.memory_space<vmem_shared>> -> memref<640x128xf32, #tpu.memory_space<vmem_shared>>
        tpu.enqueue_dma source(%dma_start3A_31 : memref<640x128xf32, #tpu.memory_space<vmem_shared>>) target(%dma_start3A_29 : memref<640x128xf32, #tpu.memory_space<hbm>>) target_semaphore(%run_scoped3A : memref<!tpu.dma_semaphore, #tpu.memory_space<semaphore_mem>>)
        %dma_wait3A = arith.constant 0 : i32
        %dma_wait3A_32 = tpu.memref_slice %arg6[%mul3A_0, %dma_wait3A] : memref<10240x128xf32, #tpu.memory_space<hbm>> -> memref<640x128xf32, #tpu.memory_space<hbm>>
        %dma_wait3A_33 = arith.constant 0 : i32
        %dma_wait3A_34 = tpu.memref_slice %arg8[%mul3A_0, %dma_wait3A_33] : memref<10240x128xf32, #tpu.memory_space<vmem_shared>> -> memref<640x128xf32, #tpu.memory_space<vmem_shared>>
        tpu.wait_dma2 semaphore(%run_scoped3A : memref<!tpu.dma_semaphore, #tpu.memory_space<semaphore_mem>>) src(%dma_wait3A_34 : memref<640x128xf32, #tpu.memory_space<vmem_shared>>) dst(%dma_wait3A_32 : memref<640x128xf32, #tpu.memory_space<hbm>>)
        tpu.yield
      }) : () -> ()
    } else {
    }
    %eq3A_24 = arith.constant 1 : i32
    %eq3A_25 = arith.cmpi eq, %arg0, %eq3A_24 : i32
    %convert_element_type3A_26 = arith.extui %eq3A_25 : i1 to i32
    %cond3A_27 = arith.constant 0 : i32
    %cond3A_28 = arith.cmpi ne, %convert_element_type3A_26, %cond3A_27 : i32
    scf.if %cond3A_28 {
      "tpu.region"() ({
        %run_scoped3A = tpu.sem_alloc : memref<!tpu.dma_semaphore, #tpu.memory_space<semaphore_mem>>
        %dma_start3A = arith.constant 0 : i32
        %dma_start3A_29 = tpu.memref_slice %arg7[%mul3A_0, %dma_start3A] : memref<10240x128xf32, #tpu.memory_space<hbm>> -> memref<640x128xf32, #tpu.memory_space<hbm>>
        %dma_start3A_30 = arith.constant 0 : i32
        %dma_start3A_31 = tpu.memref_slice %arg8[%mul3A_0, %dma_start3A_30] : memref<10240x128xf32, #tpu.memory_space<vmem_shared>> -> memref<640x128xf32, #tpu.memory_space<vmem_shared>>
        tpu.enqueue_dma source(%dma_start3A_31 : memref<640x128xf32, #tpu.memory_space<vmem_shared>>) target(%dma_start3A_29 : memref<640x128xf32, #tpu.memory_space<hbm>>) target_semaphore(%run_scoped3A : memref<!tpu.dma_semaphore, #tpu.memory_space<semaphore_mem>>)
        %dma_wait3A = arith.constant 0 : i32
        %dma_wait3A_32 = tpu.memref_slice %arg7[%mul3A_0, %dma_wait3A] : memref<10240x128xf32, #tpu.memory_space<hbm>> -> memref<640x128xf32, #tpu.memory_space<hbm>>
        %dma_wait3A_33 = arith.constant 0 : i32
        %dma_wait3A_34 = tpu.memref_slice %arg8[%mul3A_0, %dma_wait3A_33] : memref<10240x128xf32, #tpu.memory_space<vmem_shared>> -> memref<640x128xf32, #tpu.memory_space<vmem_shared>>
        tpu.wait_dma2 semaphore(%run_scoped3A : memref<!tpu.dma_semaphore, #tpu.memory_space<semaphore_mem>>) src(%dma_wait3A_34 : memref<640x128xf32, #tpu.memory_space<vmem_shared>>) dst(%dma_wait3A_32 : memref<640x128xf32, #tpu.memory_space<hbm>>)
        tpu.yield
      }) : () -> ()
    } else {
    }
    return
  }
}

#map = affine_map<(d0, d1) -> (0, 0)>
module attributes {stable_mosaic.version = 14 : i64} {
  func.func @degrees(%arg0: i32, %arg1: i32, %arg2: memref<2560x128xi32, #tpu.memory_space<hbm>>, %arg3: memref<2560x128xi32, #tpu.memory_space<hbm>>, %arg4: memref<640x16xf32, #tpu.memory_space<hbm>>, %arg5: memref<128x16xf32, #tpu.memory_space<hbm>>, %arg6: memref<10240x16xf32, #tpu.memory_space<hbm>>, %arg7: memref<10240x16xf32, #tpu.memory_space<hbm>>, %arg8: memref<10240x16xf32, #tpu.memory_space<hbm>>, %arg9: memref<10240x16xf32, #tpu.memory_space<hbm>>, %arg10: memref<10240x16xf32, #tpu.memory_space<vmem_shared>>, %arg11: memref<10240x16xf32, #tpu.memory_space<vmem_shared>>, %arg12: memref<80x128xi32, #tpu.memory_space<vmem>>, %arg13: memref<80x128xi32, #tpu.memory_space<vmem>>, %arg14: memref<128x16xf32, #tpu.memory_space<vmem>>) attributes {dimension_semantics = [#tpu.dimension_semantics<core_parallel>, #tpu.dimension_semantics<subcore_parallel>], iteration_bounds = array<i64: 2, 16>, scalar_prefetch = 0 : i64, scratch_operands = 5 : i64, tpu.core_type = #tpu.core_type<sc_vector_subcore>, window_params = [{transform_indices = #map}, {transform_indices = #map}, {transform_indices = #map}, {transform_indices = #map}, {transform_indices = #map}, {transform_indices = #map}, {transform_indices = #map}, {transform_indices = #map}]} {
    %mul3A = arith.constant 640 : i32
    %mul3A_0 = arith.muli %arg1, %mul3A : i32
    "tpu.region"() ({
      %run_scoped3A = tpu.sem_alloc : memref<!tpu.dma_semaphore, #tpu.memory_space<semaphore_mem>>
      %dma_start3A = arith.constant 0 : i32
      %dma_start3A_17 = tpu.memref_slice %arg10[%mul3A_0, %dma_start3A] : memref<10240x16xf32, #tpu.memory_space<vmem_shared>> -> memref<640x16xf32, #tpu.memory_space<vmem_shared>>
      tpu.enqueue_dma source(%arg4 : memref<640x16xf32, #tpu.memory_space<hbm>>) target(%dma_start3A_17 : memref<640x16xf32, #tpu.memory_space<vmem_shared>>) target_semaphore(%run_scoped3A : memref<!tpu.dma_semaphore, #tpu.memory_space<semaphore_mem>>)
      %dma_wait3A = arith.constant 0 : i32
      %dma_wait3A_18 = tpu.memref_slice %arg10[%mul3A_0, %dma_wait3A] : memref<10240x16xf32, #tpu.memory_space<vmem_shared>> -> memref<640x16xf32, #tpu.memory_space<vmem_shared>>
      tpu.wait_dma2 semaphore(%run_scoped3A : memref<!tpu.dma_semaphore, #tpu.memory_space<semaphore_mem>>) src(%arg4 : memref<640x16xf32, #tpu.memory_space<hbm>>) dst(%dma_wait3A_18 : memref<640x16xf32, #tpu.memory_space<vmem_shared>>)
      tpu.yield
    }) : () -> ()
    "tpu.region"() ({
      %run_scoped3A = tpu.sem_alloc : memref<!tpu.dma_semaphore, #tpu.memory_space<semaphore_mem>>
      %dma_start3A = arith.constant 0 : i32
      %dma_start3A_17 = tpu.memref_slice %arg11[%mul3A_0, %dma_start3A] : memref<10240x16xf32, #tpu.memory_space<vmem_shared>> -> memref<640x16xf32, #tpu.memory_space<vmem_shared>>
      tpu.enqueue_dma source(%arg4 : memref<640x16xf32, #tpu.memory_space<hbm>>) target(%dma_start3A_17 : memref<640x16xf32, #tpu.memory_space<vmem_shared>>) target_semaphore(%run_scoped3A : memref<!tpu.dma_semaphore, #tpu.memory_space<semaphore_mem>>)
      %dma_wait3A = arith.constant 0 : i32
      %dma_wait3A_18 = tpu.memref_slice %arg11[%mul3A_0, %dma_wait3A] : memref<10240x16xf32, #tpu.memory_space<vmem_shared>> -> memref<640x16xf32, #tpu.memory_space<vmem_shared>>
      tpu.wait_dma2 semaphore(%run_scoped3A : memref<!tpu.dma_semaphore, #tpu.memory_space<semaphore_mem>>) src(%arg4 : memref<640x16xf32, #tpu.memory_space<hbm>>) dst(%dma_wait3A_18 : memref<640x16xf32, #tpu.memory_space<vmem_shared>>)
      tpu.yield
    }) : () -> ()
    "tpu.region"() ({
      %run_scoped3A = tpu.sem_alloc : memref<!tpu.dma_semaphore, #tpu.memory_space<semaphore_mem>>
      tpu.enqueue_dma source(%arg5 : memref<128x16xf32, #tpu.memory_space<hbm>>) target(%arg14 : memref<128x16xf32, #tpu.memory_space<vmem>>) target_semaphore(%run_scoped3A : memref<!tpu.dma_semaphore, #tpu.memory_space<semaphore_mem>>)
      tpu.wait_dma2 semaphore(%run_scoped3A : memref<!tpu.dma_semaphore, #tpu.memory_space<semaphore_mem>>) src(%arg5 : memref<128x16xf32, #tpu.memory_space<hbm>>) dst(%arg14 : memref<128x16xf32, #tpu.memory_space<vmem>>)
      tpu.yield
    }) : () -> ()
    %mul3A_1 = arith.constant 16 : i32
    %mul3A_2 = arith.muli %arg0, %mul3A_1 : i32
    %add3A = arith.addi %mul3A_2, %arg1 : i32
    %mul3A_3 = arith.constant 80 : i32
    %mul3A_4 = arith.muli %add3A, %mul3A_3 : i32
    "tpu.region"() ({
      %run_scoped3A = tpu.sem_alloc : memref<!tpu.dma_semaphore, #tpu.memory_space<semaphore_mem>>
      %dma_start3A = arith.constant 0 : i32
      %dma_start3A_17 = tpu.memref_slice %arg2[%mul3A_4, %dma_start3A] : memref<2560x128xi32, #tpu.memory_space<hbm>> -> memref<80x128xi32, #tpu.memory_space<hbm>>
      %dma_start3A_18 = arith.constant 0 : i32
      %dma_start3A_19 = tpu.memref_slice %arg2[%mul3A_4, %dma_start3A_18] : memref<2560x128xi32, #tpu.memory_space<hbm>> -> memref<80x128xi32, #tpu.memory_space<hbm>>
      tpu.enqueue_dma source(%dma_start3A_19 : memref<80x128xi32, #tpu.memory_space<hbm>>) target(%arg12 : memref<80x128xi32, #tpu.memory_space<vmem>>) target_semaphore(%run_scoped3A : memref<!tpu.dma_semaphore, #tpu.memory_space<semaphore_mem>>)
      %dma_wait3A = arith.constant 0 : i32
      %dma_wait3A_20 = tpu.memref_slice %arg2[%mul3A_4, %dma_wait3A] : memref<2560x128xi32, #tpu.memory_space<hbm>> -> memref<80x128xi32, #tpu.memory_space<hbm>>
      %dma_wait3A_21 = arith.constant 0 : i32
      %dma_wait3A_22 = tpu.memref_slice %arg2[%mul3A_4, %dma_wait3A_21] : memref<2560x128xi32, #tpu.memory_space<hbm>> -> memref<80x128xi32, #tpu.memory_space<hbm>>
      tpu.wait_dma2 semaphore(%run_scoped3A : memref<!tpu.dma_semaphore, #tpu.memory_space<semaphore_mem>>) src(%dma_wait3A_22 : memref<80x128xi32, #tpu.memory_space<hbm>>) dst(%arg12 : memref<80x128xi32, #tpu.memory_space<vmem>>)
      tpu.yield
    }) : () -> ()
    "tpu.region"() ({
      %run_scoped3A = tpu.sem_alloc : memref<!tpu.dma_semaphore, #tpu.memory_space<semaphore_mem>>
      %dma_start3A = arith.constant 0 : i32
      %dma_start3A_17 = tpu.memref_slice %arg3[%mul3A_4, %dma_start3A] : memref<2560x128xi32, #tpu.memory_space<hbm>> -> memref<80x128xi32, #tpu.memory_space<hbm>>
      %dma_start3A_18 = arith.constant 0 : i32
      %dma_start3A_19 = tpu.memref_slice %arg3[%mul3A_4, %dma_start3A_18] : memref<2560x128xi32, #tpu.memory_space<hbm>> -> memref<80x128xi32, #tpu.memory_space<hbm>>
      tpu.enqueue_dma source(%dma_start3A_19 : memref<80x128xi32, #tpu.memory_space<hbm>>) target(%arg13 : memref<80x128xi32, #tpu.memory_space<vmem>>) target_semaphore(%run_scoped3A : memref<!tpu.dma_semaphore, #tpu.memory_space<semaphore_mem>>)
      %dma_wait3A = arith.constant 0 : i32
      %dma_wait3A_20 = tpu.memref_slice %arg3[%mul3A_4, %dma_wait3A] : memref<2560x128xi32, #tpu.memory_space<hbm>> -> memref<80x128xi32, #tpu.memory_space<hbm>>
      %dma_wait3A_21 = arith.constant 0 : i32
      %dma_wait3A_22 = tpu.memref_slice %arg3[%mul3A_4, %dma_wait3A_21] : memref<2560x128xi32, #tpu.memory_space<hbm>> -> memref<80x128xi32, #tpu.memory_space<hbm>>
      tpu.wait_dma2 semaphore(%run_scoped3A : memref<!tpu.dma_semaphore, #tpu.memory_space<semaphore_mem>>) src(%dma_wait3A_22 : memref<80x128xi32, #tpu.memory_space<hbm>>) dst(%arg13 : memref<80x128xi32, #tpu.memory_space<vmem>>)
      tpu.yield
    }) : () -> ()
    %barrier3A = arith.constant 0 : index
    tpu.barrier barrier_id(%barrier3A)
    %scan3A = arith.constant 0 : i32
    %scan3A_5 = arith.constant 80 : i32
    %scan3A_6 = arith.addi %scan3A, %scan3A_5 : i32
    %scan3A_7 = arith.constant 1 : i32
    scf.for %scan3A_17 = %scan3A to %scan3A_6 step %scan3A_7  : i32 {
      %mul3A_18 = arith.constant 1 : i32
      %mul3A_19 = arith.muli %scan3A_17, %mul3A_18 : i32
      %add3A_20 = arith.constant 0 : i32
      %add3A_21 = arith.addi %add3A_20, %mul3A_19 : i32
      "tpu.region"() ({
        %run_scoped3A = tpu.sem_alloc : memref<!tpu.dma_semaphore, #tpu.memory_space<semaphore_mem>>
        %dma_start3A = arith.constant 0 : i32
        %dma_start3A_22 = tpu.memref_slice %arg12[%add3A_21, %dma_start3A] : memref<80x128xi32, #tpu.memory_space<vmem>> -> memref<1x128xi32, #tpu.memory_space<vmem>>
        %dma_start3A_23 = tpu.memref_squeeze %dma_start3A_22 : memref<1x128xi32, #tpu.memory_space<vmem>> -> memref<128xi32, #tpu.memory_space<vmem>>
        %dma_start3A_24 = arith.constant 0 : i32
        %dma_start3A_25 = arith.constant 0 : i32
        %dma_start3A_26 = tpu.memref_slice %arg10[%dma_start3A_24, %dma_start3A_25] : memref<10240x16xf32, #tpu.memory_space<vmem_shared>> -> memref<10240x16xf32, #tpu.memory_space<vmem_shared>>
        tpu.enqueue_indirect_dma source(%arg14 : memref<128x16xf32, #tpu.memory_space<vmem>>) target(%dma_start3A_26 : memref<10240x16xf32, #tpu.memory_space<vmem_shared>>) offsets(%dma_start3A_23 : memref<128xi32, #tpu.memory_space<vmem>>) semaphore(%run_scoped3A : memref<!tpu.dma_semaphore, #tpu.memory_space<semaphore_mem>>) {add = true}
        %dma_wait3A = arith.constant 0 : i32
        %dma_wait3A_27 = tpu.memref_slice %arg12[%add3A_21, %dma_wait3A] : memref<80x128xi32, #tpu.memory_space<vmem>> -> memref<1x128xi32, #tpu.memory_space<vmem>>
        %dma_wait3A_28 = tpu.memref_squeeze %dma_wait3A_27 : memref<1x128xi32, #tpu.memory_space<vmem>> -> memref<128xi32, #tpu.memory_space<vmem>>
        %dma_wait3A_29 = arith.constant 0 : i32
        %dma_wait3A_30 = arith.constant 0 : i32
        %dma_wait3A_31 = tpu.memref_slice %arg10[%dma_wait3A_29, %dma_wait3A_30] : memref<10240x16xf32, #tpu.memory_space<vmem_shared>> -> memref<10240x16xf32, #tpu.memory_space<vmem_shared>>
        tpu.wait_indirect_dma semaphore(%run_scoped3A : memref<!tpu.dma_semaphore, #tpu.memory_space<semaphore_mem>>) src(%arg14 : memref<128x16xf32, #tpu.memory_space<vmem>>) dst(%dma_wait3A_31 : memref<10240x16xf32, #tpu.memory_space<vmem_shared>>)
        tpu.yield
      }) : () -> ()
      "tpu.region"() ({
        %run_scoped3A = tpu.sem_alloc : memref<!tpu.dma_semaphore, #tpu.memory_space<semaphore_mem>>
        %dma_start3A = arith.constant 0 : i32
        %dma_start3A_22 = tpu.memref_slice %arg13[%add3A_21, %dma_start3A] : memref<80x128xi32, #tpu.memory_space<vmem>> -> memref<1x128xi32, #tpu.memory_space<vmem>>
        %dma_start3A_23 = tpu.memref_squeeze %dma_start3A_22 : memref<1x128xi32, #tpu.memory_space<vmem>> -> memref<128xi32, #tpu.memory_space<vmem>>
        %dma_start3A_24 = arith.constant 0 : i32
        %dma_start3A_25 = arith.constant 0 : i32
        %dma_start3A_26 = tpu.memref_slice %arg11[%dma_start3A_24, %dma_start3A_25] : memref<10240x16xf32, #tpu.memory_space<vmem_shared>> -> memref<10240x16xf32, #tpu.memory_space<vmem_shared>>
        tpu.enqueue_indirect_dma source(%arg14 : memref<128x16xf32, #tpu.memory_space<vmem>>) target(%dma_start3A_26 : memref<10240x16xf32, #tpu.memory_space<vmem_shared>>) offsets(%dma_start3A_23 : memref<128xi32, #tpu.memory_space<vmem>>) semaphore(%run_scoped3A : memref<!tpu.dma_semaphore, #tpu.memory_space<semaphore_mem>>) {add = true}
        %dma_wait3A = arith.constant 0 : i32
        %dma_wait3A_27 = tpu.memref_slice %arg13[%add3A_21, %dma_wait3A] : memref<80x128xi32, #tpu.memory_space<vmem>> -> memref<1x128xi32, #tpu.memory_space<vmem>>
        %dma_wait3A_28 = tpu.memref_squeeze %dma_wait3A_27 : memref<1x128xi32, #tpu.memory_space<vmem>> -> memref<128xi32, #tpu.memory_space<vmem>>
        %dma_wait3A_29 = arith.constant 0 : i32
        %dma_wait3A_30 = arith.constant 0 : i32
        %dma_wait3A_31 = tpu.memref_slice %arg11[%dma_wait3A_29, %dma_wait3A_30] : memref<10240x16xf32, #tpu.memory_space<vmem_shared>> -> memref<10240x16xf32, #tpu.memory_space<vmem_shared>>
        tpu.wait_indirect_dma semaphore(%run_scoped3A : memref<!tpu.dma_semaphore, #tpu.memory_space<semaphore_mem>>) src(%arg14 : memref<128x16xf32, #tpu.memory_space<vmem>>) dst(%dma_wait3A_31 : memref<10240x16xf32, #tpu.memory_space<vmem_shared>>)
        tpu.yield
      }) : () -> ()
    }
    %scan3A_8 = arith.constant 80 : i32
    %barrier3A_9 = arith.constant 0 : index
    tpu.barrier barrier_id(%barrier3A_9)
    %eq3A = arith.constant 0 : i32
    %eq3A_10 = arith.cmpi eq, %arg0, %eq3A : i32
    %convert_element_type3A = arith.extui %eq3A_10 : i1 to i32
    %cond3A = arith.constant 0 : i32
    %cond3A_11 = arith.cmpi ne, %convert_element_type3A, %cond3A : i32
    scf.if %cond3A_11 {
      "tpu.region"() ({
        %run_scoped3A = tpu.sem_alloc : memref<!tpu.dma_semaphore, #tpu.memory_space<semaphore_mem>>
        %dma_start3A = arith.constant 0 : i32
        %dma_start3A_17 = tpu.memref_slice %arg6[%mul3A_0, %dma_start3A] : memref<10240x16xf32, #tpu.memory_space<hbm>> -> memref<640x16xf32, #tpu.memory_space<hbm>>
        %dma_start3A_18 = arith.constant 0 : i32
        %dma_start3A_19 = tpu.memref_slice %arg10[%mul3A_0, %dma_start3A_18] : memref<10240x16xf32, #tpu.memory_space<vmem_shared>> -> memref<640x16xf32, #tpu.memory_space<vmem_shared>>
        tpu.enqueue_dma source(%dma_start3A_19 : memref<640x16xf32, #tpu.memory_space<vmem_shared>>) target(%dma_start3A_17 : memref<640x16xf32, #tpu.memory_space<hbm>>) target_semaphore(%run_scoped3A : memref<!tpu.dma_semaphore, #tpu.memory_space<semaphore_mem>>)
        %dma_wait3A = arith.constant 0 : i32
        %dma_wait3A_20 = tpu.memref_slice %arg6[%mul3A_0, %dma_wait3A] : memref<10240x16xf32, #tpu.memory_space<hbm>> -> memref<640x16xf32, #tpu.memory_space<hbm>>
        %dma_wait3A_21 = arith.constant 0 : i32
        %dma_wait3A_22 = tpu.memref_slice %arg10[%mul3A_0, %dma_wait3A_21] : memref<10240x16xf32, #tpu.memory_space<vmem_shared>> -> memref<640x16xf32, #tpu.memory_space<vmem_shared>>
        tpu.wait_dma2 semaphore(%run_scoped3A : memref<!tpu.dma_semaphore, #tpu.memory_space<semaphore_mem>>) src(%dma_wait3A_22 : memref<640x16xf32, #tpu.memory_space<vmem_shared>>) dst(%dma_wait3A_20 : memref<640x16xf32, #tpu.memory_space<hbm>>)
        tpu.yield
      }) : () -> ()
      "tpu.region"() ({
        %run_scoped3A = tpu.sem_alloc : memref<!tpu.dma_semaphore, #tpu.memory_space<semaphore_mem>>
        %dma_start3A = arith.constant 0 : i32
        %dma_start3A_17 = tpu.memref_slice %arg7[%mul3A_0, %dma_start3A] : memref<10240x16xf32, #tpu.memory_space<hbm>> -> memref<640x16xf32, #tpu.memory_space<hbm>>
        %dma_start3A_18 = arith.constant 0 : i32
        %dma_start3A_19 = tpu.memref_slice %arg11[%mul3A_0, %dma_start3A_18] : memref<10240x16xf32, #tpu.memory_space<vmem_shared>> -> memref<640x16xf32, #tpu.memory_space<vmem_shared>>
        tpu.enqueue_dma source(%dma_start3A_19 : memref<640x16xf32, #tpu.memory_space<vmem_shared>>) target(%dma_start3A_17 : memref<640x16xf32, #tpu.memory_space<hbm>>) target_semaphore(%run_scoped3A : memref<!tpu.dma_semaphore, #tpu.memory_space<semaphore_mem>>)
        %dma_wait3A = arith.constant 0 : i32
        %dma_wait3A_20 = tpu.memref_slice %arg7[%mul3A_0, %dma_wait3A] : memref<10240x16xf32, #tpu.memory_space<hbm>> -> memref<640x16xf32, #tpu.memory_space<hbm>>
        %dma_wait3A_21 = arith.constant 0 : i32
        %dma_wait3A_22 = tpu.memref_slice %arg11[%mul3A_0, %dma_wait3A_21] : memref<10240x16xf32, #tpu.memory_space<vmem_shared>> -> memref<640x16xf32, #tpu.memory_space<vmem_shared>>
        tpu.wait_dma2 semaphore(%run_scoped3A : memref<!tpu.dma_semaphore, #tpu.memory_space<semaphore_mem>>) src(%dma_wait3A_22 : memref<640x16xf32, #tpu.memory_space<vmem_shared>>) dst(%dma_wait3A_20 : memref<640x16xf32, #tpu.memory_space<hbm>>)
        tpu.yield
      }) : () -> ()
    } else {
    }
    %eq3A_12 = arith.constant 1 : i32
    %eq3A_13 = arith.cmpi eq, %arg0, %eq3A_12 : i32
    %convert_element_type3A_14 = arith.extui %eq3A_13 : i1 to i32
    %cond3A_15 = arith.constant 0 : i32
    %cond3A_16 = arith.cmpi ne, %convert_element_type3A_14, %cond3A_15 : i32
    scf.if %cond3A_16 {
      "tpu.region"() ({
        %run_scoped3A = tpu.sem_alloc : memref<!tpu.dma_semaphore, #tpu.memory_space<semaphore_mem>>
        %dma_start3A = arith.constant 0 : i32
        %dma_start3A_17 = tpu.memref_slice %arg8[%mul3A_0, %dma_start3A] : memref<10240x16xf32, #tpu.memory_space<hbm>> -> memref<640x16xf32, #tpu.memory_space<hbm>>
        %dma_start3A_18 = arith.constant 0 : i32
        %dma_start3A_19 = tpu.memref_slice %arg10[%mul3A_0, %dma_start3A_18] : memref<10240x16xf32, #tpu.memory_space<vmem_shared>> -> memref<640x16xf32, #tpu.memory_space<vmem_shared>>
        tpu.enqueue_dma source(%dma_start3A_19 : memref<640x16xf32, #tpu.memory_space<vmem_shared>>) target(%dma_start3A_17 : memref<640x16xf32, #tpu.memory_space<hbm>>) target_semaphore(%run_scoped3A : memref<!tpu.dma_semaphore, #tpu.memory_space<semaphore_mem>>)
        %dma_wait3A = arith.constant 0 : i32
        %dma_wait3A_20 = tpu.memref_slice %arg8[%mul3A_0, %dma_wait3A] : memref<10240x16xf32, #tpu.memory_space<hbm>> -> memref<640x16xf32, #tpu.memory_space<hbm>>
        %dma_wait3A_21 = arith.constant 0 : i32
        %dma_wait3A_22 = tpu.memref_slice %arg10[%mul3A_0, %dma_wait3A_21] : memref<10240x16xf32, #tpu.memory_space<vmem_shared>> -> memref<640x16xf32, #tpu.memory_space<vmem_shared>>
        tpu.wait_dma2 semaphore(%run_scoped3A : memref<!tpu.dma_semaphore, #tpu.memory_space<semaphore_mem>>) src(%dma_wait3A_22 : memref<640x16xf32, #tpu.memory_space<vmem_shared>>) dst(%dma_wait3A_20 : memref<640x16xf32, #tpu.memory_space<hbm>>)
        tpu.yield
      }) : () -> ()
      "tpu.region"() ({
        %run_scoped3A = tpu.sem_alloc : memref<!tpu.dma_semaphore, #tpu.memory_space<semaphore_mem>>
        %dma_start3A = arith.constant 0 : i32
        %dma_start3A_17 = tpu.memref_slice %arg9[%mul3A_0, %dma_start3A] : memref<10240x16xf32, #tpu.memory_space<hbm>> -> memref<640x16xf32, #tpu.memory_space<hbm>>
        %dma_start3A_18 = arith.constant 0 : i32
        %dma_start3A_19 = tpu.memref_slice %arg11[%mul3A_0, %dma_start3A_18] : memref<10240x16xf32, #tpu.memory_space<vmem_shared>> -> memref<640x16xf32, #tpu.memory_space<vmem_shared>>
        tpu.enqueue_dma source(%dma_start3A_19 : memref<640x16xf32, #tpu.memory_space<vmem_shared>>) target(%dma_start3A_17 : memref<640x16xf32, #tpu.memory_space<hbm>>) target_semaphore(%run_scoped3A : memref<!tpu.dma_semaphore, #tpu.memory_space<semaphore_mem>>)
        %dma_wait3A = arith.constant 0 : i32
        %dma_wait3A_20 = tpu.memref_slice %arg9[%mul3A_0, %dma_wait3A] : memref<10240x16xf32, #tpu.memory_space<hbm>> -> memref<640x16xf32, #tpu.memory_space<hbm>>
        %dma_wait3A_21 = arith.constant 0 : i32
        %dma_wait3A_22 = tpu.memref_slice %arg11[%mul3A_0, %dma_wait3A_21] : memref<10240x16xf32, #tpu.memory_space<vmem_shared>> -> memref<640x16xf32, #tpu.memory_space<vmem_shared>>
        tpu.wait_dma2 semaphore(%run_scoped3A : memref<!tpu.dma_semaphore, #tpu.memory_space<semaphore_mem>>) src(%dma_wait3A_22 : memref<640x16xf32, #tpu.memory_space<vmem_shared>>) dst(%dma_wait3A_20 : memref<640x16xf32, #tpu.memory_space<hbm>>)
        tpu.yield
      }) : () -> ()
    } else {
    }
    return
  }
}

#map = affine_map<(d0, d1) -> (0, 0)>
module attributes {stable_mosaic.version = 14 : i64} {
  func.func @prop(%arg0: i32, %arg1: i32, %arg2: memref<10240x128xf32, #tpu.memory_space<hbm>>, %arg3: memref<10240x128xf32, #tpu.memory_space<hbm>>, %arg4: memref<2560x128xi32, #tpu.memory_space<hbm>>, %arg5: memref<2560x128xi32, #tpu.memory_space<hbm>>, %arg6: memref<10240x128xf32, #tpu.memory_space<hbm>>, %arg7: memref<10240x128xf32, #tpu.memory_space<hbm>>, %arg8: memref<10240x128xf32, #tpu.memory_space<vmem_shared>>, %arg9: memref<40x128xi32, #tpu.memory_space<vmem>>, %arg10: memref<40x128xi32, #tpu.memory_space<vmem>>, %arg11: memref<128x128xf32, #tpu.memory_space<vmem>>, %arg12: memref<128x128xf32, #tpu.memory_space<vmem>>, %arg13: memref<!tpu.dma_semaphore, #tpu.memory_space<semaphore_mem>>, %arg14: memref<!tpu.dma_semaphore, #tpu.memory_space<semaphore_mem>>, %arg15: memref<!tpu.dma_semaphore, #tpu.memory_space<semaphore_mem>>, %arg16: memref<!tpu.dma_semaphore, #tpu.memory_space<semaphore_mem>>) attributes {dimension_semantics = [#tpu.dimension_semantics<core_parallel>, #tpu.dimension_semantics<subcore_parallel>], iteration_bounds = array<i64: 2, 16>, scalar_prefetch = 0 : i64, scratch_operands = 9 : i64, tpu.core_type = #tpu.core_type<sc_vector_subcore>, window_params = [{transform_indices = #map}, {transform_indices = #map}, {transform_indices = #map}, {transform_indices = #map}, {transform_indices = #map}, {transform_indices = #map}]} {
    %mul3A = arith.constant 640 : i32
    %mul3A_0 = arith.muli %arg1, %mul3A : i32
    %broadcast_in_dim3A = arith.constant 0.000000e+00 : f32
    %broadcast_in_dim3A_1 = vector.broadcast %broadcast_in_dim3A : f32 to vector<16xf32>
    %scan3A = arith.constant 0 : i32
    %scan3A_2 = arith.constant 128 : i32
    %scan3A_3 = arith.addi %scan3A, %scan3A_2 : i32
    %scan3A_4 = arith.constant 1 : i32
    scf.for %scan3A_29 = %scan3A to %scan3A_3 step %scan3A_4  : i32 {
      %mul3A_30 = arith.constant 1 : i32
      %mul3A_31 = arith.muli %scan3A_29, %mul3A_30 : i32
      %add3A = arith.constant 0 : i32
      %add3A_32 = arith.addi %add3A, %mul3A_31 : i32
      %scan3A_33 = arith.constant 0 : i32
      %scan3A_34 = arith.constant 8 : i32
      %scan3A_35 = arith.addi %scan3A_33, %scan3A_34 : i32
      %scan3A_36 = arith.constant 1 : i32
      scf.for %scan3A_38 = %scan3A_33 to %scan3A_35 step %scan3A_36  : i32 {
        %mul3A_39 = arith.constant 16 : i32
        %mul3A_40 = arith.muli %scan3A_38, %mul3A_39 : i32
        %add3A_41 = arith.constant 0 : i32
        %add3A_42 = arith.addi %add3A_41, %mul3A_40 : i32
        %swap3A = arith.index_cast %add3A_32 : i32 to index
        %swap3A_43 = arith.index_cast %add3A_42 : i32 to index
        %swap3A_44 = tpu.vector_load %arg11[%swap3A, %swap3A_43] {strides = array<i32>} : memref<128x128xf32, #tpu.memory_space<vmem>>, vector<1x16xf32>,
        %swap3A_45 = vector.shape_cast %swap3A_44 : vector<1x16xf32> to vector<16xf32>
        %swap3A_46 = vector.shape_cast %broadcast_in_dim3A_1 : vector<16xf32> to vector<1x16xf32>
        tpu.vector_store %arg11[%swap3A, %swap3A_43], %swap3A_46 {strides = array<i32>} : memref<128x128xf32, #tpu.memory_space<vmem>>, vector<1x16xf32>,
      }
      %scan3A_37 = arith.constant 8 : i32
    }
    %scan3A_5 = arith.constant 128 : i32
    %scan3A_6 = arith.constant 0 : i32
    %scan3A_7 = arith.constant 5 : i32
    %scan3A_8 = arith.addi %scan3A_6, %scan3A_7 : i32
    %scan3A_9 = arith.constant 1 : i32
    scf.for %scan3A_29 = %scan3A_6 to %scan3A_8 step %scan3A_9  : i32 {
      %mul3A_30 = arith.constant 128 : i32
      %mul3A_31 = arith.muli %scan3A_29, %mul3A_30 : i32
      %add3A = arith.constant 0 : i32
      %add3A_32 = arith.addi %add3A, %mul3A_31 : i32
      %add3A_33 = arith.addi %mul3A_0, %add3A_32 : i32
      "tpu.region"() ({
        %run_scoped3A = tpu.sem_alloc : memref<!tpu.dma_semaphore, #tpu.memory_space<semaphore_mem>>
        %dma_start3A = arith.constant 0 : i32
        %dma_start3A_34 = tpu.memref_slice %arg8[%add3A_33, %dma_start3A] : memref<10240x128xf32, #tpu.memory_space<vmem_shared>> -> memref<128x128xf32, #tpu.memory_space<vmem_shared>>
        %dma_start3A_35 = arith.constant 0 : i32
        %dma_start3A_36 = tpu.memref_slice %arg8[%add3A_33, %dma_start3A_35] : memref<10240x128xf32, #tpu.memory_space<vmem_shared>> -> memref<128x128xf32, #tpu.memory_space<vmem_shared>>
        tpu.enqueue_dma source(%arg11 : memref<128x128xf32, #tpu.memory_space<vmem>>) target(%dma_start3A_36 : memref<128x128xf32, #tpu.memory_space<vmem_shared>>) target_semaphore(%run_scoped3A : memref<!tpu.dma_semaphore, #tpu.memory_space<semaphore_mem>>)
        %dma_wait3A = arith.constant 0 : i32
        %dma_wait3A_37 = tpu.memref_slice %arg8[%add3A_33, %dma_wait3A] : memref<10240x128xf32, #tpu.memory_space<vmem_shared>> -> memref<128x128xf32, #tpu.memory_space<vmem_shared>>
        %dma_wait3A_38 = arith.constant 0 : i32
        %dma_wait3A_39 = tpu.memref_slice %arg8[%add3A_33, %dma_wait3A_38] : memref<10240x128xf32, #tpu.memory_space<vmem_shared>> -> memref<128x128xf32, #tpu.memory_space<vmem_shared>>
        tpu.wait_dma2 semaphore(%run_scoped3A : memref<!tpu.dma_semaphore, #tpu.memory_space<semaphore_mem>>) src(%arg11 : memref<128x128xf32, #tpu.memory_space<vmem>>) dst(%dma_wait3A_39 : memref<128x128xf32, #tpu.memory_space<vmem_shared>>)
        tpu.yield
      }) : () -> ()
    }
    %scan3A_10 = arith.constant 5 : i32
    %barrier3A = arith.constant 0 : index
    tpu.barrier barrier_id(%barrier3A)
    %eq3A = arith.constant 0 : i32
    %eq3A_11 = arith.cmpi eq, %arg0, %eq3A : i32
    %convert_element_type3A = arith.extui %eq3A_11 : i1 to i32
    %cond3A = arith.constant 0 : i32
    %cond3A_12 = arith.cmpi ne, %convert_element_type3A, %cond3A : i32
    scf.if %cond3A_12 {
      %mul3A_29 = arith.constant 160 : i32
      %mul3A_30 = arith.muli %arg1, %mul3A_29 : i32
      %scan3A_31 = arith.constant 0 : i32
      %scan3A_32 = arith.constant 4 : i32
      %scan3A_33 = arith.addi %scan3A_31, %scan3A_32 : i32
      %scan3A_34 = arith.constant 1 : i32
      scf.for %scan3A_36 = %scan3A_31 to %scan3A_33 step %scan3A_34  : i32 {
        %mul3A_37 = arith.constant 1 : i32
        %mul3A_38 = arith.muli %scan3A_36, %mul3A_37 : i32
        %add3A = arith.constant 0 : i32
        %add3A_39 = arith.addi %add3A, %mul3A_38 : i32
        %mul3A_40 = arith.constant 40 : i32
        %mul3A_41 = arith.muli %add3A_39, %mul3A_40 : i32
        %add3A_42 = arith.addi %mul3A_30, %mul3A_41 : i32
        "tpu.region"() ({
          %run_scoped3A = tpu.sem_alloc : memref<!tpu.dma_semaphore, #tpu.memory_space<semaphore_mem>>
          %dma_start3A_70 = arith.constant 0 : i32
          %dma_start3A_71 = tpu.memref_slice %arg4[%add3A_42, %dma_start3A_70] : memref<2560x128xi32, #tpu.memory_space<hbm>> -> memref<40x128xi32, #tpu.memory_space<hbm>>
          %dma_start3A_72 = arith.constant 0 : i32
          %dma_start3A_73 = tpu.memref_slice %arg4[%add3A_42, %dma_start3A_72] : memref<2560x128xi32, #tpu.memory_space<hbm>> -> memref<40x128xi32, #tpu.memory_space<hbm>>
          tpu.enqueue_dma source(%dma_start3A_73 : memref<40x128xi32, #tpu.memory_space<hbm>>) target(%arg9 : memref<40x128xi32, #tpu.memory_space<vmem>>) target_semaphore(%run_scoped3A : memref<!tpu.dma_semaphore, #tpu.memory_space<semaphore_mem>>)
          %dma_wait3A_74 = arith.constant 0 : i32
          %dma_wait3A_75 = tpu.memref_slice %arg4[%add3A_42, %dma_wait3A_74] : memref<2560x128xi32, #tpu.memory_space<hbm>> -> memref<40x128xi32, #tpu.memory_space<hbm>>
          %dma_wait3A_76 = arith.constant 0 : i32
          %dma_wait3A_77 = tpu.memref_slice %arg4[%add3A_42, %dma_wait3A_76] : memref<2560x128xi32, #tpu.memory_space<hbm>> -> memref<40x128xi32, #tpu.memory_space<hbm>>
          tpu.wait_dma2 semaphore(%run_scoped3A : memref<!tpu.dma_semaphore, #tpu.memory_space<semaphore_mem>>) src(%dma_wait3A_77 : memref<40x128xi32, #tpu.memory_space<hbm>>) dst(%arg9 : memref<40x128xi32, #tpu.memory_space<vmem>>)
          tpu.yield
        }) : () -> ()
        %mul3A_43 = arith.constant 40 : i32
        %mul3A_44 = arith.muli %add3A_39, %mul3A_43 : i32
        %add3A_45 = arith.addi %mul3A_30, %mul3A_44 : i32
        "tpu.region"() ({
          %run_scoped3A = tpu.sem_alloc : memref<!tpu.dma_semaphore, #tpu.memory_space<semaphore_mem>>
          %dma_start3A_70 = arith.constant 0 : i32
          %dma_start3A_71 = tpu.memref_slice %arg5[%add3A_45, %dma_start3A_70] : memref<2560x128xi32, #tpu.memory_space<hbm>> -> memref<40x128xi32, #tpu.memory_space<hbm>>
          %dma_start3A_72 = arith.constant 0 : i32
          %dma_start3A_73 = tpu.memref_slice %arg5[%add3A_45, %dma_start3A_72] : memref<2560x128xi32, #tpu.memory_space<hbm>> -> memref<40x128xi32, #tpu.memory_space<hbm>>
          tpu.enqueue_dma source(%dma_start3A_73 : memref<40x128xi32, #tpu.memory_space<hbm>>) target(%arg10 : memref<40x128xi32, #tpu.memory_space<vmem>>) target_semaphore(%run_scoped3A : memref<!tpu.dma_semaphore, #tpu.memory_space<semaphore_mem>>)
          %dma_wait3A_74 = arith.constant 0 : i32
          %dma_wait3A_75 = tpu.memref_slice %arg5[%add3A_45, %dma_wait3A_74] : memref<2560x128xi32, #tpu.memory_space<hbm>> -> memref<40x128xi32, #tpu.memory_space<hbm>>
          %dma_wait3A_76 = arith.constant 0 : i32
          %dma_wait3A_77 = tpu.memref_slice %arg5[%add3A_45, %dma_wait3A_76] : memref<2560x128xi32, #tpu.memory_space<hbm>> -> memref<40x128xi32, #tpu.memory_space<hbm>>
          tpu.wait_dma2 semaphore(%run_scoped3A : memref<!tpu.dma_semaphore, #tpu.memory_space<semaphore_mem>>) src(%dma_wait3A_77 : memref<40x128xi32, #tpu.memory_space<hbm>>) dst(%arg10 : memref<40x128xi32, #tpu.memory_space<vmem>>)
          tpu.yield
        }) : () -> ()
        %dma_start3A = arith.constant 0 : i32
        %dma_start3A_46 = arith.constant 0 : i32
        %dma_start3A_47 = tpu.memref_slice %arg9[%dma_start3A, %dma_start3A_46] : memref<40x128xi32, #tpu.memory_space<vmem>> -> memref<1x128xi32, #tpu.memory_space<vmem>>
        %dma_start3A_48 = tpu.memref_squeeze %dma_start3A_47 : memref<1x128xi32, #tpu.memory_space<vmem>> -> memref<128xi32, #tpu.memory_space<vmem>>
        %dma_start3A_49 = arith.constant 0 : i32
        %dma_start3A_50 = arith.constant 0 : i32
        %dma_start3A_51 = tpu.memref_slice %arg2[%dma_start3A_49, %dma_start3A_50] : memref<10240x128xf32, #tpu.memory_space<hbm>> -> memref<10240x128xf32, #tpu.memory_space<hbm>>
        tpu.enqueue_indirect_dma source(%dma_start3A_51 : memref<10240x128xf32, #tpu.memory_space<hbm>>) target(%arg11 : memref<128x128xf32, #tpu.memory_space<vmem>>) offsets(%dma_start3A_48 : memref<128xi32, #tpu.memory_space<vmem>>) semaphore(%arg13 : memref<!tpu.dma_semaphore, #tpu.memory_space<semaphore_mem>>)
        %scan3A_52 = arith.constant 0 : i32
        %scan3A_53 = arith.constant 20 : i32
        %scan3A_54 = arith.addi %scan3A_52, %scan3A_53 : i32
        %scan3A_55 = arith.constant 1 : i32
        scf.for %scan3A_70 = %scan3A_52 to %scan3A_54 step %scan3A_55  : i32 {
          %mul3A_71 = arith.constant 2 : i32
          %mul3A_72 = arith.muli %scan3A_70, %mul3A_71 : i32
          %add3A_73 = arith.constant 0 : i32
          %add3A_74 = arith.addi %add3A_73, %mul3A_72 : i32
          %dma_wait3A_75 = arith.constant 0 : i32
          %dma_wait3A_76 = tpu.memref_slice %arg9[%add3A_74, %dma_wait3A_75] : memref<40x128xi32, #tpu.memory_space<vmem>> -> memref<1x128xi32, #tpu.memory_space<vmem>>
          %dma_wait3A_77 = tpu.memref_squeeze %dma_wait3A_76 : memref<1x128xi32, #tpu.memory_space<vmem>> -> memref<128xi32, #tpu.memory_space<vmem>>
          %dma_wait3A_78 = arith.constant 0 : i32
          %dma_wait3A_79 = arith.constant 0 : i32
          %dma_wait3A_80 = tpu.memref_slice %arg2[%dma_wait3A_78, %dma_wait3A_79] : memref<10240x128xf32, #tpu.memory_space<hbm>> -> memref<10240x128xf32, #tpu.memory_space<hbm>>
          tpu.wait_indirect_dma semaphore(%arg13 : memref<!tpu.dma_semaphore, #tpu.memory_space<semaphore_mem>>) src(%dma_wait3A_80 : memref<10240x128xf32, #tpu.memory_space<hbm>>) dst(%arg11 : memref<128x128xf32, #tpu.memory_space<vmem>>)
          %add3A_81 = arith.constant 1 : i32
          %add3A_82 = arith.addi %add3A_74, %add3A_81 : i32
          %lt3A = arith.constant 40 : i32
          %lt3A_83 = arith.cmpi slt, %add3A_82, %lt3A : i32
          %convert_element_type3A_84 = arith.extui %lt3A_83 : i1 to i32
          %cond3A_85 = arith.constant 0 : i32
          %cond3A_86 = arith.cmpi ne, %convert_element_type3A_84, %cond3A_85 : i32
          scf.if %cond3A_86 {
            %ge3A = arith.constant 1 : i32
            %ge3A_114 = arith.cmpi sge, %add3A_74, %ge3A : i32
            %convert_element_type3A_115 = arith.extui %ge3A_114 : i1 to i32
            %cond3A_116 = arith.constant 0 : i32
            %cond3A_117 = arith.cmpi ne, %convert_element_type3A_115, %cond3A_116 : i32
            scf.if %cond3A_117 {
              %dma_wait3A_126 = arith.constant 0 : i32
              %dma_wait3A_127 = arith.constant 0 : i32
              %dma_wait3A_128 = tpu.memref_slice %arg10[%dma_wait3A_126, %dma_wait3A_127] : memref<40x128xi32, #tpu.memory_space<vmem>> -> memref<1x128xi32, #tpu.memory_space<vmem>>
              %dma_wait3A_129 = tpu.memref_squeeze %dma_wait3A_128 : memref<1x128xi32, #tpu.memory_space<vmem>> -> memref<128xi32, #tpu.memory_space<vmem>>
              %dma_wait3A_130 = arith.constant 0 : i32
              %dma_wait3A_131 = arith.constant 0 : i32
              %dma_wait3A_132 = tpu.memref_slice %arg8[%dma_wait3A_130, %dma_wait3A_131] : memref<10240x128xf32, #tpu.memory_space<vmem_shared>> -> memref<10240x128xf32, #tpu.memory_space<vmem_shared>>
              tpu.wait_indirect_dma semaphore(%arg16 : memref<!tpu.dma_semaphore, #tpu.memory_space<semaphore_mem>>) src(%arg12 : memref<128x128xf32, #tpu.memory_space<vmem>>) dst(%dma_wait3A_132 : memref<10240x128xf32, #tpu.memory_space<vmem_shared>>)
            } else {
            }
            %add3A_118 = arith.constant 1 : i32
            %add3A_119 = arith.addi %add3A_74, %add3A_118 : i32
            %dma_start3A_120 = arith.constant 0 : i32
            %dma_start3A_121 = tpu.memref_slice %arg9[%add3A_119, %dma_start3A_120] : memref<40x128xi32, #tpu.memory_space<vmem>> -> memref<1x128xi32, #tpu.memory_space<vmem>>
            %dma_start3A_122 = tpu.memref_squeeze %dma_start3A_121 : memref<1x128xi32, #tpu.memory_space<vmem>> -> memref<128xi32, #tpu.memory_space<vmem>>
            %dma_start3A_123 = arith.constant 0 : i32
            %dma_start3A_124 = arith.constant 0 : i32
            %dma_start3A_125 = tpu.memref_slice %arg2[%dma_start3A_123, %dma_start3A_124] : memref<10240x128xf32, #tpu.memory_space<hbm>> -> memref<10240x128xf32, #tpu.memory_space<hbm>>
            tpu.enqueue_indirect_dma source(%dma_start3A_125 : memref<10240x128xf32, #tpu.memory_space<hbm>>) target(%arg12 : memref<128x128xf32, #tpu.memory_space<vmem>>) offsets(%dma_start3A_122 : memref<128xi32, #tpu.memory_space<vmem>>) semaphore(%arg14 : memref<!tpu.dma_semaphore, #tpu.memory_space<semaphore_mem>>)
          } else {
          }
          %dma_start3A_87 = arith.constant 0 : i32
          %dma_start3A_88 = tpu.memref_slice %arg10[%add3A_74, %dma_start3A_87] : memref<40x128xi32, #tpu.memory_space<vmem>> -> memref<1x128xi32, #tpu.memory_space<vmem>>
          %dma_start3A_89 = tpu.memref_squeeze %dma_start3A_88 : memref<1x128xi32, #tpu.memory_space<vmem>> -> memref<128xi32, #tpu.memory_space<vmem>>
          %dma_start3A_90 = arith.constant 0 : i32
          %dma_start3A_91 = arith.constant 0 : i32
          %dma_start3A_92 = tpu.memref_slice %arg8[%dma_start3A_90, %dma_start3A_91] : memref<10240x128xf32, #tpu.memory_space<vmem_shared>> -> memref<10240x128xf32, #tpu.memory_space<vmem_shared>>
          tpu.enqueue_indirect_dma source(%arg11 : memref<128x128xf32, #tpu.memory_space<vmem>>) target(%dma_start3A_92 : memref<10240x128xf32, #tpu.memory_space<vmem_shared>>) offsets(%dma_start3A_89 : memref<128xi32, #tpu.memory_space<vmem>>) semaphore(%arg15 : memref<!tpu.dma_semaphore, #tpu.memory_space<semaphore_mem>>) {add = true}
          %add3A_93 = arith.constant 1 : i32
          %add3A_94 = arith.addi %add3A_74, %add3A_93 : i32
          %dma_wait3A_95 = arith.constant 0 : i32
          %dma_wait3A_96 = tpu.memref_slice %arg9[%add3A_94, %dma_wait3A_95] : memref<40x128xi32, #tpu.memory_space<vmem>> -> memref<1x128xi32, #tpu.memory_space<vmem>>
          %dma_wait3A_97 = tpu.memref_squeeze %dma_wait3A_96 : memref<1x128xi32, #tpu.memory_space<vmem>> -> memref<128xi32, #tpu.memory_space<vmem>>
          %dma_wait3A_98 = arith.constant 0 : i32
          %dma_wait3A_99 = arith.constant 0 : i32
          %dma_wait3A_100 = tpu.memref_slice %arg2[%dma_wait3A_98, %dma_wait3A_99] : memref<10240x128xf32, #tpu.memory_space<hbm>> -> memref<10240x128xf32, #tpu.memory_space<hbm>>
          tpu.wait_indirect_dma semaphore(%arg14 : memref<!tpu.dma_semaphore, #tpu.memory_space<semaphore_mem>>) src(%dma_wait3A_100 : memref<10240x128xf32, #tpu.memory_space<hbm>>) dst(%arg12 : memref<128x128xf32, #tpu.memory_space<vmem>>)
          %add3A_101 = arith.constant 1 : i32
          %add3A_102 = arith.addi %add3A_94, %add3A_101 : i32
          %lt3A_103 = arith.constant 40 : i32
          %lt3A_104 = arith.cmpi slt, %add3A_102, %lt3A_103 : i32
          %convert_element_type3A_105 = arith.extui %lt3A_104 : i1 to i32
          %cond3A_106 = arith.constant 0 : i32
          %cond3A_107 = arith.cmpi ne, %convert_element_type3A_105, %cond3A_106 : i32
          scf.if %cond3A_107 {
            %ge3A = arith.constant 1 : i32
            %ge3A_114 = arith.cmpi sge, %add3A_94, %ge3A : i32
            %convert_element_type3A_115 = arith.extui %ge3A_114 : i1 to i32
            %cond3A_116 = arith.constant 0 : i32
            %cond3A_117 = arith.cmpi ne, %convert_element_type3A_115, %cond3A_116 : i32
            scf.if %cond3A_117 {
              %dma_wait3A_126 = arith.constant 0 : i32
              %dma_wait3A_127 = arith.constant 0 : i32
              %dma_wait3A_128 = tpu.memref_slice %arg10[%dma_wait3A_126, %dma_wait3A_127] : memref<40x128xi32, #tpu.memory_space<vmem>> -> memref<1x128xi32, #tpu.memory_space<vmem>>
              %dma_wait3A_129 = tpu.memref_squeeze %dma_wait3A_128 : memref<1x128xi32, #tpu.memory_space<vmem>> -> memref<128xi32, #tpu.memory_space<vmem>>
              %dma_wait3A_130 = arith.constant 0 : i32
              %dma_wait3A_131 = arith.constant 0 : i32
              %dma_wait3A_132 = tpu.memref_slice %arg8[%dma_wait3A_130, %dma_wait3A_131] : memref<10240x128xf32, #tpu.memory_space<vmem_shared>> -> memref<10240x128xf32, #tpu.memory_space<vmem_shared>>
              tpu.wait_indirect_dma semaphore(%arg15 : memref<!tpu.dma_semaphore, #tpu.memory_space<semaphore_mem>>) src(%arg11 : memref<128x128xf32, #tpu.memory_space<vmem>>) dst(%dma_wait3A_132 : memref<10240x128xf32, #tpu.memory_space<vmem_shared>>)
            } else {
            }
            %add3A_118 = arith.constant 1 : i32
            %add3A_119 = arith.addi %add3A_94, %add3A_118 : i32
            %dma_start3A_120 = arith.constant 0 : i32
            %dma_start3A_121 = tpu.memref_slice %arg9[%add3A_119, %dma_start3A_120] : memref<40x128xi32, #tpu.memory_space<vmem>> -> memref<1x128xi32, #tpu.memory_space<vmem>>
            %dma_start3A_122 = tpu.memref_squeeze %dma_start3A_121 : memref<1x128xi32, #tpu.memory_space<vmem>> -> memref<128xi32, #tpu.memory_space<vmem>>
            %dma_start3A_123 = arith.constant 0 : i32
            %dma_start3A_124 = arith.constant 0 : i32
            %dma_start3A_125 = tpu.memref_slice %arg2[%dma_start3A_123, %dma_start3A_124] : memref<10240x128xf32, #tpu.memory_space<hbm>> -> memref<10240x128xf32, #tpu.memory_space<hbm>>
            tpu.enqueue_indirect_dma source(%dma_start3A_125 : memref<10240x128xf32, #tpu.memory_space<hbm>>) target(%arg11 : memref<128x128xf32, #tpu.memory_space<vmem>>) offsets(%dma_start3A_122 : memref<128xi32, #tpu.memory_space<vmem>>) semaphore(%arg13 : memref<!tpu.dma_semaphore, #tpu.memory_space<semaphore_mem>>)
          } else {
          }
          %dma_start3A_108 = arith.constant 0 : i32
          %dma_start3A_109 = tpu.memref_slice %arg10[%add3A_94, %dma_start3A_108] : memref<40x128xi32, #tpu.memory_space<vmem>> -> memref<1x128xi32, #tpu.memory_space<vmem>>
          %dma_start3A_110 = tpu.memref_squeeze %dma_start3A_109 : memref<1x128xi32, #tpu.memory_space<vmem>> -> memref<128xi32, #tpu.memory_space<vmem>>
          %dma_start3A_111 = arith.constant 0 : i32
          %dma_start3A_112 = arith.constant 0 : i32
          %dma_start3A_113 = tpu.memref_slice %arg8[%dma_start3A_111, %dma_start3A_112] : memref<10240x128xf32, #tpu.memory_space<vmem_shared>> -> memref<10240x128xf32, #tpu.memory_space<vmem_shared>>
          tpu.enqueue_indirect_dma source(%arg12 : memref<128x128xf32, #tpu.memory_space<vmem>>) target(%dma_start3A_113 : memref<10240x128xf32, #tpu.memory_space<vmem_shared>>) offsets(%dma_start3A_110 : memref<128xi32, #tpu.memory_space<vmem>>) semaphore(%arg16 : memref<!tpu.dma_semaphore, #tpu.memory_space<semaphore_mem>>) {add = true}
        }
        %scan3A_56 = arith.constant 20 : i32
        %dma_wait3A = arith.constant 0 : i32
        %dma_wait3A_57 = arith.constant 0 : i32
        %dma_wait3A_58 = tpu.memref_slice %arg10[%dma_wait3A, %dma_wait3A_57] : memref<40x128xi32, #tpu.memory_space<vmem>> -> memref<1x128xi32, #tpu.memory_space<vmem>>
        %dma_wait3A_59 = tpu.memref_squeeze %dma_wait3A_58 : memref<1x128xi32, #tpu.memory_space<vmem>> -> memref<128xi32, #tpu.memory_space<vmem>>
        %dma_wait3A_60 = arith.constant 0 : i32
        %dma_wait3A_61 = arith.constant 0 : i32
        %dma_wait3A_62 = tpu.memref_slice %arg8[%dma_wait3A_60, %dma_wait3A_61] : memref<10240x128xf32, #tpu.memory_space<vmem_shared>> -> memref<10240x128xf32, #tpu.memory_space<vmem_shared>>
        tpu.wait_indirect_dma semaphore(%arg15 : memref<!tpu.dma_semaphore, #tpu.memory_space<semaphore_mem>>) src(%arg11 : memref<128x128xf32, #tpu.memory_space<vmem>>) dst(%dma_wait3A_62 : memref<10240x128xf32, #tpu.memory_space<vmem_shared>>)
        %dma_wait3A_63 = arith.constant 0 : i32
        %dma_wait3A_64 = arith.constant 0 : i32
        %dma_wait3A_65 = tpu.memref_slice %arg10[%dma_wait3A_63, %dma_wait3A_64] : memref<40x128xi32, #tpu.memory_space<vmem>> -> memref<1x128xi32, #tpu.memory_space<vmem>>
        %dma_wait3A_66 = tpu.memref_squeeze %dma_wait3A_65 : memref<1x128xi32, #tpu.memory_space<vmem>> -> memref<128xi32, #tpu.memory_space<vmem>>
        %dma_wait3A_67 = arith.constant 0 : i32
        %dma_wait3A_68 = arith.constant 0 : i32
        %dma_wait3A_69 = tpu.memref_slice %arg8[%dma_wait3A_67, %dma_wait3A_68] : memref<10240x128xf32, #tpu.memory_space<vmem_shared>> -> memref<10240x128xf32, #tpu.memory_space<vmem_shared>>
        tpu.wait_indirect_dma semaphore(%arg16 : memref<!tpu.dma_semaphore, #tpu.memory_space<semaphore_mem>>) src(%arg12 : memref<128x128xf32, #tpu.memory_space<vmem>>) dst(%dma_wait3A_69 : memref<10240x128xf32, #tpu.memory_space<vmem_shared>>)
      }
      %scan3A_35 = arith.constant 4 : i32
    } else {
    }
    %eq3A_13 = arith.constant 1 : i32
    %eq3A_14 = arith.cmpi eq, %arg0, %eq3A_13 : i32
    %convert_element_type3A_15 = arith.extui %eq3A_14 : i1 to i32
    %cond3A_16 = arith.constant 0 : i32
    %cond3A_17 = arith.cmpi ne, %convert_element_type3A_15, %cond3A_16 : i32
    scf.if %cond3A_17 {
      %mul3A_29 = arith.constant 160 : i32
      %mul3A_30 = arith.muli %arg1, %mul3A_29 : i32
      %scan3A_31 = arith.constant 0 : i32
      %scan3A_32 = arith.constant 4 : i32
      %scan3A_33 = arith.addi %scan3A_31, %scan3A_32 : i32
      %scan3A_34 = arith.constant 1 : i32
      scf.for %scan3A_36 = %scan3A_31 to %scan3A_33 step %scan3A_34  : i32 {
        %mul3A_37 = arith.constant 1 : i32
        %mul3A_38 = arith.muli %scan3A_36, %mul3A_37 : i32
        %add3A = arith.constant 0 : i32
        %add3A_39 = arith.addi %add3A, %mul3A_38 : i32
        %mul3A_40 = arith.constant 40 : i32
        %mul3A_41 = arith.muli %add3A_39, %mul3A_40 : i32
        %add3A_42 = arith.addi %mul3A_30, %mul3A_41 : i32
        "tpu.region"() ({
          %run_scoped3A = tpu.sem_alloc : memref<!tpu.dma_semaphore, #tpu.memory_space<semaphore_mem>>
          %dma_start3A_70 = arith.constant 0 : i32
          %dma_start3A_71 = tpu.memref_slice %arg4[%add3A_42, %dma_start3A_70] : memref<2560x128xi32, #tpu.memory_space<hbm>> -> memref<40x128xi32, #tpu.memory_space<hbm>>
          %dma_start3A_72 = arith.constant 0 : i32
          %dma_start3A_73 = tpu.memref_slice %arg4[%add3A_42, %dma_start3A_72] : memref<2560x128xi32, #tpu.memory_space<hbm>> -> memref<40x128xi32, #tpu.memory_space<hbm>>
          tpu.enqueue_dma source(%dma_start3A_73 : memref<40x128xi32, #tpu.memory_space<hbm>>) target(%arg9 : memref<40x128xi32, #tpu.memory_space<vmem>>) target_semaphore(%run_scoped3A : memref<!tpu.dma_semaphore, #tpu.memory_space<semaphore_mem>>)
          %dma_wait3A_74 = arith.constant 0 : i32
          %dma_wait3A_75 = tpu.memref_slice %arg4[%add3A_42, %dma_wait3A_74] : memref<2560x128xi32, #tpu.memory_space<hbm>> -> memref<40x128xi32, #tpu.memory_space<hbm>>
          %dma_wait3A_76 = arith.constant 0 : i32
          %dma_wait3A_77 = tpu.memref_slice %arg4[%add3A_42, %dma_wait3A_76] : memref<2560x128xi32, #tpu.memory_space<hbm>> -> memref<40x128xi32, #tpu.memory_space<hbm>>
          tpu.wait_dma2 semaphore(%run_scoped3A : memref<!tpu.dma_semaphore, #tpu.memory_space<semaphore_mem>>) src(%dma_wait3A_77 : memref<40x128xi32, #tpu.memory_space<hbm>>) dst(%arg9 : memref<40x128xi32, #tpu.memory_space<vmem>>)
          tpu.yield
        }) : () -> ()
        %mul3A_43 = arith.constant 40 : i32
        %mul3A_44 = arith.muli %add3A_39, %mul3A_43 : i32
        %add3A_45 = arith.addi %mul3A_30, %mul3A_44 : i32
        "tpu.region"() ({
          %run_scoped3A = tpu.sem_alloc : memref<!tpu.dma_semaphore, #tpu.memory_space<semaphore_mem>>
          %dma_start3A_70 = arith.constant 0 : i32
          %dma_start3A_71 = tpu.memref_slice %arg5[%add3A_45, %dma_start3A_70] : memref<2560x128xi32, #tpu.memory_space<hbm>> -> memref<40x128xi32, #tpu.memory_space<hbm>>
          %dma_start3A_72 = arith.constant 0 : i32
          %dma_start3A_73 = tpu.memref_slice %arg5[%add3A_45, %dma_start3A_72] : memref<2560x128xi32, #tpu.memory_space<hbm>> -> memref<40x128xi32, #tpu.memory_space<hbm>>
          tpu.enqueue_dma source(%dma_start3A_73 : memref<40x128xi32, #tpu.memory_space<hbm>>) target(%arg10 : memref<40x128xi32, #tpu.memory_space<vmem>>) target_semaphore(%run_scoped3A : memref<!tpu.dma_semaphore, #tpu.memory_space<semaphore_mem>>)
          %dma_wait3A_74 = arith.constant 0 : i32
          %dma_wait3A_75 = tpu.memref_slice %arg5[%add3A_45, %dma_wait3A_74] : memref<2560x128xi32, #tpu.memory_space<hbm>> -> memref<40x128xi32, #tpu.memory_space<hbm>>
          %dma_wait3A_76 = arith.constant 0 : i32
          %dma_wait3A_77 = tpu.memref_slice %arg5[%add3A_45, %dma_wait3A_76] : memref<2560x128xi32, #tpu.memory_space<hbm>> -> memref<40x128xi32, #tpu.memory_space<hbm>>
          tpu.wait_dma2 semaphore(%run_scoped3A : memref<!tpu.dma_semaphore, #tpu.memory_space<semaphore_mem>>) src(%dma_wait3A_77 : memref<40x128xi32, #tpu.memory_space<hbm>>) dst(%arg10 : memref<40x128xi32, #tpu.memory_space<vmem>>)
          tpu.yield
        }) : () -> ()
        %dma_start3A = arith.constant 0 : i32
        %dma_start3A_46 = arith.constant 0 : i32
        %dma_start3A_47 = tpu.memref_slice %arg9[%dma_start3A, %dma_start3A_46] : memref<40x128xi32, #tpu.memory_space<vmem>> -> memref<1x128xi32, #tpu.memory_space<vmem>>
        %dma_start3A_48 = tpu.memref_squeeze %dma_start3A_47 : memref<1x128xi32, #tpu.memory_space<vmem>> -> memref<128xi32, #tpu.memory_space<vmem>>
        %dma_start3A_49 = arith.constant 0 : i32
        %dma_start3A_50 = arith.constant 0 : i32
        %dma_start3A_51 = tpu.memref_slice %arg3[%dma_start3A_49, %dma_start3A_50] : memref<10240x128xf32, #tpu.memory_space<hbm>> -> memref<10240x128xf32, #tpu.memory_space<hbm>>
        tpu.enqueue_indirect_dma source(%dma_start3A_51 : memref<10240x128xf32, #tpu.memory_space<hbm>>) target(%arg11 : memref<128x128xf32, #tpu.memory_space<vmem>>) offsets(%dma_start3A_48 : memref<128xi32, #tpu.memory_space<vmem>>) semaphore(%arg13 : memref<!tpu.dma_semaphore, #tpu.memory_space<semaphore_mem>>)
        %scan3A_52 = arith.constant 0 : i32
        %scan3A_53 = arith.constant 20 : i32
        %scan3A_54 = arith.addi %scan3A_52, %scan3A_53 : i32
        %scan3A_55 = arith.constant 1 : i32
        scf.for %scan3A_70 = %scan3A_52 to %scan3A_54 step %scan3A_55  : i32 {
          %mul3A_71 = arith.constant 2 : i32
          %mul3A_72 = arith.muli %scan3A_70, %mul3A_71 : i32
          %add3A_73 = arith.constant 0 : i32
          %add3A_74 = arith.addi %add3A_73, %mul3A_72 : i32
          %dma_wait3A_75 = arith.constant 0 : i32
          %dma_wait3A_76 = tpu.memref_slice %arg9[%add3A_74, %dma_wait3A_75] : memref<40x128xi32, #tpu.memory_space<vmem>> -> memref<1x128xi32, #tpu.memory_space<vmem>>
          %dma_wait3A_77 = tpu.memref_squeeze %dma_wait3A_76 : memref<1x128xi32, #tpu.memory_space<vmem>> -> memref<128xi32, #tpu.memory_space<vmem>>
          %dma_wait3A_78 = arith.constant 0 : i32
          %dma_wait3A_79 = arith.constant 0 : i32
          %dma_wait3A_80 = tpu.memref_slice %arg3[%dma_wait3A_78, %dma_wait3A_79] : memref<10240x128xf32, #tpu.memory_space<hbm>> -> memref<10240x128xf32, #tpu.memory_space<hbm>>
          tpu.wait_indirect_dma semaphore(%arg13 : memref<!tpu.dma_semaphore, #tpu.memory_space<semaphore_mem>>) src(%dma_wait3A_80 : memref<10240x128xf32, #tpu.memory_space<hbm>>) dst(%arg11 : memref<128x128xf32, #tpu.memory_space<vmem>>)
          %add3A_81 = arith.constant 1 : i32
          %add3A_82 = arith.addi %add3A_74, %add3A_81 : i32
          %lt3A = arith.constant 40 : i32
          %lt3A_83 = arith.cmpi slt, %add3A_82, %lt3A : i32
          %convert_element_type3A_84 = arith.extui %lt3A_83 : i1 to i32
          %cond3A_85 = arith.constant 0 : i32
          %cond3A_86 = arith.cmpi ne, %convert_element_type3A_84, %cond3A_85 : i32
          scf.if %cond3A_86 {
            %ge3A = arith.constant 1 : i32
            %ge3A_114 = arith.cmpi sge, %add3A_74, %ge3A : i32
            %convert_element_type3A_115 = arith.extui %ge3A_114 : i1 to i32
            %cond3A_116 = arith.constant 0 : i32
            %cond3A_117 = arith.cmpi ne, %convert_element_type3A_115, %cond3A_116 : i32
            scf.if %cond3A_117 {
              %dma_wait3A_126 = arith.constant 0 : i32
              %dma_wait3A_127 = arith.constant 0 : i32
              %dma_wait3A_128 = tpu.memref_slice %arg10[%dma_wait3A_126, %dma_wait3A_127] : memref<40x128xi32, #tpu.memory_space<vmem>> -> memref<1x128xi32, #tpu.memory_space<vmem>>
              %dma_wait3A_129 = tpu.memref_squeeze %dma_wait3A_128 : memref<1x128xi32, #tpu.memory_space<vmem>> -> memref<128xi32, #tpu.memory_space<vmem>>
              %dma_wait3A_130 = arith.constant 0 : i32
              %dma_wait3A_131 = arith.constant 0 : i32
              %dma_wait3A_132 = tpu.memref_slice %arg8[%dma_wait3A_130, %dma_wait3A_131] : memref<10240x128xf32, #tpu.memory_space<vmem_shared>> -> memref<10240x128xf32, #tpu.memory_space<vmem_shared>>
              tpu.wait_indirect_dma semaphore(%arg16 : memref<!tpu.dma_semaphore, #tpu.memory_space<semaphore_mem>>) src(%arg12 : memref<128x128xf32, #tpu.memory_space<vmem>>) dst(%dma_wait3A_132 : memref<10240x128xf32, #tpu.memory_space<vmem_shared>>)
            } else {
            }
            %add3A_118 = arith.constant 1 : i32
            %add3A_119 = arith.addi %add3A_74, %add3A_118 : i32
            %dma_start3A_120 = arith.constant 0 : i32
            %dma_start3A_121 = tpu.memref_slice %arg9[%add3A_119, %dma_start3A_120] : memref<40x128xi32, #tpu.memory_space<vmem>> -> memref<1x128xi32, #tpu.memory_space<vmem>>
            %dma_start3A_122 = tpu.memref_squeeze %dma_start3A_121 : memref<1x128xi32, #tpu.memory_space<vmem>> -> memref<128xi32, #tpu.memory_space<vmem>>
            %dma_start3A_123 = arith.constant 0 : i32
            %dma_start3A_124 = arith.constant 0 : i32
            %dma_start3A_125 = tpu.memref_slice %arg3[%dma_start3A_123, %dma_start3A_124] : memref<10240x128xf32, #tpu.memory_space<hbm>> -> memref<10240x128xf32, #tpu.memory_space<hbm>>
            tpu.enqueue_indirect_dma source(%dma_start3A_125 : memref<10240x128xf32, #tpu.memory_space<hbm>>) target(%arg12 : memref<128x128xf32, #tpu.memory_space<vmem>>) offsets(%dma_start3A_122 : memref<128xi32, #tpu.memory_space<vmem>>) semaphore(%arg14 : memref<!tpu.dma_semaphore, #tpu.memory_space<semaphore_mem>>)
          } else {
          }
          %dma_start3A_87 = arith.constant 0 : i32
          %dma_start3A_88 = tpu.memref_slice %arg10[%add3A_74, %dma_start3A_87] : memref<40x128xi32, #tpu.memory_space<vmem>> -> memref<1x128xi32, #tpu.memory_space<vmem>>
          %dma_start3A_89 = tpu.memref_squeeze %dma_start3A_88 : memref<1x128xi32, #tpu.memory_space<vmem>> -> memref<128xi32, #tpu.memory_space<vmem>>
          %dma_start3A_90 = arith.constant 0 : i32
          %dma_start3A_91 = arith.constant 0 : i32
          %dma_start3A_92 = tpu.memref_slice %arg8[%dma_start3A_90, %dma_start3A_91] : memref<10240x128xf32, #tpu.memory_space<vmem_shared>> -> memref<10240x128xf32, #tpu.memory_space<vmem_shared>>
          tpu.enqueue_indirect_dma source(%arg11 : memref<128x128xf32, #tpu.memory_space<vmem>>) target(%dma_start3A_92 : memref<10240x128xf32, #tpu.memory_space<vmem_shared>>) offsets(%dma_start3A_89 : memref<128xi32, #tpu.memory_space<vmem>>) semaphore(%arg15 : memref<!tpu.dma_semaphore, #tpu.memory_space<semaphore_mem>>) {add = true}
          %add3A_93 = arith.constant 1 : i32
          %add3A_94 = arith.addi %add3A_74, %add3A_93 : i32
          %dma_wait3A_95 = arith.constant 0 : i32
          %dma_wait3A_96 = tpu.memref_slice %arg9[%add3A_94, %dma_wait3A_95] : memref<40x128xi32, #tpu.memory_space<vmem>> -> memref<1x128xi32, #tpu.memory_space<vmem>>
          %dma_wait3A_97 = tpu.memref_squeeze %dma_wait3A_96 : memref<1x128xi32, #tpu.memory_space<vmem>> -> memref<128xi32, #tpu.memory_space<vmem>>
          %dma_wait3A_98 = arith.constant 0 : i32
          %dma_wait3A_99 = arith.constant 0 : i32
          %dma_wait3A_100 = tpu.memref_slice %arg3[%dma_wait3A_98, %dma_wait3A_99] : memref<10240x128xf32, #tpu.memory_space<hbm>> -> memref<10240x128xf32, #tpu.memory_space<hbm>>
          tpu.wait_indirect_dma semaphore(%arg14 : memref<!tpu.dma_semaphore, #tpu.memory_space<semaphore_mem>>) src(%dma_wait3A_100 : memref<10240x128xf32, #tpu.memory_space<hbm>>) dst(%arg12 : memref<128x128xf32, #tpu.memory_space<vmem>>)
          %add3A_101 = arith.constant 1 : i32
          %add3A_102 = arith.addi %add3A_94, %add3A_101 : i32
          %lt3A_103 = arith.constant 40 : i32
          %lt3A_104 = arith.cmpi slt, %add3A_102, %lt3A_103 : i32
          %convert_element_type3A_105 = arith.extui %lt3A_104 : i1 to i32
          %cond3A_106 = arith.constant 0 : i32
          %cond3A_107 = arith.cmpi ne, %convert_element_type3A_105, %cond3A_106 : i32
          scf.if %cond3A_107 {
            %ge3A = arith.constant 1 : i32
            %ge3A_114 = arith.cmpi sge, %add3A_94, %ge3A : i32
            %convert_element_type3A_115 = arith.extui %ge3A_114 : i1 to i32
            %cond3A_116 = arith.constant 0 : i32
            %cond3A_117 = arith.cmpi ne, %convert_element_type3A_115, %cond3A_116 : i32
            scf.if %cond3A_117 {
              %dma_wait3A_126 = arith.constant 0 : i32
              %dma_wait3A_127 = arith.constant 0 : i32
              %dma_wait3A_128 = tpu.memref_slice %arg10[%dma_wait3A_126, %dma_wait3A_127] : memref<40x128xi32, #tpu.memory_space<vmem>> -> memref<1x128xi32, #tpu.memory_space<vmem>>
              %dma_wait3A_129 = tpu.memref_squeeze %dma_wait3A_128 : memref<1x128xi32, #tpu.memory_space<vmem>> -> memref<128xi32, #tpu.memory_space<vmem>>
              %dma_wait3A_130 = arith.constant 0 : i32
              %dma_wait3A_131 = arith.constant 0 : i32
              %dma_wait3A_132 = tpu.memref_slice %arg8[%dma_wait3A_130, %dma_wait3A_131] : memref<10240x128xf32, #tpu.memory_space<vmem_shared>> -> memref<10240x128xf32, #tpu.memory_space<vmem_shared>>
              tpu.wait_indirect_dma semaphore(%arg15 : memref<!tpu.dma_semaphore, #tpu.memory_space<semaphore_mem>>) src(%arg11 : memref<128x128xf32, #tpu.memory_space<vmem>>) dst(%dma_wait3A_132 : memref<10240x128xf32, #tpu.memory_space<vmem_shared>>)
            } else {
            }
            %add3A_118 = arith.constant 1 : i32
            %add3A_119 = arith.addi %add3A_94, %add3A_118 : i32
            %dma_start3A_120 = arith.constant 0 : i32
            %dma_start3A_121 = tpu.memref_slice %arg9[%add3A_119, %dma_start3A_120] : memref<40x128xi32, #tpu.memory_space<vmem>> -> memref<1x128xi32, #tpu.memory_space<vmem>>
            %dma_start3A_122 = tpu.memref_squeeze %dma_start3A_121 : memref<1x128xi32, #tpu.memory_space<vmem>> -> memref<128xi32, #tpu.memory_space<vmem>>
            %dma_start3A_123 = arith.constant 0 : i32
            %dma_start3A_124 = arith.constant 0 : i32
            %dma_start3A_125 = tpu.memref_slice %arg3[%dma_start3A_123, %dma_start3A_124] : memref<10240x128xf32, #tpu.memory_space<hbm>> -> memref<10240x128xf32, #tpu.memory_space<hbm>>
            tpu.enqueue_indirect_dma source(%dma_start3A_125 : memref<10240x128xf32, #tpu.memory_space<hbm>>) target(%arg11 : memref<128x128xf32, #tpu.memory_space<vmem>>) offsets(%dma_start3A_122 : memref<128xi32, #tpu.memory_space<vmem>>) semaphore(%arg13 : memref<!tpu.dma_semaphore, #tpu.memory_space<semaphore_mem>>)
          } else {
          }
          %dma_start3A_108 = arith.constant 0 : i32
          %dma_start3A_109 = tpu.memref_slice %arg10[%add3A_94, %dma_start3A_108] : memref<40x128xi32, #tpu.memory_space<vmem>> -> memref<1x128xi32, #tpu.memory_space<vmem>>
          %dma_start3A_110 = tpu.memref_squeeze %dma_start3A_109 : memref<1x128xi32, #tpu.memory_space<vmem>> -> memref<128xi32, #tpu.memory_space<vmem>>
          %dma_start3A_111 = arith.constant 0 : i32
          %dma_start3A_112 = arith.constant 0 : i32
          %dma_start3A_113 = tpu.memref_slice %arg8[%dma_start3A_111, %dma_start3A_112] : memref<10240x128xf32, #tpu.memory_space<vmem_shared>> -> memref<10240x128xf32, #tpu.memory_space<vmem_shared>>
          tpu.enqueue_indirect_dma source(%arg12 : memref<128x128xf32, #tpu.memory_space<vmem>>) target(%dma_start3A_113 : memref<10240x128xf32, #tpu.memory_space<vmem_shared>>) offsets(%dma_start3A_110 : memref<128xi32, #tpu.memory_space<vmem>>) semaphore(%arg16 : memref<!tpu.dma_semaphore, #tpu.memory_space<semaphore_mem>>) {add = true}
        }
        %scan3A_56 = arith.constant 20 : i32
        %dma_wait3A = arith.constant 0 : i32
        %dma_wait3A_57 = arith.constant 0 : i32
        %dma_wait3A_58 = tpu.memref_slice %arg10[%dma_wait3A, %dma_wait3A_57] : memref<40x128xi32, #tpu.memory_space<vmem>> -> memref<1x128xi32, #tpu.memory_space<vmem>>
        %dma_wait3A_59 = tpu.memref_squeeze %dma_wait3A_58 : memref<1x128xi32, #tpu.memory_space<vmem>> -> memref<128xi32, #tpu.memory_space<vmem>>
        %dma_wait3A_60 = arith.constant 0 : i32
        %dma_wait3A_61 = arith.constant 0 : i32
        %dma_wait3A_62 = tpu.memref_slice %arg8[%dma_wait3A_60, %dma_wait3A_61] : memref<10240x128xf32, #tpu.memory_space<vmem_shared>> -> memref<10240x128xf32, #tpu.memory_space<vmem_shared>>
        tpu.wait_indirect_dma semaphore(%arg15 : memref<!tpu.dma_semaphore, #tpu.memory_space<semaphore_mem>>) src(%arg11 : memref<128x128xf32, #tpu.memory_space<vmem>>) dst(%dma_wait3A_62 : memref<10240x128xf32, #tpu.memory_space<vmem_shared>>)
        %dma_wait3A_63 = arith.constant 0 : i32
        %dma_wait3A_64 = arith.constant 0 : i32
        %dma_wait3A_65 = tpu.memref_slice %arg10[%dma_wait3A_63, %dma_wait3A_64] : memref<40x128xi32, #tpu.memory_space<vmem>> -> memref<1x128xi32, #tpu.memory_space<vmem>>
        %dma_wait3A_66 = tpu.memref_squeeze %dma_wait3A_65 : memref<1x128xi32, #tpu.memory_space<vmem>> -> memref<128xi32, #tpu.memory_space<vmem>>
        %dma_wait3A_67 = arith.constant 0 : i32
        %dma_wait3A_68 = arith.constant 0 : i32
        %dma_wait3A_69 = tpu.memref_slice %arg8[%dma_wait3A_67, %dma_wait3A_68] : memref<10240x128xf32, #tpu.memory_space<vmem_shared>> -> memref<10240x128xf32, #tpu.memory_space<vmem_shared>>
        tpu.wait_indirect_dma semaphore(%arg16 : memref<!tpu.dma_semaphore, #tpu.memory_space<semaphore_mem>>) src(%arg12 : memref<128x128xf32, #tpu.memory_space<vmem>>) dst(%dma_wait3A_69 : memref<10240x128xf32, #tpu.memory_space<vmem_shared>>)
      }
      %scan3A_35 = arith.constant 4 : i32
    } else {
    }
    %barrier3A_18 = arith.constant 0 : index
    tpu.barrier barrier_id(%barrier3A_18)
    %eq3A_19 = arith.constant 0 : i32
    %eq3A_20 = arith.cmpi eq, %arg0, %eq3A_19 : i32
    %convert_element_type3A_21 = arith.extui %eq3A_20 : i1 to i32
    %cond3A_22 = arith.constant 0 : i32
    %cond3A_23 = arith.cmpi ne, %convert_element_type3A_21, %cond3A_22 : i32
    scf.if %cond3A_23 {
      "tpu.region"() ({
        %run_scoped3A = tpu.sem_alloc : memref<!tpu.dma_semaphore, #tpu.memory_space<semaphore_mem>>
        %dma_start3A = arith.constant 0 : i32
        %dma_start3A_29 = tpu.memref_slice %arg6[%mul3A_0, %dma_start3A] : memref<10240x128xf32, #tpu.memory_space<hbm>> -> memref<640x128xf32, #tpu.memory_space<hbm>>
        %dma_start3A_30 = arith.constant 0 : i32
        %dma_start3A_31 = tpu.memref_slice %arg8[%mul3A_0, %dma_start3A_30] : memref<10240x128xf32, #tpu.memory_space<vmem_shared>> -> memref<640x128xf32, #tpu.memory_space<vmem_shared>>
        tpu.enqueue_dma source(%dma_start3A_31 : memref<640x128xf32, #tpu.memory_space<vmem_shared>>) target(%dma_start3A_29 : memref<640x128xf32, #tpu.memory_space<hbm>>) target_semaphore(%run_scoped3A : memref<!tpu.dma_semaphore, #tpu.memory_space<semaphore_mem>>)
        %dma_wait3A = arith.constant 0 : i32
        %dma_wait3A_32 = tpu.memref_slice %arg6[%mul3A_0, %dma_wait3A] : memref<10240x128xf32, #tpu.memory_space<hbm>> -> memref<640x128xf32, #tpu.memory_space<hbm>>
        %dma_wait3A_33 = arith.constant 0 : i32
        %dma_wait3A_34 = tpu.memref_slice %arg8[%mul3A_0, %dma_wait3A_33] : memref<10240x128xf32, #tpu.memory_space<vmem_shared>> -> memref<640x128xf32, #tpu.memory_space<vmem_shared>>
        tpu.wait_dma2 semaphore(%run_scoped3A : memref<!tpu.dma_semaphore, #tpu.memory_space<semaphore_mem>>) src(%dma_wait3A_34 : memref<640x128xf32, #tpu.memory_space<vmem_shared>>) dst(%dma_wait3A_32 : memref<640x128xf32, #tpu.memory_space<hbm>>)
        tpu.yield
      }) : () -> ()
    } else {
    }
    %eq3A_24 = arith.constant 1 : i32
    %eq3A_25 = arith.cmpi eq, %arg0, %eq3A_24 : i32
    %convert_element_type3A_26 = arith.extui %eq3A_25 : i1 to i32
    %cond3A_27 = arith.constant 0 : i32
    %cond3A_28 = arith.cmpi ne, %convert_element_type3A_26, %cond3A_27 : i32
    scf.if %cond3A_28 {
      "tpu.region"() ({
        %run_scoped3A = tpu.sem_alloc : memref<!tpu.dma_semaphore, #tpu.memory_space<semaphore_mem>>
        %dma_start3A = arith.constant 0 : i32
        %dma_start3A_29 = tpu.memref_slice %arg7[%mul3A_0, %dma_start3A] : memref<10240x128xf32, #tpu.memory_space<hbm>> -> memref<640x128xf32, #tpu.memory_space<hbm>>
        %dma_start3A_30 = arith.constant 0 : i32
        %dma_start3A_31 = tpu.memref_slice %arg8[%mul3A_0, %dma_start3A_30] : memref<10240x128xf32, #tpu.memory_space<vmem_shared>> -> memref<640x128xf32, #tpu.memory_space<vmem_shared>>
        tpu.enqueue_dma source(%dma_start3A_31 : memref<640x128xf32, #tpu.memory_space<vmem_shared>>) target(%dma_start3A_29 : memref<640x128xf32, #tpu.memory_space<hbm>>) target_semaphore(%run_scoped3A : memref<!tpu.dma_semaphore, #tpu.memory_space<semaphore_mem>>)
        %dma_wait3A = arith.constant 0 : i32
        %dma_wait3A_32 = tpu.memref_slice %arg7[%mul3A_0, %dma_wait3A] : memref<10240x128xf32, #tpu.memory_space<hbm>> -> memref<640x128xf32, #tpu.memory_space<hbm>>
        %dma_wait3A_33 = arith.constant 0 : i32
        %dma_wait3A_34 = tpu.memref_slice %arg8[%mul3A_0, %dma_wait3A_33] : memref<10240x128xf32, #tpu.memory_space<vmem_shared>> -> memref<640x128xf32, #tpu.memory_space<vmem_shared>>
        tpu.wait_dma2 semaphore(%run_scoped3A : memref<!tpu.dma_semaphore, #tpu.memory_space<semaphore_mem>>) src(%dma_wait3A_34 : memref<640x128xf32, #tpu.memory_space<vmem_shared>>) dst(%dma_wait3A_32 : memref<640x128xf32, #tpu.memory_space<hbm>>)
        tpu.yield
      }) : () -> ()
    } else {
    }
    return
  }
}

#map = affine_map<(d0, d1) -> (0, 0)>
module attributes {stable_mosaic.version = 14 : i64} {
  func.func @prop(%arg0: i32, %arg1: i32, %arg2: memref<10240x128xf32, #tpu.memory_space<hbm>>, %arg3: memref<10240x128xf32, #tpu.memory_space<hbm>>, %arg4: memref<2560x128xi32, #tpu.memory_space<hbm>>, %arg5: memref<2560x128xi32, #tpu.memory_space<hbm>>, %arg6: memref<10240x128xf32, #tpu.memory_space<hbm>>, %arg7: memref<10240x128xf32, #tpu.memory_space<hbm>>, %arg8: memref<10240x128xf32, #tpu.memory_space<vmem_shared>>, %arg9: memref<40x128xi32, #tpu.memory_space<vmem>>, %arg10: memref<40x128xi32, #tpu.memory_space<vmem>>, %arg11: memref<128x128xf32, #tpu.memory_space<vmem>>, %arg12: memref<128x128xf32, #tpu.memory_space<vmem>>, %arg13: memref<!tpu.dma_semaphore, #tpu.memory_space<semaphore_mem>>, %arg14: memref<!tpu.dma_semaphore, #tpu.memory_space<semaphore_mem>>, %arg15: memref<!tpu.dma_semaphore, #tpu.memory_space<semaphore_mem>>, %arg16: memref<!tpu.dma_semaphore, #tpu.memory_space<semaphore_mem>>) attributes {dimension_semantics = [#tpu.dimension_semantics<core_parallel>, #tpu.dimension_semantics<subcore_parallel>], iteration_bounds = array<i64: 2, 16>, scalar_prefetch = 0 : i64, scratch_operands = 9 : i64, tpu.core_type = #tpu.core_type<sc_vector_subcore>, window_params = [{transform_indices = #map}, {transform_indices = #map}, {transform_indices = #map}, {transform_indices = #map}, {transform_indices = #map}, {transform_indices = #map}]} {
    %mul3A = arith.constant 640 : i32
    %mul3A_0 = arith.muli %arg1, %mul3A : i32
    %broadcast_in_dim3A = arith.constant 0.000000e+00 : f32
    %broadcast_in_dim3A_1 = vector.broadcast %broadcast_in_dim3A : f32 to vector<16xf32>
    %scan3A = arith.constant 0 : i32
    %scan3A_2 = arith.constant 128 : i32
    %scan3A_3 = arith.addi %scan3A, %scan3A_2 : i32
    %scan3A_4 = arith.constant 1 : i32
    scf.for %scan3A_29 = %scan3A to %scan3A_3 step %scan3A_4  : i32 {
      %mul3A_30 = arith.constant 1 : i32
      %mul3A_31 = arith.muli %scan3A_29, %mul3A_30 : i32
      %add3A = arith.constant 0 : i32
      %add3A_32 = arith.addi %add3A, %mul3A_31 : i32
      %scan3A_33 = arith.constant 0 : i32
      %scan3A_34 = arith.constant 8 : i32
      %scan3A_35 = arith.addi %scan3A_33, %scan3A_34 : i32
      %scan3A_36 = arith.constant 1 : i32
      scf.for %scan3A_38 = %scan3A_33 to %scan3A_35 step %scan3A_36  : i32 {
        %mul3A_39 = arith.constant 16 : i32
        %mul3A_40 = arith.muli %scan3A_38, %mul3A_39 : i32
        %add3A_41 = arith.constant 0 : i32
        %add3A_42 = arith.addi %add3A_41, %mul3A_40 : i32
        %swap3A = arith.index_cast %add3A_32 : i32 to index
        %swap3A_43 = arith.index_cast %add3A_42 : i32 to index
        %swap3A_44 = tpu.vector_load %arg11[%swap3A, %swap3A_43] {strides = array<i32>} : memref<128x128xf32, #tpu.memory_space<vmem>>, vector<1x16xf32>,
        %swap3A_45 = vector.shape_cast %swap3A_44 : vector<1x16xf32> to vector<16xf32>
        %swap3A_46 = vector.shape_cast %broadcast_in_dim3A_1 : vector<16xf32> to vector<1x16xf32>
        tpu.vector_store %arg11[%swap3A, %swap3A_43], %swap3A_46 {strides = array<i32>} : memref<128x128xf32, #tpu.memory_space<vmem>>, vector<1x16xf32>,
      }
      %scan3A_37 = arith.constant 8 : i32
    }
    %scan3A_5 = arith.constant 128 : i32
    %scan3A_6 = arith.constant 0 : i32
    %scan3A_7 = arith.constant 5 : i32
    %scan3A_8 = arith.addi %scan3A_6, %scan3A_7 : i32
    %scan3A_9 = arith.constant 1 : i32
    scf.for %scan3A_29 = %scan3A_6 to %scan3A_8 step %scan3A_9  : i32 {
      %mul3A_30 = arith.constant 128 : i32
      %mul3A_31 = arith.muli %scan3A_29, %mul3A_30 : i32
      %add3A = arith.constant 0 : i32
      %add3A_32 = arith.addi %add3A, %mul3A_31 : i32
      %add3A_33 = arith.addi %mul3A_0, %add3A_32 : i32
      "tpu.region"() ({
        %run_scoped3A = tpu.sem_alloc : memref<!tpu.dma_semaphore, #tpu.memory_space<semaphore_mem>>
        %dma_start3A = arith.constant 0 : i32
        %dma_start3A_34 = tpu.memref_slice %arg8[%add3A_33, %dma_start3A] : memref<10240x128xf32, #tpu.memory_space<vmem_shared>> -> memref<128x128xf32, #tpu.memory_space<vmem_shared>>
        %dma_start3A_35 = arith.constant 0 : i32
        %dma_start3A_36 = tpu.memref_slice %arg8[%add3A_33, %dma_start3A_35] : memref<10240x128xf32, #tpu.memory_space<vmem_shared>> -> memref<128x128xf32, #tpu.memory_space<vmem_shared>>
        tpu.enqueue_dma source(%arg11 : memref<128x128xf32, #tpu.memory_space<vmem>>) target(%dma_start3A_36 : memref<128x128xf32, #tpu.memory_space<vmem_shared>>) target_semaphore(%run_scoped3A : memref<!tpu.dma_semaphore, #tpu.memory_space<semaphore_mem>>)
        %dma_wait3A = arith.constant 0 : i32
        %dma_wait3A_37 = tpu.memref_slice %arg8[%add3A_33, %dma_wait3A] : memref<10240x128xf32, #tpu.memory_space<vmem_shared>> -> memref<128x128xf32, #tpu.memory_space<vmem_shared>>
        %dma_wait3A_38 = arith.constant 0 : i32
        %dma_wait3A_39 = tpu.memref_slice %arg8[%add3A_33, %dma_wait3A_38] : memref<10240x128xf32, #tpu.memory_space<vmem_shared>> -> memref<128x128xf32, #tpu.memory_space<vmem_shared>>
        tpu.wait_dma2 semaphore(%run_scoped3A : memref<!tpu.dma_semaphore, #tpu.memory_space<semaphore_mem>>) src(%arg11 : memref<128x128xf32, #tpu.memory_space<vmem>>) dst(%dma_wait3A_39 : memref<128x128xf32, #tpu.memory_space<vmem_shared>>)
        tpu.yield
      }) : () -> ()
    }
    %scan3A_10 = arith.constant 5 : i32
    %barrier3A = arith.constant 0 : index
    tpu.barrier barrier_id(%barrier3A)
    %eq3A = arith.constant 0 : i32
    %eq3A_11 = arith.cmpi eq, %arg0, %eq3A : i32
    %convert_element_type3A = arith.extui %eq3A_11 : i1 to i32
    %cond3A = arith.constant 0 : i32
    %cond3A_12 = arith.cmpi ne, %convert_element_type3A, %cond3A : i32
    scf.if %cond3A_12 {
      %mul3A_29 = arith.constant 80 : i32
      %mul3A_30 = arith.muli %arg1, %mul3A_29 : i32
      %scan3A_31 = arith.constant 0 : i32
      %scan3A_32 = arith.constant 2 : i32
      %scan3A_33 = arith.addi %scan3A_31, %scan3A_32 : i32
      %scan3A_34 = arith.constant 1 : i32
      scf.for %scan3A_36 = %scan3A_31 to %scan3A_33 step %scan3A_34  : i32 {
        %mul3A_37 = arith.constant 1 : i32
        %mul3A_38 = arith.muli %scan3A_36, %mul3A_37 : i32
        %add3A = arith.constant 0 : i32
        %add3A_39 = arith.addi %add3A, %mul3A_38 : i32
        %mul3A_40 = arith.constant 40 : i32
        %mul3A_41 = arith.muli %add3A_39, %mul3A_40 : i32
        %add3A_42 = arith.addi %mul3A_30, %mul3A_41 : i32
        "tpu.region"() ({
          %run_scoped3A = tpu.sem_alloc : memref<!tpu.dma_semaphore, #tpu.memory_space<semaphore_mem>>
          %dma_start3A_70 = arith.constant 0 : i32
          %dma_start3A_71 = tpu.memref_slice %arg4[%add3A_42, %dma_start3A_70] : memref<2560x128xi32, #tpu.memory_space<hbm>> -> memref<40x128xi32, #tpu.memory_space<hbm>>
          %dma_start3A_72 = arith.constant 0 : i32
          %dma_start3A_73 = tpu.memref_slice %arg4[%add3A_42, %dma_start3A_72] : memref<2560x128xi32, #tpu.memory_space<hbm>> -> memref<40x128xi32, #tpu.memory_space<hbm>>
          tpu.enqueue_dma source(%dma_start3A_73 : memref<40x128xi32, #tpu.memory_space<hbm>>) target(%arg9 : memref<40x128xi32, #tpu.memory_space<vmem>>) target_semaphore(%run_scoped3A : memref<!tpu.dma_semaphore, #tpu.memory_space<semaphore_mem>>)
          %dma_wait3A_74 = arith.constant 0 : i32
          %dma_wait3A_75 = tpu.memref_slice %arg4[%add3A_42, %dma_wait3A_74] : memref<2560x128xi32, #tpu.memory_space<hbm>> -> memref<40x128xi32, #tpu.memory_space<hbm>>
          %dma_wait3A_76 = arith.constant 0 : i32
          %dma_wait3A_77 = tpu.memref_slice %arg4[%add3A_42, %dma_wait3A_76] : memref<2560x128xi32, #tpu.memory_space<hbm>> -> memref<40x128xi32, #tpu.memory_space<hbm>>
          tpu.wait_dma2 semaphore(%run_scoped3A : memref<!tpu.dma_semaphore, #tpu.memory_space<semaphore_mem>>) src(%dma_wait3A_77 : memref<40x128xi32, #tpu.memory_space<hbm>>) dst(%arg9 : memref<40x128xi32, #tpu.memory_space<vmem>>)
          tpu.yield
        }) : () -> ()
        %mul3A_43 = arith.constant 40 : i32
        %mul3A_44 = arith.muli %add3A_39, %mul3A_43 : i32
        %add3A_45 = arith.addi %mul3A_30, %mul3A_44 : i32
        "tpu.region"() ({
          %run_scoped3A = tpu.sem_alloc : memref<!tpu.dma_semaphore, #tpu.memory_space<semaphore_mem>>
          %dma_start3A_70 = arith.constant 0 : i32
          %dma_start3A_71 = tpu.memref_slice %arg5[%add3A_45, %dma_start3A_70] : memref<2560x128xi32, #tpu.memory_space<hbm>> -> memref<40x128xi32, #tpu.memory_space<hbm>>
          %dma_start3A_72 = arith.constant 0 : i32
          %dma_start3A_73 = tpu.memref_slice %arg5[%add3A_45, %dma_start3A_72] : memref<2560x128xi32, #tpu.memory_space<hbm>> -> memref<40x128xi32, #tpu.memory_space<hbm>>
          tpu.enqueue_dma source(%dma_start3A_73 : memref<40x128xi32, #tpu.memory_space<hbm>>) target(%arg10 : memref<40x128xi32, #tpu.memory_space<vmem>>) target_semaphore(%run_scoped3A : memref<!tpu.dma_semaphore, #tpu.memory_space<semaphore_mem>>)
          %dma_wait3A_74 = arith.constant 0 : i32
          %dma_wait3A_75 = tpu.memref_slice %arg5[%add3A_45, %dma_wait3A_74] : memref<2560x128xi32, #tpu.memory_space<hbm>> -> memref<40x128xi32, #tpu.memory_space<hbm>>
          %dma_wait3A_76 = arith.constant 0 : i32
          %dma_wait3A_77 = tpu.memref_slice %arg5[%add3A_45, %dma_wait3A_76] : memref<2560x128xi32, #tpu.memory_space<hbm>> -> memref<40x128xi32, #tpu.memory_space<hbm>>
          tpu.wait_dma2 semaphore(%run_scoped3A : memref<!tpu.dma_semaphore, #tpu.memory_space<semaphore_mem>>) src(%dma_wait3A_77 : memref<40x128xi32, #tpu.memory_space<hbm>>) dst(%arg10 : memref<40x128xi32, #tpu.memory_space<vmem>>)
          tpu.yield
        }) : () -> ()
        %dma_start3A = arith.constant 0 : i32
        %dma_start3A_46 = arith.constant 0 : i32
        %dma_start3A_47 = tpu.memref_slice %arg9[%dma_start3A, %dma_start3A_46] : memref<40x128xi32, #tpu.memory_space<vmem>> -> memref<1x128xi32, #tpu.memory_space<vmem>>
        %dma_start3A_48 = tpu.memref_squeeze %dma_start3A_47 : memref<1x128xi32, #tpu.memory_space<vmem>> -> memref<128xi32, #tpu.memory_space<vmem>>
        %dma_start3A_49 = arith.constant 0 : i32
        %dma_start3A_50 = arith.constant 0 : i32
        %dma_start3A_51 = tpu.memref_slice %arg2[%dma_start3A_49, %dma_start3A_50] : memref<10240x128xf32, #tpu.memory_space<hbm>> -> memref<10240x128xf32, #tpu.memory_space<hbm>>
        tpu.enqueue_indirect_dma source(%dma_start3A_51 : memref<10240x128xf32, #tpu.memory_space<hbm>>) target(%arg11 : memref<128x128xf32, #tpu.memory_space<vmem>>) offsets(%dma_start3A_48 : memref<128xi32, #tpu.memory_space<vmem>>) semaphore(%arg13 : memref<!tpu.dma_semaphore, #tpu.memory_space<semaphore_mem>>)
        %scan3A_52 = arith.constant 0 : i32
        %scan3A_53 = arith.constant 20 : i32
        %scan3A_54 = arith.addi %scan3A_52, %scan3A_53 : i32
        %scan3A_55 = arith.constant 1 : i32
        scf.for %scan3A_70 = %scan3A_52 to %scan3A_54 step %scan3A_55  : i32 {
          %mul3A_71 = arith.constant 2 : i32
          %mul3A_72 = arith.muli %scan3A_70, %mul3A_71 : i32
          %add3A_73 = arith.constant 0 : i32
          %add3A_74 = arith.addi %add3A_73, %mul3A_72 : i32
          %dma_wait3A_75 = arith.constant 0 : i32
          %dma_wait3A_76 = tpu.memref_slice %arg9[%add3A_74, %dma_wait3A_75] : memref<40x128xi32, #tpu.memory_space<vmem>> -> memref<1x128xi32, #tpu.memory_space<vmem>>
          %dma_wait3A_77 = tpu.memref_squeeze %dma_wait3A_76 : memref<1x128xi32, #tpu.memory_space<vmem>> -> memref<128xi32, #tpu.memory_space<vmem>>
          %dma_wait3A_78 = arith.constant 0 : i32
          %dma_wait3A_79 = arith.constant 0 : i32
          %dma_wait3A_80 = tpu.memref_slice %arg2[%dma_wait3A_78, %dma_wait3A_79] : memref<10240x128xf32, #tpu.memory_space<hbm>> -> memref<10240x128xf32, #tpu.memory_space<hbm>>
          tpu.wait_indirect_dma semaphore(%arg13 : memref<!tpu.dma_semaphore, #tpu.memory_space<semaphore_mem>>) src(%dma_wait3A_80 : memref<10240x128xf32, #tpu.memory_space<hbm>>) dst(%arg11 : memref<128x128xf32, #tpu.memory_space<vmem>>)
          %add3A_81 = arith.constant 1 : i32
          %add3A_82 = arith.addi %add3A_74, %add3A_81 : i32
          %lt3A = arith.constant 40 : i32
          %lt3A_83 = arith.cmpi slt, %add3A_82, %lt3A : i32
          %convert_element_type3A_84 = arith.extui %lt3A_83 : i1 to i32
          %cond3A_85 = arith.constant 0 : i32
          %cond3A_86 = arith.cmpi ne, %convert_element_type3A_84, %cond3A_85 : i32
          scf.if %cond3A_86 {
            %ge3A = arith.constant 1 : i32
            %ge3A_114 = arith.cmpi sge, %add3A_74, %ge3A : i32
            %convert_element_type3A_115 = arith.extui %ge3A_114 : i1 to i32
            %cond3A_116 = arith.constant 0 : i32
            %cond3A_117 = arith.cmpi ne, %convert_element_type3A_115, %cond3A_116 : i32
            scf.if %cond3A_117 {
              %dma_wait3A_126 = arith.constant 0 : i32
              %dma_wait3A_127 = arith.constant 0 : i32
              %dma_wait3A_128 = tpu.memref_slice %arg10[%dma_wait3A_126, %dma_wait3A_127] : memref<40x128xi32, #tpu.memory_space<vmem>> -> memref<1x128xi32, #tpu.memory_space<vmem>>
              %dma_wait3A_129 = tpu.memref_squeeze %dma_wait3A_128 : memref<1x128xi32, #tpu.memory_space<vmem>> -> memref<128xi32, #tpu.memory_space<vmem>>
              %dma_wait3A_130 = arith.constant 0 : i32
              %dma_wait3A_131 = arith.constant 0 : i32
              %dma_wait3A_132 = tpu.memref_slice %arg8[%dma_wait3A_130, %dma_wait3A_131] : memref<10240x128xf32, #tpu.memory_space<vmem_shared>> -> memref<10240x128xf32, #tpu.memory_space<vmem_shared>>
              tpu.wait_indirect_dma semaphore(%arg16 : memref<!tpu.dma_semaphore, #tpu.memory_space<semaphore_mem>>) src(%arg12 : memref<128x128xf32, #tpu.memory_space<vmem>>) dst(%dma_wait3A_132 : memref<10240x128xf32, #tpu.memory_space<vmem_shared>>)
            } else {
            }
            %add3A_118 = arith.constant 1 : i32
            %add3A_119 = arith.addi %add3A_74, %add3A_118 : i32
            %dma_start3A_120 = arith.constant 0 : i32
            %dma_start3A_121 = tpu.memref_slice %arg9[%add3A_119, %dma_start3A_120] : memref<40x128xi32, #tpu.memory_space<vmem>> -> memref<1x128xi32, #tpu.memory_space<vmem>>
            %dma_start3A_122 = tpu.memref_squeeze %dma_start3A_121 : memref<1x128xi32, #tpu.memory_space<vmem>> -> memref<128xi32, #tpu.memory_space<vmem>>
            %dma_start3A_123 = arith.constant 0 : i32
            %dma_start3A_124 = arith.constant 0 : i32
            %dma_start3A_125 = tpu.memref_slice %arg2[%dma_start3A_123, %dma_start3A_124] : memref<10240x128xf32, #tpu.memory_space<hbm>> -> memref<10240x128xf32, #tpu.memory_space<hbm>>
            tpu.enqueue_indirect_dma source(%dma_start3A_125 : memref<10240x128xf32, #tpu.memory_space<hbm>>) target(%arg12 : memref<128x128xf32, #tpu.memory_space<vmem>>) offsets(%dma_start3A_122 : memref<128xi32, #tpu.memory_space<vmem>>) semaphore(%arg14 : memref<!tpu.dma_semaphore, #tpu.memory_space<semaphore_mem>>)
          } else {
          }
          %dma_start3A_87 = arith.constant 0 : i32
          %dma_start3A_88 = tpu.memref_slice %arg10[%add3A_74, %dma_start3A_87] : memref<40x128xi32, #tpu.memory_space<vmem>> -> memref<1x128xi32, #tpu.memory_space<vmem>>
          %dma_start3A_89 = tpu.memref_squeeze %dma_start3A_88 : memref<1x128xi32, #tpu.memory_space<vmem>> -> memref<128xi32, #tpu.memory_space<vmem>>
          %dma_start3A_90 = arith.constant 0 : i32
          %dma_start3A_91 = arith.constant 0 : i32
          %dma_start3A_92 = tpu.memref_slice %arg8[%dma_start3A_90, %dma_start3A_91] : memref<10240x128xf32, #tpu.memory_space<vmem_shared>> -> memref<10240x128xf32, #tpu.memory_space<vmem_shared>>
          tpu.enqueue_indirect_dma source(%arg11 : memref<128x128xf32, #tpu.memory_space<vmem>>) target(%dma_start3A_92 : memref<10240x128xf32, #tpu.memory_space<vmem_shared>>) offsets(%dma_start3A_89 : memref<128xi32, #tpu.memory_space<vmem>>) semaphore(%arg15 : memref<!tpu.dma_semaphore, #tpu.memory_space<semaphore_mem>>) {add = true}
          %add3A_93 = arith.constant 1 : i32
          %add3A_94 = arith.addi %add3A_74, %add3A_93 : i32
          %dma_wait3A_95 = arith.constant 0 : i32
          %dma_wait3A_96 = tpu.memref_slice %arg9[%add3A_94, %dma_wait3A_95] : memref<40x128xi32, #tpu.memory_space<vmem>> -> memref<1x128xi32, #tpu.memory_space<vmem>>
          %dma_wait3A_97 = tpu.memref_squeeze %dma_wait3A_96 : memref<1x128xi32, #tpu.memory_space<vmem>> -> memref<128xi32, #tpu.memory_space<vmem>>
          %dma_wait3A_98 = arith.constant 0 : i32
          %dma_wait3A_99 = arith.constant 0 : i32
          %dma_wait3A_100 = tpu.memref_slice %arg2[%dma_wait3A_98, %dma_wait3A_99] : memref<10240x128xf32, #tpu.memory_space<hbm>> -> memref<10240x128xf32, #tpu.memory_space<hbm>>
          tpu.wait_indirect_dma semaphore(%arg14 : memref<!tpu.dma_semaphore, #tpu.memory_space<semaphore_mem>>) src(%dma_wait3A_100 : memref<10240x128xf32, #tpu.memory_space<hbm>>) dst(%arg12 : memref<128x128xf32, #tpu.memory_space<vmem>>)
          %add3A_101 = arith.constant 1 : i32
          %add3A_102 = arith.addi %add3A_94, %add3A_101 : i32
          %lt3A_103 = arith.constant 40 : i32
          %lt3A_104 = arith.cmpi slt, %add3A_102, %lt3A_103 : i32
          %convert_element_type3A_105 = arith.extui %lt3A_104 : i1 to i32
          %cond3A_106 = arith.constant 0 : i32
          %cond3A_107 = arith.cmpi ne, %convert_element_type3A_105, %cond3A_106 : i32
          scf.if %cond3A_107 {
            %ge3A = arith.constant 1 : i32
            %ge3A_114 = arith.cmpi sge, %add3A_94, %ge3A : i32
            %convert_element_type3A_115 = arith.extui %ge3A_114 : i1 to i32
            %cond3A_116 = arith.constant 0 : i32
            %cond3A_117 = arith.cmpi ne, %convert_element_type3A_115, %cond3A_116 : i32
            scf.if %cond3A_117 {
              %dma_wait3A_126 = arith.constant 0 : i32
              %dma_wait3A_127 = arith.constant 0 : i32
              %dma_wait3A_128 = tpu.memref_slice %arg10[%dma_wait3A_126, %dma_wait3A_127] : memref<40x128xi32, #tpu.memory_space<vmem>> -> memref<1x128xi32, #tpu.memory_space<vmem>>
              %dma_wait3A_129 = tpu.memref_squeeze %dma_wait3A_128 : memref<1x128xi32, #tpu.memory_space<vmem>> -> memref<128xi32, #tpu.memory_space<vmem>>
              %dma_wait3A_130 = arith.constant 0 : i32
              %dma_wait3A_131 = arith.constant 0 : i32
              %dma_wait3A_132 = tpu.memref_slice %arg8[%dma_wait3A_130, %dma_wait3A_131] : memref<10240x128xf32, #tpu.memory_space<vmem_shared>> -> memref<10240x128xf32, #tpu.memory_space<vmem_shared>>
              tpu.wait_indirect_dma semaphore(%arg15 : memref<!tpu.dma_semaphore, #tpu.memory_space<semaphore_mem>>) src(%arg11 : memref<128x128xf32, #tpu.memory_space<vmem>>) dst(%dma_wait3A_132 : memref<10240x128xf32, #tpu.memory_space<vmem_shared>>)
            } else {
            }
            %add3A_118 = arith.constant 1 : i32
            %add3A_119 = arith.addi %add3A_94, %add3A_118 : i32
            %dma_start3A_120 = arith.constant 0 : i32
            %dma_start3A_121 = tpu.memref_slice %arg9[%add3A_119, %dma_start3A_120] : memref<40x128xi32, #tpu.memory_space<vmem>> -> memref<1x128xi32, #tpu.memory_space<vmem>>
            %dma_start3A_122 = tpu.memref_squeeze %dma_start3A_121 : memref<1x128xi32, #tpu.memory_space<vmem>> -> memref<128xi32, #tpu.memory_space<vmem>>
            %dma_start3A_123 = arith.constant 0 : i32
            %dma_start3A_124 = arith.constant 0 : i32
            %dma_start3A_125 = tpu.memref_slice %arg2[%dma_start3A_123, %dma_start3A_124] : memref<10240x128xf32, #tpu.memory_space<hbm>> -> memref<10240x128xf32, #tpu.memory_space<hbm>>
            tpu.enqueue_indirect_dma source(%dma_start3A_125 : memref<10240x128xf32, #tpu.memory_space<hbm>>) target(%arg11 : memref<128x128xf32, #tpu.memory_space<vmem>>) offsets(%dma_start3A_122 : memref<128xi32, #tpu.memory_space<vmem>>) semaphore(%arg13 : memref<!tpu.dma_semaphore, #tpu.memory_space<semaphore_mem>>)
          } else {
          }
          %dma_start3A_108 = arith.constant 0 : i32
          %dma_start3A_109 = tpu.memref_slice %arg10[%add3A_94, %dma_start3A_108] : memref<40x128xi32, #tpu.memory_space<vmem>> -> memref<1x128xi32, #tpu.memory_space<vmem>>
          %dma_start3A_110 = tpu.memref_squeeze %dma_start3A_109 : memref<1x128xi32, #tpu.memory_space<vmem>> -> memref<128xi32, #tpu.memory_space<vmem>>
          %dma_start3A_111 = arith.constant 0 : i32
          %dma_start3A_112 = arith.constant 0 : i32
          %dma_start3A_113 = tpu.memref_slice %arg8[%dma_start3A_111, %dma_start3A_112] : memref<10240x128xf32, #tpu.memory_space<vmem_shared>> -> memref<10240x128xf32, #tpu.memory_space<vmem_shared>>
          tpu.enqueue_indirect_dma source(%arg12 : memref<128x128xf32, #tpu.memory_space<vmem>>) target(%dma_start3A_113 : memref<10240x128xf32, #tpu.memory_space<vmem_shared>>) offsets(%dma_start3A_110 : memref<128xi32, #tpu.memory_space<vmem>>) semaphore(%arg16 : memref<!tpu.dma_semaphore, #tpu.memory_space<semaphore_mem>>) {add = true}
        }
        %scan3A_56 = arith.constant 20 : i32
        %dma_wait3A = arith.constant 0 : i32
        %dma_wait3A_57 = arith.constant 0 : i32
        %dma_wait3A_58 = tpu.memref_slice %arg10[%dma_wait3A, %dma_wait3A_57] : memref<40x128xi32, #tpu.memory_space<vmem>> -> memref<1x128xi32, #tpu.memory_space<vmem>>
        %dma_wait3A_59 = tpu.memref_squeeze %dma_wait3A_58 : memref<1x128xi32, #tpu.memory_space<vmem>> -> memref<128xi32, #tpu.memory_space<vmem>>
        %dma_wait3A_60 = arith.constant 0 : i32
        %dma_wait3A_61 = arith.constant 0 : i32
        %dma_wait3A_62 = tpu.memref_slice %arg8[%dma_wait3A_60, %dma_wait3A_61] : memref<10240x128xf32, #tpu.memory_space<vmem_shared>> -> memref<10240x128xf32, #tpu.memory_space<vmem_shared>>
        tpu.wait_indirect_dma semaphore(%arg15 : memref<!tpu.dma_semaphore, #tpu.memory_space<semaphore_mem>>) src(%arg11 : memref<128x128xf32, #tpu.memory_space<vmem>>) dst(%dma_wait3A_62 : memref<10240x128xf32, #tpu.memory_space<vmem_shared>>)
        %dma_wait3A_63 = arith.constant 0 : i32
        %dma_wait3A_64 = arith.constant 0 : i32
        %dma_wait3A_65 = tpu.memref_slice %arg10[%dma_wait3A_63, %dma_wait3A_64] : memref<40x128xi32, #tpu.memory_space<vmem>> -> memref<1x128xi32, #tpu.memory_space<vmem>>
        %dma_wait3A_66 = tpu.memref_squeeze %dma_wait3A_65 : memref<1x128xi32, #tpu.memory_space<vmem>> -> memref<128xi32, #tpu.memory_space<vmem>>
        %dma_wait3A_67 = arith.constant 0 : i32
        %dma_wait3A_68 = arith.constant 0 : i32
        %dma_wait3A_69 = tpu.memref_slice %arg8[%dma_wait3A_67, %dma_wait3A_68] : memref<10240x128xf32, #tpu.memory_space<vmem_shared>> -> memref<10240x128xf32, #tpu.memory_space<vmem_shared>>
        tpu.wait_indirect_dma semaphore(%arg16 : memref<!tpu.dma_semaphore, #tpu.memory_space<semaphore_mem>>) src(%arg12 : memref<128x128xf32, #tpu.memory_space<vmem>>) dst(%dma_wait3A_69 : memref<10240x128xf32, #tpu.memory_space<vmem_shared>>)
      }
      %scan3A_35 = arith.constant 2 : i32
    } else {
    }
    %eq3A_13 = arith.constant 1 : i32
    %eq3A_14 = arith.cmpi eq, %arg0, %eq3A_13 : i32
    %convert_element_type3A_15 = arith.extui %eq3A_14 : i1 to i32
    %cond3A_16 = arith.constant 0 : i32
    %cond3A_17 = arith.cmpi ne, %convert_element_type3A_15, %cond3A_16 : i32
    scf.if %cond3A_17 {
      %add3A = arith.constant 16 : i32
      %add3A_29 = arith.addi %add3A, %arg1 : i32
      %mul3A_30 = arith.constant 80 : i32
      %mul3A_31 = arith.muli %add3A_29, %mul3A_30 : i32
      %scan3A_32 = arith.constant 0 : i32
      %scan3A_33 = arith.constant 2 : i32
      %scan3A_34 = arith.addi %scan3A_32, %scan3A_33 : i32
      %scan3A_35 = arith.constant 1 : i32
      scf.for %scan3A_37 = %scan3A_32 to %scan3A_34 step %scan3A_35  : i32 {
        %mul3A_38 = arith.constant 1 : i32
        %mul3A_39 = arith.muli %scan3A_37, %mul3A_38 : i32
        %add3A_40 = arith.constant 0 : i32
        %add3A_41 = arith.addi %add3A_40, %mul3A_39 : i32
        %mul3A_42 = arith.constant 40 : i32
        %mul3A_43 = arith.muli %add3A_41, %mul3A_42 : i32
        %add3A_44 = arith.addi %mul3A_31, %mul3A_43 : i32
        "tpu.region"() ({
          %run_scoped3A = tpu.sem_alloc : memref<!tpu.dma_semaphore, #tpu.memory_space<semaphore_mem>>
          %dma_start3A_72 = arith.constant 0 : i32
          %dma_start3A_73 = tpu.memref_slice %arg4[%add3A_44, %dma_start3A_72] : memref<2560x128xi32, #tpu.memory_space<hbm>> -> memref<40x128xi32, #tpu.memory_space<hbm>>
          %dma_start3A_74 = arith.constant 0 : i32
          %dma_start3A_75 = tpu.memref_slice %arg4[%add3A_44, %dma_start3A_74] : memref<2560x128xi32, #tpu.memory_space<hbm>> -> memref<40x128xi32, #tpu.memory_space<hbm>>
          tpu.enqueue_dma source(%dma_start3A_75 : memref<40x128xi32, #tpu.memory_space<hbm>>) target(%arg9 : memref<40x128xi32, #tpu.memory_space<vmem>>) target_semaphore(%run_scoped3A : memref<!tpu.dma_semaphore, #tpu.memory_space<semaphore_mem>>)
          %dma_wait3A_76 = arith.constant 0 : i32
          %dma_wait3A_77 = tpu.memref_slice %arg4[%add3A_44, %dma_wait3A_76] : memref<2560x128xi32, #tpu.memory_space<hbm>> -> memref<40x128xi32, #tpu.memory_space<hbm>>
          %dma_wait3A_78 = arith.constant 0 : i32
          %dma_wait3A_79 = tpu.memref_slice %arg4[%add3A_44, %dma_wait3A_78] : memref<2560x128xi32, #tpu.memory_space<hbm>> -> memref<40x128xi32, #tpu.memory_space<hbm>>
          tpu.wait_dma2 semaphore(%run_scoped3A : memref<!tpu.dma_semaphore, #tpu.memory_space<semaphore_mem>>) src(%dma_wait3A_79 : memref<40x128xi32, #tpu.memory_space<hbm>>) dst(%arg9 : memref<40x128xi32, #tpu.memory_space<vmem>>)
          tpu.yield
        }) : () -> ()
        %mul3A_45 = arith.constant 40 : i32
        %mul3A_46 = arith.muli %add3A_41, %mul3A_45 : i32
        %add3A_47 = arith.addi %mul3A_31, %mul3A_46 : i32
        "tpu.region"() ({
          %run_scoped3A = tpu.sem_alloc : memref<!tpu.dma_semaphore, #tpu.memory_space<semaphore_mem>>
          %dma_start3A_72 = arith.constant 0 : i32
          %dma_start3A_73 = tpu.memref_slice %arg5[%add3A_47, %dma_start3A_72] : memref<2560x128xi32, #tpu.memory_space<hbm>> -> memref<40x128xi32, #tpu.memory_space<hbm>>
          %dma_start3A_74 = arith.constant 0 : i32
          %dma_start3A_75 = tpu.memref_slice %arg5[%add3A_47, %dma_start3A_74] : memref<2560x128xi32, #tpu.memory_space<hbm>> -> memref<40x128xi32, #tpu.memory_space<hbm>>
          tpu.enqueue_dma source(%dma_start3A_75 : memref<40x128xi32, #tpu.memory_space<hbm>>) target(%arg10 : memref<40x128xi32, #tpu.memory_space<vmem>>) target_semaphore(%run_scoped3A : memref<!tpu.dma_semaphore, #tpu.memory_space<semaphore_mem>>)
          %dma_wait3A_76 = arith.constant 0 : i32
          %dma_wait3A_77 = tpu.memref_slice %arg5[%add3A_47, %dma_wait3A_76] : memref<2560x128xi32, #tpu.memory_space<hbm>> -> memref<40x128xi32, #tpu.memory_space<hbm>>
          %dma_wait3A_78 = arith.constant 0 : i32
          %dma_wait3A_79 = tpu.memref_slice %arg5[%add3A_47, %dma_wait3A_78] : memref<2560x128xi32, #tpu.memory_space<hbm>> -> memref<40x128xi32, #tpu.memory_space<hbm>>
          tpu.wait_dma2 semaphore(%run_scoped3A : memref<!tpu.dma_semaphore, #tpu.memory_space<semaphore_mem>>) src(%dma_wait3A_79 : memref<40x128xi32, #tpu.memory_space<hbm>>) dst(%arg10 : memref<40x128xi32, #tpu.memory_space<vmem>>)
          tpu.yield
        }) : () -> ()
        %dma_start3A = arith.constant 0 : i32
        %dma_start3A_48 = arith.constant 0 : i32
        %dma_start3A_49 = tpu.memref_slice %arg9[%dma_start3A, %dma_start3A_48] : memref<40x128xi32, #tpu.memory_space<vmem>> -> memref<1x128xi32, #tpu.memory_space<vmem>>
        %dma_start3A_50 = tpu.memref_squeeze %dma_start3A_49 : memref<1x128xi32, #tpu.memory_space<vmem>> -> memref<128xi32, #tpu.memory_space<vmem>>
        %dma_start3A_51 = arith.constant 0 : i32
        %dma_start3A_52 = arith.constant 0 : i32
        %dma_start3A_53 = tpu.memref_slice %arg3[%dma_start3A_51, %dma_start3A_52] : memref<10240x128xf32, #tpu.memory_space<hbm>> -> memref<10240x128xf32, #tpu.memory_space<hbm>>
        tpu.enqueue_indirect_dma source(%dma_start3A_53 : memref<10240x128xf32, #tpu.memory_space<hbm>>) target(%arg11 : memref<128x128xf32, #tpu.memory_space<vmem>>) offsets(%dma_start3A_50 : memref<128xi32, #tpu.memory_space<vmem>>) semaphore(%arg13 : memref<!tpu.dma_semaphore, #tpu.memory_space<semaphore_mem>>)
        %scan3A_54 = arith.constant 0 : i32
        %scan3A_55 = arith.constant 20 : i32
        %scan3A_56 = arith.addi %scan3A_54, %scan3A_55 : i32
        %scan3A_57 = arith.constant 1 : i32
        scf.for %scan3A_72 = %scan3A_54 to %scan3A_56 step %scan3A_57  : i32 {
          %mul3A_73 = arith.constant 2 : i32
          %mul3A_74 = arith.muli %scan3A_72, %mul3A_73 : i32
          %add3A_75 = arith.constant 0 : i32
          %add3A_76 = arith.addi %add3A_75, %mul3A_74 : i32
          %dma_wait3A_77 = arith.constant 0 : i32
          %dma_wait3A_78 = tpu.memref_slice %arg9[%add3A_76, %dma_wait3A_77] : memref<40x128xi32, #tpu.memory_space<vmem>> -> memref<1x128xi32, #tpu.memory_space<vmem>>
          %dma_wait3A_79 = tpu.memref_squeeze %dma_wait3A_78 : memref<1x128xi32, #tpu.memory_space<vmem>> -> memref<128xi32, #tpu.memory_space<vmem>>
          %dma_wait3A_80 = arith.constant 0 : i32
          %dma_wait3A_81 = arith.constant 0 : i32
          %dma_wait3A_82 = tpu.memref_slice %arg3[%dma_wait3A_80, %dma_wait3A_81] : memref<10240x128xf32, #tpu.memory_space<hbm>> -> memref<10240x128xf32, #tpu.memory_space<hbm>>
          tpu.wait_indirect_dma semaphore(%arg13 : memref<!tpu.dma_semaphore, #tpu.memory_space<semaphore_mem>>) src(%dma_wait3A_82 : memref<10240x128xf32, #tpu.memory_space<hbm>>) dst(%arg11 : memref<128x128xf32, #tpu.memory_space<vmem>>)
          %add3A_83 = arith.constant 1 : i32
          %add3A_84 = arith.addi %add3A_76, %add3A_83 : i32
          %lt3A = arith.constant 40 : i32
          %lt3A_85 = arith.cmpi slt, %add3A_84, %lt3A : i32
          %convert_element_type3A_86 = arith.extui %lt3A_85 : i1 to i32
          %cond3A_87 = arith.constant 0 : i32
          %cond3A_88 = arith.cmpi ne, %convert_element_type3A_86, %cond3A_87 : i32
          scf.if %cond3A_88 {
            %ge3A = arith.constant 1 : i32
            %ge3A_116 = arith.cmpi sge, %add3A_76, %ge3A : i32
            %convert_element_type3A_117 = arith.extui %ge3A_116 : i1 to i32
            %cond3A_118 = arith.constant 0 : i32
            %cond3A_119 = arith.cmpi ne, %convert_element_type3A_117, %cond3A_118 : i32
            scf.if %cond3A_119 {
              %dma_wait3A_128 = arith.constant 0 : i32
              %dma_wait3A_129 = arith.constant 0 : i32
              %dma_wait3A_130 = tpu.memref_slice %arg10[%dma_wait3A_128, %dma_wait3A_129] : memref<40x128xi32, #tpu.memory_space<vmem>> -> memref<1x128xi32, #tpu.memory_space<vmem>>
              %dma_wait3A_131 = tpu.memref_squeeze %dma_wait3A_130 : memref<1x128xi32, #tpu.memory_space<vmem>> -> memref<128xi32, #tpu.memory_space<vmem>>
              %dma_wait3A_132 = arith.constant 0 : i32
              %dma_wait3A_133 = arith.constant 0 : i32
              %dma_wait3A_134 = tpu.memref_slice %arg8[%dma_wait3A_132, %dma_wait3A_133] : memref<10240x128xf32, #tpu.memory_space<vmem_shared>> -> memref<10240x128xf32, #tpu.memory_space<vmem_shared>>
              tpu.wait_indirect_dma semaphore(%arg16 : memref<!tpu.dma_semaphore, #tpu.memory_space<semaphore_mem>>) src(%arg12 : memref<128x128xf32, #tpu.memory_space<vmem>>) dst(%dma_wait3A_134 : memref<10240x128xf32, #tpu.memory_space<vmem_shared>>)
            } else {
            }
            %add3A_120 = arith.constant 1 : i32
            %add3A_121 = arith.addi %add3A_76, %add3A_120 : i32
            %dma_start3A_122 = arith.constant 0 : i32
            %dma_start3A_123 = tpu.memref_slice %arg9[%add3A_121, %dma_start3A_122] : memref<40x128xi32, #tpu.memory_space<vmem>> -> memref<1x128xi32, #tpu.memory_space<vmem>>
            %dma_start3A_124 = tpu.memref_squeeze %dma_start3A_123 : memref<1x128xi32, #tpu.memory_space<vmem>> -> memref<128xi32, #tpu.memory_space<vmem>>
            %dma_start3A_125 = arith.constant 0 : i32
            %dma_start3A_126 = arith.constant 0 : i32
            %dma_start3A_127 = tpu.memref_slice %arg3[%dma_start3A_125, %dma_start3A_126] : memref<10240x128xf32, #tpu.memory_space<hbm>> -> memref<10240x128xf32, #tpu.memory_space<hbm>>
            tpu.enqueue_indirect_dma source(%dma_start3A_127 : memref<10240x128xf32, #tpu.memory_space<hbm>>) target(%arg12 : memref<128x128xf32, #tpu.memory_space<vmem>>) offsets(%dma_start3A_124 : memref<128xi32, #tpu.memory_space<vmem>>) semaphore(%arg14 : memref<!tpu.dma_semaphore, #tpu.memory_space<semaphore_mem>>)
          } else {
          }
          %dma_start3A_89 = arith.constant 0 : i32
          %dma_start3A_90 = tpu.memref_slice %arg10[%add3A_76, %dma_start3A_89] : memref<40x128xi32, #tpu.memory_space<vmem>> -> memref<1x128xi32, #tpu.memory_space<vmem>>
          %dma_start3A_91 = tpu.memref_squeeze %dma_start3A_90 : memref<1x128xi32, #tpu.memory_space<vmem>> -> memref<128xi32, #tpu.memory_space<vmem>>
          %dma_start3A_92 = arith.constant 0 : i32
          %dma_start3A_93 = arith.constant 0 : i32
          %dma_start3A_94 = tpu.memref_slice %arg8[%dma_start3A_92, %dma_start3A_93] : memref<10240x128xf32, #tpu.memory_space<vmem_shared>> -> memref<10240x128xf32, #tpu.memory_space<vmem_shared>>
          tpu.enqueue_indirect_dma source(%arg11 : memref<128x128xf32, #tpu.memory_space<vmem>>) target(%dma_start3A_94 : memref<10240x128xf32, #tpu.memory_space<vmem_shared>>) offsets(%dma_start3A_91 : memref<128xi32, #tpu.memory_space<vmem>>) semaphore(%arg15 : memref<!tpu.dma_semaphore, #tpu.memory_space<semaphore_mem>>) {add = true}
          %add3A_95 = arith.constant 1 : i32
          %add3A_96 = arith.addi %add3A_76, %add3A_95 : i32
          %dma_wait3A_97 = arith.constant 0 : i32
          %dma_wait3A_98 = tpu.memref_slice %arg9[%add3A_96, %dma_wait3A_97] : memref<40x128xi32, #tpu.memory_space<vmem>> -> memref<1x128xi32, #tpu.memory_space<vmem>>
          %dma_wait3A_99 = tpu.memref_squeeze %dma_wait3A_98 : memref<1x128xi32, #tpu.memory_space<vmem>> -> memref<128xi32, #tpu.memory_space<vmem>>
          %dma_wait3A_100 = arith.constant 0 : i32
          %dma_wait3A_101 = arith.constant 0 : i32
          %dma_wait3A_102 = tpu.memref_slice %arg3[%dma_wait3A_100, %dma_wait3A_101] : memref<10240x128xf32, #tpu.memory_space<hbm>> -> memref<10240x128xf32, #tpu.memory_space<hbm>>
          tpu.wait_indirect_dma semaphore(%arg14 : memref<!tpu.dma_semaphore, #tpu.memory_space<semaphore_mem>>) src(%dma_wait3A_102 : memref<10240x128xf32, #tpu.memory_space<hbm>>) dst(%arg12 : memref<128x128xf32, #tpu.memory_space<vmem>>)
          %add3A_103 = arith.constant 1 : i32
          %add3A_104 = arith.addi %add3A_96, %add3A_103 : i32
          %lt3A_105 = arith.constant 40 : i32
          %lt3A_106 = arith.cmpi slt, %add3A_104, %lt3A_105 : i32
          %convert_element_type3A_107 = arith.extui %lt3A_106 : i1 to i32
          %cond3A_108 = arith.constant 0 : i32
          %cond3A_109 = arith.cmpi ne, %convert_element_type3A_107, %cond3A_108 : i32
          scf.if %cond3A_109 {
            %ge3A = arith.constant 1 : i32
            %ge3A_116 = arith.cmpi sge, %add3A_96, %ge3A : i32
            %convert_element_type3A_117 = arith.extui %ge3A_116 : i1 to i32
            %cond3A_118 = arith.constant 0 : i32
            %cond3A_119 = arith.cmpi ne, %convert_element_type3A_117, %cond3A_118 : i32
            scf.if %cond3A_119 {
              %dma_wait3A_128 = arith.constant 0 : i32
              %dma_wait3A_129 = arith.constant 0 : i32
              %dma_wait3A_130 = tpu.memref_slice %arg10[%dma_wait3A_128, %dma_wait3A_129] : memref<40x128xi32, #tpu.memory_space<vmem>> -> memref<1x128xi32, #tpu.memory_space<vmem>>
              %dma_wait3A_131 = tpu.memref_squeeze %dma_wait3A_130 : memref<1x128xi32, #tpu.memory_space<vmem>> -> memref<128xi32, #tpu.memory_space<vmem>>
              %dma_wait3A_132 = arith.constant 0 : i32
              %dma_wait3A_133 = arith.constant 0 : i32
              %dma_wait3A_134 = tpu.memref_slice %arg8[%dma_wait3A_132, %dma_wait3A_133] : memref<10240x128xf32, #tpu.memory_space<vmem_shared>> -> memref<10240x128xf32, #tpu.memory_space<vmem_shared>>
              tpu.wait_indirect_dma semaphore(%arg15 : memref<!tpu.dma_semaphore, #tpu.memory_space<semaphore_mem>>) src(%arg11 : memref<128x128xf32, #tpu.memory_space<vmem>>) dst(%dma_wait3A_134 : memref<10240x128xf32, #tpu.memory_space<vmem_shared>>)
            } else {
            }
            %add3A_120 = arith.constant 1 : i32
            %add3A_121 = arith.addi %add3A_96, %add3A_120 : i32
            %dma_start3A_122 = arith.constant 0 : i32
            %dma_start3A_123 = tpu.memref_slice %arg9[%add3A_121, %dma_start3A_122] : memref<40x128xi32, #tpu.memory_space<vmem>> -> memref<1x128xi32, #tpu.memory_space<vmem>>
            %dma_start3A_124 = tpu.memref_squeeze %dma_start3A_123 : memref<1x128xi32, #tpu.memory_space<vmem>> -> memref<128xi32, #tpu.memory_space<vmem>>
            %dma_start3A_125 = arith.constant 0 : i32
            %dma_start3A_126 = arith.constant 0 : i32
            %dma_start3A_127 = tpu.memref_slice %arg3[%dma_start3A_125, %dma_start3A_126] : memref<10240x128xf32, #tpu.memory_space<hbm>> -> memref<10240x128xf32, #tpu.memory_space<hbm>>
            tpu.enqueue_indirect_dma source(%dma_start3A_127 : memref<10240x128xf32, #tpu.memory_space<hbm>>) target(%arg11 : memref<128x128xf32, #tpu.memory_space<vmem>>) offsets(%dma_start3A_124 : memref<128xi32, #tpu.memory_space<vmem>>) semaphore(%arg13 : memref<!tpu.dma_semaphore, #tpu.memory_space<semaphore_mem>>)
          } else {
          }
          %dma_start3A_110 = arith.constant 0 : i32
          %dma_start3A_111 = tpu.memref_slice %arg10[%add3A_96, %dma_start3A_110] : memref<40x128xi32, #tpu.memory_space<vmem>> -> memref<1x128xi32, #tpu.memory_space<vmem>>
          %dma_start3A_112 = tpu.memref_squeeze %dma_start3A_111 : memref<1x128xi32, #tpu.memory_space<vmem>> -> memref<128xi32, #tpu.memory_space<vmem>>
          %dma_start3A_113 = arith.constant 0 : i32
          %dma_start3A_114 = arith.constant 0 : i32
          %dma_start3A_115 = tpu.memref_slice %arg8[%dma_start3A_113, %dma_start3A_114] : memref<10240x128xf32, #tpu.memory_space<vmem_shared>> -> memref<10240x128xf32, #tpu.memory_space<vmem_shared>>
          tpu.enqueue_indirect_dma source(%arg12 : memref<128x128xf32, #tpu.memory_space<vmem>>) target(%dma_start3A_115 : memref<10240x128xf32, #tpu.memory_space<vmem_shared>>) offsets(%dma_start3A_112 : memref<128xi32, #tpu.memory_space<vmem>>) semaphore(%arg16 : memref<!tpu.dma_semaphore, #tpu.memory_space<semaphore_mem>>) {add = true}
        }
        %scan3A_58 = arith.constant 20 : i32
        %dma_wait3A = arith.constant 0 : i32
        %dma_wait3A_59 = arith.constant 0 : i32
        %dma_wait3A_60 = tpu.memref_slice %arg10[%dma_wait3A, %dma_wait3A_59] : memref<40x128xi32, #tpu.memory_space<vmem>> -> memref<1x128xi32, #tpu.memory_space<vmem>>
        %dma_wait3A_61 = tpu.memref_squeeze %dma_wait3A_60 : memref<1x128xi32, #tpu.memory_space<vmem>> -> memref<128xi32, #tpu.memory_space<vmem>>
        %dma_wait3A_62 = arith.constant 0 : i32
        %dma_wait3A_63 = arith.constant 0 : i32
        %dma_wait3A_64 = tpu.memref_slice %arg8[%dma_wait3A_62, %dma_wait3A_63] : memref<10240x128xf32, #tpu.memory_space<vmem_shared>> -> memref<10240x128xf32, #tpu.memory_space<vmem_shared>>
        tpu.wait_indirect_dma semaphore(%arg15 : memref<!tpu.dma_semaphore, #tpu.memory_space<semaphore_mem>>) src(%arg11 : memref<128x128xf32, #tpu.memory_space<vmem>>) dst(%dma_wait3A_64 : memref<10240x128xf32, #tpu.memory_space<vmem_shared>>)
        %dma_wait3A_65 = arith.constant 0 : i32
        %dma_wait3A_66 = arith.constant 0 : i32
        %dma_wait3A_67 = tpu.memref_slice %arg10[%dma_wait3A_65, %dma_wait3A_66] : memref<40x128xi32, #tpu.memory_space<vmem>> -> memref<1x128xi32, #tpu.memory_space<vmem>>
        %dma_wait3A_68 = tpu.memref_squeeze %dma_wait3A_67 : memref<1x128xi32, #tpu.memory_space<vmem>> -> memref<128xi32, #tpu.memory_space<vmem>>
        %dma_wait3A_69 = arith.constant 0 : i32
        %dma_wait3A_70 = arith.constant 0 : i32
        %dma_wait3A_71 = tpu.memref_slice %arg8[%dma_wait3A_69, %dma_wait3A_70] : memref<10240x128xf32, #tpu.memory_space<vmem_shared>> -> memref<10240x128xf32, #tpu.memory_space<vmem_shared>>
        tpu.wait_indirect_dma semaphore(%arg16 : memref<!tpu.dma_semaphore, #tpu.memory_space<semaphore_mem>>) src(%arg12 : memref<128x128xf32, #tpu.memory_space<vmem>>) dst(%dma_wait3A_71 : memref<10240x128xf32, #tpu.memory_space<vmem_shared>>)
      }
      %scan3A_36 = arith.constant 2 : i32
    } else {
    }
    %barrier3A_18 = arith.constant 0 : index
    tpu.barrier barrier_id(%barrier3A_18)
    %eq3A_19 = arith.constant 0 : i32
    %eq3A_20 = arith.cmpi eq, %arg0, %eq3A_19 : i32
    %convert_element_type3A_21 = arith.extui %eq3A_20 : i1 to i32
    %cond3A_22 = arith.constant 0 : i32
    %cond3A_23 = arith.cmpi ne, %convert_element_type3A_21, %cond3A_22 : i32
    scf.if %cond3A_23 {
      "tpu.region"() ({
        %run_scoped3A = tpu.sem_alloc : memref<!tpu.dma_semaphore, #tpu.memory_space<semaphore_mem>>
        %dma_start3A = arith.constant 0 : i32
        %dma_start3A_29 = tpu.memref_slice %arg6[%mul3A_0, %dma_start3A] : memref<10240x128xf32, #tpu.memory_space<hbm>> -> memref<640x128xf32, #tpu.memory_space<hbm>>
        %dma_start3A_30 = arith.constant 0 : i32
        %dma_start3A_31 = tpu.memref_slice %arg8[%mul3A_0, %dma_start3A_30] : memref<10240x128xf32, #tpu.memory_space<vmem_shared>> -> memref<640x128xf32, #tpu.memory_space<vmem_shared>>
        tpu.enqueue_dma source(%dma_start3A_31 : memref<640x128xf32, #tpu.memory_space<vmem_shared>>) target(%dma_start3A_29 : memref<640x128xf32, #tpu.memory_space<hbm>>) target_semaphore(%run_scoped3A : memref<!tpu.dma_semaphore, #tpu.memory_space<semaphore_mem>>)
        %dma_wait3A = arith.constant 0 : i32
        %dma_wait3A_32 = tpu.memref_slice %arg6[%mul3A_0, %dma_wait3A] : memref<10240x128xf32, #tpu.memory_space<hbm>> -> memref<640x128xf32, #tpu.memory_space<hbm>>
        %dma_wait3A_33 = arith.constant 0 : i32
        %dma_wait3A_34 = tpu.memref_slice %arg8[%mul3A_0, %dma_wait3A_33] : memref<10240x128xf32, #tpu.memory_space<vmem_shared>> -> memref<640x128xf32, #tpu.memory_space<vmem_shared>>
        tpu.wait_dma2 semaphore(%run_scoped3A : memref<!tpu.dma_semaphore, #tpu.memory_space<semaphore_mem>>) src(%dma_wait3A_34 : memref<640x128xf32, #tpu.memory_space<vmem_shared>>) dst(%dma_wait3A_32 : memref<640x128xf32, #tpu.memory_space<hbm>>)
        tpu.yield
      }) : () -> ()
    } else {
    }
    %eq3A_24 = arith.constant 1 : i32
    %eq3A_25 = arith.cmpi eq, %arg0, %eq3A_24 : i32
    %convert_element_type3A_26 = arith.extui %eq3A_25 : i1 to i32
    %cond3A_27 = arith.constant 0 : i32
    %cond3A_28 = arith.cmpi ne, %convert_element_type3A_26, %cond3A_27 : i32
    scf.if %cond3A_28 {
      "tpu.region"() ({
        %run_scoped3A = tpu.sem_alloc : memref<!tpu.dma_semaphore, #tpu.memory_space<semaphore_mem>>
        %dma_start3A = arith.constant 0 : i32
        %dma_start3A_29 = tpu.memref_slice %arg7[%mul3A_0, %dma_start3A] : memref<10240x128xf32, #tpu.memory_space<hbm>> -> memref<640x128xf32, #tpu.memory_space<hbm>>
        %dma_start3A_30 = arith.constant 0 : i32
        %dma_start3A_31 = tpu.memref_slice %arg8[%mul3A_0, %dma_start3A_30] : memref<10240x128xf32, #tpu.memory_space<vmem_shared>> -> memref<640x128xf32, #tpu.memory_space<vmem_shared>>
        tpu.enqueue_dma source(%dma_start3A_31 : memref<640x128xf32, #tpu.memory_space<vmem_shared>>) target(%dma_start3A_29 : memref<640x128xf32, #tpu.memory_space<hbm>>) target_semaphore(%run_scoped3A : memref<!tpu.dma_semaphore, #tpu.memory_space<semaphore_mem>>)
        %dma_wait3A = arith.constant 0 : i32
        %dma_wait3A_32 = tpu.memref_slice %arg7[%mul3A_0, %dma_wait3A] : memref<10240x128xf32, #tpu.memory_space<hbm>> -> memref<640x128xf32, #tpu.memory_space<hbm>>
        %dma_wait3A_33 = arith.constant 0 : i32
        %dma_wait3A_34 = tpu.memref_slice %arg8[%mul3A_0, %dma_wait3A_33] : memref<10240x128xf32, #tpu.memory_space<vmem_shared>> -> memref<640x128xf32, #tpu.memory_space<vmem_shared>>
        tpu.wait_dma2 semaphore(%run_scoped3A : memref<!tpu.dma_semaphore, #tpu.memory_space<semaphore_mem>>) src(%dma_wait3A_34 : memref<640x128xf32, #tpu.memory_space<vmem_shared>>) dst(%dma_wait3A_32 : memref<640x128xf32, #tpu.memory_space<hbm>>)
        tpu.yield
      }) : () -> ()
    } else {
    }
    return
  }
}

#map = affine_map<(d0, d1) -> (0, 0)>
module attributes {stable_mosaic.version = 14 : i64} {
  func.func @prop(%arg0: i32, %arg1: i32, %arg2: memref<10240x64xf32, #tpu.memory_space<hbm>>, %arg3: memref<10240x64xf32, #tpu.memory_space<hbm>>, %arg4: memref<2560x128xi32, #tpu.memory_space<hbm>>, %arg5: memref<2560x128xi32, #tpu.memory_space<hbm>>, %arg6: memref<10240x64xf32, #tpu.memory_space<hbm>>, %arg7: memref<10240x64xf32, #tpu.memory_space<hbm>>, %arg8: memref<10240x64xf32, #tpu.memory_space<vmem_shared>>, %arg9: memref<40x128xi32, #tpu.memory_space<vmem>>, %arg10: memref<40x128xi32, #tpu.memory_space<vmem>>, %arg11: memref<128x64xf32, #tpu.memory_space<vmem>>, %arg12: memref<128x64xf32, #tpu.memory_space<vmem>>, %arg13: memref<!tpu.dma_semaphore, #tpu.memory_space<semaphore_mem>>, %arg14: memref<!tpu.dma_semaphore, #tpu.memory_space<semaphore_mem>>, %arg15: memref<!tpu.dma_semaphore, #tpu.memory_space<semaphore_mem>>, %arg16: memref<!tpu.dma_semaphore, #tpu.memory_space<semaphore_mem>>) attributes {dimension_semantics = [#tpu.dimension_semantics<core_parallel>, #tpu.dimension_semantics<subcore_parallel>], iteration_bounds = array<i64: 2, 16>, scalar_prefetch = 0 : i64, scratch_operands = 9 : i64, tpu.core_type = #tpu.core_type<sc_vector_subcore>, window_params = [{transform_indices = #map}, {transform_indices = #map}, {transform_indices = #map}, {transform_indices = #map}, {transform_indices = #map}, {transform_indices = #map}]} {
    %mul3A = arith.constant 640 : i32
    %mul3A_0 = arith.muli %arg1, %mul3A : i32
    %broadcast_in_dim3A = arith.constant 0.000000e+00 : f32
    %broadcast_in_dim3A_1 = vector.broadcast %broadcast_in_dim3A : f32 to vector<16xf32>
    %scan3A = arith.constant 0 : i32
    %scan3A_2 = arith.constant 128 : i32
    %scan3A_3 = arith.addi %scan3A, %scan3A_2 : i32
    %scan3A_4 = arith.constant 1 : i32
    scf.for %scan3A_29 = %scan3A to %scan3A_3 step %scan3A_4  : i32 {
      %mul3A_30 = arith.constant 1 : i32
      %mul3A_31 = arith.muli %scan3A_29, %mul3A_30 : i32
      %add3A = arith.constant 0 : i32
      %add3A_32 = arith.addi %add3A, %mul3A_31 : i32
      %scan3A_33 = arith.constant 0 : i32
      %scan3A_34 = arith.constant 4 : i32
      %scan3A_35 = arith.addi %scan3A_33, %scan3A_34 : i32
      %scan3A_36 = arith.constant 1 : i32
      scf.for %scan3A_38 = %scan3A_33 to %scan3A_35 step %scan3A_36  : i32 {
        %mul3A_39 = arith.constant 16 : i32
        %mul3A_40 = arith.muli %scan3A_38, %mul3A_39 : i32
        %add3A_41 = arith.constant 0 : i32
        %add3A_42 = arith.addi %add3A_41, %mul3A_40 : i32
        %swap3A = arith.index_cast %add3A_32 : i32 to index
        %swap3A_43 = arith.index_cast %add3A_42 : i32 to index
        %swap3A_44 = tpu.vector_load %arg11[%swap3A, %swap3A_43] {strides = array<i32>} : memref<128x64xf32, #tpu.memory_space<vmem>>, vector<1x16xf32>,
        %swap3A_45 = vector.shape_cast %swap3A_44 : vector<1x16xf32> to vector<16xf32>
        %swap3A_46 = vector.shape_cast %broadcast_in_dim3A_1 : vector<16xf32> to vector<1x16xf32>
        tpu.vector_store %arg11[%swap3A, %swap3A_43], %swap3A_46 {strides = array<i32>} : memref<128x64xf32, #tpu.memory_space<vmem>>, vector<1x16xf32>,
      }
      %scan3A_37 = arith.constant 4 : i32
    }
    %scan3A_5 = arith.constant 128 : i32
    %scan3A_6 = arith.constant 0 : i32
    %scan3A_7 = arith.constant 5 : i32
    %scan3A_8 = arith.addi %scan3A_6, %scan3A_7 : i32
    %scan3A_9 = arith.constant 1 : i32
    scf.for %scan3A_29 = %scan3A_6 to %scan3A_8 step %scan3A_9  : i32 {
      %mul3A_30 = arith.constant 128 : i32
      %mul3A_31 = arith.muli %scan3A_29, %mul3A_30 : i32
      %add3A = arith.constant 0 : i32
      %add3A_32 = arith.addi %add3A, %mul3A_31 : i32
      %add3A_33 = arith.addi %mul3A_0, %add3A_32 : i32
      "tpu.region"() ({
        %run_scoped3A = tpu.sem_alloc : memref<!tpu.dma_semaphore, #tpu.memory_space<semaphore_mem>>
        %dma_start3A = arith.constant 0 : i32
        %dma_start3A_34 = tpu.memref_slice %arg8[%add3A_33, %dma_start3A] : memref<10240x64xf32, #tpu.memory_space<vmem_shared>> -> memref<128x64xf32, #tpu.memory_space<vmem_shared>>
        %dma_start3A_35 = arith.constant 0 : i32
        %dma_start3A_36 = tpu.memref_slice %arg8[%add3A_33, %dma_start3A_35] : memref<10240x64xf32, #tpu.memory_space<vmem_shared>> -> memref<128x64xf32, #tpu.memory_space<vmem_shared>>
        tpu.enqueue_dma source(%arg11 : memref<128x64xf32, #tpu.memory_space<vmem>>) target(%dma_start3A_36 : memref<128x64xf32, #tpu.memory_space<vmem_shared>>) target_semaphore(%run_scoped3A : memref<!tpu.dma_semaphore, #tpu.memory_space<semaphore_mem>>)
        %dma_wait3A = arith.constant 0 : i32
        %dma_wait3A_37 = tpu.memref_slice %arg8[%add3A_33, %dma_wait3A] : memref<10240x64xf32, #tpu.memory_space<vmem_shared>> -> memref<128x64xf32, #tpu.memory_space<vmem_shared>>
        %dma_wait3A_38 = arith.constant 0 : i32
        %dma_wait3A_39 = tpu.memref_slice %arg8[%add3A_33, %dma_wait3A_38] : memref<10240x64xf32, #tpu.memory_space<vmem_shared>> -> memref<128x64xf32, #tpu.memory_space<vmem_shared>>
        tpu.wait_dma2 semaphore(%run_scoped3A : memref<!tpu.dma_semaphore, #tpu.memory_space<semaphore_mem>>) src(%arg11 : memref<128x64xf32, #tpu.memory_space<vmem>>) dst(%dma_wait3A_39 : memref<128x64xf32, #tpu.memory_space<vmem_shared>>)
        tpu.yield
      }) : () -> ()
    }
    %scan3A_10 = arith.constant 5 : i32
    %barrier3A = arith.constant 0 : index
    tpu.barrier barrier_id(%barrier3A)
    %eq3A = arith.constant 0 : i32
    %eq3A_11 = arith.cmpi eq, %arg0, %eq3A : i32
    %convert_element_type3A = arith.extui %eq3A_11 : i1 to i32
    %cond3A = arith.constant 0 : i32
    %cond3A_12 = arith.cmpi ne, %convert_element_type3A, %cond3A : i32
    scf.if %cond3A_12 {
      %mul3A_29 = arith.constant 80 : i32
      %mul3A_30 = arith.muli %arg1, %mul3A_29 : i32
      %scan3A_31 = arith.constant 0 : i32
      %scan3A_32 = arith.constant 2 : i32
      %scan3A_33 = arith.addi %scan3A_31, %scan3A_32 : i32
      %scan3A_34 = arith.constant 1 : i32
      scf.for %scan3A_36 = %scan3A_31 to %scan3A_33 step %scan3A_34  : i32 {
        %mul3A_37 = arith.constant 1 : i32
        %mul3A_38 = arith.muli %scan3A_36, %mul3A_37 : i32
        %add3A = arith.constant 0 : i32
        %add3A_39 = arith.addi %add3A, %mul3A_38 : i32
        %mul3A_40 = arith.constant 40 : i32
        %mul3A_41 = arith.muli %add3A_39, %mul3A_40 : i32
        %add3A_42 = arith.addi %mul3A_30, %mul3A_41 : i32
        "tpu.region"() ({
          %run_scoped3A = tpu.sem_alloc : memref<!tpu.dma_semaphore, #tpu.memory_space<semaphore_mem>>
          %dma_start3A_70 = arith.constant 0 : i32
          %dma_start3A_71 = tpu.memref_slice %arg4[%add3A_42, %dma_start3A_70] : memref<2560x128xi32, #tpu.memory_space<hbm>> -> memref<40x128xi32, #tpu.memory_space<hbm>>
          %dma_start3A_72 = arith.constant 0 : i32
          %dma_start3A_73 = tpu.memref_slice %arg4[%add3A_42, %dma_start3A_72] : memref<2560x128xi32, #tpu.memory_space<hbm>> -> memref<40x128xi32, #tpu.memory_space<hbm>>
          tpu.enqueue_dma source(%dma_start3A_73 : memref<40x128xi32, #tpu.memory_space<hbm>>) target(%arg9 : memref<40x128xi32, #tpu.memory_space<vmem>>) target_semaphore(%run_scoped3A : memref<!tpu.dma_semaphore, #tpu.memory_space<semaphore_mem>>)
          %dma_wait3A_74 = arith.constant 0 : i32
          %dma_wait3A_75 = tpu.memref_slice %arg4[%add3A_42, %dma_wait3A_74] : memref<2560x128xi32, #tpu.memory_space<hbm>> -> memref<40x128xi32, #tpu.memory_space<hbm>>
          %dma_wait3A_76 = arith.constant 0 : i32
          %dma_wait3A_77 = tpu.memref_slice %arg4[%add3A_42, %dma_wait3A_76] : memref<2560x128xi32, #tpu.memory_space<hbm>> -> memref<40x128xi32, #tpu.memory_space<hbm>>
          tpu.wait_dma2 semaphore(%run_scoped3A : memref<!tpu.dma_semaphore, #tpu.memory_space<semaphore_mem>>) src(%dma_wait3A_77 : memref<40x128xi32, #tpu.memory_space<hbm>>) dst(%arg9 : memref<40x128xi32, #tpu.memory_space<vmem>>)
          tpu.yield
        }) : () -> ()
        %mul3A_43 = arith.constant 40 : i32
        %mul3A_44 = arith.muli %add3A_39, %mul3A_43 : i32
        %add3A_45 = arith.addi %mul3A_30, %mul3A_44 : i32
        "tpu.region"() ({
          %run_scoped3A = tpu.sem_alloc : memref<!tpu.dma_semaphore, #tpu.memory_space<semaphore_mem>>
          %dma_start3A_70 = arith.constant 0 : i32
          %dma_start3A_71 = tpu.memref_slice %arg5[%add3A_45, %dma_start3A_70] : memref<2560x128xi32, #tpu.memory_space<hbm>> -> memref<40x128xi32, #tpu.memory_space<hbm>>
          %dma_start3A_72 = arith.constant 0 : i32
          %dma_start3A_73 = tpu.memref_slice %arg5[%add3A_45, %dma_start3A_72] : memref<2560x128xi32, #tpu.memory_space<hbm>> -> memref<40x128xi32, #tpu.memory_space<hbm>>
          tpu.enqueue_dma source(%dma_start3A_73 : memref<40x128xi32, #tpu.memory_space<hbm>>) target(%arg10 : memref<40x128xi32, #tpu.memory_space<vmem>>) target_semaphore(%run_scoped3A : memref<!tpu.dma_semaphore, #tpu.memory_space<semaphore_mem>>)
          %dma_wait3A_74 = arith.constant 0 : i32
          %dma_wait3A_75 = tpu.memref_slice %arg5[%add3A_45, %dma_wait3A_74] : memref<2560x128xi32, #tpu.memory_space<hbm>> -> memref<40x128xi32, #tpu.memory_space<hbm>>
          %dma_wait3A_76 = arith.constant 0 : i32
          %dma_wait3A_77 = tpu.memref_slice %arg5[%add3A_45, %dma_wait3A_76] : memref<2560x128xi32, #tpu.memory_space<hbm>> -> memref<40x128xi32, #tpu.memory_space<hbm>>
          tpu.wait_dma2 semaphore(%run_scoped3A : memref<!tpu.dma_semaphore, #tpu.memory_space<semaphore_mem>>) src(%dma_wait3A_77 : memref<40x128xi32, #tpu.memory_space<hbm>>) dst(%arg10 : memref<40x128xi32, #tpu.memory_space<vmem>>)
          tpu.yield
        }) : () -> ()
        %dma_start3A = arith.constant 0 : i32
        %dma_start3A_46 = arith.constant 0 : i32
        %dma_start3A_47 = tpu.memref_slice %arg9[%dma_start3A, %dma_start3A_46] : memref<40x128xi32, #tpu.memory_space<vmem>> -> memref<1x128xi32, #tpu.memory_space<vmem>>
        %dma_start3A_48 = tpu.memref_squeeze %dma_start3A_47 : memref<1x128xi32, #tpu.memory_space<vmem>> -> memref<128xi32, #tpu.memory_space<vmem>>
        %dma_start3A_49 = arith.constant 0 : i32
        %dma_start3A_50 = arith.constant 0 : i32
        %dma_start3A_51 = tpu.memref_slice %arg2[%dma_start3A_49, %dma_start3A_50] : memref<10240x64xf32, #tpu.memory_space<hbm>> -> memref<10240x64xf32, #tpu.memory_space<hbm>>
        tpu.enqueue_indirect_dma source(%dma_start3A_51 : memref<10240x64xf32, #tpu.memory_space<hbm>>) target(%arg11 : memref<128x64xf32, #tpu.memory_space<vmem>>) offsets(%dma_start3A_48 : memref<128xi32, #tpu.memory_space<vmem>>) semaphore(%arg13 : memref<!tpu.dma_semaphore, #tpu.memory_space<semaphore_mem>>)
        %scan3A_52 = arith.constant 0 : i32
        %scan3A_53 = arith.constant 20 : i32
        %scan3A_54 = arith.addi %scan3A_52, %scan3A_53 : i32
        %scan3A_55 = arith.constant 1 : i32
        scf.for %scan3A_70 = %scan3A_52 to %scan3A_54 step %scan3A_55  : i32 {
          %mul3A_71 = arith.constant 2 : i32
          %mul3A_72 = arith.muli %scan3A_70, %mul3A_71 : i32
          %add3A_73 = arith.constant 0 : i32
          %add3A_74 = arith.addi %add3A_73, %mul3A_72 : i32
          %dma_wait3A_75 = arith.constant 0 : i32
          %dma_wait3A_76 = tpu.memref_slice %arg9[%add3A_74, %dma_wait3A_75] : memref<40x128xi32, #tpu.memory_space<vmem>> -> memref<1x128xi32, #tpu.memory_space<vmem>>
          %dma_wait3A_77 = tpu.memref_squeeze %dma_wait3A_76 : memref<1x128xi32, #tpu.memory_space<vmem>> -> memref<128xi32, #tpu.memory_space<vmem>>
          %dma_wait3A_78 = arith.constant 0 : i32
          %dma_wait3A_79 = arith.constant 0 : i32
          %dma_wait3A_80 = tpu.memref_slice %arg2[%dma_wait3A_78, %dma_wait3A_79] : memref<10240x64xf32, #tpu.memory_space<hbm>> -> memref<10240x64xf32, #tpu.memory_space<hbm>>
          tpu.wait_indirect_dma semaphore(%arg13 : memref<!tpu.dma_semaphore, #tpu.memory_space<semaphore_mem>>) src(%dma_wait3A_80 : memref<10240x64xf32, #tpu.memory_space<hbm>>) dst(%arg11 : memref<128x64xf32, #tpu.memory_space<vmem>>)
          %add3A_81 = arith.constant 1 : i32
          %add3A_82 = arith.addi %add3A_74, %add3A_81 : i32
          %lt3A = arith.constant 40 : i32
          %lt3A_83 = arith.cmpi slt, %add3A_82, %lt3A : i32
          %convert_element_type3A_84 = arith.extui %lt3A_83 : i1 to i32
          %cond3A_85 = arith.constant 0 : i32
          %cond3A_86 = arith.cmpi ne, %convert_element_type3A_84, %cond3A_85 : i32
          scf.if %cond3A_86 {
            %ge3A = arith.constant 1 : i32
            %ge3A_114 = arith.cmpi sge, %add3A_74, %ge3A : i32
            %convert_element_type3A_115 = arith.extui %ge3A_114 : i1 to i32
            %cond3A_116 = arith.constant 0 : i32
            %cond3A_117 = arith.cmpi ne, %convert_element_type3A_115, %cond3A_116 : i32
            scf.if %cond3A_117 {
              %dma_wait3A_126 = arith.constant 0 : i32
              %dma_wait3A_127 = arith.constant 0 : i32
              %dma_wait3A_128 = tpu.memref_slice %arg10[%dma_wait3A_126, %dma_wait3A_127] : memref<40x128xi32, #tpu.memory_space<vmem>> -> memref<1x128xi32, #tpu.memory_space<vmem>>
              %dma_wait3A_129 = tpu.memref_squeeze %dma_wait3A_128 : memref<1x128xi32, #tpu.memory_space<vmem>> -> memref<128xi32, #tpu.memory_space<vmem>>
              %dma_wait3A_130 = arith.constant 0 : i32
              %dma_wait3A_131 = arith.constant 0 : i32
              %dma_wait3A_132 = tpu.memref_slice %arg8[%dma_wait3A_130, %dma_wait3A_131] : memref<10240x64xf32, #tpu.memory_space<vmem_shared>> -> memref<10240x64xf32, #tpu.memory_space<vmem_shared>>
              tpu.wait_indirect_dma semaphore(%arg16 : memref<!tpu.dma_semaphore, #tpu.memory_space<semaphore_mem>>) src(%arg12 : memref<128x64xf32, #tpu.memory_space<vmem>>) dst(%dma_wait3A_132 : memref<10240x64xf32, #tpu.memory_space<vmem_shared>>)
            } else {
            }
            %add3A_118 = arith.constant 1 : i32
            %add3A_119 = arith.addi %add3A_74, %add3A_118 : i32
            %dma_start3A_120 = arith.constant 0 : i32
            %dma_start3A_121 = tpu.memref_slice %arg9[%add3A_119, %dma_start3A_120] : memref<40x128xi32, #tpu.memory_space<vmem>> -> memref<1x128xi32, #tpu.memory_space<vmem>>
            %dma_start3A_122 = tpu.memref_squeeze %dma_start3A_121 : memref<1x128xi32, #tpu.memory_space<vmem>> -> memref<128xi32, #tpu.memory_space<vmem>>
            %dma_start3A_123 = arith.constant 0 : i32
            %dma_start3A_124 = arith.constant 0 : i32
            %dma_start3A_125 = tpu.memref_slice %arg2[%dma_start3A_123, %dma_start3A_124] : memref<10240x64xf32, #tpu.memory_space<hbm>> -> memref<10240x64xf32, #tpu.memory_space<hbm>>
            tpu.enqueue_indirect_dma source(%dma_start3A_125 : memref<10240x64xf32, #tpu.memory_space<hbm>>) target(%arg12 : memref<128x64xf32, #tpu.memory_space<vmem>>) offsets(%dma_start3A_122 : memref<128xi32, #tpu.memory_space<vmem>>) semaphore(%arg14 : memref<!tpu.dma_semaphore, #tpu.memory_space<semaphore_mem>>)
          } else {
          }
          %dma_start3A_87 = arith.constant 0 : i32
          %dma_start3A_88 = tpu.memref_slice %arg10[%add3A_74, %dma_start3A_87] : memref<40x128xi32, #tpu.memory_space<vmem>> -> memref<1x128xi32, #tpu.memory_space<vmem>>
          %dma_start3A_89 = tpu.memref_squeeze %dma_start3A_88 : memref<1x128xi32, #tpu.memory_space<vmem>> -> memref<128xi32, #tpu.memory_space<vmem>>
          %dma_start3A_90 = arith.constant 0 : i32
          %dma_start3A_91 = arith.constant 0 : i32
          %dma_start3A_92 = tpu.memref_slice %arg8[%dma_start3A_90, %dma_start3A_91] : memref<10240x64xf32, #tpu.memory_space<vmem_shared>> -> memref<10240x64xf32, #tpu.memory_space<vmem_shared>>
          tpu.enqueue_indirect_dma source(%arg11 : memref<128x64xf32, #tpu.memory_space<vmem>>) target(%dma_start3A_92 : memref<10240x64xf32, #tpu.memory_space<vmem_shared>>) offsets(%dma_start3A_89 : memref<128xi32, #tpu.memory_space<vmem>>) semaphore(%arg15 : memref<!tpu.dma_semaphore, #tpu.memory_space<semaphore_mem>>) {add = true}
          %add3A_93 = arith.constant 1 : i32
          %add3A_94 = arith.addi %add3A_74, %add3A_93 : i32
          %dma_wait3A_95 = arith.constant 0 : i32
          %dma_wait3A_96 = tpu.memref_slice %arg9[%add3A_94, %dma_wait3A_95] : memref<40x128xi32, #tpu.memory_space<vmem>> -> memref<1x128xi32, #tpu.memory_space<vmem>>
          %dma_wait3A_97 = tpu.memref_squeeze %dma_wait3A_96 : memref<1x128xi32, #tpu.memory_space<vmem>> -> memref<128xi32, #tpu.memory_space<vmem>>
          %dma_wait3A_98 = arith.constant 0 : i32
          %dma_wait3A_99 = arith.constant 0 : i32
          %dma_wait3A_100 = tpu.memref_slice %arg2[%dma_wait3A_98, %dma_wait3A_99] : memref<10240x64xf32, #tpu.memory_space<hbm>> -> memref<10240x64xf32, #tpu.memory_space<hbm>>
          tpu.wait_indirect_dma semaphore(%arg14 : memref<!tpu.dma_semaphore, #tpu.memory_space<semaphore_mem>>) src(%dma_wait3A_100 : memref<10240x64xf32, #tpu.memory_space<hbm>>) dst(%arg12 : memref<128x64xf32, #tpu.memory_space<vmem>>)
          %add3A_101 = arith.constant 1 : i32
          %add3A_102 = arith.addi %add3A_94, %add3A_101 : i32
          %lt3A_103 = arith.constant 40 : i32
          %lt3A_104 = arith.cmpi slt, %add3A_102, %lt3A_103 : i32
          %convert_element_type3A_105 = arith.extui %lt3A_104 : i1 to i32
          %cond3A_106 = arith.constant 0 : i32
          %cond3A_107 = arith.cmpi ne, %convert_element_type3A_105, %cond3A_106 : i32
          scf.if %cond3A_107 {
            %ge3A = arith.constant 1 : i32
            %ge3A_114 = arith.cmpi sge, %add3A_94, %ge3A : i32
            %convert_element_type3A_115 = arith.extui %ge3A_114 : i1 to i32
            %cond3A_116 = arith.constant 0 : i32
            %cond3A_117 = arith.cmpi ne, %convert_element_type3A_115, %cond3A_116 : i32
            scf.if %cond3A_117 {
              %dma_wait3A_126 = arith.constant 0 : i32
              %dma_wait3A_127 = arith.constant 0 : i32
              %dma_wait3A_128 = tpu.memref_slice %arg10[%dma_wait3A_126, %dma_wait3A_127] : memref<40x128xi32, #tpu.memory_space<vmem>> -> memref<1x128xi32, #tpu.memory_space<vmem>>
              %dma_wait3A_129 = tpu.memref_squeeze %dma_wait3A_128 : memref<1x128xi32, #tpu.memory_space<vmem>> -> memref<128xi32, #tpu.memory_space<vmem>>
              %dma_wait3A_130 = arith.constant 0 : i32
              %dma_wait3A_131 = arith.constant 0 : i32
              %dma_wait3A_132 = tpu.memref_slice %arg8[%dma_wait3A_130, %dma_wait3A_131] : memref<10240x64xf32, #tpu.memory_space<vmem_shared>> -> memref<10240x64xf32, #tpu.memory_space<vmem_shared>>
              tpu.wait_indirect_dma semaphore(%arg15 : memref<!tpu.dma_semaphore, #tpu.memory_space<semaphore_mem>>) src(%arg11 : memref<128x64xf32, #tpu.memory_space<vmem>>) dst(%dma_wait3A_132 : memref<10240x64xf32, #tpu.memory_space<vmem_shared>>)
            } else {
            }
            %add3A_118 = arith.constant 1 : i32
            %add3A_119 = arith.addi %add3A_94, %add3A_118 : i32
            %dma_start3A_120 = arith.constant 0 : i32
            %dma_start3A_121 = tpu.memref_slice %arg9[%add3A_119, %dma_start3A_120] : memref<40x128xi32, #tpu.memory_space<vmem>> -> memref<1x128xi32, #tpu.memory_space<vmem>>
            %dma_start3A_122 = tpu.memref_squeeze %dma_start3A_121 : memref<1x128xi32, #tpu.memory_space<vmem>> -> memref<128xi32, #tpu.memory_space<vmem>>
            %dma_start3A_123 = arith.constant 0 : i32
            %dma_start3A_124 = arith.constant 0 : i32
            %dma_start3A_125 = tpu.memref_slice %arg2[%dma_start3A_123, %dma_start3A_124] : memref<10240x64xf32, #tpu.memory_space<hbm>> -> memref<10240x64xf32, #tpu.memory_space<hbm>>
            tpu.enqueue_indirect_dma source(%dma_start3A_125 : memref<10240x64xf32, #tpu.memory_space<hbm>>) target(%arg11 : memref<128x64xf32, #tpu.memory_space<vmem>>) offsets(%dma_start3A_122 : memref<128xi32, #tpu.memory_space<vmem>>) semaphore(%arg13 : memref<!tpu.dma_semaphore, #tpu.memory_space<semaphore_mem>>)
          } else {
          }
          %dma_start3A_108 = arith.constant 0 : i32
          %dma_start3A_109 = tpu.memref_slice %arg10[%add3A_94, %dma_start3A_108] : memref<40x128xi32, #tpu.memory_space<vmem>> -> memref<1x128xi32, #tpu.memory_space<vmem>>
          %dma_start3A_110 = tpu.memref_squeeze %dma_start3A_109 : memref<1x128xi32, #tpu.memory_space<vmem>> -> memref<128xi32, #tpu.memory_space<vmem>>
          %dma_start3A_111 = arith.constant 0 : i32
          %dma_start3A_112 = arith.constant 0 : i32
          %dma_start3A_113 = tpu.memref_slice %arg8[%dma_start3A_111, %dma_start3A_112] : memref<10240x64xf32, #tpu.memory_space<vmem_shared>> -> memref<10240x64xf32, #tpu.memory_space<vmem_shared>>
          tpu.enqueue_indirect_dma source(%arg12 : memref<128x64xf32, #tpu.memory_space<vmem>>) target(%dma_start3A_113 : memref<10240x64xf32, #tpu.memory_space<vmem_shared>>) offsets(%dma_start3A_110 : memref<128xi32, #tpu.memory_space<vmem>>) semaphore(%arg16 : memref<!tpu.dma_semaphore, #tpu.memory_space<semaphore_mem>>) {add = true}
        }
        %scan3A_56 = arith.constant 20 : i32
        %dma_wait3A = arith.constant 0 : i32
        %dma_wait3A_57 = arith.constant 0 : i32
        %dma_wait3A_58 = tpu.memref_slice %arg10[%dma_wait3A, %dma_wait3A_57] : memref<40x128xi32, #tpu.memory_space<vmem>> -> memref<1x128xi32, #tpu.memory_space<vmem>>
        %dma_wait3A_59 = tpu.memref_squeeze %dma_wait3A_58 : memref<1x128xi32, #tpu.memory_space<vmem>> -> memref<128xi32, #tpu.memory_space<vmem>>
        %dma_wait3A_60 = arith.constant 0 : i32
        %dma_wait3A_61 = arith.constant 0 : i32
        %dma_wait3A_62 = tpu.memref_slice %arg8[%dma_wait3A_60, %dma_wait3A_61] : memref<10240x64xf32, #tpu.memory_space<vmem_shared>> -> memref<10240x64xf32, #tpu.memory_space<vmem_shared>>
        tpu.wait_indirect_dma semaphore(%arg15 : memref<!tpu.dma_semaphore, #tpu.memory_space<semaphore_mem>>) src(%arg11 : memref<128x64xf32, #tpu.memory_space<vmem>>) dst(%dma_wait3A_62 : memref<10240x64xf32, #tpu.memory_space<vmem_shared>>)
        %dma_wait3A_63 = arith.constant 0 : i32
        %dma_wait3A_64 = arith.constant 0 : i32
        %dma_wait3A_65 = tpu.memref_slice %arg10[%dma_wait3A_63, %dma_wait3A_64] : memref<40x128xi32, #tpu.memory_space<vmem>> -> memref<1x128xi32, #tpu.memory_space<vmem>>
        %dma_wait3A_66 = tpu.memref_squeeze %dma_wait3A_65 : memref<1x128xi32, #tpu.memory_space<vmem>> -> memref<128xi32, #tpu.memory_space<vmem>>
        %dma_wait3A_67 = arith.constant 0 : i32
        %dma_wait3A_68 = arith.constant 0 : i32
        %dma_wait3A_69 = tpu.memref_slice %arg8[%dma_wait3A_67, %dma_wait3A_68] : memref<10240x64xf32, #tpu.memory_space<vmem_shared>> -> memref<10240x64xf32, #tpu.memory_space<vmem_shared>>
        tpu.wait_indirect_dma semaphore(%arg16 : memref<!tpu.dma_semaphore, #tpu.memory_space<semaphore_mem>>) src(%arg12 : memref<128x64xf32, #tpu.memory_space<vmem>>) dst(%dma_wait3A_69 : memref<10240x64xf32, #tpu.memory_space<vmem_shared>>)
      }
      %scan3A_35 = arith.constant 2 : i32
    } else {
    }
    %eq3A_13 = arith.constant 1 : i32
    %eq3A_14 = arith.cmpi eq, %arg0, %eq3A_13 : i32
    %convert_element_type3A_15 = arith.extui %eq3A_14 : i1 to i32
    %cond3A_16 = arith.constant 0 : i32
    %cond3A_17 = arith.cmpi ne, %convert_element_type3A_15, %cond3A_16 : i32
    scf.if %cond3A_17 {
      %add3A = arith.constant 16 : i32
      %add3A_29 = arith.addi %add3A, %arg1 : i32
      %mul3A_30 = arith.constant 80 : i32
      %mul3A_31 = arith.muli %add3A_29, %mul3A_30 : i32
      %scan3A_32 = arith.constant 0 : i32
      %scan3A_33 = arith.constant 2 : i32
      %scan3A_34 = arith.addi %scan3A_32, %scan3A_33 : i32
      %scan3A_35 = arith.constant 1 : i32
      scf.for %scan3A_37 = %scan3A_32 to %scan3A_34 step %scan3A_35  : i32 {
        %mul3A_38 = arith.constant 1 : i32
        %mul3A_39 = arith.muli %scan3A_37, %mul3A_38 : i32
        %add3A_40 = arith.constant 0 : i32
        %add3A_41 = arith.addi %add3A_40, %mul3A_39 : i32
        %mul3A_42 = arith.constant 40 : i32
        %mul3A_43 = arith.muli %add3A_41, %mul3A_42 : i32
        %add3A_44 = arith.addi %mul3A_31, %mul3A_43 : i32
        "tpu.region"() ({
          %run_scoped3A = tpu.sem_alloc : memref<!tpu.dma_semaphore, #tpu.memory_space<semaphore_mem>>
          %dma_start3A_72 = arith.constant 0 : i32
          %dma_start3A_73 = tpu.memref_slice %arg4[%add3A_44, %dma_start3A_72] : memref<2560x128xi32, #tpu.memory_space<hbm>> -> memref<40x128xi32, #tpu.memory_space<hbm>>
          %dma_start3A_74 = arith.constant 0 : i32
          %dma_start3A_75 = tpu.memref_slice %arg4[%add3A_44, %dma_start3A_74] : memref<2560x128xi32, #tpu.memory_space<hbm>> -> memref<40x128xi32, #tpu.memory_space<hbm>>
          tpu.enqueue_dma source(%dma_start3A_75 : memref<40x128xi32, #tpu.memory_space<hbm>>) target(%arg9 : memref<40x128xi32, #tpu.memory_space<vmem>>) target_semaphore(%run_scoped3A : memref<!tpu.dma_semaphore, #tpu.memory_space<semaphore_mem>>)
          %dma_wait3A_76 = arith.constant 0 : i32
          %dma_wait3A_77 = tpu.memref_slice %arg4[%add3A_44, %dma_wait3A_76] : memref<2560x128xi32, #tpu.memory_space<hbm>> -> memref<40x128xi32, #tpu.memory_space<hbm>>
          %dma_wait3A_78 = arith.constant 0 : i32
          %dma_wait3A_79 = tpu.memref_slice %arg4[%add3A_44, %dma_wait3A_78] : memref<2560x128xi32, #tpu.memory_space<hbm>> -> memref<40x128xi32, #tpu.memory_space<hbm>>
          tpu.wait_dma2 semaphore(%run_scoped3A : memref<!tpu.dma_semaphore, #tpu.memory_space<semaphore_mem>>) src(%dma_wait3A_79 : memref<40x128xi32, #tpu.memory_space<hbm>>) dst(%arg9 : memref<40x128xi32, #tpu.memory_space<vmem>>)
          tpu.yield
        }) : () -> ()
        %mul3A_45 = arith.constant 40 : i32
        %mul3A_46 = arith.muli %add3A_41, %mul3A_45 : i32
        %add3A_47 = arith.addi %mul3A_31, %mul3A_46 : i32
        "tpu.region"() ({
          %run_scoped3A = tpu.sem_alloc : memref<!tpu.dma_semaphore, #tpu.memory_space<semaphore_mem>>
          %dma_start3A_72 = arith.constant 0 : i32
          %dma_start3A_73 = tpu.memref_slice %arg5[%add3A_47, %dma_start3A_72] : memref<2560x128xi32, #tpu.memory_space<hbm>> -> memref<40x128xi32, #tpu.memory_space<hbm>>
          %dma_start3A_74 = arith.constant 0 : i32
          %dma_start3A_75 = tpu.memref_slice %arg5[%add3A_47, %dma_start3A_74] : memref<2560x128xi32, #tpu.memory_space<hbm>> -> memref<40x128xi32, #tpu.memory_space<hbm>>
          tpu.enqueue_dma source(%dma_start3A_75 : memref<40x128xi32, #tpu.memory_space<hbm>>) target(%arg10 : memref<40x128xi32, #tpu.memory_space<vmem>>) target_semaphore(%run_scoped3A : memref<!tpu.dma_semaphore, #tpu.memory_space<semaphore_mem>>)
          %dma_wait3A_76 = arith.constant 0 : i32
          %dma_wait3A_77 = tpu.memref_slice %arg5[%add3A_47, %dma_wait3A_76] : memref<2560x128xi32, #tpu.memory_space<hbm>> -> memref<40x128xi32, #tpu.memory_space<hbm>>
          %dma_wait3A_78 = arith.constant 0 : i32
          %dma_wait3A_79 = tpu.memref_slice %arg5[%add3A_47, %dma_wait3A_78] : memref<2560x128xi32, #tpu.memory_space<hbm>> -> memref<40x128xi32, #tpu.memory_space<hbm>>
          tpu.wait_dma2 semaphore(%run_scoped3A : memref<!tpu.dma_semaphore, #tpu.memory_space<semaphore_mem>>) src(%dma_wait3A_79 : memref<40x128xi32, #tpu.memory_space<hbm>>) dst(%arg10 : memref<40x128xi32, #tpu.memory_space<vmem>>)
          tpu.yield
        }) : () -> ()
        %dma_start3A = arith.constant 0 : i32
        %dma_start3A_48 = arith.constant 0 : i32
        %dma_start3A_49 = tpu.memref_slice %arg9[%dma_start3A, %dma_start3A_48] : memref<40x128xi32, #tpu.memory_space<vmem>> -> memref<1x128xi32, #tpu.memory_space<vmem>>
        %dma_start3A_50 = tpu.memref_squeeze %dma_start3A_49 : memref<1x128xi32, #tpu.memory_space<vmem>> -> memref<128xi32, #tpu.memory_space<vmem>>
        %dma_start3A_51 = arith.constant 0 : i32
        %dma_start3A_52 = arith.constant 0 : i32
        %dma_start3A_53 = tpu.memref_slice %arg3[%dma_start3A_51, %dma_start3A_52] : memref<10240x64xf32, #tpu.memory_space<hbm>> -> memref<10240x64xf32, #tpu.memory_space<hbm>>
        tpu.enqueue_indirect_dma source(%dma_start3A_53 : memref<10240x64xf32, #tpu.memory_space<hbm>>) target(%arg11 : memref<128x64xf32, #tpu.memory_space<vmem>>) offsets(%dma_start3A_50 : memref<128xi32, #tpu.memory_space<vmem>>) semaphore(%arg13 : memref<!tpu.dma_semaphore, #tpu.memory_space<semaphore_mem>>)
        %scan3A_54 = arith.constant 0 : i32
        %scan3A_55 = arith.constant 20 : i32
        %scan3A_56 = arith.addi %scan3A_54, %scan3A_55 : i32
        %scan3A_57 = arith.constant 1 : i32
        scf.for %scan3A_72 = %scan3A_54 to %scan3A_56 step %scan3A_57  : i32 {
          %mul3A_73 = arith.constant 2 : i32
          %mul3A_74 = arith.muli %scan3A_72, %mul3A_73 : i32
          %add3A_75 = arith.constant 0 : i32
          %add3A_76 = arith.addi %add3A_75, %mul3A_74 : i32
          %dma_wait3A_77 = arith.constant 0 : i32
          %dma_wait3A_78 = tpu.memref_slice %arg9[%add3A_76, %dma_wait3A_77] : memref<40x128xi32, #tpu.memory_space<vmem>> -> memref<1x128xi32, #tpu.memory_space<vmem>>
          %dma_wait3A_79 = tpu.memref_squeeze %dma_wait3A_78 : memref<1x128xi32, #tpu.memory_space<vmem>> -> memref<128xi32, #tpu.memory_space<vmem>>
          %dma_wait3A_80 = arith.constant 0 : i32
          %dma_wait3A_81 = arith.constant 0 : i32
          %dma_wait3A_82 = tpu.memref_slice %arg3[%dma_wait3A_80, %dma_wait3A_81] : memref<10240x64xf32, #tpu.memory_space<hbm>> -> memref<10240x64xf32, #tpu.memory_space<hbm>>
          tpu.wait_indirect_dma semaphore(%arg13 : memref<!tpu.dma_semaphore, #tpu.memory_space<semaphore_mem>>) src(%dma_wait3A_82 : memref<10240x64xf32, #tpu.memory_space<hbm>>) dst(%arg11 : memref<128x64xf32, #tpu.memory_space<vmem>>)
          %add3A_83 = arith.constant 1 : i32
          %add3A_84 = arith.addi %add3A_76, %add3A_83 : i32
          %lt3A = arith.constant 40 : i32
          %lt3A_85 = arith.cmpi slt, %add3A_84, %lt3A : i32
          %convert_element_type3A_86 = arith.extui %lt3A_85 : i1 to i32
          %cond3A_87 = arith.constant 0 : i32
          %cond3A_88 = arith.cmpi ne, %convert_element_type3A_86, %cond3A_87 : i32
          scf.if %cond3A_88 {
            %ge3A = arith.constant 1 : i32
            %ge3A_116 = arith.cmpi sge, %add3A_76, %ge3A : i32
            %convert_element_type3A_117 = arith.extui %ge3A_116 : i1 to i32
            %cond3A_118 = arith.constant 0 : i32
            %cond3A_119 = arith.cmpi ne, %convert_element_type3A_117, %cond3A_118 : i32
            scf.if %cond3A_119 {
              %dma_wait3A_128 = arith.constant 0 : i32
              %dma_wait3A_129 = arith.constant 0 : i32
              %dma_wait3A_130 = tpu.memref_slice %arg10[%dma_wait3A_128, %dma_wait3A_129] : memref<40x128xi32, #tpu.memory_space<vmem>> -> memref<1x128xi32, #tpu.memory_space<vmem>>
              %dma_wait3A_131 = tpu.memref_squeeze %dma_wait3A_130 : memref<1x128xi32, #tpu.memory_space<vmem>> -> memref<128xi32, #tpu.memory_space<vmem>>
              %dma_wait3A_132 = arith.constant 0 : i32
              %dma_wait3A_133 = arith.constant 0 : i32
              %dma_wait3A_134 = tpu.memref_slice %arg8[%dma_wait3A_132, %dma_wait3A_133] : memref<10240x64xf32, #tpu.memory_space<vmem_shared>> -> memref<10240x64xf32, #tpu.memory_space<vmem_shared>>
              tpu.wait_indirect_dma semaphore(%arg16 : memref<!tpu.dma_semaphore, #tpu.memory_space<semaphore_mem>>) src(%arg12 : memref<128x64xf32, #tpu.memory_space<vmem>>) dst(%dma_wait3A_134 : memref<10240x64xf32, #tpu.memory_space<vmem_shared>>)
            } else {
            }
            %add3A_120 = arith.constant 1 : i32
            %add3A_121 = arith.addi %add3A_76, %add3A_120 : i32
            %dma_start3A_122 = arith.constant 0 : i32
            %dma_start3A_123 = tpu.memref_slice %arg9[%add3A_121, %dma_start3A_122] : memref<40x128xi32, #tpu.memory_space<vmem>> -> memref<1x128xi32, #tpu.memory_space<vmem>>
            %dma_start3A_124 = tpu.memref_squeeze %dma_start3A_123 : memref<1x128xi32, #tpu.memory_space<vmem>> -> memref<128xi32, #tpu.memory_space<vmem>>
            %dma_start3A_125 = arith.constant 0 : i32
            %dma_start3A_126 = arith.constant 0 : i32
            %dma_start3A_127 = tpu.memref_slice %arg3[%dma_start3A_125, %dma_start3A_126] : memref<10240x64xf32, #tpu.memory_space<hbm>> -> memref<10240x64xf32, #tpu.memory_space<hbm>>
            tpu.enqueue_indirect_dma source(%dma_start3A_127 : memref<10240x64xf32, #tpu.memory_space<hbm>>) target(%arg12 : memref<128x64xf32, #tpu.memory_space<vmem>>) offsets(%dma_start3A_124 : memref<128xi32, #tpu.memory_space<vmem>>) semaphore(%arg14 : memref<!tpu.dma_semaphore, #tpu.memory_space<semaphore_mem>>)
          } else {
          }
          %dma_start3A_89 = arith.constant 0 : i32
          %dma_start3A_90 = tpu.memref_slice %arg10[%add3A_76, %dma_start3A_89] : memref<40x128xi32, #tpu.memory_space<vmem>> -> memref<1x128xi32, #tpu.memory_space<vmem>>
          %dma_start3A_91 = tpu.memref_squeeze %dma_start3A_90 : memref<1x128xi32, #tpu.memory_space<vmem>> -> memref<128xi32, #tpu.memory_space<vmem>>
          %dma_start3A_92 = arith.constant 0 : i32
          %dma_start3A_93 = arith.constant 0 : i32
          %dma_start3A_94 = tpu.memref_slice %arg8[%dma_start3A_92, %dma_start3A_93] : memref<10240x64xf32, #tpu.memory_space<vmem_shared>> -> memref<10240x64xf32, #tpu.memory_space<vmem_shared>>
          tpu.enqueue_indirect_dma source(%arg11 : memref<128x64xf32, #tpu.memory_space<vmem>>) target(%dma_start3A_94 : memref<10240x64xf32, #tpu.memory_space<vmem_shared>>) offsets(%dma_start3A_91 : memref<128xi32, #tpu.memory_space<vmem>>) semaphore(%arg15 : memref<!tpu.dma_semaphore, #tpu.memory_space<semaphore_mem>>) {add = true}
          %add3A_95 = arith.constant 1 : i32
          %add3A_96 = arith.addi %add3A_76, %add3A_95 : i32
          %dma_wait3A_97 = arith.constant 0 : i32
          %dma_wait3A_98 = tpu.memref_slice %arg9[%add3A_96, %dma_wait3A_97] : memref<40x128xi32, #tpu.memory_space<vmem>> -> memref<1x128xi32, #tpu.memory_space<vmem>>
          %dma_wait3A_99 = tpu.memref_squeeze %dma_wait3A_98 : memref<1x128xi32, #tpu.memory_space<vmem>> -> memref<128xi32, #tpu.memory_space<vmem>>
          %dma_wait3A_100 = arith.constant 0 : i32
          %dma_wait3A_101 = arith.constant 0 : i32
          %dma_wait3A_102 = tpu.memref_slice %arg3[%dma_wait3A_100, %dma_wait3A_101] : memref<10240x64xf32, #tpu.memory_space<hbm>> -> memref<10240x64xf32, #tpu.memory_space<hbm>>
          tpu.wait_indirect_dma semaphore(%arg14 : memref<!tpu.dma_semaphore, #tpu.memory_space<semaphore_mem>>) src(%dma_wait3A_102 : memref<10240x64xf32, #tpu.memory_space<hbm>>) dst(%arg12 : memref<128x64xf32, #tpu.memory_space<vmem>>)
          %add3A_103 = arith.constant 1 : i32
          %add3A_104 = arith.addi %add3A_96, %add3A_103 : i32
          %lt3A_105 = arith.constant 40 : i32
          %lt3A_106 = arith.cmpi slt, %add3A_104, %lt3A_105 : i32
          %convert_element_type3A_107 = arith.extui %lt3A_106 : i1 to i32
          %cond3A_108 = arith.constant 0 : i32
          %cond3A_109 = arith.cmpi ne, %convert_element_type3A_107, %cond3A_108 : i32
          scf.if %cond3A_109 {
            %ge3A = arith.constant 1 : i32
            %ge3A_116 = arith.cmpi sge, %add3A_96, %ge3A : i32
            %convert_element_type3A_117 = arith.extui %ge3A_116 : i1 to i32
            %cond3A_118 = arith.constant 0 : i32
            %cond3A_119 = arith.cmpi ne, %convert_element_type3A_117, %cond3A_118 : i32
            scf.if %cond3A_119 {
              %dma_wait3A_128 = arith.constant 0 : i32
              %dma_wait3A_129 = arith.constant 0 : i32
              %dma_wait3A_130 = tpu.memref_slice %arg10[%dma_wait3A_128, %dma_wait3A_129] : memref<40x128xi32, #tpu.memory_space<vmem>> -> memref<1x128xi32, #tpu.memory_space<vmem>>
              %dma_wait3A_131 = tpu.memref_squeeze %dma_wait3A_130 : memref<1x128xi32, #tpu.memory_space<vmem>> -> memref<128xi32, #tpu.memory_space<vmem>>
              %dma_wait3A_132 = arith.constant 0 : i32
              %dma_wait3A_133 = arith.constant 0 : i32
              %dma_wait3A_134 = tpu.memref_slice %arg8[%dma_wait3A_132, %dma_wait3A_133] : memref<10240x64xf32, #tpu.memory_space<vmem_shared>> -> memref<10240x64xf32, #tpu.memory_space<vmem_shared>>
              tpu.wait_indirect_dma semaphore(%arg15 : memref<!tpu.dma_semaphore, #tpu.memory_space<semaphore_mem>>) src(%arg11 : memref<128x64xf32, #tpu.memory_space<vmem>>) dst(%dma_wait3A_134 : memref<10240x64xf32, #tpu.memory_space<vmem_shared>>)
            } else {
            }
            %add3A_120 = arith.constant 1 : i32
            %add3A_121 = arith.addi %add3A_96, %add3A_120 : i32
            %dma_start3A_122 = arith.constant 0 : i32
            %dma_start3A_123 = tpu.memref_slice %arg9[%add3A_121, %dma_start3A_122] : memref<40x128xi32, #tpu.memory_space<vmem>> -> memref<1x128xi32, #tpu.memory_space<vmem>>
            %dma_start3A_124 = tpu.memref_squeeze %dma_start3A_123 : memref<1x128xi32, #tpu.memory_space<vmem>> -> memref<128xi32, #tpu.memory_space<vmem>>
            %dma_start3A_125 = arith.constant 0 : i32
            %dma_start3A_126 = arith.constant 0 : i32
            %dma_start3A_127 = tpu.memref_slice %arg3[%dma_start3A_125, %dma_start3A_126] : memref<10240x64xf32, #tpu.memory_space<hbm>> -> memref<10240x64xf32, #tpu.memory_space<hbm>>
            tpu.enqueue_indirect_dma source(%dma_start3A_127 : memref<10240x64xf32, #tpu.memory_space<hbm>>) target(%arg11 : memref<128x64xf32, #tpu.memory_space<vmem>>) offsets(%dma_start3A_124 : memref<128xi32, #tpu.memory_space<vmem>>) semaphore(%arg13 : memref<!tpu.dma_semaphore, #tpu.memory_space<semaphore_mem>>)
          } else {
          }
          %dma_start3A_110 = arith.constant 0 : i32
          %dma_start3A_111 = tpu.memref_slice %arg10[%add3A_96, %dma_start3A_110] : memref<40x128xi32, #tpu.memory_space<vmem>> -> memref<1x128xi32, #tpu.memory_space<vmem>>
          %dma_start3A_112 = tpu.memref_squeeze %dma_start3A_111 : memref<1x128xi32, #tpu.memory_space<vmem>> -> memref<128xi32, #tpu.memory_space<vmem>>
          %dma_start3A_113 = arith.constant 0 : i32
          %dma_start3A_114 = arith.constant 0 : i32
          %dma_start3A_115 = tpu.memref_slice %arg8[%dma_start3A_113, %dma_start3A_114] : memref<10240x64xf32, #tpu.memory_space<vmem_shared>> -> memref<10240x64xf32, #tpu.memory_space<vmem_shared>>
          tpu.enqueue_indirect_dma source(%arg12 : memref<128x64xf32, #tpu.memory_space<vmem>>) target(%dma_start3A_115 : memref<10240x64xf32, #tpu.memory_space<vmem_shared>>) offsets(%dma_start3A_112 : memref<128xi32, #tpu.memory_space<vmem>>) semaphore(%arg16 : memref<!tpu.dma_semaphore, #tpu.memory_space<semaphore_mem>>) {add = true}
        }
        %scan3A_58 = arith.constant 20 : i32
        %dma_wait3A = arith.constant 0 : i32
        %dma_wait3A_59 = arith.constant 0 : i32
        %dma_wait3A_60 = tpu.memref_slice %arg10[%dma_wait3A, %dma_wait3A_59] : memref<40x128xi32, #tpu.memory_space<vmem>> -> memref<1x128xi32, #tpu.memory_space<vmem>>
        %dma_wait3A_61 = tpu.memref_squeeze %dma_wait3A_60 : memref<1x128xi32, #tpu.memory_space<vmem>> -> memref<128xi32, #tpu.memory_space<vmem>>
        %dma_wait3A_62 = arith.constant 0 : i32
        %dma_wait3A_63 = arith.constant 0 : i32
        %dma_wait3A_64 = tpu.memref_slice %arg8[%dma_wait3A_62, %dma_wait3A_63] : memref<10240x64xf32, #tpu.memory_space<vmem_shared>> -> memref<10240x64xf32, #tpu.memory_space<vmem_shared>>
        tpu.wait_indirect_dma semaphore(%arg15 : memref<!tpu.dma_semaphore, #tpu.memory_space<semaphore_mem>>) src(%arg11 : memref<128x64xf32, #tpu.memory_space<vmem>>) dst(%dma_wait3A_64 : memref<10240x64xf32, #tpu.memory_space<vmem_shared>>)
        %dma_wait3A_65 = arith.constant 0 : i32
        %dma_wait3A_66 = arith.constant 0 : i32
        %dma_wait3A_67 = tpu.memref_slice %arg10[%dma_wait3A_65, %dma_wait3A_66] : memref<40x128xi32, #tpu.memory_space<vmem>> -> memref<1x128xi32, #tpu.memory_space<vmem>>
        %dma_wait3A_68 = tpu.memref_squeeze %dma_wait3A_67 : memref<1x128xi32, #tpu.memory_space<vmem>> -> memref<128xi32, #tpu.memory_space<vmem>>
        %dma_wait3A_69 = arith.constant 0 : i32
        %dma_wait3A_70 = arith.constant 0 : i32
        %dma_wait3A_71 = tpu.memref_slice %arg8[%dma_wait3A_69, %dma_wait3A_70] : memref<10240x64xf32, #tpu.memory_space<vmem_shared>> -> memref<10240x64xf32, #tpu.memory_space<vmem_shared>>
        tpu.wait_indirect_dma semaphore(%arg16 : memref<!tpu.dma_semaphore, #tpu.memory_space<semaphore_mem>>) src(%arg12 : memref<128x64xf32, #tpu.memory_space<vmem>>) dst(%dma_wait3A_71 : memref<10240x64xf32, #tpu.memory_space<vmem_shared>>)
      }
      %scan3A_36 = arith.constant 2 : i32
    } else {
    }
    %barrier3A_18 = arith.constant 0 : index
    tpu.barrier barrier_id(%barrier3A_18)
    %eq3A_19 = arith.constant 0 : i32
    %eq3A_20 = arith.cmpi eq, %arg0, %eq3A_19 : i32
    %convert_element_type3A_21 = arith.extui %eq3A_20 : i1 to i32
    %cond3A_22 = arith.constant 0 : i32
    %cond3A_23 = arith.cmpi ne, %convert_element_type3A_21, %cond3A_22 : i32
    scf.if %cond3A_23 {
      "tpu.region"() ({
        %run_scoped3A = tpu.sem_alloc : memref<!tpu.dma_semaphore, #tpu.memory_space<semaphore_mem>>
        %dma_start3A = arith.constant 0 : i32
        %dma_start3A_29 = tpu.memref_slice %arg6[%mul3A_0, %dma_start3A] : memref<10240x64xf32, #tpu.memory_space<hbm>> -> memref<640x64xf32, #tpu.memory_space<hbm>>
        %dma_start3A_30 = arith.constant 0 : i32
        %dma_start3A_31 = tpu.memref_slice %arg8[%mul3A_0, %dma_start3A_30] : memref<10240x64xf32, #tpu.memory_space<vmem_shared>> -> memref<640x64xf32, #tpu.memory_space<vmem_shared>>
        tpu.enqueue_dma source(%dma_start3A_31 : memref<640x64xf32, #tpu.memory_space<vmem_shared>>) target(%dma_start3A_29 : memref<640x64xf32, #tpu.memory_space<hbm>>) target_semaphore(%run_scoped3A : memref<!tpu.dma_semaphore, #tpu.memory_space<semaphore_mem>>)
        %dma_wait3A = arith.constant 0 : i32
        %dma_wait3A_32 = tpu.memref_slice %arg6[%mul3A_0, %dma_wait3A] : memref<10240x64xf32, #tpu.memory_space<hbm>> -> memref<640x64xf32, #tpu.memory_space<hbm>>
        %dma_wait3A_33 = arith.constant 0 : i32
        %dma_wait3A_34 = tpu.memref_slice %arg8[%mul3A_0, %dma_wait3A_33] : memref<10240x64xf32, #tpu.memory_space<vmem_shared>> -> memref<640x64xf32, #tpu.memory_space<vmem_shared>>
        tpu.wait_dma2 semaphore(%run_scoped3A : memref<!tpu.dma_semaphore, #tpu.memory_space<semaphore_mem>>) src(%dma_wait3A_34 : memref<640x64xf32, #tpu.memory_space<vmem_shared>>) dst(%dma_wait3A_32 : memref<640x64xf32, #tpu.memory_space<hbm>>)
        tpu.yield
      }) : () -> ()
    } else {
    }
    %eq3A_24 = arith.constant 1 : i32
    %eq3A_25 = arith.cmpi eq, %arg0, %eq3A_24 : i32
    %convert_element_type3A_26 = arith.extui %eq3A_25 : i1 to i32
    %cond3A_27 = arith.constant 0 : i32
    %cond3A_28 = arith.cmpi ne, %convert_element_type3A_26, %cond3A_27 : i32
    scf.if %cond3A_28 {
      "tpu.region"() ({
        %run_scoped3A = tpu.sem_alloc : memref<!tpu.dma_semaphore, #tpu.memory_space<semaphore_mem>>
        %dma_start3A = arith.constant 0 : i32
        %dma_start3A_29 = tpu.memref_slice %arg7[%mul3A_0, %dma_start3A] : memref<10240x64xf32, #tpu.memory_space<hbm>> -> memref<640x64xf32, #tpu.memory_space<hbm>>
        %dma_start3A_30 = arith.constant 0 : i32
        %dma_start3A_31 = tpu.memref_slice %arg8[%mul3A_0, %dma_start3A_30] : memref<10240x64xf32, #tpu.memory_space<vmem_shared>> -> memref<640x64xf32, #tpu.memory_space<vmem_shared>>
        tpu.enqueue_dma source(%dma_start3A_31 : memref<640x64xf32, #tpu.memory_space<vmem_shared>>) target(%dma_start3A_29 : memref<640x64xf32, #tpu.memory_space<hbm>>) target_semaphore(%run_scoped3A : memref<!tpu.dma_semaphore, #tpu.memory_space<semaphore_mem>>)
        %dma_wait3A = arith.constant 0 : i32
        %dma_wait3A_32 = tpu.memref_slice %arg7[%mul3A_0, %dma_wait3A] : memref<10240x64xf32, #tpu.memory_space<hbm>> -> memref<640x64xf32, #tpu.memory_space<hbm>>
        %dma_wait3A_33 = arith.constant 0 : i32
        %dma_wait3A_34 = tpu.memref_slice %arg8[%mul3A_0, %dma_wait3A_33] : memref<10240x64xf32, #tpu.memory_space<vmem_shared>> -> memref<640x64xf32, #tpu.memory_space<vmem_shared>>
        tpu.wait_dma2 semaphore(%run_scoped3A : memref<!tpu.dma_semaphore, #tpu.memory_space<semaphore_mem>>) src(%dma_wait3A_34 : memref<640x64xf32, #tpu.memory_space<vmem_shared>>) dst(%dma_wait3A_32 : memref<640x64xf32, #tpu.memory_space<hbm>>)
        tpu.yield
      }) : () -> ()
    } else {
    }
    return
  }
}

module attributes {stable_mosaic.version = 14 : i64} {
  func.func @_tcA_body(%arg0: i32, %arg1: memref<5120x16xf32, #tpu.memory_space<vmem>>, %arg2: memref<5120x16xf32, #tpu.memory_space<vmem>>, %arg3: memref<5120x16xf32, #tpu.memory_space<vmem>>, %arg4: memref<5120x16xf32, #tpu.memory_space<vmem>>, %arg5: memref<5120x128xf32, #tpu.memory_space<vmem>>, %arg6: memref<5120x128xf32, #tpu.memory_space<vmem>>, %arg7: memref<5120x1xf32, #tpu.memory_space<vmem>>, %arg8: memref<5120x1xf32, #tpu.memory_space<vmem>>) attributes {dimension_semantics = [#tpu.dimension_semantics<arbitrary>], iteration_bounds = array<i64: 2>, scalar_prefetch = 0 : i64, scratch_operands = 0 : i64, tpu.core_type = #tpu.core_type<tc>, window_params = [{transform_indices = @transform_0, window_bounds = array<i64: 5120, 16>}, {transform_indices = @transform_1, window_bounds = array<i64: 5120, 16>}, {transform_indices = @transform_2, window_bounds = array<i64: 5120, 16>}, {transform_indices = @transform_3, window_bounds = array<i64: 5120, 16>}, {transform_indices = @transform_4, window_bounds = array<i64: 5120, 128>}, {transform_indices = @transform_5, window_bounds = array<i64: 5120, 128>}, {transform_indices = @transform_6, window_bounds = array<i64: 5120, 1>}, {transform_indices = @transform_7, window_bounds = array<i64: 5120, 1>}]} {
    %get3A = arith.constant 0 : index
    %get3A_0 = arith.constant 0 : index
    %get3A_1 = vector.load %arg1[%get3A, %get3A_0] : memref<5120x16xf32, #tpu.memory_space<vmem>>, vector<5120x1xf32>
    %get3A_2 = vector.shape_cast %get3A_1 : vector<5120x1xf32> to vector<5120xf32>
    %get3A_3 = arith.constant 0 : index
    %get3A_4 = arith.constant 0 : index
    %get3A_5 = vector.load %arg2[%get3A_3, %get3A_4] : memref<5120x16xf32, #tpu.memory_space<vmem>>, vector<5120x1xf32>
    %get3A_6 = vector.shape_cast %get3A_5 : vector<5120x1xf32> to vector<5120xf32>
    %add3A = arith.addf %get3A_2, %get3A_6 : vector<5120xf32>
    %get3A_7 = arith.constant 0 : index
    %get3A_8 = arith.constant 0 : index
    %get3A_9 = vector.load %arg3[%get3A_7, %get3A_8] : memref<5120x16xf32, #tpu.memory_space<vmem>>, vector<5120x1xf32>
    %get3A_10 = vector.shape_cast %get3A_9 : vector<5120x1xf32> to vector<5120xf32>
    %get3A_11 = arith.constant 0 : index
    %get3A_12 = arith.constant 0 : index
    %get3A_13 = vector.load %arg4[%get3A_11, %get3A_12] : memref<5120x16xf32, #tpu.memory_space<vmem>>, vector<5120x1xf32>
    %get3A_14 = vector.shape_cast %get3A_13 : vector<5120x1xf32> to vector<5120xf32>
    %add3A_15 = arith.addf %get3A_10, %get3A_14 : vector<5120xf32>
    %max3A = arith.constant 1.000000e+00 : f32
    %max3A_16 = vector.broadcast %max3A : f32 to vector<5120xf32>
    %max3A_17 = arith.maximumf %add3A, %max3A_16 : vector<5120xf32>
    %rsqrt3A = math.rsqrt %max3A_17 : vector<5120xf32>
    %max3A_18 = arith.constant 1.000000e+00 : f32
    %max3A_19 = vector.broadcast %max3A_18 : f32 to vector<5120xf32>
    %max3A_20 = arith.maximumf %add3A_15, %max3A_19 : vector<5120xf32>
    %rsqrt3A_21 = math.rsqrt %max3A_20 : vector<5120xf32>
    %get3A_22 = arith.constant 0 : index
    %get3A_23 = arith.constant 0 : index
    %get3A_24 = vector.load %arg5[%get3A_22, %get3A_23] : memref<5120x128xf32, #tpu.memory_space<vmem>>, vector<5120x128xf32>
    %broadcast_in_dim3A = vector.shape_cast %rsqrt3A : vector<5120xf32> to vector<5120x1xf32>
    %mul3A = vector.broadcast %broadcast_in_dim3A : vector<5120x1xf32> to vector<5120x128xf32>
    %mul3A_25 = arith.mulf %get3A_24, %mul3A : vector<5120x128xf32>
    %swap3A = arith.constant 0 : index
    %swap3A_26 = arith.constant 0 : index
    %swap3A_27 = vector.load %arg6[%swap3A, %swap3A_26] : memref<5120x128xf32, #tpu.memory_space<vmem>>, vector<5120x128xf32>
    tpu.vector_store %arg6[%swap3A, %swap3A_26], %mul3A_25 {strides = array<i32>} : memref<5120x128xf32, #tpu.memory_space<vmem>>, vector<5120x128xf32>,
    %broadcast_in_dim3A_28 = vector.shape_cast %rsqrt3A : vector<5120xf32> to vector<5120x1xf32>
    %swap3A_29 = arith.constant 0 : index
    %swap3A_30 = arith.constant 0 : index
    %swap3A_31 = vector.load %arg7[%swap3A_29, %swap3A_30] : memref<5120x1xf32, #tpu.memory_space<vmem>>, vector<5120x1xf32>
    tpu.vector_store %arg7[%swap3A_29, %swap3A_30], %broadcast_in_dim3A_28 {strides = array<i32>} : memref<5120x1xf32, #tpu.memory_space<vmem>>, vector<5120x1xf32>,
    %broadcast_in_dim3A_32 = vector.shape_cast %rsqrt3A_21 : vector<5120xf32> to vector<5120x1xf32>
    %swap3A_33 = arith.constant 0 : index
    %swap3A_34 = arith.constant 0 : index
    %swap3A_35 = vector.load %arg8[%swap3A_33, %swap3A_34] : memref<5120x1xf32, #tpu.memory_space<vmem>>, vector<5120x1xf32>
    tpu.vector_store %arg8[%swap3A_33, %swap3A_34], %broadcast_in_dim3A_32 {strides = array<i32>} : memref<5120x1xf32, #tpu.memory_space<vmem>>, vector<5120x1xf32>,
    return
  }
  func.func @transform_0(%arg0: i32) -> (i32, i32) {
    %c0_i32 = arith.constant 0 : i32
    %c0_i32_0 = arith.constant 0 : i32
    return %arg0, %c0_i32 : i32, i32
  }
  func.func @transform_1(%arg0: i32) -> (i32, i32) {
    %c0_i32 = arith.constant 0 : i32
    %c0_i32_0 = arith.constant 0 : i32
    return %arg0, %c0_i32 : i32, i32
  }
  func.func @transform_2(%arg0: i32) -> (i32, i32) {
    %c0_i32 = arith.constant 0 : i32
    %c0_i32_0 = arith.constant 0 : i32
    return %arg0, %c0_i32 : i32, i32
  }
  func.func @transform_3(%arg0: i32) -> (i32, i32) {
    %c0_i32 = arith.constant 0 : i32
    %c0_i32_0 = arith.constant 0 : i32
    return %arg0, %c0_i32 : i32, i32
  }
  func.func @transform_4(%arg0: i32) -> (i32, i32) {
    %c0_i32 = arith.constant 0 : i32
    %c0_i32_0 = arith.constant 0 : i32
    return %arg0, %c0_i32 : i32, i32
  }
  func.func @transform_5(%arg0: i32) -> (i32, i32) {
    %c0_i32 = arith.constant 0 : i32
    %c0_i32_0 = arith.constant 0 : i32
    return %arg0, %c0_i32 : i32, i32
  }
  func.func @transform_6(%arg0: i32) -> (i32, i32) {
    %c0_i32 = arith.constant 0 : i32
    %c0_i32_0 = arith.constant 0 : i32
    return %arg0, %c0_i32 : i32, i32
  }
  func.func @transform_7(%arg0: i32) -> (i32, i32) {
    %c0_i32 = arith.constant 0 : i32
    %c0_i32_0 = arith.constant 0 : i32
    return %arg0, %c0_i32 : i32, i32
  }
}

module attributes {stable_mosaic.version = 14 : i64} {
  func.func @_tcB1_body(%arg0: i32, %arg1: memref<5120x128xf32, #tpu.memory_space<vmem>>, %arg2: memref<5120x128xf32, #tpu.memory_space<vmem>>, %arg3: memref<5120x1xf32, #tpu.memory_space<vmem>>, %arg4: memref<5120x1xf32, #tpu.memory_space<vmem>>, %arg5: memref<128x256xf32, #tpu.memory_space<vmem>>, %arg6: memref<1x256xf32, #tpu.memory_space<vmem>>, %arg7: memref<5120x128xf32, #tpu.memory_space<vmem>>, %arg8: memref<5120x128xf32, #tpu.memory_space<vmem>>) attributes {dimension_semantics = [#tpu.dimension_semantics<arbitrary>], iteration_bounds = array<i64: 2>, scalar_prefetch = 0 : i64, scratch_operands = 0 : i64, tpu.core_type = #tpu.core_type<tc>, window_params = [{transform_indices = @transform_0, window_bounds = array<i64: 5120, 128>}, {transform_indices = @transform_1, window_bounds = array<i64: 5120, 128>}, {transform_indices = @transform_2, window_bounds = array<i64: 5120, 1>}, {transform_indices = @transform_3, window_bounds = array<i64: 5120, 1>}, {pipeline_mode = #tpu.pipeline_mode<synchronous>, transform_indices = @transform_4, window_bounds = array<i64: 128, 256>}, {pipeline_mode = #tpu.pipeline_mode<synchronous>, transform_indices = @transform_5, window_bounds = array<i64: 1, 256>}, {transform_indices = @transform_6, window_bounds = array<i64: 5120, 128>}, {transform_indices = @transform_7, window_bounds = array<i64: 5120, 128>}]} {
    %get3A = arith.constant 0 : index
    %get3A_0 = arith.constant 0 : index
    %get3A_1 = vector.load %arg1[%get3A, %get3A_0] : memref<5120x128xf32, #tpu.memory_space<vmem>>, vector<5120x128xf32>
    %get3A_2 = arith.constant 0 : index
    %get3A_3 = arith.constant 0 : index
    %get3A_4 = vector.load %arg2[%get3A_2, %get3A_3] : memref<5120x128xf32, #tpu.memory_space<vmem>>, vector<5120x128xf32>
    %add3A = arith.addf %get3A_1, %get3A_4 : vector<5120x128xf32>
    %get3A_5 = arith.constant 0 : index
    %get3A_6 = arith.constant 0 : index
    %get3A_7 = vector.load %arg3[%get3A_5, %get3A_6] : memref<5120x1xf32, #tpu.memory_space<vmem>>, vector<5120x1xf32>
    %mul3A = vector.broadcast %get3A_7 : vector<5120x1xf32> to vector<5120x128xf32>
    %mul3A_8 = arith.mulf %add3A, %mul3A : vector<5120x128xf32>
    %get3A_9 = arith.constant 0 : index
    %get3A_10 = arith.constant 0 : index
    %get3A_11 = vector.load %arg5[%get3A_9, %get3A_10] : memref<128x256xf32, #tpu.memory_space<vmem>>, vector<128x256xf32>
    %dot_general3A = arith.constant dense<0.000000e+00> : vector<5120x256xf32>
    %dot_general3A_12 = tpu.matmul %mul3A_8, %get3A_11, %dot_general3A {dimension_numbers = #tpu.dot_dimension_numbers<[1], [0], [0], [1], [0, 0, 1, 1], [], []>, transpose_lhs_hint = false} : vector<5120x128xf32>, vector<128x256xf32>, vector<5120x256xf32> -> vector<5120x256xf32>
    %get3A_13 = arith.constant 0 : index
    %get3A_14 = arith.constant 0 : index
    %get3A_15 = vector.load %arg6[%get3A_13, %get3A_14] : memref<1x256xf32, #tpu.memory_space<vmem>>, vector<1x256xf32>
    %add3A_16 = vector.broadcast %get3A_15 : vector<1x256xf32> to vector<5120x256xf32>
    %add3A_17 = arith.addf %dot_general3A_12, %add3A_16 : vector<5120x256xf32>
    %max3A = arith.constant 0.000000e+00 : f32
    %max3A_18 = vector.broadcast %max3A : f32 to vector<5120x256xf32>
    %max3A_19 = arith.maximumf %add3A_17, %max3A_18 : vector<5120x256xf32>
    %get3A_20 = arith.constant 0 : index
    %get3A_21 = arith.constant 0 : index
    %get3A_22 = vector.load %arg4[%get3A_20, %get3A_21] : memref<5120x1xf32, #tpu.memory_space<vmem>>, vector<5120x1xf32>
    %mul3A_23 = vector.broadcast %get3A_22 : vector<5120x1xf32> to vector<5120x256xf32>
    %mul3A_24 = arith.mulf %max3A_19, %mul3A_23 : vector<5120x256xf32>
    %slice3A = vector.extract_strided_slice %mul3A_24 {offsets = [0, 0], sizes = [5120, 128], strides = [1, 1]} : vector<5120x256xf32> to vector<5120x128xf32>
    %swap3A = arith.constant 0 : index
    %swap3A_25 = arith.constant 0 : index
    %swap3A_26 = vector.load %arg7[%swap3A, %swap3A_25] : memref<5120x128xf32, #tpu.memory_space<vmem>>, vector<5120x128xf32>
    tpu.vector_store %arg7[%swap3A, %swap3A_25], %slice3A {strides = array<i32>} : memref<5120x128xf32, #tpu.memory_space<vmem>>, vector<5120x128xf32>,
    %slice3A_27 = vector.extract_strided_slice %mul3A_24 {offsets = [0, 128], sizes = [5120, 128], strides = [1, 1]} : vector<5120x256xf32> to vector<5120x128xf32>
    %swap3A_28 = arith.constant 0 : index
    %swap3A_29 = arith.constant 0 : index
    %swap3A_30 = vector.load %arg8[%swap3A_28, %swap3A_29] : memref<5120x128xf32, #tpu.memory_space<vmem>>, vector<5120x128xf32>
    tpu.vector_store %arg8[%swap3A_28, %swap3A_29], %slice3A_27 {strides = array<i32>} : memref<5120x128xf32, #tpu.memory_space<vmem>>, vector<5120x128xf32>,
    return
  }
  func.func @transform_0(%arg0: i32) -> (i32, i32) {
    %c0_i32 = arith.constant 0 : i32
    %c0_i32_0 = arith.constant 0 : i32
    return %arg0, %c0_i32 : i32, i32
  }
  func.func @transform_1(%arg0: i32) -> (i32, i32) {
    %c0_i32 = arith.constant 0 : i32
    %c0_i32_0 = arith.constant 0 : i32
    return %arg0, %c0_i32 : i32, i32
  }
  func.func @transform_2(%arg0: i32) -> (i32, i32) {
    %c0_i32 = arith.constant 0 : i32
    %c0_i32_0 = arith.constant 0 : i32
    return %arg0, %c0_i32 : i32, i32
  }
  func.func @transform_3(%arg0: i32) -> (i32, i32) {
    %c0_i32 = arith.constant 0 : i32
    %c0_i32_0 = arith.constant 0 : i32
    return %arg0, %c0_i32 : i32, i32
  }
  func.func @transform_4(%arg0: i32) -> (i32, i32) {
    %c0_i32 = arith.constant 0 : i32
    %c0_i32_0 = arith.constant 0 : i32
    %c0_i32_1 = arith.constant 0 : i32
    return %c0_i32, %c0_i32_0 : i32, i32
  }
  func.func @transform_5(%arg0: i32) -> (i32, i32) {
    %c0_i32 = arith.constant 0 : i32
    %c0_i32_0 = arith.constant 0 : i32
    %c0_i32_1 = arith.constant 0 : i32
    return %c0_i32, %c0_i32_0 : i32, i32
  }
  func.func @transform_6(%arg0: i32) -> (i32, i32) {
    %c0_i32 = arith.constant 0 : i32
    %c0_i32_0 = arith.constant 0 : i32
    return %arg0, %c0_i32 : i32, i32
  }
  func.func @transform_7(%arg0: i32) -> (i32, i32) {
    %c0_i32 = arith.constant 0 : i32
    %c0_i32_0 = arith.constant 0 : i32
    return %arg0, %c0_i32 : i32, i32
  }
}

module attributes {stable_mosaic.version = 14 : i64} {
  func.func @_tcB2_body(%arg0: i32, %arg1: memref<5120x128xf32, #tpu.memory_space<vmem>>, %arg2: memref<5120x128xf32, #tpu.memory_space<vmem>>, %arg3: memref<5120x1xf32, #tpu.memory_space<vmem>>, %arg4: memref<5120x1xf32, #tpu.memory_space<vmem>>, %arg5: memref<256x256xf32, #tpu.memory_space<vmem>>, %arg6: memref<1x256xf32, #tpu.memory_space<vmem>>, %arg7: memref<256x128xf32, #tpu.memory_space<vmem>>, %arg8: memref<5120x128xf32, #tpu.memory_space<vmem>>) attributes {dimension_semantics = [#tpu.dimension_semantics<arbitrary>], iteration_bounds = array<i64: 2>, scalar_prefetch = 0 : i64, scratch_operands = 0 : i64, tpu.core_type = #tpu.core_type<tc>, window_params = [{transform_indices = @transform_0, window_bounds = array<i64: 5120, 128>}, {transform_indices = @transform_1, window_bounds = array<i64: 5120, 128>}, {transform_indices = @transform_2, window_bounds = array<i64: 5120, 1>}, {transform_indices = @transform_3, window_bounds = array<i64: 5120, 1>}, {pipeline_mode = #tpu.pipeline_mode<synchronous>, transform_indices = @transform_4, window_bounds = array<i64: 256, 256>}, {pipeline_mode = #tpu.pipeline_mode<synchronous>, transform_indices = @transform_5, window_bounds = array<i64: 1, 256>}, {pipeline_mode = #tpu.pipeline_mode<synchronous>, transform_indices = @transform_6, window_bounds = array<i64: 256, 128>}, {transform_indices = @transform_7, window_bounds = array<i64: 5120, 128>}]} {
    %get3A = arith.constant 0 : index
    %get3A_0 = arith.constant 0 : index
    %get3A_1 = vector.load %arg1[%get3A, %get3A_0] : memref<5120x128xf32, #tpu.memory_space<vmem>>, vector<5120x128xf32>
    %get3A_2 = arith.constant 0 : index
    %get3A_3 = arith.constant 0 : index
    %get3A_4 = vector.load %arg2[%get3A_2, %get3A_3] : memref<5120x128xf32, #tpu.memory_space<vmem>>, vector<5120x128xf32>
    %concatenate3A = tpu.concatenate %get3A_1, %get3A_4 in 1 : vector<5120x128xf32>, vector<5120x128xf32> -> vector<5120x256xf32>
    %get3A_5 = arith.constant 0 : index
    %get3A_6 = arith.constant 0 : index
    %get3A_7 = vector.load %arg3[%get3A_5, %get3A_6] : memref<5120x1xf32, #tpu.memory_space<vmem>>, vector<5120x1xf32>
    %mul3A = vector.broadcast %get3A_7 : vector<5120x1xf32> to vector<5120x256xf32>
    %mul3A_8 = arith.mulf %concatenate3A, %mul3A : vector<5120x256xf32>
    %get3A_9 = arith.constant 0 : index
    %get3A_10 = arith.constant 0 : index
    %get3A_11 = vector.load %arg5[%get3A_9, %get3A_10] : memref<256x256xf32, #tpu.memory_space<vmem>>, vector<256x256xf32>
    %dot_general3A = arith.constant dense<0.000000e+00> : vector<5120x256xf32>
    %dot_general3A_12 = tpu.matmul %mul3A_8, %get3A_11, %dot_general3A {dimension_numbers = #tpu.dot_dimension_numbers<[1], [0], [0], [1], [0, 0, 1, 1], [], []>, transpose_lhs_hint = false} : vector<5120x256xf32>, vector<256x256xf32>, vector<5120x256xf32> -> vector<5120x256xf32>
    %get3A_13 = arith.constant 0 : index
    %get3A_14 = arith.constant 0 : index
    %get3A_15 = vector.load %arg6[%get3A_13, %get3A_14] : memref<1x256xf32, #tpu.memory_space<vmem>>, vector<1x256xf32>
    %add3A = vector.broadcast %get3A_15 : vector<1x256xf32> to vector<5120x256xf32>
    %add3A_16 = arith.addf %dot_general3A_12, %add3A : vector<5120x256xf32>
    %max3A = arith.constant 0.000000e+00 : f32
    %max3A_17 = vector.broadcast %max3A : f32 to vector<5120x256xf32>
    %max3A_18 = arith.maximumf %add3A_16, %max3A_17 : vector<5120x256xf32>
    %get3A_19 = arith.constant 0 : index
    %get3A_20 = arith.constant 0 : index
    %get3A_21 = vector.load %arg7[%get3A_19, %get3A_20] : memref<256x128xf32, #tpu.memory_space<vmem>>, vector<256x128xf32>
    %dot_general3A_22 = arith.constant dense<0.000000e+00> : vector<5120x128xf32>
    %dot_general3A_23 = tpu.matmul %max3A_18, %get3A_21, %dot_general3A_22 {dimension_numbers = #tpu.dot_dimension_numbers<[1], [0], [0], [1], [0, 0, 1, 1], [], []>, transpose_lhs_hint = false} : vector<5120x256xf32>, vector<256x128xf32>, vector<5120x128xf32> -> vector<5120x128xf32>
    %get3A_24 = arith.constant 0 : index
    %get3A_25 = arith.constant 0 : index
    %get3A_26 = vector.load %arg4[%get3A_24, %get3A_25] : memref<5120x1xf32, #tpu.memory_space<vmem>>, vector<5120x1xf32>
    %mul3A_27 = vector.broadcast %get3A_26 : vector<5120x1xf32> to vector<5120x128xf32>
    %mul3A_28 = arith.mulf %dot_general3A_23, %mul3A_27 : vector<5120x128xf32>
    %swap3A = arith.constant 0 : index
    %swap3A_29 = arith.constant 0 : index
    %swap3A_30 = vector.load %arg8[%swap3A, %swap3A_29] : memref<5120x128xf32, #tpu.memory_space<vmem>>, vector<5120x128xf32>
    tpu.vector_store %arg8[%swap3A, %swap3A_29], %mul3A_28 {strides = array<i32>} : memref<5120x128xf32, #tpu.memory_space<vmem>>, vector<5120x128xf32>,
    return
  }
  func.func @transform_0(%arg0: i32) -> (i32, i32) {
    %c0_i32 = arith.constant 0 : i32
    %c0_i32_0 = arith.constant 0 : i32
    return %arg0, %c0_i32 : i32, i32
  }
  func.func @transform_1(%arg0: i32) -> (i32, i32) {
    %c0_i32 = arith.constant 0 : i32
    %c0_i32_0 = arith.constant 0 : i32
    return %arg0, %c0_i32 : i32, i32
  }
  func.func @transform_2(%arg0: i32) -> (i32, i32) {
    %c0_i32 = arith.constant 0 : i32
    %c0_i32_0 = arith.constant 0 : i32
    return %arg0, %c0_i32 : i32, i32
  }
  func.func @transform_3(%arg0: i32) -> (i32, i32) {
    %c0_i32 = arith.constant 0 : i32
    %c0_i32_0 = arith.constant 0 : i32
    return %arg0, %c0_i32 : i32, i32
  }
  func.func @transform_4(%arg0: i32) -> (i32, i32) {
    %c0_i32 = arith.constant 0 : i32
    %c0_i32_0 = arith.constant 0 : i32
    %c0_i32_1 = arith.constant 0 : i32
    return %c0_i32, %c0_i32_0 : i32, i32
  }
  func.func @transform_5(%arg0: i32) -> (i32, i32) {
    %c0_i32 = arith.constant 0 : i32
    %c0_i32_0 = arith.constant 0 : i32
    %c0_i32_1 = arith.constant 0 : i32
    return %c0_i32, %c0_i32_0 : i32, i32
  }
  func.func @transform_6(%arg0: i32) -> (i32, i32) {
    %c0_i32 = arith.constant 0 : i32
    %c0_i32_0 = arith.constant 0 : i32
    %c0_i32_1 = arith.constant 0 : i32
    return %c0_i32, %c0_i32_0 : i32, i32
  }
  func.func @transform_7(%arg0: i32) -> (i32, i32) {
    %c0_i32 = arith.constant 0 : i32
    %c0_i32_0 = arith.constant 0 : i32
    return %arg0, %c0_i32 : i32, i32
  }
}

module attributes {stable_mosaic.version = 14 : i64} {
  func.func @_tcB3_body(%arg0: i32, %arg1: memref<5120x128xf32, #tpu.memory_space<vmem>>, %arg2: memref<5120x128xf32, #tpu.memory_space<vmem>>, %arg3: memref<5120x1xf32, #tpu.memory_space<vmem>>, %arg4: memref<5120x1xf32, #tpu.memory_space<vmem>>, %arg5: memref<128x64xf32, #tpu.memory_space<vmem>>, %arg6: memref<1x128xf32, #tpu.memory_space<vmem>>, %arg7: memref<5120x64xf32, #tpu.memory_space<vmem>>) attributes {dimension_semantics = [#tpu.dimension_semantics<arbitrary>], iteration_bounds = array<i64: 2>, scalar_prefetch = 0 : i64, scratch_operands = 0 : i64, tpu.core_type = #tpu.core_type<tc>, window_params = [{transform_indices = @transform_0, window_bounds = array<i64: 5120, 128>}, {transform_indices = @transform_1, window_bounds = array<i64: 5120, 128>}, {transform_indices = @transform_2, window_bounds = array<i64: 5120, 1>}, {transform_indices = @transform_3, window_bounds = array<i64: 5120, 1>}, {pipeline_mode = #tpu.pipeline_mode<synchronous>, transform_indices = @transform_4, window_bounds = array<i64: 128, 64>}, {pipeline_mode = #tpu.pipeline_mode<synchronous>, transform_indices = @transform_5, window_bounds = array<i64: 1, 128>}, {transform_indices = @transform_6, window_bounds = array<i64: 5120, 64>}]} {
    %get3A = arith.constant 0 : index
    %get3A_0 = arith.constant 0 : index
    %get3A_1 = vector.load %arg1[%get3A, %get3A_0] : memref<5120x128xf32, #tpu.memory_space<vmem>>, vector<5120x128xf32>
    %get3A_2 = arith.constant 0 : index
    %get3A_3 = arith.constant 0 : index
    %get3A_4 = vector.load %arg2[%get3A_2, %get3A_3] : memref<5120x128xf32, #tpu.memory_space<vmem>>, vector<5120x128xf32>
    %add3A = arith.addf %get3A_1, %get3A_4 : vector<5120x128xf32>
    %get3A_5 = arith.constant 0 : index
    %get3A_6 = arith.constant 0 : index
    %get3A_7 = vector.load %arg3[%get3A_5, %get3A_6] : memref<5120x1xf32, #tpu.memory_space<vmem>>, vector<5120x1xf32>
    %mul3A = vector.broadcast %get3A_7 : vector<5120x1xf32> to vector<5120x128xf32>
    %mul3A_8 = arith.mulf %add3A, %mul3A : vector<5120x128xf32>
    %get3A_9 = arith.constant 0 : index
    %get3A_10 = arith.constant 0 : index
    %get3A_11 = vector.load %arg6[%get3A_9, %get3A_10] : memref<1x128xf32, #tpu.memory_space<vmem>>, vector<1x128xf32>
    %add3A_12 = vector.broadcast %get3A_11 : vector<1x128xf32> to vector<5120x128xf32>
    %add3A_13 = arith.addf %mul3A_8, %add3A_12 : vector<5120x128xf32>
    %max3A = arith.constant 0.000000e+00 : f32
    %max3A_14 = vector.broadcast %max3A : f32 to vector<5120x128xf32>
    %max3A_15 = arith.maximumf %add3A_13, %max3A_14 : vector<5120x128xf32>
    %get3A_16 = arith.constant 0 : index
    %get3A_17 = arith.constant 0 : index
    %get3A_18 = vector.load %arg5[%get3A_16, %get3A_17] : memref<128x64xf32, #tpu.memory_space<vmem>>, vector<128x64xf32>
    %dot_general3A = arith.constant dense<0.000000e+00> : vector<5120x64xf32>
    %dot_general3A_19 = tpu.matmul %max3A_15, %get3A_18, %dot_general3A {dimension_numbers = #tpu.dot_dimension_numbers<[1], [0], [0], [1], [0, 0, 1, 1], [], []>, transpose_lhs_hint = false} : vector<5120x128xf32>, vector<128x64xf32>, vector<5120x64xf32> -> vector<5120x64xf32>
    %get3A_20 = arith.constant 0 : index
    %get3A_21 = arith.constant 0 : index
    %get3A_22 = vector.load %arg4[%get3A_20, %get3A_21] : memref<5120x1xf32, #tpu.memory_space<vmem>>, vector<5120x1xf32>
    %mul3A_23 = vector.broadcast %get3A_22 : vector<5120x1xf32> to vector<5120x64xf32>
    %mul3A_24 = arith.mulf %dot_general3A_19, %mul3A_23 : vector<5120x64xf32>
    %swap3A = arith.constant 0 : index
    %swap3A_25 = arith.constant 0 : index
    %swap3A_26 = vector.load %arg7[%swap3A, %swap3A_25] : memref<5120x64xf32, #tpu.memory_space<vmem>>, vector<5120x64xf32>
    tpu.vector_store %arg7[%swap3A, %swap3A_25], %mul3A_24 {strides = array<i32>} : memref<5120x64xf32, #tpu.memory_space<vmem>>, vector<5120x64xf32>,
    return
  }
  func.func @transform_0(%arg0: i32) -> (i32, i32) {
    %c0_i32 = arith.constant 0 : i32
    %c0_i32_0 = arith.constant 0 : i32
    return %arg0, %c0_i32 : i32, i32
  }
  func.func @transform_1(%arg0: i32) -> (i32, i32) {
    %c0_i32 = arith.constant 0 : i32
    %c0_i32_0 = arith.constant 0 : i32
    return %arg0, %c0_i32 : i32, i32
  }
  func.func @transform_2(%arg0: i32) -> (i32, i32) {
    %c0_i32 = arith.constant 0 : i32
    %c0_i32_0 = arith.constant 0 : i32
    return %arg0, %c0_i32 : i32, i32
  }
  func.func @transform_3(%arg0: i32) -> (i32, i32) {
    %c0_i32 = arith.constant 0 : i32
    %c0_i32_0 = arith.constant 0 : i32
    return %arg0, %c0_i32 : i32, i32
  }
  func.func @transform_4(%arg0: i32) -> (i32, i32) {
    %c0_i32 = arith.constant 0 : i32
    %c0_i32_0 = arith.constant 0 : i32
    %c0_i32_1 = arith.constant 0 : i32
    return %c0_i32, %c0_i32_0 : i32, i32
  }
  func.func @transform_5(%arg0: i32) -> (i32, i32) {
    %c0_i32 = arith.constant 0 : i32
    %c0_i32_0 = arith.constant 0 : i32
    %c0_i32_1 = arith.constant 0 : i32
    return %c0_i32, %c0_i32_0 : i32, i32
  }
  func.func @transform_6(%arg0: i32) -> (i32, i32) {
    %c0_i32 = arith.constant 0 : i32
    %c0_i32_0 = arith.constant 0 : i32
    return %arg0, %c0_i32 : i32, i32
  }
}

module attributes {stable_mosaic.version = 14 : i64} {
  func.func @_tcR_body(%arg0: i32, %arg1: memref<5120x128xf32, #tpu.memory_space<vmem>>, %arg2: memref<128x64xf32, #tpu.memory_space<vmem>>, %arg3: memref<1x64xf32, #tpu.memory_space<vmem>>, %arg4: memref<5120x64xf32, #tpu.memory_space<vmem>>) attributes {dimension_semantics = [#tpu.dimension_semantics<arbitrary>], iteration_bounds = array<i64: 2>, scalar_prefetch = 0 : i64, scratch_operands = 0 : i64, tpu.core_type = #tpu.core_type<tc>, window_params = [{transform_indices = @transform_0, window_bounds = array<i64: 5120, 128>}, {pipeline_mode = #tpu.pipeline_mode<synchronous>, transform_indices = @transform_1, window_bounds = array<i64: 128, 64>}, {pipeline_mode = #tpu.pipeline_mode<synchronous>, transform_indices = @transform_2, window_bounds = array<i64: 1, 64>}, {transform_indices = @transform_3, window_bounds = array<i64: 5120, 64>}]} {
    %get3A = arith.constant 0 : index
    %get3A_0 = arith.constant 0 : index
    %get3A_1 = vector.load %arg1[%get3A, %get3A_0] : memref<5120x128xf32, #tpu.memory_space<vmem>>, vector<5120x128xf32>
    %get3A_2 = arith.constant 0 : index
    %get3A_3 = arith.constant 0 : index
    %get3A_4 = vector.load %arg2[%get3A_2, %get3A_3] : memref<128x64xf32, #tpu.memory_space<vmem>>, vector<128x64xf32>
    %dot_general3A = arith.constant dense<0.000000e+00> : vector<5120x64xf32>
    %dot_general3A_5 = tpu.matmul %get3A_1, %get3A_4, %dot_general3A {dimension_numbers = #tpu.dot_dimension_numbers<[1], [0], [0], [1], [0, 0, 1, 1], [], []>, transpose_lhs_hint = false} : vector<5120x128xf32>, vector<128x64xf32>, vector<5120x64xf32> -> vector<5120x64xf32>
    %get3A_6 = arith.constant 0 : index
    %get3A_7 = arith.constant 0 : index
    %get3A_8 = vector.load %arg3[%get3A_6, %get3A_7] : memref<1x64xf32, #tpu.memory_space<vmem>>, vector<1x64xf32>
    %add3A = vector.broadcast %get3A_8 : vector<1x64xf32> to vector<5120x64xf32>
    %add3A_9 = arith.addf %dot_general3A_5, %add3A : vector<5120x64xf32>
    %swap3A = arith.constant 0 : index
    %swap3A_10 = arith.constant 0 : index
    %swap3A_11 = vector.load %arg4[%swap3A, %swap3A_10] : memref<5120x64xf32, #tpu.memory_space<vmem>>, vector<5120x64xf32>
    tpu.vector_store %arg4[%swap3A, %swap3A_10], %add3A_9 {strides = array<i32>} : memref<5120x64xf32, #tpu.memory_space<vmem>>, vector<5120x64xf32>,
    return
  }
  func.func @transform_0(%arg0: i32) -> (i32, i32) {
    %c0_i32 = arith.constant 0 : i32
    %c0_i32_0 = arith.constant 0 : i32
    return %arg0, %c0_i32 : i32, i32
  }
  func.func @transform_1(%arg0: i32) -> (i32, i32) {
    %c0_i32 = arith.constant 0 : i32
    %c0_i32_0 = arith.constant 0 : i32
    %c0_i32_1 = arith.constant 0 : i32
    return %c0_i32, %c0_i32_0 : i32, i32
  }
  func.func @transform_2(%arg0: i32) -> (i32, i32) {
    %c0_i32 = arith.constant 0 : i32
    %c0_i32_0 = arith.constant 0 : i32
    %c0_i32_1 = arith.constant 0 : i32
    return %c0_i32, %c0_i32_0 : i32, i32
  }
  func.func @transform_3(%arg0: i32) -> (i32, i32) {
    %c0_i32 = arith.constant 0 : i32
    %c0_i32_0 = arith.constant 0 : i32
    return %arg0, %c0_i32 : i32, i32
  }
}

module attributes {stable_mosaic.version = 14 : i64} {
  func.func @_tcB4_body(%arg0: i32, %arg1: memref<5120x64xf32, #tpu.memory_space<vmem>>, %arg2: memref<5120x64xf32, #tpu.memory_space<vmem>>, %arg3: memref<5120x1xf32, #tpu.memory_space<vmem>>, %arg4: memref<1x64xf32, #tpu.memory_space<vmem>>, %arg5: memref<5120x64xf32, #tpu.memory_space<vmem>>, %arg6: memref<5120x64xf32, #tpu.memory_space<vmem>>) attributes {dimension_semantics = [#tpu.dimension_semantics<arbitrary>], iteration_bounds = array<i64: 2>, scalar_prefetch = 0 : i64, scratch_operands = 0 : i64, tpu.core_type = #tpu.core_type<tc>, window_params = [{transform_indices = @transform_0, window_bounds = array<i64: 5120, 64>}, {transform_indices = @transform_1, window_bounds = array<i64: 5120, 64>}, {transform_indices = @transform_2, window_bounds = array<i64: 5120, 1>}, {pipeline_mode = #tpu.pipeline_mode<synchronous>, transform_indices = @transform_3, window_bounds = array<i64: 1, 64>}, {transform_indices = @transform_4, window_bounds = array<i64: 5120, 64>}, {transform_indices = @transform_5, window_bounds = array<i64: 5120, 64>}]} {
    %get3A = arith.constant 0 : index
    %get3A_0 = arith.constant 0 : index
    %get3A_1 = vector.load %arg1[%get3A, %get3A_0] : memref<5120x64xf32, #tpu.memory_space<vmem>>, vector<5120x64xf32>
    %get3A_2 = arith.constant 0 : index
    %get3A_3 = arith.constant 0 : index
    %get3A_4 = vector.load %arg2[%get3A_2, %get3A_3] : memref<5120x64xf32, #tpu.memory_space<vmem>>, vector<5120x64xf32>
    %add3A = arith.addf %get3A_1, %get3A_4 : vector<5120x64xf32>
    %get3A_5 = arith.constant 0 : index
    %get3A_6 = arith.constant 0 : index
    %get3A_7 = vector.load %arg3[%get3A_5, %get3A_6] : memref<5120x1xf32, #tpu.memory_space<vmem>>, vector<5120x1xf32>
    %mul3A = vector.broadcast %get3A_7 : vector<5120x1xf32> to vector<5120x64xf32>
    %mul3A_8 = arith.mulf %add3A, %mul3A : vector<5120x64xf32>
    %get3A_9 = arith.constant 0 : index
    %get3A_10 = arith.constant 0 : index
    %get3A_11 = vector.load %arg4[%get3A_9, %get3A_10] : memref<1x64xf32, #tpu.memory_space<vmem>>, vector<1x64xf32>
    %add3A_12 = vector.broadcast %get3A_11 : vector<1x64xf32> to vector<5120x64xf32>
    %add3A_13 = arith.addf %mul3A_8, %add3A_12 : vector<5120x64xf32>
    %get3A_14 = arith.constant 0 : index
    %get3A_15 = arith.constant 0 : index
    %get3A_16 = vector.load %arg5[%get3A_14, %get3A_15] : memref<5120x64xf32, #tpu.memory_space<vmem>>, vector<5120x64xf32>
    %add3A_17 = arith.addf %add3A_13, %get3A_16 : vector<5120x64xf32>
    %swap3A = arith.constant 0 : index
    %swap3A_18 = arith.constant 0 : index
    %swap3A_19 = vector.load %arg6[%swap3A, %swap3A_18] : memref<5120x64xf32, #tpu.memory_space<vmem>>, vector<5120x64xf32>
    tpu.vector_store %arg6[%swap3A, %swap3A_18], %add3A_17 {strides = array<i32>} : memref<5120x64xf32, #tpu.memory_space<vmem>>, vector<5120x64xf32>,
    return
  }
  func.func @transform_0(%arg0: i32) -> (i32, i32) {
    %c0_i32 = arith.constant 0 : i32
    %c0_i32_0 = arith.constant 0 : i32
    return %arg0, %c0_i32 : i32, i32
  }
  func.func @transform_1(%arg0: i32) -> (i32, i32) {
    %c0_i32 = arith.constant 0 : i32
    %c0_i32_0 = arith.constant 0 : i32
    return %arg0, %c0_i32 : i32, i32
  }
  func.func @transform_2(%arg0: i32) -> (i32, i32) {
    %c0_i32 = arith.constant 0 : i32
    %c0_i32_0 = arith.constant 0 : i32
    return %arg0, %c0_i32 : i32, i32
  }
  func.func @transform_3(%arg0: i32) -> (i32, i32) {
    %c0_i32 = arith.constant 0 : i32
    %c0_i32_0 = arith.constant 0 : i32
    %c0_i32_1 = arith.constant 0 : i32
    return %c0_i32, %c0_i32_0 : i32, i32
  }
  func.func @transform_4(%arg0: i32) -> (i32, i32) {
    %c0_i32 = arith.constant 0 : i32
    %c0_i32_0 = arith.constant 0 : i32
    return %arg0, %c0_i32 : i32, i32
  }
  func.func @transform_5(%arg0: i32) -> (i32, i32) {
    %c0_i32 = arith.constant 0 : i32
    %c0_i32_0 = arith.constant 0 : i32
    return %arg0, %c0_i32 : i32, i32
  }
}

</mosaic_0001>

<sc_bundles>
// kernel: kernel.13.cloned.1.call-start
scs
__scs_entry_jumppad:
0x0: {  	(pc) =	sbr.rel $0x88, $3  }
0x1: {  	(tag) =	ssettag $0x0;
	lr =	simm.s32 $0x1  }
0x2: {  	[smem:$0x3F95] =	sst lr;
	_ =	strace $0xD0000000  }
0x3: {  	_ = 	snop  }
0x4: {  	_ = 	snop  }
0x5: {  	_ = 	snop  }
0x6: {  	_ = 	snop  }
0x7: {  	_ = 	snop  }
__scs_overlays_trampoline_lowered:
0x8: {  	[smem:$0x3FA4] =	sst s0  }
0x9: {  	[smem:$0x3FA5] =	sst s1  }
0xa: {  	[smem:$0x3FA6] =	sst s2  }
0xb: {  	[smem:$0x3FA7] =	sst s3  }
0xc: {  	[smem:$0x3FA8] =	sst s4  }
0xd: {  	[smem:$0x3FA9] =	sst s5  }
0xe: {  	[smem:$0x3FAA] =	sst s6  }
0xf: {  	[smem:$0x3FAB] =	sst s7  }
0x10: {  	[smem:$0x3FAC] =	sst s8  }
0x11: {  	[smem:$0x3FAD] =	sst s9;
	s0 =	simm.s32 @!p0 $0x0  }
0x12: {  	s1 =	sld [smem:$0x3F93];
	s0 =	simm.s32 @p0 $0x1  }
0x13: {  	[smem:$0x3FAE] =	sst s0;
	s0 =	simm.s32 @!p1 $0x0  }
0x14: {  	s2 =	sld [smem:$0x3F92];
	s0 =	simm.s32 @p1 $0x1  }
0x15: {  	[smem:$0x3FAF] =	sst s0;
	s0 =	simm.s32 @!p2 $0x0  }
0x16: {  	s3 =	sld [smem:$0x3FDB];
	s0 =	simm.s32 @p2 $0x1  }
0x17: {  	s4 =	simm.s32 $0x1BF5;
	[smem:$0x3FB1] =	sst s0  }
0x18: {  	s0 =	sld [smem:$0x3F94];
	_ =	swait.ge [sflag:s4], $0x0  }
0x19: {  	s7 =	sld [smem:$0x3F95]  }
0x1a: {  	s8 =	sadd.s32 $0xFFFFE003, lr  }
0x1b: {  	s9 =	sadd.s32 $0xFFFFFEF7, lr;
	s5 =	simm.s32 $0xFFFFFFFF;
	p2 =	slt.u32 s8, $0xFFFFF086  }
0x1c: {  	p1 =	slt.u32 s9, $0xF7A;
	s5 =	simm.s32 @!p2 $0x0  }
0x1d: {  	s5 =	simm.s32 @p1 $0x1;
	p0 =	seq.s32 s7, s2  }
0x1e: {  	s7 =	smul.u32 @!p0 $0xF7A, s2;
	p2 =	seq.s32 @!p0 s5, $0x0  }
0x1f: {  	s9 =	smul.u32 $0xF7A, s1;
	s8 =	simm.s32 @!p0 $0x1BF5;
	p2 =	por !p2, p0  }
0x20: {  	[sflag:s8] =	ssyncset.s32 @!p0 $0xFFFFF086;
	s6 =	sadd.s32 @!p0 s3, s7;
	s7 =	simm.s32 @!p0 $0x108  }
0x21: {  	s3 =	sadd.s32 s3, s9;
	s6 =	sadd.s32 @!p0 $0x88, s6;
	s7 =	simm.s32 @p2 $0x1082  }
0x22: {  	[simem:s7], [sflag:s8] =	dma.local @!p0 [hbm:s6], $0xF7A  }
0x23: {  	s9 =	sor.u32 $0xD0000000, s2;
	s6 =	simm.s32 $0x108;
	_ =	swait.ge @!p0 [sflag:s8], $0x0  }
0x24: {  	s3 =	sadd.s32 $0x88, s3;
	s6 =	simm.s32 @!p1 $0x1082;
	[sflag:s4] =	ssyncset.s32 $0xFFFFF086  }
0x25: {  	[simem:s6], [sflag:s4] =	dma.local [hbm:s3], $0xF7A  }
0x26: {  	[smem:$0x3F95] =	sst s1;
	(tag) =	ssettag s2;
	_ =	strace s9  }
0x27: {  	s1 =	sld [smem:$0x3FA5]  }
0x28: {  	s2 =	sld [smem:$0x3FA6]  }
0x29: {  	s4 =	sld [smem:$0x3FA8]  }
0x2a: {  	p0 =	seq.s32 s5, $0x0;
	s5 =	sld [smem:$0x3FA9]  }
0x2b: {  	s6 =	sld [smem:$0x3FAA]  }
0x2c: {  	s7 =	sld [smem:$0x3FAB]  }
0x2d: {  	s3 =	simm.s32 $0x108;
	s8 =	sld [smem:$0x3FAC]  }
0x2e: {  	s3 =	simm.s32 @!p0 $0x1082;
	s9 =	sld [smem:$0x3FAD]  }
0x2f: {  	lr =	sadd.s32 s0, s3;
	s0 =	sld [smem:$0x3FA4]  }
0x30: {  	s3 =	sld [smem:$0x3FA7]  }
0x31: {  	[smem:$0x3FB0] =	sst s10  }
0x32: {  	s10 =	sld [smem:$0x3FAE];
	_ =	sdelay $0x3  }
0x33: {  	p0 =	seq.s32 s10, $0x1;
	s10 =	sld [smem:$0x3FB0];
	_ =	sdelay $0x3  }
0x34: {  	[smem:$0x3FB0] =	sst s10  }
0x35: {  	s10 =	sld [smem:$0x3FAF];
	_ =	sdelay $0x3  }
0x36: {  	p1 =	seq.s32 s10, $0x1;
	s10 =	sld [smem:$0x3FB0];
	_ =	sdelay $0x3  }
0x37: {  	[smem:$0x3FB0] =	sst s10  }
0x38: {  	s10 =	sld [smem:$0x3FB1]  }
0x39: {  	_ = 	snop;
	(pc) =	sbr.ind lr, $3  }
0x3a: {  	_ = 	snop  }
0x3b: {  	_ = 	snop  }
0x3c: {  	p2 =	seq.s32 s10, $0x1;
	s10 =	sld [smem:$0x3FB0]  }
0x3d: {  	_ =	shalt  }
0x3e: {  	_ =	shalt  }
0x3f: {  	_ =	shalt  }
0x40: {  	_ =	shalt  }
0x41: {  	_ =	shalt  }
0x42: {  	_ =	shalt  }
0x43: {  	_ =	shalt  }
0x44: {  	_ =	shalt  }
0x45: {  	_ =	shalt  }
0x46: {  	_ =	shalt  }
0x47: {  	_ =	shalt  }
0x48: {  	_ =	shalt  }
0x49: {  	_ =	shalt  }
0x4a: {  	_ =	shalt  }
0x4b: {  	_ =	shalt  }
0x4c: {  	_ =	shalt  }
0x4d: {  	_ =	shalt  }
0x4e: {  	_ =	shalt  }
0x4f: {  	_ =	shalt  }
0x50: {  	_ =	shalt  }
0x51: {  	_ =	shalt  }
0x52: {  	_ =	shalt  }
0x53: {  	_ =	shalt  }
0x54: {  	_ =	shalt  }
0x55: {  	_ =	shalt  }
0x56: {  	_ =	shalt  }
0x57: {  	_ =	shalt  }
0x58: {  	_ =	shalt  }
0x59: {  	_ =	shalt  }
0x5a: {  	_ =	shalt  }
0x5b: {  	_ =	shalt  }
0x5c: {  	_ =	shalt  }
0x5d: {  	_ =	shalt  }
0x5e: {  	_ =	shalt  }
0x5f: {  	_ =	shalt  }
0x60: {  	_ =	shalt  }
0x61: {  	_ =	shalt  }
0x62: {  	_ =	shalt  }
0x63: {  	_ =	shalt  }
0x64: {  	_ =	shalt  }
0x65: {  	_ =	shalt  }
0x66: {  	_ =	shalt  }
0x67: {  	_ =	shalt  }
0x68: {  	_ =	shalt  }
0x69: {  	_ =	shalt  }
0x6a: {  	_ =	shalt  }
0x6b: {  	_ =	shalt  }
0x6c: {  	_ =	shalt  }
0x6d: {  	_ =	shalt  }
0x6e: {  	_ =	shalt  }
0x6f: {  	_ =	shalt  }
0x70: {  	_ =	shalt  }
0x71: {  	_ =	shalt  }
0x72: {  	_ =	shalt  }
0x73: {  	_ =	shalt  }
0x74: {  	_ =	shalt  }
0x75: {  	_ =	shalt  }
0x76: {  	_ =	shalt  }
0x77: {  	_ =	shalt  }
0x78: {  	_ =	shalt  }
0x79: {  	_ =	shalt  }
0x7a: {  	_ =	shalt  }
0x7b: {  	_ =	shalt  }
0x7c: {  	_ =	shalt  }
0x7d: {  	_ =	shalt  }
0x7e: {  	_ =	shalt  }
0x7f: {  	_ =	shalt  }
0x80: {  	_ =	shalt  }
0x81: {  	_ =	shalt  }
0x82: {  	_ =	shalt  }
0x83: {  	_ =	shalt  }
0x84: {  	_ =	shalt  }
0x85: {  	_ =	shalt  }
0x86: {  	_ =	shalt  }
0x87: {  	_ =	shalt  }
.Lfunc_end0:
.L_simem_size_0:
called_computation_lowered:
.L_overlay_start_0:
0x88: {  	s2 =	sld [smem:$0x3FD9]  }
0x89: {  	s3 =	sld [smem:$0x3FFE];
	_ =	sdelay $0x1  }
0x8a: {  	s1 =	srdreg.scid  }
0x8b: {  	s0 =	sand.u32 $0x1, s1  }
0x8c: {  	s17 =	sshll.u32 s0, $0xA;
	s2 =	sadd.s32 s3, s2  }
0x8d: {  	s2 =	sadd.s32 s2, s17  }
0x8e: {  	[smem:$0x3FBC] =	sst s2  }
0x8f: {  	_ = 	snop  }
0x90: {  	s2 =	sld [smem:$0x3FD0];
	(tm) =	ssettm $0x1  }
0x91: {  	s18 =	sld [smem:$0x3FFB];
	_ =	sdelay $0x3  }
0x92: {  	_ =	strace s18  }
0x93: {  	s3 =	sld [smem:$0x3FFC];
	_ =	sdelay $0x3  }
0x94: {  	_ =	strace s3  }
0x95: {  	s3 =	sld [smem:$0x3FFD];
	_ =	sdelay $0x3  }
0x96: {  	_ =	strace s3  }
0x97: {  	_ =	strace $0x8FFFFFFF  }
0x98: {  	s19 =	sld [smem:$0x3FDB];
	_ =	sdelay $0x1  }
0x99: {  	s4 =	simm.s32 $_scs_section_size  }
0x9a: {  	s5 =	simm.s32 $_size__tile_overlayer_lowered;
	s6 =	simm.s32 $_tile_overlayer_lowered  }
0x9b: {  	s22 =	simm.s32 $0x1BFF;
	s21 =	sshll.u32 s6, $0x1;
	s3 =	sadd.s32 s4, s19  }
0x9c: {  	s7 =	simm.s32 $0x0;
	s20 =	sshll.u32 s5, $0x1;
	s5 =	sadd.s32 s21, s3  }
0x9d: {  	[timem:s7], [sflag:s22] =	dma.local [hbm:s5], s20  }
0x9e: {  	_ =	swait.ge [sflag:s22], s20  }
0x9f: {  	s4 =	ssub.s32 $0x0, s20;
	[sflag:s22] =	ssyncset.done $0x0  }
0xa0: {  	[sflag:s22] =	ssyncadd.s32 s4;
	_ =	sdelay $0x1  }
0xa1: {  	s23 =	simm.s32 $0x1B8B  }
0xa2: {  	_ =	swait.ge [sflag:s23], $0x1  }
0xa3: {  	[sflag:s23] =	ssyncset.done $0x0  }
0xa4: {  	s25 =	simm.s32 $0x1B8E;
	s24 =	sld [smem:$0x3FFE];
	[sflag:s23] =	ssyncadd.s32 $0xFFFFFFFF  }
0xa5: {  	s26 =	simm.s32 $execute0_lowered;
	[smem:$0x3FD2] =	sst s25  }
0xa6: {  	s5 =	sshll.u32 s26, $0x1;
	_ =	strace $0x80000046;
	[dreg:$0x1] =	wrdreg $0xFFFFFFFF  }
0xa7: {  	s28 =	simm.s32 $_size_execute0_lowered;
	s3 =	sadd.s32 s3, s5;
	[dreg:$0x0] =	wrdreg $0x0  }
0xa8: {  	s5 =	sshll.u32 s28, $0x1;
	[dreg:$0x2] =	wrdreg s3  }
0xa9: {  	[dreg:$0x3] =	wrdreg s5  }
0xaa: {  	[dreg:$0x4] =	wrdreg $0xC0  }
0xab: {  	_ =	task [dreg:s7], $0x5FFFF  }
0xac: {  	[dreg:$0x1] =	wrdreg $0xFFFFFFFF  }
0xad: {  	[dreg:$0x0] =	wrdreg $0x60  }
0xae: {  	[dreg:$0x2] =	wrdreg s24  }
0xaf: {  	[dreg:$0x3] =	wrdreg s2  }
0xb0: {  	[dreg:$0x4] =	wrdreg $0x0  }
0xb1: {  	[dreg:$0x5] =	wrdreg $0x28000  }
0xb2: {  	[dreg:$0x6] =	wrdreg $0x9  }
0xb3: {  	_ =	task.clear_ibuf [dreg:s7], $0x7FFFF;
	_ =	strace $0x90000046  }
0xb4: {  	s29 =	simm.s32 $0x9;
	_ =	strace $0x80000048  }
0xb5: {  	_ =	swait.ge [sflag:s29], $0x1  }
0xb6: {  	[sflag:s29] =	ssyncadd.s32 $0xFFFFFFFF  }
0xb7: {  	_ =	strace $0x90000048  }
0xb8: {  	_ =	sfence  }
0xb9: {  	s30 =	sld [smem:$0x0];
	_ =	sdelay $0x2  }
0xba: {  	s31 =	sshll.u32 s1, $0xD;
	s1 =	sshrl.u32 s1, $0x2  }
0xbb: {  	s3 =	sand.u32 $0x4000, s31;
	s1 =	sadd.s32 s1, s30  }
0xbc: {  	s0 =	sor.u32 s3, s0;
	s1 =	sshll.u32 s1, $0x11  }
0xbd: {  	s0 =	sor.u32 s1, s0  }
0xbe: {  	s0 =	sadd.s32 $0x8F2B, s0  }
0xbf: {  	[sflag:s0] =	ssyncadd.remote.s32 $0x1  }
0xc0: {  	_ =	sfence.sel $0xFFFF  }
0xc1: {  	[dreg:$0x0] =	wrdreg $0xFFFFFFFF;
	(pc) =	sbr.abs _section_cstart, $3  }
0xc2: {  	[dreg:$0x1] =	wrdreg $0xFFFFFFFF  }
0xc3: {  	_ =	task.clear_ibuf [dreg:s7], $0x2FFFF;
	_ =	strace $0x9FFFFFFF  }
0xc4: {  	(tm) =	ssettm $0x7FFFFFFF  }
0xc5: {  	_ =	shalt  }
tec
execute0_lowered:
.L_overlay_start_1:
0x0: {  	(tag) =	ssettag $0x1  }
0x1: {  	s7 =	rddreg [dreg:$0x0]  }
0x2: {  	s9 =	rddreg [dreg:$0x1]  }
0x3: {  	s0 =	srdreg.scid;
	s2 =	rddreg [dreg:$0x2]  }
0x4: {  	s3 =	rddreg [dreg:$0x3];
	s4 =	simm.s32 $0x0;
	s20 =	simm.s32 $0x0  }
0x5: {  	s10 =	sand.u32 $0x1, s0;
	s0 =	stileid.u32;
	[smem:$0x7FF] =	sst s4  }
0x6: {  	s6 =	sadd.s32 $0x11A00, s7;
	s12 =	sadd.s32 $0x1BC00, s7;
	s13 =	sadd.s32 $0x11C00, s7  }
0x7: {  	s14 =	sadd.s32 $0x16C00, s7;
	s17 =	sadd.s32 $0x20C00, s7;
	s1 =	sshll.u32 s10, $0x4  }
0x8: {  	s15 =	ssub.s32 $0x2, s10;
	s16 =	smul.u32 $0x2800, s0;
	s18 =	sshll.u32 s0, $0x6  }
0x9: {  	p0 =	seq.s32 s10, $0x1;
	s5 =	sor.u32 s0, s1;
	s1 =	rddreg [dreg:$0x4]  }
0xa: {  	_ =	strace $0x80000047;
	s30 =	sshrl.u32 s15, $0x1;
	s12 =	smov.u32 @p0 s14  }
0xb: {  	s13 =	smov.u32 @p0 s17;
	s14 =	simm.s32 $0x1;
	s17 =	simm.s32 $0x5000  }
0xc: {  	s11 =	smul.u32 $0x500, s5;
	s5 =	sadd.s32 $0x11400, s7;
	s15 =	ssub.s32 s15, s30  }
0xd: {  	s19 =	sadd.s32 s16, s2;
	s31 =	sadd.s32 s16, s3;
	s16 =	sshrl.u32 s16, $0x3  }
0xe: {  	s10 =	smax.u32 s15, $0x1;
	s15 =	sshrl.u32 s31, $0x3;
	s8 =	sadd.s32 s11, s7  }
0xf: {  	s7 =	sor.u32 $0x1C01, s18;
	s9 =	sadd.s32 s9, s11;
	s11 =	sadd.s32 s12, s16  }
0x10: {  	s12 =	sadd.s32 s13, s16;
	s13 =	sshrl.u32 s19, $0x3;
	s16 =	simm.s32 $0xA000  }
0x11: {  	s18 =	simm.s32 $0x7800;
	s19 =	simm.s32 $0x80;
	s8 =	sadd.s32 $0x7400, s8  }
.LBB2_1:
0x12: {  	[spmem:s13], [sflag:s7] =	dma.local [hbm:s5], $0x500  }
0x13: {  	_ =	swait.ge [sflag:s14], $0x500  }
0x14: {  	[sflag:s14] =	ssyncset.done $0x0  }
0x15: {  	[sflag:s14] =	ssyncadd.s32 $0xFFFFFB00  }
0x16: {  	[spmem:s15], [sflag:s7] =	dma.local [hbm:s5], $0x500  }
0x17: {  	_ =	swait.ge [sflag:s14], $0x500  }
0x18: {  	[sflag:s14] =	ssyncset.done $0x0  }
0x19: {  	[sflag:s14] =	ssyncadd.s32 $0xFFFFFB00  }
0x1a: {  	[tilespmem:s16], [sflag:$0x1] =	stream.linear.gather [hbm4b:s6+s4], $0x800, $0x38;
	[tilespmem:$0xA800] =	vst v63  }
0x1b: {  	_ =	swait.ge [sflag:s14], $0x800  }
0x1c: {  	[sflag:s14] =	ssyncset.done $0x0  }
0x1d: {  	[sflag:s14] =	ssyncadd.s32 $0xFFFFF800  }
0x1e: {  	[tilespmem:s17], [sflag:$0x1] =	stream.linear.gather [hbm4b:s8+s4], $0x2800, $0x38;
	[tilespmem:$0xA800] =	vst v63  }
0x1f: {  	_ =	swait.ge [sflag:s14], $0x2800  }
0x20: {  	[sflag:s14] =	ssyncset.done $0x0  }
0x21: {  	[sflag:s14] =	ssyncadd.s32 $0xFFFFD800  }
0x22: {  	[tilespmem:s18], [sflag:$0x1] =	stream.linear.gather [hbm4b:s9+s4], $0x2800, $0x38;
	[tilespmem:$0xA800] =	vst v63  }
0x23: {  	_ =	swait.ge [sflag:s14], $0x2800  }
0x24: {  	[sflag:s14] =	ssyncset.done $0x0  }
0x25: {  	[sflag:s14] =	ssyncadd.s32 $0xFFFFD800  }
0x26: {  	s21 =	simm.s32 $0x5000;
	[bflag:$0x0] =	sbarrier.arrive $0xFFFF  }
0x27: {  	[spmem:s2] =	stream.indirect.scatter.add.f32 [tilespmem:s16], [sflag:$0x1], $0x10, s21, s19, $0xb8;
	[tilespmem:$0xA800] =	vst v63  }
0x28: {  	_ =	swait.ge [sflag:s14], $0x800  }
0x29: {  	[sflag:s14] =	ssyncset.done $0x0  }
0x2a: {  	s31 =	simm.s32 $0x7800;
	[sflag:s14] =	ssyncadd.s32 $0xFFFFF800  }
0x2b: {  	[spmem:s3] =	stream.indirect.scatter.add.f32 [tilespmem:s16], [sflag:$0x1], $0x10, s31, s19, $0xb8;
	[tilespmem:$0xA800] =	vst v63  }
0x2c: {  	_ =	swait.ge [sflag:s14], $0x800  }
0x2d: {  	s22 =	simm.s32 $0x400;
	s21 =	simm.s32 $0x80;
	[sflag:s14] =	ssyncset.done $0x0  }
.LBB2_2:
0x2e: {  	s23 =	sadd.s32 $0x5000, s21  }
0x2f: {  	[sflag:s14] =	ssyncadd.s32 $0xFFFFF800;
	s24 =	smov.u32 s22;
	s25 =	sadd.s32 $0x200, s22  }
0x30: {  	[spmem:s2] =	stream.indirect.scatter.add.f32 [tilespmem:s16], [sflag:$0x1], $0x10, s23, s19, $0xb8;
	[tilespmem:$0xA800] =	vst v63  }
0x31: {  	p0 =	sne.s32 s22, $0x9E00;
	_ =	swait.ge [sflag:s14], $0x800  }
.Ltmp0:
0x32: {  	[sflag:s14] =	ssyncset.done $0x0;
	(pc) =	sbr.rel @p0 .LBB2_2-.Ltmp0, $4  }
0x33: {  	s21 =	sadd.s32 $0x7800, s21;
	[sflag:s14] =	ssyncadd.s32 $0xFFFFF800  }
0x34: {  	[spmem:s3] =	stream.indirect.scatter.add.f32 [tilespmem:s16], [sflag:$0x1], $0x10, s21, s19, $0xb8;
	[tilespmem:$0xA800] =	vst v63  }
0x35: {  	_ =	swait.ge [sflag:s14], $0x800  }
0x36: {  	s22 =	smov.u32 s25;
	s21 =	sshra.s32 s24, $0x2;
	[sflag:s14] =	ssyncset.done $0x0  }
0x37: {  	s22 =	sadd.s32 $0x5000, s21;
	[sflag:s14] =	ssyncadd.s32 $0xFFFFF800  }
0x38: {  	[spmem:s2] =	stream.indirect.scatter.add.f32 [tilespmem:s16], [sflag:$0x1], $0x10, s22, s19, $0xb8;
	[tilespmem:$0xA800] =	vst v63  }
0x39: {  	_ =	swait.ge [sflag:s14], $0x800  }
0x3a: {  	[sflag:s14] =	ssyncset.done $0x0  }
0x3b: {  	s31 =	sadd.s32 $0x7800, s21;
	[sflag:s14] =	ssyncadd.s32 $0xFFFFF800  }
0x3c: {  	[spmem:s3] =	stream.indirect.scatter.add.f32 [tilespmem:s16], [sflag:$0x1], $0x10, s31, s19, $0xb8;
	[tilespmem:$0xA800] =	vst v63  }
0x3d: {  	_ =	swait.ge [sflag:s14], $0x800  }
0x3e: {  	[sflag:s14] =	ssyncset.done $0x0  }
0x3f: {  	[sflag:s14] =	ssyncadd.s32 $0xFFFFF800  }
0x40: {  	[bflag:$0x0] =	sbarrier.arrive $0xFFFF  }
0x41: {  	[hbm:s11], [sflag:s7] =	dma.local [spmem:s13], $0x500  }
0x42: {  	s20 =	sadd.s32 $0x1, s20;
	_ =	swait.ge [sflag:s14], $0x500  }
0x43: {  	p0 =	sne.s32 s20, s10;
	[sflag:s14] =	ssyncset.done $0x0  }
.Ltmp1:
0x44: {  	[sflag:s14] =	ssyncadd.s32 $0xFFFFFB00;
	(pc) =	sbr.rel @p0 .LBB2_1-.Ltmp1, $4  }
0x45: {  	[hbm:s12], [sflag:s7] =	dma.local [spmem:s15], $0x500  }
0x46: {  	_ =	swait.ge [sflag:s14], $0x500  }
0x47: {  	[sflag:s14] =	ssyncset.done $0x0  }
0x48: {  	[sflag:s14] =	ssyncadd.s32 $0xFFFFFB00  }
0x49: {  	_ =	sfence.sel $0x180000  }
0x4a: {  	[bflag:$0x0] =	sbarrier.arrive $0xFFFF  }
0x4b: {  	p0 =	sne.s32 s0, $0x0;
	_ =	strace $0x90000047  }
0x4c: {  	s0 =	sadd.s32 @!p0 $0x100000, s1;
	[bflag:$0x2] =	sbarrier.arrive $0xFFFF  }
0x4d: {  	[sflag:s0] =	ssyncadd.tile.s32 @!p0 $0x1;
	_ =	shalt  }
.Lfunc_end2:
_tile_overlayer_lowered:
.L_overlay_start_2:
0x4e: {  	(tag) =	ssettag $0x2  }
0x4f: {  	s0 =	rddreg [dreg:$0x0];
	s2 =	stileid.u32  }
0x50: {  	s1 =	rddreg [dreg:$0x1];
	p0 =	sne.s32 s2, $0x0  }
0x51: {  	s3 =	rddreg [dreg:$0x2];
	[bflag:$0x3] =	sbarrier.arrive $0xFFFF;
	s2 =	simm.s32 @!p0 $0x1C01  }
0x52: {  	[timem:s3], [sflag:s2] =	dma.local @!p0 [hbm:s0], s1  }
0x53: {  	s0 =	simm.s32 @!p0 $0x1  }
0x54: {  	_ =	swait.ge @!p0 [sflag:s0], s1  }
0x55: {  	s1 =	ssub.s32 @!p0 $0x0, s1;
	[sflag:s0] =	ssyncset.done @!p0 $0x0  }
0x56: {  	[sflag:s0] =	ssyncadd.s32 @!p0 s1  }
0x57: {  	[bflag:$0x3] =	sbarrier.arrive $0xFFFF  }
0x58: {  	_ =	shalt  }

// kernel: kernel.16.cloned.1.call-start
scs
__scs_entry_jumppad:
0x0: {  	(pc) =	sbr.rel $0x88, $3  }
0x1: {  	(tag) =	ssettag $0x0;
	lr =	simm.s32 $0x1  }
0x2: {  	[smem:$0x3F95] =	sst lr;
	_ =	strace $0xD0000000  }
0x3: {  	_ = 	snop  }
0x4: {  	_ = 	snop  }
0x5: {  	_ = 	snop  }
0x6: {  	_ = 	snop  }
0x7: {  	_ = 	snop  }
__scs_overlays_trampoline_lowered:
0x8: {  	[smem:$0x3FA4] =	sst s0  }
0x9: {  	[smem:$0x3FA5] =	sst s1  }
0xa: {  	[smem:$0x3FA6] =	sst s2  }
0xb: {  	[smem:$0x3FA7] =	sst s3  }
0xc: {  	[smem:$0x3FA8] =	sst s4  }
0xd: {  	[smem:$0x3FA9] =	sst s5  }
0xe: {  	[smem:$0x3FAA] =	sst s6  }
0xf: {  	[smem:$0x3FAB] =	sst s7  }
0x10: {  	[smem:$0x3FAC] =	sst s8  }
0x11: {  	[smem:$0x3FAD] =	sst s9;
	s0 =	simm.s32 @!p0 $0x0  }
0x12: {  	s1 =	sld [smem:$0x3F93];
	s0 =	simm.s32 @p0 $0x1  }
0x13: {  	[smem:$0x3FAE] =	sst s0;
	s0 =	simm.s32 @!p1 $0x0  }
0x14: {  	s2 =	sld [smem:$0x3F92];
	s0 =	simm.s32 @p1 $0x1  }
0x15: {  	[smem:$0x3FAF] =	sst s0;
	s0 =	simm.s32 @!p2 $0x0  }
0x16: {  	s3 =	sld [smem:$0x3FDB];
	s0 =	simm.s32 @p2 $0x1  }
0x17: {  	s4 =	simm.s32 $0x1BF5;
	[smem:$0x3FB1] =	sst s0  }
0x18: {  	s0 =	sld [smem:$0x3F94];
	_ =	swait.ge [sflag:s4], $0x0  }
0x19: {  	s7 =	sld [smem:$0x3F95]  }
0x1a: {  	s8 =	sadd.s32 $0xFFFFE003, lr  }
0x1b: {  	s9 =	sadd.s32 $0xFFFFFEF7, lr;
	s5 =	simm.s32 $0xFFFFFFFF;
	p2 =	slt.u32 s8, $0xFFFFF086  }
0x1c: {  	p1 =	slt.u32 s9, $0xF7A;
	s5 =	simm.s32 @!p2 $0x0  }
0x1d: {  	s5 =	simm.s32 @p1 $0x1;
	p0 =	seq.s32 s7, s2  }
0x1e: {  	s7 =	smul.u32 @!p0 $0xF7A, s2;
	p2 =	seq.s32 @!p0 s5, $0x0  }
0x1f: {  	s9 =	smul.u32 $0xF7A, s1;
	s8 =	simm.s32 @!p0 $0x1BF5;
	p2 =	por !p2, p0  }
0x20: {  	[sflag:s8] =	ssyncset.s32 @!p0 $0xFFFFF086;
	s6 =	sadd.s32 @!p0 s3, s7;
	s7 =	simm.s32 @!p0 $0x108  }
0x21: {  	s3 =	sadd.s32 s3, s9;
	s6 =	sadd.s32 @!p0 $0x88, s6;
	s7 =	simm.s32 @p2 $0x1082  }
0x22: {  	[simem:s7], [sflag:s8] =	dma.local @!p0 [hbm:s6], $0xF7A  }
0x23: {  	s9 =	sor.u32 $0xD0000000, s2;
	s6 =	simm.s32 $0x108;
	_ =	swait.ge @!p0 [sflag:s8], $0x0  }
0x24: {  	s3 =	sadd.s32 $0x88, s3;
	s6 =	simm.s32 @!p1 $0x1082;
	[sflag:s4] =	ssyncset.s32 $0xFFFFF086  }
0x25: {  	[simem:s6], [sflag:s4] =	dma.local [hbm:s3], $0xF7A  }
0x26: {  	[smem:$0x3F95] =	sst s1;
	(tag) =	ssettag s2;
	_ =	strace s9  }
0x27: {  	s1 =	sld [smem:$0x3FA5]  }
0x28: {  	s2 =	sld [smem:$0x3FA6]  }
0x29: {  	s4 =	sld [smem:$0x3FA8]  }
0x2a: {  	p0 =	seq.s32 s5, $0x0;
	s5 =	sld [smem:$0x3FA9]  }
0x2b: {  	s6 =	sld [smem:$0x3FAA]  }
0x2c: {  	s7 =	sld [smem:$0x3FAB]  }
0x2d: {  	s3 =	simm.s32 $0x108;
	s8 =	sld [smem:$0x3FAC]  }
0x2e: {  	s3 =	simm.s32 @!p0 $0x1082;
	s9 =	sld [smem:$0x3FAD]  }
0x2f: {  	lr =	sadd.s32 s0, s3;
	s0 =	sld [smem:$0x3FA4]  }
0x30: {  	s3 =	sld [smem:$0x3FA7]  }
0x31: {  	[smem:$0x3FB0] =	sst s10  }
0x32: {  	s10 =	sld [smem:$0x3FAE];
	_ =	sdelay $0x3  }
0x33: {  	p0 =	seq.s32 s10, $0x1;
	s10 =	sld [smem:$0x3FB0];
	_ =	sdelay $0x3  }
0x34: {  	[smem:$0x3FB0] =	sst s10  }
0x35: {  	s10 =	sld [smem:$0x3FAF];
	_ =	sdelay $0x3  }
0x36: {  	p1 =	seq.s32 s10, $0x1;
	s10 =	sld [smem:$0x3FB0];
	_ =	sdelay $0x3  }
0x37: {  	[smem:$0x3FB0] =	sst s10  }
0x38: {  	s10 =	sld [smem:$0x3FB1]  }
0x39: {  	_ = 	snop;
	(pc) =	sbr.ind lr, $3  }
0x3a: {  	_ = 	snop  }
0x3b: {  	_ = 	snop  }
0x3c: {  	p2 =	seq.s32 s10, $0x1;
	s10 =	sld [smem:$0x3FB0]  }
0x3d: {  	_ =	shalt  }
0x3e: {  	_ =	shalt  }
0x3f: {  	_ =	shalt  }
0x40: {  	_ =	shalt  }
0x41: {  	_ =	shalt  }
0x42: {  	_ =	shalt  }
0x43: {  	_ =	shalt  }
0x44: {  	_ =	shalt  }
0x45: {  	_ =	shalt  }
0x46: {  	_ =	shalt  }
0x47: {  	_ =	shalt  }
0x48: {  	_ =	shalt  }
0x49: {  	_ =	shalt  }
0x4a: {  	_ =	shalt  }
0x4b: {  	_ =	shalt  }
0x4c: {  	_ =	shalt  }
0x4d: {  	_ =	shalt  }
0x4e: {  	_ =	shalt  }
0x4f: {  	_ =	shalt  }
0x50: {  	_ =	shalt  }
0x51: {  	_ =	shalt  }
0x52: {  	_ =	shalt  }
0x53: {  	_ =	shalt  }
0x54: {  	_ =	shalt  }
0x55: {  	_ =	shalt  }
0x56: {  	_ =	shalt  }
0x57: {  	_ =	shalt  }
0x58: {  	_ =	shalt  }
0x59: {  	_ =	shalt  }
0x5a: {  	_ =	shalt  }
0x5b: {  	_ =	shalt  }
0x5c: {  	_ =	shalt  }
0x5d: {  	_ =	shalt  }
0x5e: {  	_ =	shalt  }
0x5f: {  	_ =	shalt  }
0x60: {  	_ =	shalt  }
0x61: {  	_ =	shalt  }
0x62: {  	_ =	shalt  }
0x63: {  	_ =	shalt  }
0x64: {  	_ =	shalt  }
0x65: {  	_ =	shalt  }
0x66: {  	_ =	shalt  }
0x67: {  	_ =	shalt  }
0x68: {  	_ =	shalt  }
0x69: {  	_ =	shalt  }
0x6a: {  	_ =	shalt  }
0x6b: {  	_ =	shalt  }
0x6c: {  	_ =	shalt  }
0x6d: {  	_ =	shalt  }
0x6e: {  	_ =	shalt  }
0x6f: {  	_ =	shalt  }
0x70: {  	_ =	shalt  }
0x71: {  	_ =	shalt  }
0x72: {  	_ =	shalt  }
0x73: {  	_ =	shalt  }
0x74: {  	_ =	shalt  }
0x75: {  	_ =	shalt  }
0x76: {  	_ =	shalt  }
0x77: {  	_ =	shalt  }
0x78: {  	_ =	shalt  }
0x79: {  	_ =	shalt  }
0x7a: {  	_ =	shalt  }
0x7b: {  	_ =	shalt  }
0x7c: {  	_ =	shalt  }
0x7d: {  	_ =	shalt  }
0x7e: {  	_ =	shalt  }
0x7f: {  	_ =	shalt  }
0x80: {  	_ =	shalt  }
0x81: {  	_ =	shalt  }
0x82: {  	_ =	shalt  }
0x83: {  	_ =	shalt  }
0x84: {  	_ =	shalt  }
0x85: {  	_ =	shalt  }
0x86: {  	_ =	shalt  }
0x87: {  	_ =	shalt  }
.Lfunc_end0:
.L_simem_size_0:
called_computation.1_lowered:
.L_overlay_start_0:
0x88: {  	s2 =	sld [smem:$0x3FD9]  }
0x89: {  	s3 =	sld [smem:$0x3FFE];
	_ =	sdelay $0x1  }
0x8a: {  	s1 =	srdreg.scid  }
0x8b: {  	s0 =	sand.u32 $0x1, s1  }
0x8c: {  	s17 =	sshll.u32 s0, $0xA;
	s2 =	sadd.s32 s3, s2  }
0x8d: {  	s2 =	sadd.s32 s2, s17  }
0x8e: {  	[smem:$0x3FBC] =	sst s2  }
0x8f: {  	_ = 	snop  }
0x90: {  	s2 =	sld [smem:$0x3FD0];
	(tm) =	ssettm $0x1  }
0x91: {  	s18 =	sld [smem:$0x3FFB];
	_ =	sdelay $0x3  }
0x92: {  	_ =	strace s18  }
0x93: {  	s3 =	sld [smem:$0x3FFC];
	_ =	sdelay $0x3  }
0x94: {  	_ =	strace s3  }
0x95: {  	s3 =	sld [smem:$0x3FFD];
	_ =	sdelay $0x3  }
0x96: {  	_ =	strace s3  }
0x97: {  	_ =	strace $0x8FFFFFFF  }
0x98: {  	s19 =	sld [smem:$0x3FDB];
	_ =	sdelay $0x1  }
0x99: {  	s4 =	simm.s32 $_scs_section_size  }
0x9a: {  	s5 =	simm.s32 $_size__tile_overlayer_lowered;
	s6 =	simm.s32 $_tile_overlayer_lowered  }
0x9b: {  	s22 =	simm.s32 $0x1BFF;
	s21 =	sshll.u32 s6, $0x1;
	s3 =	sadd.s32 s4, s19  }
0x9c: {  	s7 =	simm.s32 $0x0;
	s20 =	sshll.u32 s5, $0x1;
	s5 =	sadd.s32 s21, s3  }
0x9d: {  	[timem:s7], [sflag:s22] =	dma.local [hbm:s5], s20  }
0x9e: {  	_ =	swait.ge [sflag:s22], s20  }
0x9f: {  	s4 =	ssub.s32 $0x0, s20;
	[sflag:s22] =	ssyncset.done $0x0  }
0xa0: {  	[sflag:s22] =	ssyncadd.s32 s4;
	_ =	sdelay $0x1  }
0xa1: {  	s23 =	simm.s32 $0x1B8B  }
0xa2: {  	_ =	swait.ge [sflag:s23], $0x1  }
0xa3: {  	[sflag:s23] =	ssyncset.done $0x0  }
0xa4: {  	s25 =	simm.s32 $0x1B8E;
	s24 =	sld [smem:$0x3FFE];
	[sflag:s23] =	ssyncadd.s32 $0xFFFFFFFF  }
0xa5: {  	s26 =	simm.s32 $execute0_lowered;
	[smem:$0x3FD2] =	sst s25  }
0xa6: {  	s5 =	sshll.u32 s26, $0x1;
	_ =	strace $0x80000049;
	[dreg:$0x1] =	wrdreg $0xFFFFFFFF  }
0xa7: {  	s28 =	simm.s32 $_size_execute0_lowered;
	s3 =	sadd.s32 s3, s5;
	[dreg:$0x0] =	wrdreg $0x0  }
0xa8: {  	s5 =	sshll.u32 s28, $0x1;
	[dreg:$0x2] =	wrdreg s3  }
0xa9: {  	[dreg:$0x3] =	wrdreg s5  }
0xaa: {  	[dreg:$0x4] =	wrdreg $0xC0  }
0xab: {  	_ =	task [dreg:s7], $0x5FFFF  }
0xac: {  	[dreg:$0x1] =	wrdreg $0xFFFFFFFF  }
0xad: {  	[dreg:$0x0] =	wrdreg $0x60  }
0xae: {  	[dreg:$0x2] =	wrdreg s24  }
0xaf: {  	[dreg:$0x3] =	wrdreg s2  }
0xb0: {  	[dreg:$0x4] =	wrdreg $0x0  }
0xb1: {  	[dreg:$0x5] =	wrdreg $0x9  }
0xb2: {  	_ =	task.clear_ibuf [dreg:s7], $0x6FFFF;
	_ =	strace $0x90000049  }
0xb3: {  	s29 =	simm.s32 $0x9;
	_ =	strace $0x8000004B  }
0xb4: {  	_ =	swait.ge [sflag:s29], $0x1  }
0xb5: {  	[sflag:s29] =	ssyncadd.s32 $0xFFFFFFFF  }
0xb6: {  	_ =	strace $0x9000004B  }
0xb7: {  	_ =	sfence  }
0xb8: {  	s30 =	sld [smem:$0x0];
	_ =	sdelay $0x2  }
0xb9: {  	s31 =	sshll.u32 s1, $0xD;
	s1 =	sshrl.u32 s1, $0x2  }
0xba: {  	s3 =	sand.u32 $0x4000, s31;
	s1 =	sadd.s32 s1, s30  }
0xbb: {  	s0 =	sor.u32 s3, s0;
	s1 =	sshll.u32 s1, $0x11  }
0xbc: {  	s0 =	sor.u32 s1, s0  }
0xbd: {  	s0 =	sadd.s32 $0x8F2B, s0  }
0xbe: {  	[sflag:s0] =	ssyncadd.remote.s32 $0x1  }
0xbf: {  	_ =	sfence.sel $0xFFFF  }
0xc0: {  	[dreg:$0x0] =	wrdreg $0xFFFFFFFF;
	(pc) =	sbr.abs _section_cstart, $3  }
0xc1: {  	[dreg:$0x1] =	wrdreg $0xFFFFFFFF  }
0xc2: {  	_ =	task.clear_ibuf [dreg:s7], $0x2FFFF;
	_ =	strace $0x9FFFFFFF  }
0xc3: {  	(tm) =	ssettm $0x7FFFFFFF  }
tec
execute0_lowered:
.L_overlay_start_1:
0x0: {  	(tag) =	ssettag $0x1  }
0x1: {  	s0 =	rddreg [dreg:$0x0]  }
0x2: {  	s5 =	rddreg [dreg:$0x1]  }
0x3: {  	s1 =	rddreg [dreg:$0x2];
	s2 =	simm.s32 $0x0  }
0x4: {  	s6 =	srdreg.scid;
	s3 =	stileid.u32;
	s28 =	simm.s32 $0x1  }
0x5: {  	s29 =	simm.s32 $0x14080;
	s30 =	simm.s32 $0x1A800;
	s31 =	simm.s32 $0x2  }
0x6: {  	s17 =	simm.s32 $0x0;
	[smem:$0x7FF] =	sst s2;
	s4 =	sadd.s32 $0x4DC00, s0  }
0x7: {  	s14 =	sadd.s32 $0x7400, s0;
	s7 =	smul.u32 $0x50000, s3;
	s8 =	sadd.s32 $0xC5C00, s0  }
0x8: {  	s0 =	sadd.s32 $0xEDC00, s0;
	_ =	strace $0x8000004A;
	[dreg:$0x4] =	wrdreg s8  }
0x9: {  	s6 =	sand.u32 $0x1, s6;
	s15 =	smul.u32 $0x500, s3;
	[dreg:$0x5] =	wrdreg s0  }
0xa: {  	s20 =	ssub.s32 $0x2, s6;
	p0 =	sne.s32 s6, $0x0;
	s6 =	simm.s32 $0x15480  }
0xb: {  	s21 =	sshrl.u32 s20, $0x1;
	s9 =	sshrl.u32 s7, $0x2;
	s7 =	smul.u32 $0x2800, s3  }
0xc: {  	s22 =	sadd.s32 $0x5000, s15;
	s23 =	sadd.s32 $0x5280, s15;
	s25 =	sadd.s32 $0x280, s15  }
0xd: {  	s26 =	sadd.s32 s14, s15;
	s15 =	sadd.s32 s5, s15;
	s0 =	ssub.s32 s20, s21  }
0xe: {  	s8 =	sadd.s32 s9, s1;
	s16 =	sadd.s32 s14, s22;
	[dreg:$0xa] =	wrdreg s26  }
0xf: {  	s24 =	sadd.s32 s14, s23;
	[dreg:$0xb] =	wrdreg s15;
	s14 =	sadd.s32 s14, s25  }
0x10: {  	s21 =	sadd.s32 s5, s25;
	s25 =	simm.s32 $0x15400;
	s26 =	simm.s32 $0x80  }
0x11: {  	s15 =	simm.s32 $0x14180;
	s9 =	smax.u32 s0, $0x1;
	s10 =	sadd.s32 $0x4000, s8  }
0x12: {  	s11 =	sadd.s32 $0x8000, s8;
	s12 =	sadd.s32 $0xC000, s8;
	[dreg:$0x6] =	wrdreg s16  }
.Ltmp0:
0x13: {  	s13 =	sadd.s32 $0x10000, s8;
	[dreg:$0x8] =	wrdreg s24;
	(pc) =	sbr.rel .LBB2_1-.Ltmp0, $4  }
0x14: {  	s0 =	sadd.s32 s5, s22;
	[dreg:$0xc] =	wrdreg s14;
	s22 =	simm.s32 $0x16800  }
0x15: {  	s24 =	simm.s32 $0x14000;
	s14 =	simm.s32 $0x4;
	s16 =	simm.s32 $0x15500  }
0x16: {  	[dreg:$0x7] =	wrdreg s0;
	s0 =	sadd.s32 s5, s23;
	s23 =	simm.s32 $0x5  }
0x17: {  	v0 =	vimm.f32 $0.0e+00;
	s5 =	simm.s32 $0x14100;
	[dreg:$0x9] =	wrdreg s0;
	s0 =	simm.s32 $0x3  }
.LBB2_13:
0x18: {  	s18 =	sshra.s32 s18, $0x2  }
0x19: {  	[sflag:s31] =	ssyncadd.s32 $0xFFFFC000;
	s18 =	sadd.s32 $0x16780, s18  }
0x1a: {  	[spmem:s1] =	stream.indirect.scatter.add.f32 [tilespmem:s30], [sflag:$0x4], $0x80, s18, s26, $0xb8;
	[tilespmem:$0x1E800] =	vst v63  }
0x1b: {  	_ =	swait.ge [sflag:s0], $0x4000  }
0x1c: {  	[sflag:s0] =	ssyncset.done $0x0  }
0x1d: {  	[sflag:s0] =	ssyncadd.s32 $0xFFFFC000  }
0x1e: {  	_ =	swait.ge [sflag:s14], $0x4000  }
0x1f: {  	[sflag:s14] =	ssyncset.done $0x0  }
0x20: {  	s18 =	rddreg [dreg:$0x5];
	[sflag:s14] =	ssyncadd.s32 $0xFFFFC000  }
.LBB2_14:
0x21: {  	s18 =	sadd.s32 s18, s7;
	s17 =	sadd.s32 $0x1, s17  }
0x22: {  	s19 =	sshll.u32 s3, $0x6;
	[bflag:$0x0] =	sbarrier.arrive $0xFFFF;
	p1 =	sne.s32 s17, s9  }
.Ltmp1:
0x23: {  	s20 =	sshrl.u32 s8, $0x3;
	s19 =	sor.u32 $0x1C05, s19;
	(pc) =	sbr.rel @!p1 .LBB2_15-.Ltmp1, $4  }
0x24: {  	[hbm:s18], [sflag:s19] =	dma.local [spmem:s20], $0x2800  }
0x25: {  	_ =	swait.ge [sflag:s23], $0x2800  }
0x26: {  	[sflag:s23] =	ssyncset.done $0x0  }
0x27: {  	[sflag:s23] =	ssyncadd.s32 $0xFFFFD800  }
.LBB2_1:
0x28: {  	s18 =	simm.s32 $0x0;
	s19 =	simm.s32 $0x200  }
.LBB2_2:
0x29: {  	p1 =	sne.s32 s19, $0xFE00;
	[tilespmem:s18+$0x16870] =	vst v0  }
0x2a: {  	[tilespmem:s18+$0x16800] =	vst v0  }
0x2b: {  	[tilespmem:s18+$0x16810] =	vst v0  }
.Ltmp2:
0x2c: {  	[tilespmem:s18+$0x16820] =	vst v0;
	(pc) =	sbr.rel @p1 .LBB2_2-.Ltmp2, $4  }
0x2d: {  	[tilespmem:s18+$0x16830] =	vst v0  }
0x2e: {  	[tilespmem:s18+$0x16840] =	vst v0  }
0x2f: {  	[tilespmem:s18+$0x16850] =	vst v0  }
0x30: {  	[tilespmem:s18+$0x16860] =	vst v0;
	s18 =	sshra.s32 s19, $0x2;
	s19 =	sadd.s32 $0x200, s19  }
0x31: {  	[tilespmem:s18+$0x16870] =	vst v0  }
0x32: {  	[tilespmem:s18+$0x16800] =	vst v0  }
0x33: {  	[tilespmem:s18+$0x16810] =	vst v0  }
0x34: {  	[tilespmem:s18+$0x16820] =	vst v0  }
0x35: {  	[tilespmem:s18+$0x16830] =	vst v0  }
0x36: {  	[tilespmem:s18+$0x16840] =	vst v0  }
0x37: {  	[tilespmem:s18+$0x16850] =	vst v0  }
0x38: {  	[tilespmem:s18+$0x16860] =	vst v0  }
0x39: {  	[spmem:s8] =	stream.linear.scatter [tilespmem:s22], [sflag:$0x5], $0x4000, $0x38;
	[tilespmem:$0x1E800] =	vst v63  }
0x3a: {  	_ =	swait.ge [sflag:s23], $0x4000  }
0x3b: {  	[sflag:s23] =	ssyncset.done $0x0  }
0x3c: {  	[sflag:s23] =	ssyncadd.s32 $0xFFFFC000  }
0x3d: {  	[spmem:s10] =	stream.linear.scatter [tilespmem:s22], [sflag:$0x5], $0x4000, $0x38;
	[tilespmem:$0x1E800] =	vst v63  }
0x3e: {  	_ =	swait.ge [sflag:s23], $0x4000  }
0x3f: {  	[sflag:s23] =	ssyncset.done $0x0  }
0x40: {  	[sflag:s23] =	ssyncadd.s32 $0xFFFFC000  }
0x41: {  	[spmem:s11] =	stream.linear.scatter [tilespmem:s22], [sflag:$0x5], $0x4000, $0x38;
	[tilespmem:$0x1E800] =	vst v63  }
0x42: {  	_ =	swait.ge [sflag:s23], $0x4000  }
0x43: {  	[sflag:s23] =	ssyncset.done $0x0  }
0x44: {  	[sflag:s23] =	ssyncadd.s32 $0xFFFFC000  }
0x45: {  	[spmem:s12] =	stream.linear.scatter [tilespmem:s22], [sflag:$0x5], $0x4000, $0x38;
	[tilespmem:$0x1E800] =	vst v63  }
0x46: {  	_ =	swait.ge [sflag:s23], $0x4000  }
0x47: {  	[sflag:s23] =	ssyncset.done $0x0  }
0x48: {  	[sflag:s23] =	ssyncadd.s32 $0xFFFFC000  }
0x49: {  	[spmem:s13] =	stream.linear.scatter [tilespmem:s22], [sflag:$0x5], $0x4000, $0x38;
	[tilespmem:$0x1E800] =	vst v63  }
.Ltmp3:
0x4a: {  	_ =	swait.ge [sflag:s23], $0x4000;
	(pc) =	sbr.rel @p0 .LBB2_9-.Ltmp3, $3  }
0x4b: {  	[sflag:s23] =	ssyncset.done $0x0  }
0x4c: {  	[sflag:s23] =	ssyncadd.s32 $0xFFFFC000  }
0x4d: {  	[bflag:$0x0] =	sbarrier.arrive $0xFFFF;
	_ =	sdelay $0x1  }
0x4e: {  	s18 =	rddreg [dreg:$0xa]  }
0x4f: {  	[tilespmem:s24], [sflag:$0x5] =	stream.linear.gather [hbm4b:s18+s2], $0x1400, $0x38;
	[tilespmem:$0x1E800] =	vst v63  }
0x50: {  	_ =	swait.ge [sflag:s23], $0x1400  }
0x51: {  	[sflag:s23] =	ssyncset.done $0x0  }
0x52: {  	s20 =	rddreg [dreg:$0xb];
	[sflag:s23] =	ssyncadd.s32 $0xFFFFEC00  }
0x53: {  	[tilespmem:s25], [sflag:$0x5] =	stream.linear.gather [hbm4b:s20+s2], $0x1400, $0x38;
	[tilespmem:$0x1E800] =	vst v63  }
0x54: {  	_ =	swait.ge [sflag:s23], $0x1400  }
0x55: {  	[sflag:s23] =	ssyncset.done $0x0  }
0x56: {  	[sflag:s23] =	ssyncadd.s32 $0xFFFFEC00  }
0x57: {  	[tilespmem:s22], [sflag:$0x1] =	stream.indirect.gather [hbm4b:s4+s26], $0x80, s24, s26, $0xb8;
	[tilespmem:$0x1E800] =	vst v63  }
0x58: {  	_ =	swait.ge [sflag:s28], $0x4000  }
0x59: {  	[sflag:s28] =	ssyncset.done $0x0  }
0x5a: {  	[sflag:s28] =	ssyncadd.s32 $0xFFFFC000  }
0x5b: {  	[tilespmem:s30], [sflag:$0x2] =	stream.indirect.gather [hbm4b:s4+s26], $0x80, s29, s26, $0xb8;
	[tilespmem:$0x1E800] =	vst v63  }
0x5c: {  	_ = 	snop  }
0x5d: {  	[spmem:s1] =	stream.indirect.scatter.add.f32 [tilespmem:s22], [sflag:$0x3], $0x80, s25, s26, $0xb8;
	[tilespmem:$0x1E800] =	vst v63  }
0x5e: {  	_ =	swait.ge [sflag:s31], $0x4000  }
0x5f: {  	[sflag:s31] =	ssyncset.done $0x0  }
0x60: {  	[sflag:s31] =	ssyncadd.s32 $0xFFFFC000  }
0x61: {  	_ =	swait.ge [sflag:s0], $0x4000  }
0x62: {  	[sflag:s0] =	ssyncset.done $0x0  }
0x63: {  	[sflag:s0] =	ssyncadd.s32 $0xFFFFC000  }
0x64: {  	[tilespmem:s22], [sflag:$0x1] =	stream.indirect.gather [hbm4b:s4+s26], $0x80, s5, s26, $0xb8;
	[tilespmem:$0x1E800] =	vst v63  }
0x65: {  	_ = 	snop  }
0x66: {  	[spmem:s1] =	stream.indirect.scatter.add.f32 [tilespmem:s30], [sflag:$0x4], $0x80, s6, s26, $0xb8;
	[tilespmem:$0x1E800] =	vst v63  }
0x67: {  	_ =	swait.ge [sflag:s28], $0x4000  }
0x68: {  	[sflag:s28] =	ssyncset.done $0x0  }
0x69: {  	[sflag:s28] =	ssyncadd.s32 $0xFFFFC000  }
0x6a: {  	_ =	swait.ge [sflag:s14], $0x4000  }
0x6b: {  	[sflag:s14] =	ssyncset.done $0x0  }
0x6c: {  	[sflag:s14] =	ssyncadd.s32 $0xFFFFC000  }
0x6d: {  	[tilespmem:s30], [sflag:$0x2] =	stream.indirect.gather [hbm4b:s4+s26], $0x80, s15, s26, $0xb8;
	[tilespmem:$0x1E800] =	vst v63  }
0x6e: {  	_ = 	snop  }
0x6f: {  	[spmem:s1] =	stream.indirect.scatter.add.f32 [tilespmem:s22], [sflag:$0x3], $0x80, s16, s26, $0xb8;
	[tilespmem:$0x1E800] =	vst v63  }
0x70: {  	_ =	swait.ge [sflag:s31], $0x4000  }
0x71: {  	[sflag:s31] =	ssyncset.done $0x0  }
0x72: {  	[sflag:s31] =	ssyncadd.s32 $0xFFFFC000  }
0x73: {  	_ =	swait.ge [sflag:s0], $0x4000  }
0x74: {  	[sflag:s0] =	ssyncset.done $0x0  }
0x75: {  	s19 =	simm.s32 $0x14200;
	[sflag:s0] =	ssyncadd.s32 $0xFFFFC000  }
0x76: {  	[tilespmem:s22], [sflag:$0x1] =	stream.indirect.gather [hbm4b:s4+s26], $0x80, s19, s26, $0xb8;
	[tilespmem:$0x1E800] =	vst v63  }
0x77: {  	s20 =	simm.s32 $0x15580  }
0x78: {  	[spmem:s1] =	stream.indirect.scatter.add.f32 [tilespmem:s30], [sflag:$0x4], $0x80, s20, s26, $0xb8;
	[tilespmem:$0x1E800] =	vst v63  }
0x79: {  	_ =	swait.ge [sflag:s28], $0x4000  }
0x7a: {  	[sflag:s28] =	ssyncset.done $0x0  }
0x7b: {  	[sflag:s28] =	ssyncadd.s32 $0xFFFFC000  }
0x7c: {  	_ =	swait.ge [sflag:s14], $0x4000  }
0x7d: {  	[sflag:s14] =	ssyncset.done $0x0  }
0x7e: {  	s19 =	simm.s32 $0x14280;
	[sflag:s14] =	ssyncadd.s32 $0xFFFFC000  }
0x7f: {  	[tilespmem:s30], [sflag:$0x2] =	stream.indirect.gather [hbm4b:s4+s26], $0x80, s19, s26, $0xb8;
	[tilespmem:$0x1E800] =	vst v63  }
0x80: {  	s20 =	simm.s32 $0x15600  }
0x81: {  	[spmem:s1] =	stream.indirect.scatter.add.f32 [tilespmem:s22], [sflag:$0x3], $0x80, s20, s26, $0xb8;
	[tilespmem:$0x1E800] =	vst v63  }
0x82: {  	_ =	swait.ge [sflag:s31], $0x4000  }
0x83: {  	s18 =	simm.s32 $0xFFFFBC00;
	[sflag:s31] =	ssyncset.done $0x0  }
.LBB2_5:
0x84: {  	[sflag:s31] =	ssyncadd.s32 $0xFFFFC000;
	s19 =	smov.u32 s18;
	s18 =	sadd.s32 $0x400, s18  }
0x85: {  	p1 =	sne.s32 s18, $0x0  }
0x86: {  	_ =	swait.ge [sflag:s0], $0x4000  }
0x87: {  	s19 =	sshra.s32 s19, $0x2;
	[sflag:s0] =	ssyncset.done $0x0  }
0x88: {  	s20 =	sadd.s32 $0x15400, s19;
	[sflag:s0] =	ssyncadd.s32 $0xFFFFC000  }
0x89: {  	[tilespmem:s22], [sflag:$0x1] =	stream.indirect.gather [hbm4b:s4+s26], $0x80, s20, s26, $0xb8;
	[tilespmem:$0x1E800] =	vst v63  }
0x8a: {  	s20 =	sadd.s32 $0x16780, s19  }
0x8b: {  	[spmem:s1] =	stream.indirect.scatter.add.f32 [tilespmem:s30], [sflag:$0x4], $0x80, s20, s26, $0xb8;
	[tilespmem:$0x1E800] =	vst v63  }
0x8c: {  	_ =	swait.ge [sflag:s28], $0x4000  }
0x8d: {  	[sflag:s28] =	ssyncset.done $0x0  }
0x8e: {  	[sflag:s28] =	ssyncadd.s32 $0xFFFFC000  }
0x8f: {  	_ =	swait.ge [sflag:s14], $0x4000  }
0x90: {  	[sflag:s14] =	ssyncset.done $0x0  }
0x91: {  	s20 =	sadd.s32 $0x15480, s19;
	[sflag:s14] =	ssyncadd.s32 $0xFFFFC000  }
0x92: {  	[tilespmem:s30], [sflag:$0x2] =	stream.indirect.gather [hbm4b:s4+s26], $0x80, s20, s26, $0xb8;
	[tilespmem:$0x1E800] =	vst v63  }
.Ltmp4:
0x93: {  	_ = 	snop;
	(pc) =	sbr.rel @p1 .LBB2_5-.Ltmp4, $4  }
0x94: {  	s19 =	sadd.s32 $0x16800, s19  }
0x95: {  	[spmem:s1] =	stream.indirect.scatter.add.f32 [tilespmem:s22], [sflag:$0x3], $0x80, s19, s26, $0xb8;
	[tilespmem:$0x1E800] =	vst v63  }
0x96: {  	_ =	swait.ge [sflag:s31], $0x4000  }
0x97: {  	[sflag:s31] =	ssyncset.done $0x0  }
0x98: {  	s18 =	sshra.s32 s18, $0x2  }
0x99: {  	[sflag:s31] =	ssyncadd.s32 $0xFFFFC000;
	s18 =	sadd.s32 $0x16780, s18  }
0x9a: {  	[spmem:s1] =	stream.indirect.scatter.add.f32 [tilespmem:s30], [sflag:$0x4], $0x80, s18, s26, $0xb8;
	[tilespmem:$0x1E800] =	vst v63  }
0x9b: {  	_ =	swait.ge [sflag:s0], $0x4000  }
0x9c: {  	[sflag:s0] =	ssyncset.done $0x0  }
0x9d: {  	[sflag:s0] =	ssyncadd.s32 $0xFFFFC000  }
0x9e: {  	_ =	swait.ge [sflag:s14], $0x4000  }
0x9f: {  	[sflag:s14] =	ssyncset.done $0x0  }
0xa0: {  	s20 =	rddreg [dreg:$0xc];
	[sflag:s14] =	ssyncadd.s32 $0xFFFFC000  }
0xa1: {  	[tilespmem:s24], [sflag:$0x5] =	stream.linear.gather [hbm4b:s20+s2], $0x1400, $0x38;
	[tilespmem:$0x1E800] =	vst v63  }
0xa2: {  	_ =	swait.ge [sflag:s23], $0x1400  }
0xa3: {  	[sflag:s23] =	ssyncset.done $0x0  }
0xa4: {  	[sflag:s23] =	ssyncadd.s32 $0xFFFFEC00  }
0xa5: {  	[tilespmem:s25], [sflag:$0x5] =	stream.linear.gather [hbm4b:s21+s2], $0x1400, $0x38;
	[tilespmem:$0x1E800] =	vst v63  }
0xa6: {  	_ =	swait.ge [sflag:s23], $0x1400  }
0xa7: {  	[sflag:s23] =	ssyncset.done $0x0  }
0xa8: {  	[sflag:s23] =	ssyncadd.s32 $0xFFFFEC00  }
0xa9: {  	[tilespmem:s22], [sflag:$0x1] =	stream.indirect.gather [hbm4b:s4+s26], $0x80, s24, s26, $0xb8;
	[tilespmem:$0x1E800] =	vst v63  }
0xaa: {  	_ =	swait.ge [sflag:s28], $0x4000  }
0xab: {  	[sflag:s28] =	ssyncset.done $0x0  }
0xac: {  	[sflag:s28] =	ssyncadd.s32 $0xFFFFC000  }
0xad: {  	[tilespmem:s30], [sflag:$0x2] =	stream.indirect.gather [hbm4b:s4+s26], $0x80, s29, s26, $0xb8;
	[tilespmem:$0x1E800] =	vst v63  }
0xae: {  	_ = 	snop  }
0xaf: {  	[spmem:s1] =	stream.indirect.scatter.add.f32 [tilespmem:s22], [sflag:$0x3], $0x80, s25, s26, $0xb8;
	[tilespmem:$0x1E800] =	vst v63  }
0xb0: {  	_ =	swait.ge [sflag:s31], $0x4000  }
0xb1: {  	[sflag:s31] =	ssyncset.done $0x0  }
0xb2: {  	[sflag:s31] =	ssyncadd.s32 $0xFFFFC000  }
0xb3: {  	_ =	swait.ge [sflag:s0], $0x4000  }
0xb4: {  	[sflag:s0] =	ssyncset.done $0x0  }
0xb5: {  	[sflag:s0] =	ssyncadd.s32 $0xFFFFC000  }
0xb6: {  	[tilespmem:s22], [sflag:$0x1] =	stream.indirect.gather [hbm4b:s4+s26], $0x80, s5, s26, $0xb8;
	[tilespmem:$0x1E800] =	vst v63  }
0xb7: {  	_ = 	snop  }
0xb8: {  	[spmem:s1] =	stream.indirect.scatter.add.f32 [tilespmem:s30], [sflag:$0x4], $0x80, s6, s26, $0xb8;
	[tilespmem:$0x1E800] =	vst v63  }
0xb9: {  	_ =	swait.ge [sflag:s28], $0x4000  }
0xba: {  	[sflag:s28] =	ssyncset.done $0x0  }
0xbb: {  	[sflag:s28] =	ssyncadd.s32 $0xFFFFC000  }
0xbc: {  	_ =	swait.ge [sflag:s14], $0x4000  }
0xbd: {  	[sflag:s14] =	ssyncset.done $0x0  }
0xbe: {  	[sflag:s14] =	ssyncadd.s32 $0xFFFFC000  }
0xbf: {  	[tilespmem:s30], [sflag:$0x2] =	stream.indirect.gather [hbm4b:s4+s26], $0x80, s15, s26, $0xb8;
	[tilespmem:$0x1E800] =	vst v63  }
0xc0: {  	_ = 	snop  }
0xc1: {  	[spmem:s1] =	stream.indirect.scatter.add.f32 [tilespmem:s22], [sflag:$0x3], $0x80, s16, s26, $0xb8;
	[tilespmem:$0x1E800] =	vst v63  }
0xc2: {  	_ =	swait.ge [sflag:s31], $0x4000  }
0xc3: {  	[sflag:s31] =	ssyncset.done $0x0  }
0xc4: {  	[sflag:s31] =	ssyncadd.s32 $0xFFFFC000  }
0xc5: {  	_ =	swait.ge [sflag:s0], $0x4000  }
0xc6: {  	[sflag:s0] =	ssyncset.done $0x0  }
0xc7: {  	s19 =	simm.s32 $0x14200;
	[sflag:s0] =	ssyncadd.s32 $0xFFFFC000  }
0xc8: {  	[tilespmem:s22], [sflag:$0x1] =	stream.indirect.gather [hbm4b:s4+s26], $0x80, s19, s26, $0xb8;
	[tilespmem:$0x1E800] =	vst v63  }
0xc9: {  	s20 =	simm.s32 $0x15580  }
0xca: {  	[spmem:s1] =	stream.indirect.scatter.add.f32 [tilespmem:s30], [sflag:$0x4], $0x80, s20, s26, $0xb8;
	[tilespmem:$0x1E800] =	vst v63  }
0xcb: {  	_ =	swait.ge [sflag:s28], $0x4000  }
0xcc: {  	[sflag:s28] =	ssyncset.done $0x0  }
0xcd: {  	[sflag:s28] =	ssyncadd.s32 $0xFFFFC000  }
0xce: {  	_ =	swait.ge [sflag:s14], $0x4000  }
0xcf: {  	[sflag:s14] =	ssyncset.done $0x0  }
0xd0: {  	s19 =	simm.s32 $0x14280;
	[sflag:s14] =	ssyncadd.s32 $0xFFFFC000  }
0xd1: {  	[tilespmem:s30], [sflag:$0x2] =	stream.indirect.gather [hbm4b:s4+s26], $0x80, s19, s26, $0xb8;
	[tilespmem:$0x1E800] =	vst v63  }
0xd2: {  	s20 =	simm.s32 $0x15600  }
0xd3: {  	[spmem:s1] =	stream.indirect.scatter.add.f32 [tilespmem:s22], [sflag:$0x3], $0x80, s20, s26, $0xb8;
	[tilespmem:$0x1E800] =	vst v63  }
0xd4: {  	_ =	swait.ge [sflag:s31], $0x4000  }
0xd5: {  	s18 =	simm.s32 $0xFFFFBC00;
	[sflag:s31] =	ssyncset.done $0x0  }
.LBB2_7:
0xd6: {  	[sflag:s31] =	ssyncadd.s32 $0xFFFFC000;
	s19 =	smov.u32 s18;
	s18 =	sadd.s32 $0x400, s18  }
0xd7: {  	p1 =	sne.s32 s18, $0x0  }
0xd8: {  	_ =	swait.ge [sflag:s0], $0x4000  }
0xd9: {  	s19 =	sshra.s32 s19, $0x2;
	[sflag:s0] =	ssyncset.done $0x0  }
0xda: {  	s20 =	sadd.s32 $0x15400, s19;
	[sflag:s0] =	ssyncadd.s32 $0xFFFFC000  }
0xdb: {  	[tilespmem:s22], [sflag:$0x1] =	stream.indirect.gather [hbm4b:s4+s26], $0x80, s20, s26, $0xb8;
	[tilespmem:$0x1E800] =	vst v63  }
0xdc: {  	s20 =	sadd.s32 $0x16780, s19  }
0xdd: {  	[spmem:s1] =	stream.indirect.scatter.add.f32 [tilespmem:s30], [sflag:$0x4], $0x80, s20, s26, $0xb8;
	[tilespmem:$0x1E800] =	vst v63  }
0xde: {  	_ =	swait.ge [sflag:s28], $0x4000  }
0xdf: {  	[sflag:s28] =	ssyncset.done $0x0  }
0xe0: {  	[sflag:s28] =	ssyncadd.s32 $0xFFFFC000  }
0xe1: {  	_ =	swait.ge [sflag:s14], $0x4000  }
0xe2: {  	[sflag:s14] =	ssyncset.done $0x0  }
0xe3: {  	s20 =	sadd.s32 $0x15480, s19;
	[sflag:s14] =	ssyncadd.s32 $0xFFFFC000  }
0xe4: {  	[tilespmem:s30], [sflag:$0x2] =	stream.indirect.gather [hbm4b:s4+s26], $0x80, s20, s26, $0xb8;
	[tilespmem:$0x1E800] =	vst v63  }
.Ltmp5:
0xe5: {  	_ = 	snop;
	(pc) =	sbr.rel @p1 .LBB2_7-.Ltmp5, $4  }
0xe6: {  	s19 =	sadd.s32 $0x16800, s19  }
0xe7: {  	[spmem:s1] =	stream.indirect.scatter.add.f32 [tilespmem:s22], [sflag:$0x3], $0x80, s19, s26, $0xb8;
	[tilespmem:$0x1E800] =	vst v63  }
0xe8: {  	_ =	swait.ge [sflag:s31], $0x4000  }
0xe9: {  	[sflag:s31] =	ssyncset.done $0x0  }
0xea: {  	s18 =	sshra.s32 s18, $0x2  }
0xeb: {  	[sflag:s31] =	ssyncadd.s32 $0xFFFFC000;
	s18 =	sadd.s32 $0x16780, s18  }
0xec: {  	[spmem:s1] =	stream.indirect.scatter.add.f32 [tilespmem:s30], [sflag:$0x4], $0x80, s18, s26, $0xb8;
	[tilespmem:$0x1E800] =	vst v63  }
0xed: {  	_ =	swait.ge [sflag:s0], $0x4000  }
.Ltmp6:
0xee: {  	[sflag:s0] =	ssyncset.done $0x0;
	(pc) =	sbr.rel .LBB2_14-.Ltmp6, $4  }
0xef: {  	[sflag:s0] =	ssyncadd.s32 $0xFFFFC000  }
0xf0: {  	_ =	swait.ge [sflag:s14], $0x4000  }
0xf1: {  	[sflag:s14] =	ssyncset.done $0x0  }
0xf2: {  	s18 =	rddreg [dreg:$0x4];
	[sflag:s14] =	ssyncadd.s32 $0xFFFFC000  }
.LBB2_9:
0xf3: {  	s18 =	rddreg [dreg:$0x6]  }
0xf4: {  	[tilespmem:s24], [sflag:$0x5] =	stream.linear.gather [hbm4b:s18+s2], $0x1400, $0x38;
	[tilespmem:$0x1E800] =	vst v63  }
0xf5: {  	_ =	swait.ge [sflag:s23], $0x1400  }
0xf6: {  	[sflag:s23] =	ssyncset.done $0x0  }
0xf7: {  	s20 =	rddreg [dreg:$0x7];
	[sflag:s23] =	ssyncadd.s32 $0xFFFFEC00  }
0xf8: {  	[tilespmem:s25], [sflag:$0x5] =	stream.linear.gather [hbm4b:s20+s2], $0x1400, $0x38;
	[tilespmem:$0x1E800] =	vst v63  }
0xf9: {  	_ =	swait.ge [sflag:s23], $0x1400  }
0xfa: {  	[sflag:s23] =	ssyncset.done $0x0  }
0xfb: {  	[sflag:s23] =	ssyncadd.s32 $0xFFFFEC00  }
0xfc: {  	[tilespmem:s22], [sflag:$0x1] =	stream.indirect.gather [hbm4b:s4+s26], $0x80, s24, s26, $0xb8;
	[tilespmem:$0x1E800] =	vst v63  }
0xfd: {  	_ =	swait.ge [sflag:s28], $0x4000  }
0xfe: {  	[sflag:s28] =	ssyncset.done $0x0  }
0xff: {  	[sflag:s28] =	ssyncadd.s32 $0xFFFFC000  }
0x100: {  	[tilespmem:s30], [sflag:$0x2] =	stream.indirect.gather [hbm4b:s4+s26], $0x80, s29, s26, $0xb8;
	[tilespmem:$0x1E800] =	vst v63  }
0x101: {  	_ = 	snop  }
0x102: {  	[spmem:s1] =	stream.indirect.scatter.add.f32 [tilespmem:s22], [sflag:$0x3], $0x80, s25, s26, $0xb8;
	[tilespmem:$0x1E800] =	vst v63  }
0x103: {  	_ =	swait.ge [sflag:s31], $0x4000  }
0x104: {  	[sflag:s31] =	ssyncset.done $0x0  }
0x105: {  	[sflag:s31] =	ssyncadd.s32 $0xFFFFC000  }
0x106: {  	_ =	swait.ge [sflag:s0], $0x4000  }
0x107: {  	[sflag:s0] =	ssyncset.done $0x0  }
0x108: {  	[sflag:s0] =	ssyncadd.s32 $0xFFFFC000  }
0x109: {  	[tilespmem:s22], [sflag:$0x1] =	stream.indirect.gather [hbm4b:s4+s26], $0x80, s5, s26, $0xb8;
	[tilespmem:$0x1E800] =	vst v63  }
0x10a: {  	_ = 	snop  }
0x10b: {  	[spmem:s1] =	stream.indirect.scatter.add.f32 [tilespmem:s30], [sflag:$0x4], $0x80, s6, s26, $0xb8;
	[tilespmem:$0x1E800] =	vst v63  }
0x10c: {  	_ =	swait.ge [sflag:s28], $0x4000  }
0x10d: {  	[sflag:s28] =	ssyncset.done $0x0  }
0x10e: {  	[sflag:s28] =	ssyncadd.s32 $0xFFFFC000  }
0x10f: {  	_ =	swait.ge [sflag:s14], $0x4000  }
0x110: {  	[sflag:s14] =	ssyncset.done $0x0  }
0x111: {  	[sflag:s14] =	ssyncadd.s32 $0xFFFFC000  }
0x112: {  	[tilespmem:s30], [sflag:$0x2] =	stream.indirect.gather [hbm4b:s4+s26], $0x80, s15, s26, $0xb8;
	[tilespmem:$0x1E800] =	vst v63  }
0x113: {  	_ = 	snop  }
0x114: {  	[spmem:s1] =	stream.indirect.scatter.add.f32 [tilespmem:s22], [sflag:$0x3], $0x80, s16, s26, $0xb8;
	[tilespmem:$0x1E800] =	vst v63  }
0x115: {  	_ =	swait.ge [sflag:s31], $0x4000  }
0x116: {  	[sflag:s31] =	ssyncset.done $0x0  }
0x117: {  	[sflag:s31] =	ssyncadd.s32 $0xFFFFC000  }
0x118: {  	_ =	swait.ge [sflag:s0], $0x4000  }
0x119: {  	[sflag:s0] =	ssyncset.done $0x0  }
0x11a: {  	s19 =	simm.s32 $0x14200;
	[sflag:s0] =	ssyncadd.s32 $0xFFFFC000  }
0x11b: {  	[tilespmem:s22], [sflag:$0x1] =	stream.indirect.gather [hbm4b:s4+s26], $0x80, s19, s26, $0xb8;
	[tilespmem:$0x1E800] =	vst v63  }
0x11c: {  	s20 =	simm.s32 $0x15580  }
0x11d: {  	[spmem:s1] =	stream.indirect.scatter.add.f32 [tilespmem:s30], [sflag:$0x4], $0x80, s20, s26, $0xb8;
	[tilespmem:$0x1E800] =	vst v63  }
0x11e: {  	_ =	swait.ge [sflag:s28], $0x4000  }
0x11f: {  	[sflag:s28] =	ssyncset.done $0x0  }
0x120: {  	[sflag:s28] =	ssyncadd.s32 $0xFFFFC000  }
0x121: {  	_ =	swait.ge [sflag:s14], $0x4000  }
0x122: {  	[sflag:s14] =	ssyncset.done $0x0  }
0x123: {  	s19 =	simm.s32 $0x14280;
	[sflag:s14] =	ssyncadd.s32 $0xFFFFC000  }
0x124: {  	[tilespmem:s30], [sflag:$0x2] =	stream.indirect.gather [hbm4b:s4+s26], $0x80, s19, s26, $0xb8;
	[tilespmem:$0x1E800] =	vst v63  }
0x125: {  	s20 =	simm.s32 $0x15600  }
0x126: {  	[spmem:s1] =	stream.indirect.scatter.add.f32 [tilespmem:s22], [sflag:$0x3], $0x80, s20, s26, $0xb8;
	[tilespmem:$0x1E800] =	vst v63  }
0x127: {  	_ =	swait.ge [sflag:s31], $0x4000  }
0x128: {  	s18 =	simm.s32 $0xFFFFBC00;
	[sflag:s31] =	ssyncset.done $0x0  }
.LBB2_10:
0x129: {  	[sflag:s31] =	ssyncadd.s32 $0xFFFFC000;
	s19 =	smov.u32 s18;
	s18 =	sadd.s32 $0x400, s18  }
0x12a: {  	p1 =	sne.s32 s18, $0x0  }
0x12b: {  	_ =	swait.ge [sflag:s0], $0x4000  }
0x12c: {  	s19 =	sshra.s32 s19, $0x2;
	[sflag:s0] =	ssyncset.done $0x0  }
0x12d: {  	s20 =	sadd.s32 $0x15400, s19;
	[sflag:s0] =	ssyncadd.s32 $0xFFFFC000  }
0x12e: {  	[tilespmem:s22], [sflag:$0x1] =	stream.indirect.gather [hbm4b:s4+s26], $0x80, s20, s26, $0xb8;
	[tilespmem:$0x1E800] =	vst v63  }
0x12f: {  	s20 =	sadd.s32 $0x16780, s19  }
0x130: {  	[spmem:s1] =	stream.indirect.scatter.add.f32 [tilespmem:s30], [sflag:$0x4], $0x80, s20, s26, $0xb8;
	[tilespmem:$0x1E800] =	vst v63  }
0x131: {  	_ =	swait.ge [sflag:s28], $0x4000  }
0x132: {  	[sflag:s28] =	ssyncset.done $0x0  }
0x133: {  	[sflag:s28] =	ssyncadd.s32 $0xFFFFC000  }
0x134: {  	_ =	swait.ge [sflag:s14], $0x4000  }
0x135: {  	[sflag:s14] =	ssyncset.done $0x0  }
0x136: {  	s20 =	sadd.s32 $0x15480, s19;
	[sflag:s14] =	ssyncadd.s32 $0xFFFFC000  }
0x137: {  	[tilespmem:s30], [sflag:$0x2] =	stream.indirect.gather [hbm4b:s4+s26], $0x80, s20, s26, $0xb8;
	[tilespmem:$0x1E800] =	vst v63  }
.Ltmp7:
0x138: {  	_ = 	snop;
	(pc) =	sbr.rel @p1 .LBB2_10-.Ltmp7, $4  }
0x139: {  	s19 =	sadd.s32 $0x16800, s19  }
0x13a: {  	[spmem:s1] =	stream.indirect.scatter.add.f32 [tilespmem:s22], [sflag:$0x3], $0x80, s19, s26, $0xb8;
	[tilespmem:$0x1E800] =	vst v63  }
0x13b: {  	_ =	swait.ge [sflag:s31], $0x4000  }
0x13c: {  	[sflag:s31] =	ssyncset.done $0x0  }
0x13d: {  	s18 =	sshra.s32 s18, $0x2  }
0x13e: {  	[sflag:s31] =	ssyncadd.s32 $0xFFFFC000;
	s18 =	sadd.s32 $0x16780, s18  }
0x13f: {  	[spmem:s1] =	stream.indirect.scatter.add.f32 [tilespmem:s30], [sflag:$0x4], $0x80, s18, s26, $0xb8;
	[tilespmem:$0x1E800] =	vst v63  }
0x140: {  	_ =	swait.ge [sflag:s0], $0x4000  }
0x141: {  	[sflag:s0] =	ssyncset.done $0x0  }
0x142: {  	[sflag:s0] =	ssyncadd.s32 $0xFFFFC000  }
0x143: {  	_ =	swait.ge [sflag:s14], $0x4000  }
0x144: {  	[sflag:s14] =	ssyncset.done $0x0  }
0x145: {  	s19 =	rddreg [dreg:$0x8];
	[sflag:s14] =	ssyncadd.s32 $0xFFFFC000  }
0x146: {  	[tilespmem:s24], [sflag:$0x5] =	stream.linear.gather [hbm4b:s19+s2], $0x1400, $0x38;
	[tilespmem:$0x1E800] =	vst v63  }
0x147: {  	_ =	swait.ge [sflag:s23], $0x1400  }
0x148: {  	[sflag:s23] =	ssyncset.done $0x0  }
0x149: {  	s20 =	rddreg [dreg:$0x9];
	[sflag:s23] =	ssyncadd.s32 $0xFFFFEC00  }
0x14a: {  	[tilespmem:s25], [sflag:$0x5] =	stream.linear.gather [hbm4b:s20+s2], $0x1400, $0x38;
	[tilespmem:$0x1E800] =	vst v63  }
0x14b: {  	_ =	swait.ge [sflag:s23], $0x1400  }
0x14c: {  	[sflag:s23] =	ssyncset.done $0x0  }
0x14d: {  	[sflag:s23] =	ssyncadd.s32 $0xFFFFEC00  }
0x14e: {  	[tilespmem:s22], [sflag:$0x1] =	stream.indirect.gather [hbm4b:s4+s26], $0x80, s24, s26, $0xb8;
	[tilespmem:$0x1E800] =	vst v63  }
0x14f: {  	_ =	swait.ge [sflag:s28], $0x4000  }
0x150: {  	[sflag:s28] =	ssyncset.done $0x0  }
0x151: {  	[sflag:s28] =	ssyncadd.s32 $0xFFFFC000  }
0x152: {  	[tilespmem:s30], [sflag:$0x2] =	stream.indirect.gather [hbm4b:s4+s26], $0x80, s29, s26, $0xb8;
	[tilespmem:$0x1E800] =	vst v63  }
0x153: {  	_ = 	snop  }
0x154: {  	[spmem:s1] =	stream.indirect.scatter.add.f32 [tilespmem:s22], [sflag:$0x3], $0x80, s25, s26, $0xb8;
	[tilespmem:$0x1E800] =	vst v63  }
0x155: {  	_ =	swait.ge [sflag:s31], $0x4000  }
0x156: {  	[sflag:s31] =	ssyncset.done $0x0  }
0x157: {  	[sflag:s31] =	ssyncadd.s32 $0xFFFFC000  }
0x158: {  	_ =	swait.ge [sflag:s0], $0x4000  }
0x159: {  	[sflag:s0] =	ssyncset.done $0x0  }
0x15a: {  	[sflag:s0] =	ssyncadd.s32 $0xFFFFC000  }
0x15b: {  	[tilespmem:s22], [sflag:$0x1] =	stream.indirect.gather [hbm4b:s4+s26], $0x80, s5, s26, $0xb8;
	[tilespmem:$0x1E800] =	vst v63  }
0x15c: {  	_ = 	snop  }
0x15d: {  	[spmem:s1] =	stream.indirect.scatter.add.f32 [tilespmem:s30], [sflag:$0x4], $0x80, s6, s26, $0xb8;
	[tilespmem:$0x1E800] =	vst v63  }
0x15e: {  	_ =	swait.ge [sflag:s28], $0x4000  }
0x15f: {  	[sflag:s28] =	ssyncset.done $0x0  }
0x160: {  	[sflag:s28] =	ssyncadd.s32 $0xFFFFC000  }
0x161: {  	_ =	swait.ge [sflag:s14], $0x4000  }
0x162: {  	[sflag:s14] =	ssyncset.done $0x0  }
0x163: {  	[sflag:s14] =	ssyncadd.s32 $0xFFFFC000  }
0x164: {  	[tilespmem:s30], [sflag:$0x2] =	stream.indirect.gather [hbm4b:s4+s26], $0x80, s15, s26, $0xb8;
	[tilespmem:$0x1E800] =	vst v63  }
0x165: {  	_ = 	snop  }
0x166: {  	[spmem:s1] =	stream.indirect.scatter.add.f32 [tilespmem:s22], [sflag:$0x3], $0x80, s16, s26, $0xb8;
	[tilespmem:$0x1E800] =	vst v63  }
0x167: {  	_ =	swait.ge [sflag:s31], $0x4000  }
0x168: {  	[sflag:s31] =	ssyncset.done $0x0  }
0x169: {  	[sflag:s31] =	ssyncadd.s32 $0xFFFFC000  }
0x16a: {  	_ =	swait.ge [sflag:s0], $0x4000  }
0x16b: {  	[sflag:s0] =	ssyncset.done $0x0  }
0x16c: {  	s19 =	simm.s32 $0x14200;
	[sflag:s0] =	ssyncadd.s32 $0xFFFFC000  }
0x16d: {  	[tilespmem:s22], [sflag:$0x1] =	stream.indirect.gather [hbm4b:s4+s26], $0x80, s19, s26, $0xb8;
	[tilespmem:$0x1E800] =	vst v63  }
0x16e: {  	s20 =	simm.s32 $0x15580  }
0x16f: {  	[spmem:s1] =	stream.indirect.scatter.add.f32 [tilespmem:s30], [sflag:$0x4], $0x80, s20, s26, $0xb8;
	[tilespmem:$0x1E800] =	vst v63  }
0x170: {  	_ =	swait.ge [sflag:s28], $0x4000  }
0x171: {  	[sflag:s28] =	ssyncset.done $0x0  }
0x172: {  	[sflag:s28] =	ssyncadd.s32 $0xFFFFC000  }
0x173: {  	_ =	swait.ge [sflag:s14], $0x4000  }
0x174: {  	[sflag:s14] =	ssyncset.done $0x0  }
0x175: {  	s19 =	simm.s32 $0x14280;
	[sflag:s14] =	ssyncadd.s32 $0xFFFFC000  }
0x176: {  	[tilespmem:s30], [sflag:$0x2] =	stream.indirect.gather [hbm4b:s4+s26], $0x80, s19, s26, $0xb8;
	[tilespmem:$0x1E800] =	vst v63  }
0x177: {  	s20 =	simm.s32 $0x15600  }
0x178: {  	[spmem:s1] =	stream.indirect.scatter.add.f32 [tilespmem:s22], [sflag:$0x3], $0x80, s20, s26, $0xb8;
	[tilespmem:$0x1E800] =	vst v63  }
0x179: {  	_ =	swait.ge [sflag:s31], $0x4000  }
0x17a: {  	s18 =	simm.s32 $0xFFFFBC00;
	[sflag:s31] =	ssyncset.done $0x0  }
.LBB2_12:
0x17b: {  	[sflag:s31] =	ssyncadd.s32 $0xFFFFC000;
	s19 =	smov.u32 s18;
	s18 =	sadd.s32 $0x400, s18  }
0x17c: {  	p1 =	sne.s32 s18, $0x0  }
0x17d: {  	_ =	swait.ge [sflag:s0], $0x4000  }
0x17e: {  	s19 =	sshra.s32 s19, $0x2;
	[sflag:s0] =	ssyncset.done $0x0  }
0x17f: {  	s20 =	sadd.s32 $0x15400, s19;
	[sflag:s0] =	ssyncadd.s32 $0xFFFFC000  }
0x180: {  	[tilespmem:s22], [sflag:$0x1] =	stream.indirect.gather [hbm4b:s4+s26], $0x80, s20, s26, $0xb8;
	[tilespmem:$0x1E800] =	vst v63  }
0x181: {  	s20 =	sadd.s32 $0x16780, s19  }
0x182: {  	[spmem:s1] =	stream.indirect.scatter.add.f32 [tilespmem:s30], [sflag:$0x4], $0x80, s20, s26, $0xb8;
	[tilespmem:$0x1E800] =	vst v63  }
0x183: {  	_ =	swait.ge [sflag:s28], $0x4000  }
0x184: {  	[sflag:s28] =	ssyncset.done $0x0  }
0x185: {  	[sflag:s28] =	ssyncadd.s32 $0xFFFFC000  }
0x186: {  	_ =	swait.ge [sflag:s14], $0x4000  }
0x187: {  	[sflag:s14] =	ssyncset.done $0x0  }
0x188: {  	s20 =	sadd.s32 $0x15480, s19;
	[sflag:s14] =	ssyncadd.s32 $0xFFFFC000  }
0x189: {  	[tilespmem:s30], [sflag:$0x2] =	stream.indirect.gather [hbm4b:s4+s26], $0x80, s20, s26, $0xb8;
	[tilespmem:$0x1E800] =	vst v63  }
.Ltmp8:
0x18a: {  	_ = 	snop;
	(pc) =	sbr.rel @p1 .LBB2_12-.Ltmp8, $4  }
0x18b: {  	s19 =	sadd.s32 $0x16800, s19  }
0x18c: {  	[spmem:s1] =	stream.indirect.scatter.add.f32 [tilespmem:s22], [sflag:$0x3], $0x80, s19, s26, $0xb8;
	[tilespmem:$0x1E800] =	vst v63  }
0x18d: {  	_ =	swait.ge [sflag:s31], $0x4000  }
0x18e: {  	[sflag:s31] =	ssyncset.done $0x0  }
.Ltmp9:
0x18f: {  	_ = 	snop;
	(pc) =	sbr.rel .LBB2_13-.Ltmp9, $1  }
0x190: {  	_ =	sdelay $0x3  }
.LBB2_15:
0x191: {  	_ =	sfence.sel $0x180000  }
0x192: {  	[bflag:$0x0] =	sbarrier.arrive $0xFFFF  }
0x193: {  	_ =	strace $0x9000004A  }
0x194: {  	[bflag:$0x2] =	sbarrier.arrive $0xFFFF  }
0x195: {  	p0 =	sne.s32 s3, $0x0;
	s0 =	rddreg [dreg:$0x3]  }
0x196: {  	s0 =	sadd.s32 @!p0 $0x100000, s0  }
0x197: {  	[sflag:s0] =	ssyncadd.tile.s32 @!p0 $0x1;
	_ =	shalt  }
.Lfunc_end2:
_tile_overlayer_lowered:
.L_overlay_start_2:
0x198: {  	(tag) =	ssettag $0x2  }
0x199: {  	s0 =	rddreg [dreg:$0x0];
	s2 =	stileid.u32  }
0x19a: {  	s1 =	rddreg [dreg:$0x1];
	p0 =	sne.s32 s2, $0x0  }
0x19b: {  	s3 =	rddreg [dreg:$0x2];
	[bflag:$0x3] =	sbarrier.arrive $0xFFFF;
	s2 =	simm.s32 @!p0 $0x1C05  }
0x19c: {  	[timem:s3], [sflag:s2] =	dma.local @!p0 [hbm:s0], s1  }
0x19d: {  	s0 =	simm.s32 @!p0 $0x5  }
0x19e: {  	_ =	swait.ge @!p0 [sflag:s0], s1  }
0x19f: {  	s1 =	ssub.s32 @!p0 $0x0, s1;
	[sflag:s0] =	ssyncset.done @!p0 $0x0  }
0x1a0: {  	[sflag:s0] =	ssyncadd.s32 @!p0 s1  }
0x1a1: {  	[bflag:$0x3] =	sbarrier.arrive $0xFFFF  }
0x1a2: {  	_ =	shalt  }

// kernel: kernel.19.cloned.1.call-start
scs
__scs_entry_jumppad:
0x0: {  	(pc) =	sbr.rel $0x88, $3  }
0x1: {  	(tag) =	ssettag $0x0;
	lr =	simm.s32 $0x1  }
0x2: {  	[smem:$0x3F95] =	sst lr;
	_ =	strace $0xD0000000  }
0x3: {  	_ = 	snop  }
0x4: {  	_ = 	snop  }
0x5: {  	_ = 	snop  }
0x6: {  	_ = 	snop  }
0x7: {  	_ = 	snop  }
__scs_overlays_trampoline_lowered:
0x8: {  	[smem:$0x3FA4] =	sst s0  }
0x9: {  	[smem:$0x3FA5] =	sst s1  }
0xa: {  	[smem:$0x3FA6] =	sst s2  }
0xb: {  	[smem:$0x3FA7] =	sst s3  }
0xc: {  	[smem:$0x3FA8] =	sst s4  }
0xd: {  	[smem:$0x3FA9] =	sst s5  }
0xe: {  	[smem:$0x3FAA] =	sst s6  }
0xf: {  	[smem:$0x3FAB] =	sst s7  }
0x10: {  	[smem:$0x3FAC] =	sst s8  }
0x11: {  	[smem:$0x3FAD] =	sst s9;
	s0 =	simm.s32 @!p0 $0x0  }
0x12: {  	s1 =	sld [smem:$0x3F93];
	s0 =	simm.s32 @p0 $0x1  }
0x13: {  	[smem:$0x3FAE] =	sst s0;
	s0 =	simm.s32 @!p1 $0x0  }
0x14: {  	s2 =	sld [smem:$0x3F92];
	s0 =	simm.s32 @p1 $0x1  }
0x15: {  	[smem:$0x3FAF] =	sst s0;
	s0 =	simm.s32 @!p2 $0x0  }
0x16: {  	s3 =	sld [smem:$0x3FDB];
	s0 =	simm.s32 @p2 $0x1  }
0x17: {  	s4 =	simm.s32 $0x1BF5;
	[smem:$0x3FB1] =	sst s0  }
0x18: {  	s0 =	sld [smem:$0x3F94];
	_ =	swait.ge [sflag:s4], $0x0  }
0x19: {  	s7 =	sld [smem:$0x3F95]  }
0x1a: {  	s8 =	sadd.s32 $0xFFFFE003, lr  }
0x1b: {  	s9 =	sadd.s32 $0xFFFFFEF7, lr;
	s5 =	simm.s32 $0xFFFFFFFF;
	p2 =	slt.u32 s8, $0xFFFFF086  }
0x1c: {  	p1 =	slt.u32 s9, $0xF7A;
	s5 =	simm.s32 @!p2 $0x0  }
0x1d: {  	s5 =	simm.s32 @p1 $0x1;
	p0 =	seq.s32 s7, s2  }
0x1e: {  	s7 =	smul.u32 @!p0 $0xF7A, s2;
	p2 =	seq.s32 @!p0 s5, $0x0  }
0x1f: {  	s9 =	smul.u32 $0xF7A, s1;
	s8 =	simm.s32 @!p0 $0x1BF5;
	p2 =	por !p2, p0  }
0x20: {  	[sflag:s8] =	ssyncset.s32 @!p0 $0xFFFFF086;
	s6 =	sadd.s32 @!p0 s3, s7;
	s7 =	simm.s32 @!p0 $0x108  }
0x21: {  	s3 =	sadd.s32 s3, s9;
	s6 =	sadd.s32 @!p0 $0x88, s6;
	s7 =	simm.s32 @p2 $0x1082  }
0x22: {  	[simem:s7], [sflag:s8] =	dma.local @!p0 [hbm:s6], $0xF7A  }
0x23: {  	s9 =	sor.u32 $0xD0000000, s2;
	s6 =	simm.s32 $0x108;
	_ =	swait.ge @!p0 [sflag:s8], $0x0  }
0x24: {  	s3 =	sadd.s32 $0x88, s3;
	s6 =	simm.s32 @!p1 $0x1082;
	[sflag:s4] =	ssyncset.s32 $0xFFFFF086  }
0x25: {  	[simem:s6], [sflag:s4] =	dma.local [hbm:s3], $0xF7A  }
0x26: {  	[smem:$0x3F95] =	sst s1;
	(tag) =	ssettag s2;
	_ =	strace s9  }
0x27: {  	s1 =	sld [smem:$0x3FA5]  }
0x28: {  	s2 =	sld [smem:$0x3FA6]  }
0x29: {  	s4 =	sld [smem:$0x3FA8]  }
0x2a: {  	p0 =	seq.s32 s5, $0x0;
	s5 =	sld [smem:$0x3FA9]  }
0x2b: {  	s6 =	sld [smem:$0x3FAA]  }
0x2c: {  	s7 =	sld [smem:$0x3FAB]  }
0x2d: {  	s3 =	simm.s32 $0x108;
	s8 =	sld [smem:$0x3FAC]  }
0x2e: {  	s3 =	simm.s32 @!p0 $0x1082;
	s9 =	sld [smem:$0x3FAD]  }
0x2f: {  	lr =	sadd.s32 s0, s3;
	s0 =	sld [smem:$0x3FA4]  }
0x30: {  	s3 =	sld [smem:$0x3FA7]  }
0x31: {  	[smem:$0x3FB0] =	sst s10  }
0x32: {  	s10 =	sld [smem:$0x3FAE];
	_ =	sdelay $0x3  }
0x33: {  	p0 =	seq.s32 s10, $0x1;
	s10 =	sld [smem:$0x3FB0];
	_ =	sdelay $0x3  }
0x34: {  	[smem:$0x3FB0] =	sst s10  }
0x35: {  	s10 =	sld [smem:$0x3FAF];
	_ =	sdelay $0x3  }
0x36: {  	p1 =	seq.s32 s10, $0x1;
	s10 =	sld [smem:$0x3FB0];
	_ =	sdelay $0x3  }
0x37: {  	[smem:$0x3FB0] =	sst s10  }
0x38: {  	s10 =	sld [smem:$0x3FB1]  }
0x39: {  	_ = 	snop;
	(pc) =	sbr.ind lr, $3  }
0x3a: {  	_ = 	snop  }
0x3b: {  	_ = 	snop  }
0x3c: {  	p2 =	seq.s32 s10, $0x1;
	s10 =	sld [smem:$0x3FB0]  }
0x3d: {  	_ =	shalt  }
0x3e: {  	_ =	shalt  }
0x3f: {  	_ =	shalt  }
0x40: {  	_ =	shalt  }
0x41: {  	_ =	shalt  }
0x42: {  	_ =	shalt  }
0x43: {  	_ =	shalt  }
0x44: {  	_ =	shalt  }
0x45: {  	_ =	shalt  }
0x46: {  	_ =	shalt  }
0x47: {  	_ =	shalt  }
0x48: {  	_ =	shalt  }
0x49: {  	_ =	shalt  }
0x4a: {  	_ =	shalt  }
0x4b: {  	_ =	shalt  }
0x4c: {  	_ =	shalt  }
0x4d: {  	_ =	shalt  }
0x4e: {  	_ =	shalt  }
0x4f: {  	_ =	shalt  }
0x50: {  	_ =	shalt  }
0x51: {  	_ =	shalt  }
0x52: {  	_ =	shalt  }
0x53: {  	_ =	shalt  }
0x54: {  	_ =	shalt  }
0x55: {  	_ =	shalt  }
0x56: {  	_ =	shalt  }
0x57: {  	_ =	shalt  }
0x58: {  	_ =	shalt  }
0x59: {  	_ =	shalt  }
0x5a: {  	_ =	shalt  }
0x5b: {  	_ =	shalt  }
0x5c: {  	_ =	shalt  }
0x5d: {  	_ =	shalt  }
0x5e: {  	_ =	shalt  }
0x5f: {  	_ =	shalt  }
0x60: {  	_ =	shalt  }
0x61: {  	_ =	shalt  }
0x62: {  	_ =	shalt  }
0x63: {  	_ =	shalt  }
0x64: {  	_ =	shalt  }
0x65: {  	_ =	shalt  }
0x66: {  	_ =	shalt  }
0x67: {  	_ =	shalt  }
0x68: {  	_ =	shalt  }
0x69: {  	_ =	shalt  }
0x6a: {  	_ =	shalt  }
0x6b: {  	_ =	shalt  }
0x6c: {  	_ =	shalt  }
0x6d: {  	_ =	shalt  }
0x6e: {  	_ =	shalt  }
0x6f: {  	_ =	shalt  }
0x70: {  	_ =	shalt  }
0x71: {  	_ =	shalt  }
0x72: {  	_ =	shalt  }
0x73: {  	_ =	shalt  }
0x74: {  	_ =	shalt  }
0x75: {  	_ =	shalt  }
0x76: {  	_ =	shalt  }
0x77: {  	_ =	shalt  }
0x78: {  	_ =	shalt  }
0x79: {  	_ =	shalt  }
0x7a: {  	_ =	shalt  }
0x7b: {  	_ =	shalt  }
0x7c: {  	_ =	shalt  }
0x7d: {  	_ =	shalt  }
0x7e: {  	_ =	shalt  }
0x7f: {  	_ =	shalt  }
0x80: {  	_ =	shalt  }
0x81: {  	_ =	shalt  }
0x82: {  	_ =	shalt  }
0x83: {  	_ =	shalt  }
0x84: {  	_ =	shalt  }
0x85: {  	_ =	shalt  }
0x86: {  	_ =	shalt  }
0x87: {  	_ =	shalt  }
.Lfunc_end0:
.L_simem_size_0:
called_computation.2_lowered:
.L_overlay_start_0:
0x88: {  	s2 =	sld [smem:$0x3FD9]  }
0x89: {  	s3 =	sld [smem:$0x3FFE];
	_ =	sdelay $0x1  }
0x8a: {  	s1 =	srdreg.scid  }
0x8b: {  	s0 =	sand.u32 $0x1, s1  }
0x8c: {  	s17 =	sshll.u32 s0, $0xA;
	s2 =	sadd.s32 s3, s2  }
0x8d: {  	s2 =	sadd.s32 s2, s17  }
0x8e: {  	[smem:$0x3FBC] =	sst s2  }
0x8f: {  	_ = 	snop  }
0x90: {  	s2 =	sld [smem:$0x3FD0];
	(tm) =	ssettm $0x1  }
0x91: {  	s18 =	sld [smem:$0x3FFB];
	_ =	sdelay $0x3  }
0x92: {  	_ =	strace s18  }
0x93: {  	s3 =	sld [smem:$0x3FFC];
	_ =	sdelay $0x3  }
0x94: {  	_ =	strace s3  }
0x95: {  	s3 =	sld [smem:$0x3FFD];
	_ =	sdelay $0x3  }
0x96: {  	_ =	strace s3  }
0x97: {  	_ =	strace $0x8FFFFFFF  }
0x98: {  	s19 =	sld [smem:$0x3FDB];
	_ =	sdelay $0x1  }
0x99: {  	s4 =	simm.s32 $_scs_section_size  }
0x9a: {  	s5 =	simm.s32 $_size__tile_overlayer_lowered;
	s6 =	simm.s32 $_tile_overlayer_lowered  }
0x9b: {  	s22 =	simm.s32 $0x1BFF;
	s21 =	sshll.u32 s6, $0x1;
	s3 =	sadd.s32 s4, s19  }
0x9c: {  	s7 =	simm.s32 $0x0;
	s20 =	sshll.u32 s5, $0x1;
	s5 =	sadd.s32 s21, s3  }
0x9d: {  	[timem:s7], [sflag:s22] =	dma.local [hbm:s5], s20  }
0x9e: {  	_ =	swait.ge [sflag:s22], s20  }
0x9f: {  	s4 =	ssub.s32 $0x0, s20;
	[sflag:s22] =	ssyncset.done $0x0  }
0xa0: {  	[sflag:s22] =	ssyncadd.s32 s4;
	_ =	sdelay $0x1  }
0xa1: {  	s23 =	simm.s32 $0x1B8B  }
0xa2: {  	_ =	swait.ge [sflag:s23], $0x1  }
0xa3: {  	[sflag:s23] =	ssyncset.done $0x0  }
0xa4: {  	s25 =	simm.s32 $0x1B8E;
	s24 =	sld [smem:$0x3FFE];
	[sflag:s23] =	ssyncadd.s32 $0xFFFFFFFF  }
0xa5: {  	s26 =	simm.s32 $execute0_lowered;
	[smem:$0x3FD2] =	sst s25  }
0xa6: {  	s5 =	sshll.u32 s26, $0x1;
	_ =	strace $0x8000004C;
	[dreg:$0x1] =	wrdreg $0xFFFFFFFF  }
0xa7: {  	s28 =	simm.s32 $_size_execute0_lowered;
	s3 =	sadd.s32 s3, s5;
	[dreg:$0x0] =	wrdreg $0x0  }
0xa8: {  	s5 =	sshll.u32 s28, $0x1;
	[dreg:$0x2] =	wrdreg s3  }
0xa9: {  	[dreg:$0x3] =	wrdreg s5  }
0xaa: {  	[dreg:$0x4] =	wrdreg $0xC0  }
0xab: {  	_ =	task [dreg:s7], $0x5FFFF  }
0xac: {  	[dreg:$0x1] =	wrdreg $0xFFFFFFFF  }
0xad: {  	[dreg:$0x0] =	wrdreg $0x60  }
0xae: {  	[dreg:$0x2] =	wrdreg s24  }
0xaf: {  	[dreg:$0x3] =	wrdreg s2  }
0xb0: {  	[dreg:$0x4] =	wrdreg $0x0  }
0xb1: {  	[dreg:$0x5] =	wrdreg $0x9  }
0xb2: {  	_ =	task.clear_ibuf [dreg:s7], $0x6FFFF;
	_ =	strace $0x9000004C  }
0xb3: {  	s29 =	simm.s32 $0x9;
	_ =	strace $0x8000004E  }
0xb4: {  	_ =	swait.ge [sflag:s29], $0x1  }
0xb5: {  	[sflag:s29] =	ssyncadd.s32 $0xFFFFFFFF  }
0xb6: {  	_ =	strace $0x9000004E  }
0xb7: {  	_ =	sfence  }
0xb8: {  	s30 =	sld [smem:$0x0];
	_ =	sdelay $0x2  }
0xb9: {  	s31 =	sshll.u32 s1, $0xD;
	s1 =	sshrl.u32 s1, $0x2  }
0xba: {  	s3 =	sand.u32 $0x4000, s31;
	s1 =	sadd.s32 s1, s30  }
0xbb: {  	s0 =	sor.u32 s3, s0;
	s1 =	sshll.u32 s1, $0x11  }
0xbc: {  	s0 =	sor.u32 s1, s0  }
0xbd: {  	s0 =	sadd.s32 $0x8F2B, s0  }
0xbe: {  	[sflag:s0] =	ssyncadd.remote.s32 $0x1  }
0xbf: {  	_ =	sfence.sel $0xFFFF  }
0xc0: {  	[dreg:$0x0] =	wrdreg $0xFFFFFFFF;
	(pc) =	sbr.abs _section_cstart, $3  }
0xc1: {  	[dreg:$0x1] =	wrdreg $0xFFFFFFFF  }
0xc2: {  	_ =	task.clear_ibuf [dreg:s7], $0x2FFFF;
	_ =	strace $0x9FFFFFFF  }
0xc3: {  	(tm) =	ssettm $0x7FFFFFFF  }
tec
execute0_lowered:
.L_overlay_start_1:
0x0: {  	(tag) =	ssettag $0x1  }
0x1: {  	s0 =	rddreg [dreg:$0x0]  }
0x2: {  	s1 =	rddreg [dreg:$0x1]  }
0x3: {  	s2 =	rddreg [dreg:$0x2];
	s3 =	simm.s32 $0x0;
	s4 =	srdreg.scid  }
0x4: {  	s12 =	stileid.u32;
	s18 =	simm.s32 $0x16800;
	s19 =	simm.s32 $0x5  }
0x5: {  	s20 =	simm.s32 $0x14000;
	s21 =	simm.s32 $0x15400;
	s22 =	simm.s32 $0x80  }
0x6: {  	s28 =	simm.s32 $0x3;
	s29 =	simm.s32 $0x14100;
	s30 =	simm.s32 $0x15480  }
0x7: {  	s31 =	simm.s32 $0x4;
	[smem:$0x7FF] =	sst s3;
	s5 =	sadd.s32 $0x4DC00, s0  }
0x8: {  	s6 =	sadd.s32 $0xC5C00, s0;
	s4 =	sand.u32 $0x1, s4;
	s7 =	sadd.s32 $0x7400, s0  }
0x9: {  	s9 =	smul.u32 $0x50000, s12;
	s10 =	sadd.s32 $0xEDC00, s0;
	s0 =	sadd.s32 $0x115C00, s0  }
0xa: {  	s25 =	smul.u32 $0x2800, s12;
	_ =	strace $0x8000004D;
	[dreg:$0x4] =	wrdreg s10  }
0xb: {  	s8 =	ssub.s32 $0x2, s4;
	[dreg:$0x5] =	wrdreg s0;
	s10 =	smul.u32 $0xA0, s12  }
0xc: {  	p0 =	sne.s32 s4, $0x0;
	s23 =	sshrl.u32 s8, $0x1;
	s24 =	sshrl.u32 s9, $0x2  }
0xd: {  	[dreg:$0x6] =	wrdreg s25;
	s25 =	simm.s32 $0x1A800;
	s9 =	simm.s32 $0x0  }
.Ltmp0:
0xe: {  	s0 =	ssub.s32 s8, s23;
	s11 =	sadd.s32 s24, s2;
	(pc) =	sbr.rel .LBB2_1-.Ltmp0, $4  }
0xf: {  	s23 =	simm.s32 $0x1;
	s24 =	simm.s32 $0x14080;
	s8 =	simm.s32 $0x15500  }
0x10: {  	s0 =	smax.u32 s0, $0x1;
	s26 =	sadd.s32 $0x4000, s11;
	s15 =	sadd.s32 $0x8000, s11  }
0x11: {  	s16 =	sadd.s32 $0xC000, s11;
	s17 =	sadd.s32 $0x10000, s11;
	[dreg:$0x7] =	wrdreg s0  }
0x12: {  	v0 =	vimm.f32 $0.0e+00;
	[dreg:$0x8] =	wrdreg s26;
	s26 =	simm.s32 $0x2;
	s0 =	simm.s32 $0x14180  }
.LBB2_12:
0x13: {  	s12 =	rddreg [dreg:$0x6];
	s13 =	stileid.u32  }
0x14: {  	s4 =	sadd.s32 s4, s12;
	s12 =	sshll.u32 s13, $0x6  }
0x15: {  	[bflag:$0x0] =	sbarrier.arrive $0xFFFF;
	s13 =	sshrl.u32 s11, $0x3;
	s12 =	sor.u32 $0x1C05, s12  }
0x16: {  	[hbm:s4], [sflag:s12] =	dma.local [spmem:s13], $0x2800  }
0x17: {  	_ =	swait.ge [sflag:s19], $0x2800  }
0x18: {  	s9 =	sadd.s32 $0x1, s9;
	s14 =	rddreg [dreg:$0x7]  }
0x19: {  	p1 =	sne.s32 s9, s14  }
.Ltmp1:
0x1a: {  	_ = 	snop;
	(pc) =	sbr.rel @!p1 .LBB2_13-.Ltmp1, $3  }
0x1b: {  	_ =	sdelay $0x1  }
0x1c: {  	[sflag:s19] =	ssyncset.done $0x0  }
0x1d: {  	[sflag:s19] =	ssyncadd.s32 $0xFFFFD800  }
.LBB2_1:
0x1e: {  	s4 =	simm.s32 $0x0;
	s12 =	simm.s32 $0x200  }
.LBB2_2:
0x1f: {  	p1 =	sne.s32 s12, $0xFE00;
	[tilespmem:s4+$0x16870] =	vst v0  }
0x20: {  	[tilespmem:s4+$0x16800] =	vst v0  }
0x21: {  	[tilespmem:s4+$0x16810] =	vst v0  }
.Ltmp2:
0x22: {  	[tilespmem:s4+$0x16820] =	vst v0;
	(pc) =	sbr.rel @p1 .LBB2_2-.Ltmp2, $4  }
0x23: {  	[tilespmem:s4+$0x16830] =	vst v0  }
0x24: {  	[tilespmem:s4+$0x16840] =	vst v0  }
0x25: {  	[tilespmem:s4+$0x16850] =	vst v0  }
0x26: {  	[tilespmem:s4+$0x16860] =	vst v0;
	s4 =	sshra.s32 s12, $0x2;
	s12 =	sadd.s32 $0x200, s12  }
0x27: {  	[tilespmem:s4+$0x16870] =	vst v0  }
0x28: {  	[tilespmem:s4+$0x16800] =	vst v0  }
0x29: {  	[tilespmem:s4+$0x16810] =	vst v0  }
0x2a: {  	[tilespmem:s4+$0x16820] =	vst v0  }
0x2b: {  	[tilespmem:s4+$0x16830] =	vst v0  }
0x2c: {  	[tilespmem:s4+$0x16840] =	vst v0  }
0x2d: {  	[tilespmem:s4+$0x16850] =	vst v0  }
0x2e: {  	[tilespmem:s4+$0x16860] =	vst v0  }
0x2f: {  	[spmem:s11] =	stream.linear.scatter [tilespmem:s18], [sflag:$0x5], $0x4000, $0x38;
	[tilespmem:$0x1E800] =	vst v63  }
0x30: {  	_ =	swait.ge [sflag:s19], $0x4000  }
0x31: {  	[sflag:s19] =	ssyncset.done $0x0  }
0x32: {  	s14 =	rddreg [dreg:$0x8];
	[sflag:s19] =	ssyncadd.s32 $0xFFFFC000  }
0x33: {  	[spmem:s14] =	stream.linear.scatter [tilespmem:s18], [sflag:$0x5], $0x4000, $0x38;
	[tilespmem:$0x1E800] =	vst v63  }
0x34: {  	_ =	swait.ge [sflag:s19], $0x4000  }
0x35: {  	[sflag:s19] =	ssyncset.done $0x0  }
0x36: {  	[sflag:s19] =	ssyncadd.s32 $0xFFFFC000  }
0x37: {  	[spmem:s15] =	stream.linear.scatter [tilespmem:s18], [sflag:$0x5], $0x4000, $0x38;
	[tilespmem:$0x1E800] =	vst v63  }
0x38: {  	_ =	swait.ge [sflag:s19], $0x4000  }
0x39: {  	[sflag:s19] =	ssyncset.done $0x0  }
0x3a: {  	[sflag:s19] =	ssyncadd.s32 $0xFFFFC000  }
0x3b: {  	[spmem:s16] =	stream.linear.scatter [tilespmem:s18], [sflag:$0x5], $0x4000, $0x38;
	[tilespmem:$0x1E800] =	vst v63  }
0x3c: {  	_ =	swait.ge [sflag:s19], $0x4000  }
0x3d: {  	[sflag:s19] =	ssyncset.done $0x0  }
0x3e: {  	[sflag:s19] =	ssyncadd.s32 $0xFFFFC000  }
0x3f: {  	[spmem:s17] =	stream.linear.scatter [tilespmem:s18], [sflag:$0x5], $0x4000, $0x38;
	[tilespmem:$0x1E800] =	vst v63  }
.Ltmp3:
0x40: {  	_ =	swait.ge [sflag:s19], $0x4000;
	(pc) =	sbr.rel @p0 .LBB2_8-.Ltmp3, $4  }
0x41: {  	[sflag:s19] =	ssyncset.done $0x0  }
0x42: {  	[sflag:s19] =	ssyncadd.s32 $0xFFFFC000  }
0x43: {  	[bflag:$0x0] =	sbarrier.arrive $0xFFFF  }
0x44: {  	s4 =	simm.s32 $0x0  }
.LBB2_4:
0x45: {  	s12 =	smul.u32 $0x28, s4;
	_ =	sdelay $0x1  }
0x46: {  	s12 =	sadd.s32 s10, s12  }
0x47: {  	s12 =	sshll.u32 s12, $0x4  }
0x48: {  	s13 =	sadd.s32 s7, s12  }
0x49: {  	[tilespmem:s20], [sflag:$0x5] =	stream.linear.gather [hbm4b:s13+s3], $0x1400, $0x38;
	[tilespmem:$0x1E800] =	vst v63  }
0x4a: {  	_ =	swait.ge [sflag:s19], $0x1400  }
0x4b: {  	[sflag:s19] =	ssyncset.done $0x0  }
0x4c: {  	s12 =	sadd.s32 s1, s12;
	[sflag:s19] =	ssyncadd.s32 $0xFFFFEC00  }
0x4d: {  	[tilespmem:s21], [sflag:$0x5] =	stream.linear.gather [hbm4b:s12+s3], $0x1400, $0x38;
	[tilespmem:$0x1E800] =	vst v63  }
0x4e: {  	_ =	swait.ge [sflag:s19], $0x1400  }
0x4f: {  	[sflag:s19] =	ssyncset.done $0x0  }
0x50: {  	[sflag:s19] =	ssyncadd.s32 $0xFFFFEC00  }
0x51: {  	[tilespmem:s18], [sflag:$0x1] =	stream.indirect.gather [hbm4b:s5+s22], $0x80, s20, s22, $0xb8;
	[tilespmem:$0x1E800] =	vst v63  }
0x52: {  	_ =	swait.ge [sflag:s23], $0x4000  }
0x53: {  	[sflag:s23] =	ssyncset.done $0x0  }
0x54: {  	[sflag:s23] =	ssyncadd.s32 $0xFFFFC000  }
0x55: {  	[tilespmem:s25], [sflag:$0x2] =	stream.indirect.gather [hbm4b:s5+s22], $0x80, s24, s22, $0xb8;
	[tilespmem:$0x1E800] =	vst v63  }
0x56: {  	_ = 	snop  }
0x57: {  	[spmem:s2] =	stream.indirect.scatter.add.f32 [tilespmem:s18], [sflag:$0x3], $0x80, s21, s22, $0xb8;
	[tilespmem:$0x1E800] =	vst v63  }
0x58: {  	_ =	swait.ge [sflag:s26], $0x4000  }
0x59: {  	[sflag:s26] =	ssyncset.done $0x0  }
0x5a: {  	[sflag:s26] =	ssyncadd.s32 $0xFFFFC000  }
0x5b: {  	_ =	swait.ge [sflag:s28], $0x4000  }
0x5c: {  	[sflag:s28] =	ssyncset.done $0x0  }
0x5d: {  	[sflag:s28] =	ssyncadd.s32 $0xFFFFC000  }
0x5e: {  	[tilespmem:s18], [sflag:$0x1] =	stream.indirect.gather [hbm4b:s5+s22], $0x80, s29, s22, $0xb8;
	[tilespmem:$0x1E800] =	vst v63  }
0x5f: {  	_ = 	snop  }
0x60: {  	[spmem:s2] =	stream.indirect.scatter.add.f32 [tilespmem:s25], [sflag:$0x4], $0x80, s30, s22, $0xb8;
	[tilespmem:$0x1E800] =	vst v63  }
0x61: {  	_ =	swait.ge [sflag:s23], $0x4000  }
0x62: {  	[sflag:s23] =	ssyncset.done $0x0  }
0x63: {  	[sflag:s23] =	ssyncadd.s32 $0xFFFFC000  }
0x64: {  	_ =	swait.ge [sflag:s31], $0x4000  }
0x65: {  	[sflag:s31] =	ssyncset.done $0x0  }
0x66: {  	[sflag:s31] =	ssyncadd.s32 $0xFFFFC000  }
0x67: {  	[tilespmem:s25], [sflag:$0x2] =	stream.indirect.gather [hbm4b:s5+s22], $0x80, s0, s22, $0xb8;
	[tilespmem:$0x1E800] =	vst v63  }
0x68: {  	_ = 	snop  }
0x69: {  	[spmem:s2] =	stream.indirect.scatter.add.f32 [tilespmem:s18], [sflag:$0x3], $0x80, s8, s22, $0xb8;
	[tilespmem:$0x1E800] =	vst v63  }
0x6a: {  	_ =	swait.ge [sflag:s26], $0x4000  }
0x6b: {  	[sflag:s26] =	ssyncset.done $0x0  }
0x6c: {  	[sflag:s26] =	ssyncadd.s32 $0xFFFFC000  }
0x6d: {  	_ =	swait.ge [sflag:s28], $0x4000  }
0x6e: {  	[sflag:s28] =	ssyncset.done $0x0  }
0x6f: {  	s13 =	simm.s32 $0x14200;
	[sflag:s28] =	ssyncadd.s32 $0xFFFFC000  }
0x70: {  	[tilespmem:s18], [sflag:$0x1] =	stream.indirect.gather [hbm4b:s5+s22], $0x80, s13, s22, $0xb8;
	[tilespmem:$0x1E800] =	vst v63  }
0x71: {  	s14 =	simm.s32 $0x15580  }
0x72: {  	[spmem:s2] =	stream.indirect.scatter.add.f32 [tilespmem:s25], [sflag:$0x4], $0x80, s14, s22, $0xb8;
	[tilespmem:$0x1E800] =	vst v63  }
0x73: {  	_ =	swait.ge [sflag:s23], $0x4000  }
0x74: {  	[sflag:s23] =	ssyncset.done $0x0  }
0x75: {  	[sflag:s23] =	ssyncadd.s32 $0xFFFFC000  }
0x76: {  	_ =	swait.ge [sflag:s31], $0x4000  }
0x77: {  	[sflag:s31] =	ssyncset.done $0x0  }
0x78: {  	s13 =	simm.s32 $0x14280;
	[sflag:s31] =	ssyncadd.s32 $0xFFFFC000  }
0x79: {  	[tilespmem:s25], [sflag:$0x2] =	stream.indirect.gather [hbm4b:s5+s22], $0x80, s13, s22, $0xb8;
	[tilespmem:$0x1E800] =	vst v63  }
0x7a: {  	s14 =	simm.s32 $0x15600  }
0x7b: {  	[spmem:s2] =	stream.indirect.scatter.add.f32 [tilespmem:s18], [sflag:$0x3], $0x80, s14, s22, $0xb8;
	[tilespmem:$0x1E800] =	vst v63  }
0x7c: {  	_ =	swait.ge [sflag:s26], $0x4000  }
0x7d: {  	s12 =	simm.s32 $0xFFFFBC00;
	[sflag:s26] =	ssyncset.done $0x0  }
.LBB2_5:
0x7e: {  	[sflag:s26] =	ssyncadd.s32 $0xFFFFC000;
	s13 =	smov.u32 s12;
	s12 =	sadd.s32 $0x400, s12  }
0x7f: {  	p1 =	sne.s32 s12, $0x0  }
0x80: {  	_ =	swait.ge [sflag:s28], $0x4000  }
0x81: {  	s13 =	sshra.s32 s13, $0x2;
	[sflag:s28] =	ssyncset.done $0x0  }
0x82: {  	s14 =	sadd.s32 $0x15400, s13;
	[sflag:s28] =	ssyncadd.s32 $0xFFFFC000  }
0x83: {  	[tilespmem:s18], [sflag:$0x1] =	stream.indirect.gather [hbm4b:s5+s22], $0x80, s14, s22, $0xb8;
	[tilespmem:$0x1E800] =	vst v63  }
0x84: {  	s14 =	sadd.s32 $0x16780, s13  }
0x85: {  	[spmem:s2] =	stream.indirect.scatter.add.f32 [tilespmem:s25], [sflag:$0x4], $0x80, s14, s22, $0xb8;
	[tilespmem:$0x1E800] =	vst v63  }
0x86: {  	_ =	swait.ge [sflag:s23], $0x4000  }
0x87: {  	[sflag:s23] =	ssyncset.done $0x0  }
0x88: {  	[sflag:s23] =	ssyncadd.s32 $0xFFFFC000  }
0x89: {  	_ =	swait.ge [sflag:s31], $0x4000  }
0x8a: {  	[sflag:s31] =	ssyncset.done $0x0  }
0x8b: {  	s14 =	sadd.s32 $0x15480, s13;
	[sflag:s31] =	ssyncadd.s32 $0xFFFFC000  }
0x8c: {  	[tilespmem:s25], [sflag:$0x2] =	stream.indirect.gather [hbm4b:s5+s22], $0x80, s14, s22, $0xb8;
	[tilespmem:$0x1E800] =	vst v63  }
.Ltmp4:
0x8d: {  	_ = 	snop;
	(pc) =	sbr.rel @p1 .LBB2_5-.Ltmp4, $4  }
0x8e: {  	s13 =	sadd.s32 $0x16800, s13  }
0x8f: {  	[spmem:s2] =	stream.indirect.scatter.add.f32 [tilespmem:s18], [sflag:$0x3], $0x80, s13, s22, $0xb8;
	[tilespmem:$0x1E800] =	vst v63  }
0x90: {  	_ =	swait.ge [sflag:s26], $0x4000  }
0x91: {  	[sflag:s26] =	ssyncset.done $0x0  }
0x92: {  	s12 =	sshra.s32 s12, $0x2  }
0x93: {  	[sflag:s26] =	ssyncadd.s32 $0xFFFFC000;
	s4 =	sadd.s32 $0x1, s4;
	s12 =	sadd.s32 $0x16780, s12  }
0x94: {  	[spmem:s2] =	stream.indirect.scatter.add.f32 [tilespmem:s25], [sflag:$0x4], $0x80, s12, s22, $0xb8;
	[tilespmem:$0x1E800] =	vst v63  }
0x95: {  	p1 =	seq.s32 s4, $0x4;
	_ =	swait.ge [sflag:s28], $0x4000  }
.Ltmp5:
0x96: {  	[sflag:s28] =	ssyncset.done $0x0;
	(pc) =	sbr.rel @!p1 .LBB2_4-.Ltmp5, $4  }
0x97: {  	[sflag:s28] =	ssyncadd.s32 $0xFFFFC000  }
0x98: {  	_ =	swait.ge [sflag:s31], $0x4000  }
0x99: {  	[sflag:s31] =	ssyncset.done $0x0  }
0x9a: {  	[sflag:s31] =	ssyncadd.s32 $0xFFFFC000  }
.Ltmp6:
0x9b: {  	(pc) =	sbr.rel .LBB2_12-.Ltmp6, $2  }
0x9c: {  	_ =	sdelay $0x2  }
0x9d: {  	s4 =	rddreg [dreg:$0x4]  }
.LBB2_8:
0x9e: {  	s12 =	smul.u32 $0x28, s4;
	_ =	sdelay $0x1  }
0x9f: {  	s12 =	sadd.s32 s10, s12  }
0xa0: {  	s12 =	sshll.u32 s12, $0x4  }
0xa1: {  	s13 =	sadd.s32 s7, s12  }
0xa2: {  	[tilespmem:s20], [sflag:$0x5] =	stream.linear.gather [hbm4b:s13+s3], $0x1400, $0x38;
	[tilespmem:$0x1E800] =	vst v63  }
0xa3: {  	_ =	swait.ge [sflag:s19], $0x1400  }
0xa4: {  	[sflag:s19] =	ssyncset.done $0x0  }
0xa5: {  	s12 =	sadd.s32 s1, s12;
	[sflag:s19] =	ssyncadd.s32 $0xFFFFEC00  }
0xa6: {  	[tilespmem:s21], [sflag:$0x5] =	stream.linear.gather [hbm4b:s12+s3], $0x1400, $0x38;
	[tilespmem:$0x1E800] =	vst v63  }
0xa7: {  	_ =	swait.ge [sflag:s19], $0x1400  }
0xa8: {  	[sflag:s19] =	ssyncset.done $0x0  }
0xa9: {  	[sflag:s19] =	ssyncadd.s32 $0xFFFFEC00  }
0xaa: {  	[tilespmem:s18], [sflag:$0x1] =	stream.indirect.gather [hbm4b:s6+s22], $0x80, s20, s22, $0xb8;
	[tilespmem:$0x1E800] =	vst v63  }
0xab: {  	_ =	swait.ge [sflag:s23], $0x4000  }
0xac: {  	[sflag:s23] =	ssyncset.done $0x0  }
0xad: {  	[sflag:s23] =	ssyncadd.s32 $0xFFFFC000  }
0xae: {  	[tilespmem:s25], [sflag:$0x2] =	stream.indirect.gather [hbm4b:s6+s22], $0x80, s24, s22, $0xb8;
	[tilespmem:$0x1E800] =	vst v63  }
0xaf: {  	_ = 	snop  }
0xb0: {  	[spmem:s2] =	stream.indirect.scatter.add.f32 [tilespmem:s18], [sflag:$0x3], $0x80, s21, s22, $0xb8;
	[tilespmem:$0x1E800] =	vst v63  }
0xb1: {  	_ =	swait.ge [sflag:s26], $0x4000  }
0xb2: {  	[sflag:s26] =	ssyncset.done $0x0  }
0xb3: {  	[sflag:s26] =	ssyncadd.s32 $0xFFFFC000  }
0xb4: {  	_ =	swait.ge [sflag:s28], $0x4000  }
0xb5: {  	[sflag:s28] =	ssyncset.done $0x0  }
0xb6: {  	[sflag:s28] =	ssyncadd.s32 $0xFFFFC000  }
0xb7: {  	[tilespmem:s18], [sflag:$0x1] =	stream.indirect.gather [hbm4b:s6+s22], $0x80, s29, s22, $0xb8;
	[tilespmem:$0x1E800] =	vst v63  }
0xb8: {  	_ = 	snop  }
0xb9: {  	[spmem:s2] =	stream.indirect.scatter.add.f32 [tilespmem:s25], [sflag:$0x4], $0x80, s30, s22, $0xb8;
	[tilespmem:$0x1E800] =	vst v63  }
0xba: {  	_ =	swait.ge [sflag:s23], $0x4000  }
0xbb: {  	[sflag:s23] =	ssyncset.done $0x0  }
0xbc: {  	[sflag:s23] =	ssyncadd.s32 $0xFFFFC000  }
0xbd: {  	_ =	swait.ge [sflag:s31], $0x4000  }
0xbe: {  	[sflag:s31] =	ssyncset.done $0x0  }
0xbf: {  	[sflag:s31] =	ssyncadd.s32 $0xFFFFC000  }
0xc0: {  	[tilespmem:s25], [sflag:$0x2] =	stream.indirect.gather [hbm4b:s6+s22], $0x80, s0, s22, $0xb8;
	[tilespmem:$0x1E800] =	vst v63  }
0xc1: {  	_ = 	snop  }
0xc2: {  	[spmem:s2] =	stream.indirect.scatter.add.f32 [tilespmem:s18], [sflag:$0x3], $0x80, s8, s22, $0xb8;
	[tilespmem:$0x1E800] =	vst v63  }
0xc3: {  	_ =	swait.ge [sflag:s26], $0x4000  }
0xc4: {  	[sflag:s26] =	ssyncset.done $0x0  }
0xc5: {  	[sflag:s26] =	ssyncadd.s32 $0xFFFFC000  }
0xc6: {  	_ =	swait.ge [sflag:s28], $0x4000  }
0xc7: {  	[sflag:s28] =	ssyncset.done $0x0  }
0xc8: {  	s13 =	simm.s32 $0x14200;
	[sflag:s28] =	ssyncadd.s32 $0xFFFFC000  }
0xc9: {  	[tilespmem:s18], [sflag:$0x1] =	stream.indirect.gather [hbm4b:s6+s22], $0x80, s13, s22, $0xb8;
	[tilespmem:$0x1E800] =	vst v63  }
0xca: {  	s14 =	simm.s32 $0x15580  }
0xcb: {  	[spmem:s2] =	stream.indirect.scatter.add.f32 [tilespmem:s25], [sflag:$0x4], $0x80, s14, s22, $0xb8;
	[tilespmem:$0x1E800] =	vst v63  }
0xcc: {  	_ =	swait.ge [sflag:s23], $0x4000  }
0xcd: {  	[sflag:s23] =	ssyncset.done $0x0  }
0xce: {  	[sflag:s23] =	ssyncadd.s32 $0xFFFFC000  }
0xcf: {  	_ =	swait.ge [sflag:s31], $0x4000  }
0xd0: {  	[sflag:s31] =	ssyncset.done $0x0  }
0xd1: {  	s13 =	simm.s32 $0x14280;
	[sflag:s31] =	ssyncadd.s32 $0xFFFFC000  }
0xd2: {  	[tilespmem:s25], [sflag:$0x2] =	stream.indirect.gather [hbm4b:s6+s22], $0x80, s13, s22, $0xb8;
	[tilespmem:$0x1E800] =	vst v63  }
0xd3: {  	s14 =	simm.s32 $0x15600  }
0xd4: {  	[spmem:s2] =	stream.indirect.scatter.add.f32 [tilespmem:s18], [sflag:$0x3], $0x80, s14, s22, $0xb8;
	[tilespmem:$0x1E800] =	vst v63  }
0xd5: {  	_ =	swait.ge [sflag:s26], $0x4000  }
0xd6: {  	s12 =	simm.s32 $0xFFFFBC00;
	[sflag:s26] =	ssyncset.done $0x0  }
.LBB2_9:
0xd7: {  	[sflag:s26] =	ssyncadd.s32 $0xFFFFC000;
	s13 =	smov.u32 s12;
	s12 =	sadd.s32 $0x400, s12  }
0xd8: {  	p1 =	sne.s32 s12, $0x0  }
0xd9: {  	_ =	swait.ge [sflag:s28], $0x4000  }
0xda: {  	s13 =	sshra.s32 s13, $0x2;
	[sflag:s28] =	ssyncset.done $0x0  }
0xdb: {  	s14 =	sadd.s32 $0x15400, s13;
	[sflag:s28] =	ssyncadd.s32 $0xFFFFC000  }
0xdc: {  	[tilespmem:s18], [sflag:$0x1] =	stream.indirect.gather [hbm4b:s6+s22], $0x80, s14, s22, $0xb8;
	[tilespmem:$0x1E800] =	vst v63  }
0xdd: {  	s14 =	sadd.s32 $0x16780, s13  }
0xde: {  	[spmem:s2] =	stream.indirect.scatter.add.f32 [tilespmem:s25], [sflag:$0x4], $0x80, s14, s22, $0xb8;
	[tilespmem:$0x1E800] =	vst v63  }
0xdf: {  	_ =	swait.ge [sflag:s23], $0x4000  }
0xe0: {  	[sflag:s23] =	ssyncset.done $0x0  }
0xe1: {  	[sflag:s23] =	ssyncadd.s32 $0xFFFFC000  }
0xe2: {  	_ =	swait.ge [sflag:s31], $0x4000  }
0xe3: {  	[sflag:s31] =	ssyncset.done $0x0  }
0xe4: {  	s14 =	sadd.s32 $0x15480, s13;
	[sflag:s31] =	ssyncadd.s32 $0xFFFFC000  }
0xe5: {  	[tilespmem:s25], [sflag:$0x2] =	stream.indirect.gather [hbm4b:s6+s22], $0x80, s14, s22, $0xb8;
	[tilespmem:$0x1E800] =	vst v63  }
.Ltmp7:
0xe6: {  	_ = 	snop;
	(pc) =	sbr.rel @p1 .LBB2_9-.Ltmp7, $4  }
0xe7: {  	s13 =	sadd.s32 $0x16800, s13  }
0xe8: {  	[spmem:s2] =	stream.indirect.scatter.add.f32 [tilespmem:s18], [sflag:$0x3], $0x80, s13, s22, $0xb8;
	[tilespmem:$0x1E800] =	vst v63  }
0xe9: {  	_ =	swait.ge [sflag:s26], $0x4000  }
0xea: {  	[sflag:s26] =	ssyncset.done $0x0  }
0xeb: {  	s12 =	sshra.s32 s12, $0x2  }
0xec: {  	[sflag:s26] =	ssyncadd.s32 $0xFFFFC000;
	s4 =	sadd.s32 $0x1, s4;
	s12 =	sadd.s32 $0x16780, s12  }
0xed: {  	[spmem:s2] =	stream.indirect.scatter.add.f32 [tilespmem:s25], [sflag:$0x4], $0x80, s12, s22, $0xb8;
	[tilespmem:$0x1E800] =	vst v63  }
0xee: {  	p1 =	sne.s32 s4, $0x4;
	_ =	swait.ge [sflag:s28], $0x4000  }
.Ltmp8:
0xef: {  	[sflag:s28] =	ssyncset.done $0x0;
	(pc) =	sbr.rel @p1 .LBB2_8-.Ltmp8, $4  }
0xf0: {  	[sflag:s28] =	ssyncadd.s32 $0xFFFFC000  }
0xf1: {  	_ =	swait.ge [sflag:s31], $0x4000  }
0xf2: {  	[sflag:s31] =	ssyncset.done $0x0  }
0xf3: {  	[sflag:s31] =	ssyncadd.s32 $0xFFFFC000  }
.Ltmp9:
0xf4: {  	(pc) =	sbr.rel .LBB2_12-.Ltmp9, $2  }
0xf5: {  	_ =	sdelay $0x2  }
0xf6: {  	s4 =	rddreg [dreg:$0x5]  }
.LBB2_13:
0xf7: {  	_ =	sfence.sel $0x180000  }
0xf8: {  	[bflag:$0x0] =	sbarrier.arrive $0xFFFF  }
0xf9: {  	_ =	strace $0x9000004D  }
0xfa: {  	s0 =	stileid.u32;
	[bflag:$0x2] =	sbarrier.arrive $0xFFFF  }
0xfb: {  	p0 =	sne.s32 s0, $0x0;
	s0 =	rddreg [dreg:$0x3]  }
0xfc: {  	s0 =	sadd.s32 @!p0 $0x100000, s0  }
0xfd: {  	[sflag:s0] =	ssyncadd.tile.s32 @!p0 $0x1;
	_ =	shalt  }
.Lfunc_end2:
_tile_overlayer_lowered:
.L_overlay_start_2:
0xfe: {  	(tag) =	ssettag $0x2  }
0xff: {  	s0 =	rddreg [dreg:$0x0];
	s2 =	stileid.u32  }
0x100: {  	s1 =	rddreg [dreg:$0x1];
	p0 =	sne.s32 s2, $0x0  }
0x101: {  	s3 =	rddreg [dreg:$0x2];
	[bflag:$0x3] =	sbarrier.arrive $0xFFFF;
	s2 =	simm.s32 @!p0 $0x1C05  }
0x102: {  	[timem:s3], [sflag:s2] =	dma.local @!p0 [hbm:s0], s1  }
0x103: {  	s0 =	simm.s32 @!p0 $0x5  }
0x104: {  	_ =	swait.ge @!p0 [sflag:s0], s1  }
0x105: {  	s1 =	ssub.s32 @!p0 $0x0, s1;
	[sflag:s0] =	ssyncset.done @!p0 $0x0  }
0x106: {  	[sflag:s0] =	ssyncadd.s32 @!p0 s1  }
0x107: {  	[bflag:$0x3] =	sbarrier.arrive $0xFFFF  }
0x108: {  	_ =	shalt  }

// kernel: kernel.22.cloned.1.call-start
scs
__scs_entry_jumppad:
0x0: {  	(pc) =	sbr.rel $0x88, $3  }
0x1: {  	(tag) =	ssettag $0x0;
	lr =	simm.s32 $0x1  }
0x2: {  	[smem:$0x3F95] =	sst lr;
	_ =	strace $0xD0000000  }
0x3: {  	_ = 	snop  }
0x4: {  	_ = 	snop  }
0x5: {  	_ = 	snop  }
0x6: {  	_ = 	snop  }
0x7: {  	_ = 	snop  }
__scs_overlays_trampoline_lowered:
0x8: {  	[smem:$0x3FA4] =	sst s0  }
0x9: {  	[smem:$0x3FA5] =	sst s1  }
0xa: {  	[smem:$0x3FA6] =	sst s2  }
0xb: {  	[smem:$0x3FA7] =	sst s3  }
0xc: {  	[smem:$0x3FA8] =	sst s4  }
0xd: {  	[smem:$0x3FA9] =	sst s5  }
0xe: {  	[smem:$0x3FAA] =	sst s6  }
0xf: {  	[smem:$0x3FAB] =	sst s7  }
0x10: {  	[smem:$0x3FAC] =	sst s8  }
0x11: {  	[smem:$0x3FAD] =	sst s9;
	s0 =	simm.s32 @!p0 $0x0  }
0x12: {  	s1 =	sld [smem:$0x3F93];
	s0 =	simm.s32 @p0 $0x1  }
0x13: {  	[smem:$0x3FAE] =	sst s0;
	s0 =	simm.s32 @!p1 $0x0  }
0x14: {  	s2 =	sld [smem:$0x3F92];
	s0 =	simm.s32 @p1 $0x1  }
0x15: {  	[smem:$0x3FAF] =	sst s0;
	s0 =	simm.s32 @!p2 $0x0  }
0x16: {  	s3 =	sld [smem:$0x3FDB];
	s0 =	simm.s32 @p2 $0x1  }
0x17: {  	s4 =	simm.s32 $0x1BF5;
	[smem:$0x3FB1] =	sst s0  }
0x18: {  	s0 =	sld [smem:$0x3F94];
	_ =	swait.ge [sflag:s4], $0x0  }
0x19: {  	s7 =	sld [smem:$0x3F95]  }
0x1a: {  	s8 =	sadd.s32 $0xFFFFE003, lr  }
0x1b: {  	s9 =	sadd.s32 $0xFFFFFEF7, lr;
	s5 =	simm.s32 $0xFFFFFFFF;
	p2 =	slt.u32 s8, $0xFFFFF086  }
0x1c: {  	p1 =	slt.u32 s9, $0xF7A;
	s5 =	simm.s32 @!p2 $0x0  }
0x1d: {  	s5 =	simm.s32 @p1 $0x1;
	p0 =	seq.s32 s7, s2  }
0x1e: {  	s7 =	smul.u32 @!p0 $0xF7A, s2;
	p2 =	seq.s32 @!p0 s5, $0x0  }
0x1f: {  	s9 =	smul.u32 $0xF7A, s1;
	s8 =	simm.s32 @!p0 $0x1BF5;
	p2 =	por !p2, p0  }
0x20: {  	[sflag:s8] =	ssyncset.s32 @!p0 $0xFFFFF086;
	s6 =	sadd.s32 @!p0 s3, s7;
	s7 =	simm.s32 @!p0 $0x108  }
0x21: {  	s3 =	sadd.s32 s3, s9;
	s6 =	sadd.s32 @!p0 $0x88, s6;
	s7 =	simm.s32 @p2 $0x1082  }
0x22: {  	[simem:s7], [sflag:s8] =	dma.local @!p0 [hbm:s6], $0xF7A  }
0x23: {  	s9 =	sor.u32 $0xD0000000, s2;
	s6 =	simm.s32 $0x108;
	_ =	swait.ge @!p0 [sflag:s8], $0x0  }
0x24: {  	s3 =	sadd.s32 $0x88, s3;
	s6 =	simm.s32 @!p1 $0x1082;
	[sflag:s4] =	ssyncset.s32 $0xFFFFF086  }
0x25: {  	[simem:s6], [sflag:s4] =	dma.local [hbm:s3], $0xF7A  }
0x26: {  	[smem:$0x3F95] =	sst s1;
	(tag) =	ssettag s2;
	_ =	strace s9  }
0x27: {  	s1 =	sld [smem:$0x3FA5]  }
0x28: {  	s2 =	sld [smem:$0x3FA6]  }
0x29: {  	s4 =	sld [smem:$0x3FA8]  }
0x2a: {  	p0 =	seq.s32 s5, $0x0;
	s5 =	sld [smem:$0x3FA9]  }
0x2b: {  	s6 =	sld [smem:$0x3FAA]  }
0x2c: {  	s7 =	sld [smem:$0x3FAB]  }
0x2d: {  	s3 =	simm.s32 $0x108;
	s8 =	sld [smem:$0x3FAC]  }
0x2e: {  	s3 =	simm.s32 @!p0 $0x1082;
	s9 =	sld [smem:$0x3FAD]  }
0x2f: {  	lr =	sadd.s32 s0, s3;
	s0 =	sld [smem:$0x3FA4]  }
0x30: {  	s3 =	sld [smem:$0x3FA7]  }
0x31: {  	[smem:$0x3FB0] =	sst s10  }
0x32: {  	s10 =	sld [smem:$0x3FAE];
	_ =	sdelay $0x3  }
0x33: {  	p0 =	seq.s32 s10, $0x1;
	s10 =	sld [smem:$0x3FB0];
	_ =	sdelay $0x3  }
0x34: {  	[smem:$0x3FB0] =	sst s10  }
0x35: {  	s10 =	sld [smem:$0x3FAF];
	_ =	sdelay $0x3  }
0x36: {  	p1 =	seq.s32 s10, $0x1;
	s10 =	sld [smem:$0x3FB0];
	_ =	sdelay $0x3  }
0x37: {  	[smem:$0x3FB0] =	sst s10  }
0x38: {  	s10 =	sld [smem:$0x3FB1]  }
0x39: {  	_ = 	snop;
	(pc) =	sbr.ind lr, $3  }
0x3a: {  	_ = 	snop  }
0x3b: {  	_ = 	snop  }
0x3c: {  	p2 =	seq.s32 s10, $0x1;
	s10 =	sld [smem:$0x3FB0]  }
0x3d: {  	_ =	shalt  }
0x3e: {  	_ =	shalt  }
0x3f: {  	_ =	shalt  }
0x40: {  	_ =	shalt  }
0x41: {  	_ =	shalt  }
0x42: {  	_ =	shalt  }
0x43: {  	_ =	shalt  }
0x44: {  	_ =	shalt  }
0x45: {  	_ =	shalt  }
0x46: {  	_ =	shalt  }
0x47: {  	_ =	shalt  }
0x48: {  	_ =	shalt  }
0x49: {  	_ =	shalt  }
0x4a: {  	_ =	shalt  }
0x4b: {  	_ =	shalt  }
0x4c: {  	_ =	shalt  }
0x4d: {  	_ =	shalt  }
0x4e: {  	_ =	shalt  }
0x4f: {  	_ =	shalt  }
0x50: {  	_ =	shalt  }
0x51: {  	_ =	shalt  }
0x52: {  	_ =	shalt  }
0x53: {  	_ =	shalt  }
0x54: {  	_ =	shalt  }
0x55: {  	_ =	shalt  }
0x56: {  	_ =	shalt  }
0x57: {  	_ =	shalt  }
0x58: {  	_ =	shalt  }
0x59: {  	_ =	shalt  }
0x5a: {  	_ =	shalt  }
0x5b: {  	_ =	shalt  }
0x5c: {  	_ =	shalt  }
0x5d: {  	_ =	shalt  }
0x5e: {  	_ =	shalt  }
0x5f: {  	_ =	shalt  }
0x60: {  	_ =	shalt  }
0x61: {  	_ =	shalt  }
0x62: {  	_ =	shalt  }
0x63: {  	_ =	shalt  }
0x64: {  	_ =	shalt  }
0x65: {  	_ =	shalt  }
0x66: {  	_ =	shalt  }
0x67: {  	_ =	shalt  }
0x68: {  	_ =	shalt  }
0x69: {  	_ =	shalt  }
0x6a: {  	_ =	shalt  }
0x6b: {  	_ =	shalt  }
0x6c: {  	_ =	shalt  }
0x6d: {  	_ =	shalt  }
0x6e: {  	_ =	shalt  }
0x6f: {  	_ =	shalt  }
0x70: {  	_ =	shalt  }
0x71: {  	_ =	shalt  }
0x72: {  	_ =	shalt  }
0x73: {  	_ =	shalt  }
0x74: {  	_ =	shalt  }
0x75: {  	_ =	shalt  }
0x76: {  	_ =	shalt  }
0x77: {  	_ =	shalt  }
0x78: {  	_ =	shalt  }
0x79: {  	_ =	shalt  }
0x7a: {  	_ =	shalt  }
0x7b: {  	_ =	shalt  }
0x7c: {  	_ =	shalt  }
0x7d: {  	_ =	shalt  }
0x7e: {  	_ =	shalt  }
0x7f: {  	_ =	shalt  }
0x80: {  	_ =	shalt  }
0x81: {  	_ =	shalt  }
0x82: {  	_ =	shalt  }
0x83: {  	_ =	shalt  }
0x84: {  	_ =	shalt  }
0x85: {  	_ =	shalt  }
0x86: {  	_ =	shalt  }
0x87: {  	_ =	shalt  }
.Lfunc_end0:
.L_simem_size_0:
called_computation.3_lowered:
.L_overlay_start_0:
0x88: {  	s2 =	sld [smem:$0x3FD9]  }
0x89: {  	s3 =	sld [smem:$0x3FFE];
	_ =	sdelay $0x1  }
0x8a: {  	s1 =	srdreg.scid  }
0x8b: {  	s0 =	sand.u32 $0x1, s1  }
0x8c: {  	s17 =	sshll.u32 s0, $0xA;
	s2 =	sadd.s32 s3, s2  }
0x8d: {  	s2 =	sadd.s32 s2, s17  }
0x8e: {  	[smem:$0x3FBC] =	sst s2  }
0x8f: {  	_ = 	snop  }
0x90: {  	s2 =	sld [smem:$0x3FD0];
	(tm) =	ssettm $0x1  }
0x91: {  	s18 =	sld [smem:$0x3FFB];
	_ =	sdelay $0x3  }
0x92: {  	_ =	strace s18  }
0x93: {  	s3 =	sld [smem:$0x3FFC];
	_ =	sdelay $0x3  }
0x94: {  	_ =	strace s3  }
0x95: {  	s3 =	sld [smem:$0x3FFD];
	_ =	sdelay $0x3  }
0x96: {  	_ =	strace s3  }
0x97: {  	_ =	strace $0x8FFFFFFF  }
0x98: {  	s19 =	sld [smem:$0x3FDB];
	_ =	sdelay $0x1  }
0x99: {  	s4 =	simm.s32 $_scs_section_size  }
0x9a: {  	s5 =	simm.s32 $_size__tile_overlayer_lowered;
	s6 =	simm.s32 $_tile_overlayer_lowered  }
0x9b: {  	s22 =	simm.s32 $0x1BFF;
	s21 =	sshll.u32 s6, $0x1;
	s3 =	sadd.s32 s4, s19  }
0x9c: {  	s7 =	simm.s32 $0x0;
	s20 =	sshll.u32 s5, $0x1;
	s5 =	sadd.s32 s21, s3  }
0x9d: {  	[timem:s7], [sflag:s22] =	dma.local [hbm:s5], s20  }
0x9e: {  	_ =	swait.ge [sflag:s22], s20  }
0x9f: {  	s4 =	ssub.s32 $0x0, s20;
	[sflag:s22] =	ssyncset.done $0x0  }
0xa0: {  	[sflag:s22] =	ssyncadd.s32 s4;
	_ =	sdelay $0x1  }
0xa1: {  	s23 =	simm.s32 $0x1B8B  }
0xa2: {  	_ =	swait.ge [sflag:s23], $0x1  }
0xa3: {  	[sflag:s23] =	ssyncset.done $0x0  }
0xa4: {  	s25 =	simm.s32 $0x1B8E;
	s24 =	sld [smem:$0x3FFE];
	[sflag:s23] =	ssyncadd.s32 $0xFFFFFFFF  }
0xa5: {  	s26 =	simm.s32 $execute0_lowered;
	[smem:$0x3FD2] =	sst s25  }
0xa6: {  	s5 =	sshll.u32 s26, $0x1;
	_ =	strace $0x8000004F;
	[dreg:$0x1] =	wrdreg $0xFFFFFFFF  }
0xa7: {  	s28 =	simm.s32 $_size_execute0_lowered;
	s3 =	sadd.s32 s3, s5;
	[dreg:$0x0] =	wrdreg $0x0  }
0xa8: {  	s5 =	sshll.u32 s28, $0x1;
	[dreg:$0x2] =	wrdreg s3  }
0xa9: {  	[dreg:$0x3] =	wrdreg s5  }
0xaa: {  	[dreg:$0x4] =	wrdreg $0xC0  }
0xab: {  	_ =	task [dreg:s7], $0x5FFFF  }
0xac: {  	[dreg:$0x1] =	wrdreg $0xFFFFFFFF  }
0xad: {  	[dreg:$0x0] =	wrdreg $0x60  }
0xae: {  	[dreg:$0x2] =	wrdreg s24  }
0xaf: {  	[dreg:$0x3] =	wrdreg s2  }
0xb0: {  	[dreg:$0x4] =	wrdreg $0x0  }
0xb1: {  	[dreg:$0x5] =	wrdreg $0x9  }
0xb2: {  	_ =	task.clear_ibuf [dreg:s7], $0x6FFFF;
	_ =	strace $0x9000004F  }
0xb3: {  	s29 =	simm.s32 $0x9;
	_ =	strace $0x80000051  }
0xb4: {  	_ =	swait.ge [sflag:s29], $0x1  }
0xb5: {  	[sflag:s29] =	ssyncadd.s32 $0xFFFFFFFF  }
0xb6: {  	_ =	strace $0x90000051  }
0xb7: {  	_ =	sfence  }
0xb8: {  	s30 =	sld [smem:$0x0];
	_ =	sdelay $0x2  }
0xb9: {  	s31 =	sshll.u32 s1, $0xD;
	s1 =	sshrl.u32 s1, $0x2  }
0xba: {  	s3 =	sand.u32 $0x4000, s31;
	s1 =	sadd.s32 s1, s30  }
0xbb: {  	s0 =	sor.u32 s3, s0;
	s1 =	sshll.u32 s1, $0x11  }
0xbc: {  	s0 =	sor.u32 s1, s0  }
0xbd: {  	s0 =	sadd.s32 $0x8F2B, s0  }
0xbe: {  	[sflag:s0] =	ssyncadd.remote.s32 $0x1  }
0xbf: {  	_ =	sfence.sel $0xFFFF  }
0xc0: {  	[dreg:$0x0] =	wrdreg $0xFFFFFFFF;
	(pc) =	sbr.abs _section_cstart, $3  }
0xc1: {  	[dreg:$0x1] =	wrdreg $0xFFFFFFFF  }
0xc2: {  	_ =	task.clear_ibuf [dreg:s7], $0x2FFFF;
	_ =	strace $0x9FFFFFFF  }
0xc3: {  	(tm) =	ssettm $0x7FFFFFFF  }
tec
execute0_lowered:
.L_overlay_start_1:
0x0: {  	(tag) =	ssettag $0x1  }
0x1: {  	s0 =	rddreg [dreg:$0x0]  }
0x2: {  	s5 =	rddreg [dreg:$0x1]  }
0x3: {  	s1 =	rddreg [dreg:$0x2];
	s2 =	simm.s32 $0x0  }
0x4: {  	s6 =	srdreg.scid;
	s3 =	stileid.u32;
	s28 =	simm.s32 $0x1  }
0x5: {  	s29 =	simm.s32 $0x14080;
	s30 =	simm.s32 $0x1A800;
	s31 =	simm.s32 $0x2  }
0x6: {  	s17 =	simm.s32 $0x0;
	[smem:$0x7FF] =	sst s2;
	s4 =	sadd.s32 $0x4DC00, s0  }
0x7: {  	s14 =	sadd.s32 $0x7400, s0;
	s7 =	smul.u32 $0x50000, s3;
	s8 =	sadd.s32 $0x75C00, s0  }
0x8: {  	s0 =	sadd.s32 $0xC5C00, s0;
	_ =	strace $0x80000050;
	[dreg:$0x4] =	wrdreg s8  }
0x9: {  	s6 =	sand.u32 $0x1, s6;
	s15 =	smul.u32 $0x500, s3;
	[dreg:$0x5] =	wrdreg s0  }
0xa: {  	s20 =	ssub.s32 $0x2, s6;
	p0 =	sne.s32 s6, $0x0;
	s6 =	simm.s32 $0x15480  }
0xb: {  	s21 =	sshrl.u32 s20, $0x1;
	s9 =	sshrl.u32 s7, $0x2;
	s7 =	smul.u32 $0x2800, s3  }
0xc: {  	s22 =	sadd.s32 $0x5000, s15;
	s23 =	sadd.s32 $0x5280, s15;
	s25 =	sadd.s32 $0x280, s15  }
0xd: {  	s26 =	sadd.s32 s14, s15;
	s15 =	sadd.s32 s5, s15;
	s0 =	ssub.s32 s20, s21  }
0xe: {  	s8 =	sadd.s32 s9, s1;
	s16 =	sadd.s32 s14, s22;
	[dreg:$0xa] =	wrdreg s26  }
0xf: {  	s24 =	sadd.s32 s14, s23;
	[dreg:$0xb] =	wrdreg s15;
	s14 =	sadd.s32 s14, s25  }
0x10: {  	s21 =	sadd.s32 s5, s25;
	s25 =	simm.s32 $0x15400;
	s26 =	simm.s32 $0x80  }
0x11: {  	s15 =	simm.s32 $0x14180;
	s9 =	smax.u32 s0, $0x1;
	s10 =	sadd.s32 $0x4000, s8  }
0x12: {  	s11 =	sadd.s32 $0x8000, s8;
	s12 =	sadd.s32 $0xC000, s8;
	[dreg:$0x6] =	wrdreg s16  }
.Ltmp0:
0x13: {  	s13 =	sadd.s32 $0x10000, s8;
	[dreg:$0x8] =	wrdreg s24;
	(pc) =	sbr.rel .LBB2_1-.Ltmp0, $4  }
0x14: {  	s0 =	sadd.s32 s5, s22;
	[dreg:$0xc] =	wrdreg s14;
	s22 =	simm.s32 $0x16800  }
0x15: {  	s24 =	simm.s32 $0x14000;
	s14 =	simm.s32 $0x4;
	s16 =	simm.s32 $0x15500  }
0x16: {  	[dreg:$0x7] =	wrdreg s0;
	s0 =	sadd.s32 s5, s23;
	s23 =	simm.s32 $0x5  }
0x17: {  	v0 =	vimm.f32 $0.0e+00;
	s5 =	simm.s32 $0x14100;
	[dreg:$0x9] =	wrdreg s0;
	s0 =	simm.s32 $0x3  }
.LBB2_13:
0x18: {  	s18 =	sshra.s32 s18, $0x2  }
0x19: {  	[sflag:s31] =	ssyncadd.s32 $0xFFFFC000;
	s18 =	sadd.s32 $0x16780, s18  }
0x1a: {  	[spmem:s1] =	stream.indirect.scatter.add.f32 [tilespmem:s30], [sflag:$0x4], $0x80, s18, s26, $0xb8;
	[tilespmem:$0x1E800] =	vst v63  }
0x1b: {  	_ =	swait.ge [sflag:s0], $0x4000  }
0x1c: {  	[sflag:s0] =	ssyncset.done $0x0  }
0x1d: {  	[sflag:s0] =	ssyncadd.s32 $0xFFFFC000  }
0x1e: {  	_ =	swait.ge [sflag:s14], $0x4000  }
0x1f: {  	[sflag:s14] =	ssyncset.done $0x0  }
0x20: {  	s18 =	rddreg [dreg:$0x5];
	[sflag:s14] =	ssyncadd.s32 $0xFFFFC000  }
.LBB2_14:
0x21: {  	s18 =	sadd.s32 s18, s7;
	s17 =	sadd.s32 $0x1, s17  }
0x22: {  	s19 =	sshll.u32 s3, $0x6;
	[bflag:$0x0] =	sbarrier.arrive $0xFFFF;
	p1 =	sne.s32 s17, s9  }
.Ltmp1:
0x23: {  	s20 =	sshrl.u32 s8, $0x3;
	s19 =	sor.u32 $0x1C05, s19;
	(pc) =	sbr.rel @!p1 .LBB2_15-.Ltmp1, $4  }
0x24: {  	[hbm:s18], [sflag:s19] =	dma.local [spmem:s20], $0x2800  }
0x25: {  	_ =	swait.ge [sflag:s23], $0x2800  }
0x26: {  	[sflag:s23] =	ssyncset.done $0x0  }
0x27: {  	[sflag:s23] =	ssyncadd.s32 $0xFFFFD800  }
.LBB2_1:
0x28: {  	s18 =	simm.s32 $0x0;
	s19 =	simm.s32 $0x200  }
.LBB2_2:
0x29: {  	p1 =	sne.s32 s19, $0xFE00;
	[tilespmem:s18+$0x16870] =	vst v0  }
0x2a: {  	[tilespmem:s18+$0x16800] =	vst v0  }
0x2b: {  	[tilespmem:s18+$0x16810] =	vst v0  }
.Ltmp2:
0x2c: {  	[tilespmem:s18+$0x16820] =	vst v0;
	(pc) =	sbr.rel @p1 .LBB2_2-.Ltmp2, $4  }
0x2d: {  	[tilespmem:s18+$0x16830] =	vst v0  }
0x2e: {  	[tilespmem:s18+$0x16840] =	vst v0  }
0x2f: {  	[tilespmem:s18+$0x16850] =	vst v0  }
0x30: {  	[tilespmem:s18+$0x16860] =	vst v0;
	s18 =	sshra.s32 s19, $0x2;
	s19 =	sadd.s32 $0x200, s19  }
0x31: {  	[tilespmem:s18+$0x16870] =	vst v0  }
0x32: {  	[tilespmem:s18+$0x16800] =	vst v0  }
0x33: {  	[tilespmem:s18+$0x16810] =	vst v0  }
0x34: {  	[tilespmem:s18+$0x16820] =	vst v0  }
0x35: {  	[tilespmem:s18+$0x16830] =	vst v0  }
0x36: {  	[tilespmem:s18+$0x16840] =	vst v0  }
0x37: {  	[tilespmem:s18+$0x16850] =	vst v0  }
0x38: {  	[tilespmem:s18+$0x16860] =	vst v0  }
0x39: {  	[spmem:s8] =	stream.linear.scatter [tilespmem:s22], [sflag:$0x5], $0x4000, $0x38;
	[tilespmem:$0x1E800] =	vst v63  }
0x3a: {  	_ =	swait.ge [sflag:s23], $0x4000  }
0x3b: {  	[sflag:s23] =	ssyncset.done $0x0  }
0x3c: {  	[sflag:s23] =	ssyncadd.s32 $0xFFFFC000  }
0x3d: {  	[spmem:s10] =	stream.linear.scatter [tilespmem:s22], [sflag:$0x5], $0x4000, $0x38;
	[tilespmem:$0x1E800] =	vst v63  }
0x3e: {  	_ =	swait.ge [sflag:s23], $0x4000  }
0x3f: {  	[sflag:s23] =	ssyncset.done $0x0  }
0x40: {  	[sflag:s23] =	ssyncadd.s32 $0xFFFFC000  }
0x41: {  	[spmem:s11] =	stream.linear.scatter [tilespmem:s22], [sflag:$0x5], $0x4000, $0x38;
	[tilespmem:$0x1E800] =	vst v63  }
0x42: {  	_ =	swait.ge [sflag:s23], $0x4000  }
0x43: {  	[sflag:s23] =	ssyncset.done $0x0  }
0x44: {  	[sflag:s23] =	ssyncadd.s32 $0xFFFFC000  }
0x45: {  	[spmem:s12] =	stream.linear.scatter [tilespmem:s22], [sflag:$0x5], $0x4000, $0x38;
	[tilespmem:$0x1E800] =	vst v63  }
0x46: {  	_ =	swait.ge [sflag:s23], $0x4000  }
0x47: {  	[sflag:s23] =	ssyncset.done $0x0  }
0x48: {  	[sflag:s23] =	ssyncadd.s32 $0xFFFFC000  }
0x49: {  	[spmem:s13] =	stream.linear.scatter [tilespmem:s22], [sflag:$0x5], $0x4000, $0x38;
	[tilespmem:$0x1E800] =	vst v63  }
.Ltmp3:
0x4a: {  	_ =	swait.ge [sflag:s23], $0x4000;
	(pc) =	sbr.rel @p0 .LBB2_9-.Ltmp3, $3  }
0x4b: {  	[sflag:s23] =	ssyncset.done $0x0  }
0x4c: {  	[sflag:s23] =	ssyncadd.s32 $0xFFFFC000  }
0x4d: {  	[bflag:$0x0] =	sbarrier.arrive $0xFFFF;
	_ =	sdelay $0x1  }
0x4e: {  	s18 =	rddreg [dreg:$0xa]  }
0x4f: {  	[tilespmem:s24], [sflag:$0x5] =	stream.linear.gather [hbm4b:s18+s2], $0x1400, $0x38;
	[tilespmem:$0x1E800] =	vst v63  }
0x50: {  	_ =	swait.ge [sflag:s23], $0x1400  }
0x51: {  	[sflag:s23] =	ssyncset.done $0x0  }
0x52: {  	s20 =	rddreg [dreg:$0xb];
	[sflag:s23] =	ssyncadd.s32 $0xFFFFEC00  }
0x53: {  	[tilespmem:s25], [sflag:$0x5] =	stream.linear.gather [hbm4b:s20+s2], $0x1400, $0x38;
	[tilespmem:$0x1E800] =	vst v63  }
0x54: {  	_ =	swait.ge [sflag:s23], $0x1400  }
0x55: {  	[sflag:s23] =	ssyncset.done $0x0  }
0x56: {  	[sflag:s23] =	ssyncadd.s32 $0xFFFFEC00  }
0x57: {  	[tilespmem:s22], [sflag:$0x1] =	stream.indirect.gather [hbm4b:s4+s26], $0x80, s24, s26, $0xb8;
	[tilespmem:$0x1E800] =	vst v63  }
0x58: {  	_ =	swait.ge [sflag:s28], $0x4000  }
0x59: {  	[sflag:s28] =	ssyncset.done $0x0  }
0x5a: {  	[sflag:s28] =	ssyncadd.s32 $0xFFFFC000  }
0x5b: {  	[tilespmem:s30], [sflag:$0x2] =	stream.indirect.gather [hbm4b:s4+s26], $0x80, s29, s26, $0xb8;
	[tilespmem:$0x1E800] =	vst v63  }
0x5c: {  	_ = 	snop  }
0x5d: {  	[spmem:s1] =	stream.indirect.scatter.add.f32 [tilespmem:s22], [sflag:$0x3], $0x80, s25, s26, $0xb8;
	[tilespmem:$0x1E800] =	vst v63  }
0x5e: {  	_ =	swait.ge [sflag:s31], $0x4000  }
0x5f: {  	[sflag:s31] =	ssyncset.done $0x0  }
0x60: {  	[sflag:s31] =	ssyncadd.s32 $0xFFFFC000  }
0x61: {  	_ =	swait.ge [sflag:s0], $0x4000  }
0x62: {  	[sflag:s0] =	ssyncset.done $0x0  }
0x63: {  	[sflag:s0] =	ssyncadd.s32 $0xFFFFC000  }
0x64: {  	[tilespmem:s22], [sflag:$0x1] =	stream.indirect.gather [hbm4b:s4+s26], $0x80, s5, s26, $0xb8;
	[tilespmem:$0x1E800] =	vst v63  }
0x65: {  	_ = 	snop  }
0x66: {  	[spmem:s1] =	stream.indirect.scatter.add.f32 [tilespmem:s30], [sflag:$0x4], $0x80, s6, s26, $0xb8;
	[tilespmem:$0x1E800] =	vst v63  }
0x67: {  	_ =	swait.ge [sflag:s28], $0x4000  }
0x68: {  	[sflag:s28] =	ssyncset.done $0x0  }
0x69: {  	[sflag:s28] =	ssyncadd.s32 $0xFFFFC000  }
0x6a: {  	_ =	swait.ge [sflag:s14], $0x4000  }
0x6b: {  	[sflag:s14] =	ssyncset.done $0x0  }
0x6c: {  	[sflag:s14] =	ssyncadd.s32 $0xFFFFC000  }
0x6d: {  	[tilespmem:s30], [sflag:$0x2] =	stream.indirect.gather [hbm4b:s4+s26], $0x80, s15, s26, $0xb8;
	[tilespmem:$0x1E800] =	vst v63  }
0x6e: {  	_ = 	snop  }
0x6f: {  	[spmem:s1] =	stream.indirect.scatter.add.f32 [tilespmem:s22], [sflag:$0x3], $0x80, s16, s26, $0xb8;
	[tilespmem:$0x1E800] =	vst v63  }
0x70: {  	_ =	swait.ge [sflag:s31], $0x4000  }
0x71: {  	[sflag:s31] =	ssyncset.done $0x0  }
0x72: {  	[sflag:s31] =	ssyncadd.s32 $0xFFFFC000  }
0x73: {  	_ =	swait.ge [sflag:s0], $0x4000  }
0x74: {  	[sflag:s0] =	ssyncset.done $0x0  }
0x75: {  	s19 =	simm.s32 $0x14200;
	[sflag:s0] =	ssyncadd.s32 $0xFFFFC000  }
0x76: {  	[tilespmem:s22], [sflag:$0x1] =	stream.indirect.gather [hbm4b:s4+s26], $0x80, s19, s26, $0xb8;
	[tilespmem:$0x1E800] =	vst v63  }
0x77: {  	s20 =	simm.s32 $0x15580  }
0x78: {  	[spmem:s1] =	stream.indirect.scatter.add.f32 [tilespmem:s30], [sflag:$0x4], $0x80, s20, s26, $0xb8;
	[tilespmem:$0x1E800] =	vst v63  }
0x79: {  	_ =	swait.ge [sflag:s28], $0x4000  }
0x7a: {  	[sflag:s28] =	ssyncset.done $0x0  }
0x7b: {  	[sflag:s28] =	ssyncadd.s32 $0xFFFFC000  }
0x7c: {  	_ =	swait.ge [sflag:s14], $0x4000  }
0x7d: {  	[sflag:s14] =	ssyncset.done $0x0  }
0x7e: {  	s19 =	simm.s32 $0x14280;
	[sflag:s14] =	ssyncadd.s32 $0xFFFFC000  }
0x7f: {  	[tilespmem:s30], [sflag:$0x2] =	stream.indirect.gather [hbm4b:s4+s26], $0x80, s19, s26, $0xb8;
	[tilespmem:$0x1E800] =	vst v63  }
0x80: {  	s20 =	simm.s32 $0x15600  }
0x81: {  	[spmem:s1] =	stream.indirect.scatter.add.f32 [tilespmem:s22], [sflag:$0x3], $0x80, s20, s26, $0xb8;
	[tilespmem:$0x1E800] =	vst v63  }
0x82: {  	_ =	swait.ge [sflag:s31], $0x4000  }
0x83: {  	s18 =	simm.s32 $0xFFFFBC00;
	[sflag:s31] =	ssyncset.done $0x0  }
.LBB2_5:
0x84: {  	[sflag:s31] =	ssyncadd.s32 $0xFFFFC000;
	s19 =	smov.u32 s18;
	s18 =	sadd.s32 $0x400, s18  }
0x85: {  	p1 =	sne.s32 s18, $0x0  }
0x86: {  	_ =	swait.ge [sflag:s0], $0x4000  }
0x87: {  	s19 =	sshra.s32 s19, $0x2;
	[sflag:s0] =	ssyncset.done $0x0  }
0x88: {  	s20 =	sadd.s32 $0x15400, s19;
	[sflag:s0] =	ssyncadd.s32 $0xFFFFC000  }
0x89: {  	[tilespmem:s22], [sflag:$0x1] =	stream.indirect.gather [hbm4b:s4+s26], $0x80, s20, s26, $0xb8;
	[tilespmem:$0x1E800] =	vst v63  }
0x8a: {  	s20 =	sadd.s32 $0x16780, s19  }
0x8b: {  	[spmem:s1] =	stream.indirect.scatter.add.f32 [tilespmem:s30], [sflag:$0x4], $0x80, s20, s26, $0xb8;
	[tilespmem:$0x1E800] =	vst v63  }
0x8c: {  	_ =	swait.ge [sflag:s28], $0x4000  }
0x8d: {  	[sflag:s28] =	ssyncset.done $0x0  }
0x8e: {  	[sflag:s28] =	ssyncadd.s32 $0xFFFFC000  }
0x8f: {  	_ =	swait.ge [sflag:s14], $0x4000  }
0x90: {  	[sflag:s14] =	ssyncset.done $0x0  }
0x91: {  	s20 =	sadd.s32 $0x15480, s19;
	[sflag:s14] =	ssyncadd.s32 $0xFFFFC000  }
0x92: {  	[tilespmem:s30], [sflag:$0x2] =	stream.indirect.gather [hbm4b:s4+s26], $0x80, s20, s26, $0xb8;
	[tilespmem:$0x1E800] =	vst v63  }
.Ltmp4:
0x93: {  	_ = 	snop;
	(pc) =	sbr.rel @p1 .LBB2_5-.Ltmp4, $4  }
0x94: {  	s19 =	sadd.s32 $0x16800, s19  }
0x95: {  	[spmem:s1] =	stream.indirect.scatter.add.f32 [tilespmem:s22], [sflag:$0x3], $0x80, s19, s26, $0xb8;
	[tilespmem:$0x1E800] =	vst v63  }
0x96: {  	_ =	swait.ge [sflag:s31], $0x4000  }
0x97: {  	[sflag:s31] =	ssyncset.done $0x0  }
0x98: {  	s18 =	sshra.s32 s18, $0x2  }
0x99: {  	[sflag:s31] =	ssyncadd.s32 $0xFFFFC000;
	s18 =	sadd.s32 $0x16780, s18  }
0x9a: {  	[spmem:s1] =	stream.indirect.scatter.add.f32 [tilespmem:s30], [sflag:$0x4], $0x80, s18, s26, $0xb8;
	[tilespmem:$0x1E800] =	vst v63  }
0x9b: {  	_ =	swait.ge [sflag:s0], $0x4000  }
0x9c: {  	[sflag:s0] =	ssyncset.done $0x0  }
0x9d: {  	[sflag:s0] =	ssyncadd.s32 $0xFFFFC000  }
0x9e: {  	_ =	swait.ge [sflag:s14], $0x4000  }
0x9f: {  	[sflag:s14] =	ssyncset.done $0x0  }
0xa0: {  	s20 =	rddreg [dreg:$0xc];
	[sflag:s14] =	ssyncadd.s32 $0xFFFFC000  }
0xa1: {  	[tilespmem:s24], [sflag:$0x5] =	stream.linear.gather [hbm4b:s20+s2], $0x1400, $0x38;
	[tilespmem:$0x1E800] =	vst v63  }
0xa2: {  	_ =	swait.ge [sflag:s23], $0x1400  }
0xa3: {  	[sflag:s23] =	ssyncset.done $0x0  }
0xa4: {  	[sflag:s23] =	ssyncadd.s32 $0xFFFFEC00  }
0xa5: {  	[tilespmem:s25], [sflag:$0x5] =	stream.linear.gather [hbm4b:s21+s2], $0x1400, $0x38;
	[tilespmem:$0x1E800] =	vst v63  }
0xa6: {  	_ =	swait.ge [sflag:s23], $0x1400  }
0xa7: {  	[sflag:s23] =	ssyncset.done $0x0  }
0xa8: {  	[sflag:s23] =	ssyncadd.s32 $0xFFFFEC00  }
0xa9: {  	[tilespmem:s22], [sflag:$0x1] =	stream.indirect.gather [hbm4b:s4+s26], $0x80, s24, s26, $0xb8;
	[tilespmem:$0x1E800] =	vst v63  }
0xaa: {  	_ =	swait.ge [sflag:s28], $0x4000  }
0xab: {  	[sflag:s28] =	ssyncset.done $0x0  }
0xac: {  	[sflag:s28] =	ssyncadd.s32 $0xFFFFC000  }
0xad: {  	[tilespmem:s30], [sflag:$0x2] =	stream.indirect.gather [hbm4b:s4+s26], $0x80, s29, s26, $0xb8;
	[tilespmem:$0x1E800] =	vst v63  }
0xae: {  	_ = 	snop  }
0xaf: {  	[spmem:s1] =	stream.indirect.scatter.add.f32 [tilespmem:s22], [sflag:$0x3], $0x80, s25, s26, $0xb8;
	[tilespmem:$0x1E800] =	vst v63  }
0xb0: {  	_ =	swait.ge [sflag:s31], $0x4000  }
0xb1: {  	[sflag:s31] =	ssyncset.done $0x0  }
0xb2: {  	[sflag:s31] =	ssyncadd.s32 $0xFFFFC000  }
0xb3: {  	_ =	swait.ge [sflag:s0], $0x4000  }
0xb4: {  	[sflag:s0] =	ssyncset.done $0x0  }
0xb5: {  	[sflag:s0] =	ssyncadd.s32 $0xFFFFC000  }
0xb6: {  	[tilespmem:s22], [sflag:$0x1] =	stream.indirect.gather [hbm4b:s4+s26], $0x80, s5, s26, $0xb8;
	[tilespmem:$0x1E800] =	vst v63  }
0xb7: {  	_ = 	snop  }
0xb8: {  	[spmem:s1] =	stream.indirect.scatter.add.f32 [tilespmem:s30], [sflag:$0x4], $0x80, s6, s26, $0xb8;
	[tilespmem:$0x1E800] =	vst v63  }
0xb9: {  	_ =	swait.ge [sflag:s28], $0x4000  }
0xba: {  	[sflag:s28] =	ssyncset.done $0x0  }
0xbb: {  	[sflag:s28] =	ssyncadd.s32 $0xFFFFC000  }
0xbc: {  	_ =	swait.ge [sflag:s14], $0x4000  }
0xbd: {  	[sflag:s14] =	ssyncset.done $0x0  }
0xbe: {  	[sflag:s14] =	ssyncadd.s32 $0xFFFFC000  }
0xbf: {  	[tilespmem:s30], [sflag:$0x2] =	stream.indirect.gather [hbm4b:s4+s26], $0x80, s15, s26, $0xb8;
	[tilespmem:$0x1E800] =	vst v63  }
0xc0: {  	_ = 	snop  }
0xc1: {  	[spmem:s1] =	stream.indirect.scatter.add.f32 [tilespmem:s22], [sflag:$0x3], $0x80, s16, s26, $0xb8;
	[tilespmem:$0x1E800] =	vst v63  }
0xc2: {  	_ =	swait.ge [sflag:s31], $0x4000  }
0xc3: {  	[sflag:s31] =	ssyncset.done $0x0  }
0xc4: {  	[sflag:s31] =	ssyncadd.s32 $0xFFFFC000  }
0xc5: {  	_ =	swait.ge [sflag:s0], $0x4000  }
0xc6: {  	[sflag:s0] =	ssyncset.done $0x0  }
0xc7: {  	s19 =	simm.s32 $0x14200;
	[sflag:s0] =	ssyncadd.s32 $0xFFFFC000  }
0xc8: {  	[tilespmem:s22], [sflag:$0x1] =	stream.indirect.gather [hbm4b:s4+s26], $0x80, s19, s26, $0xb8;
	[tilespmem:$0x1E800] =	vst v63  }
0xc9: {  	s20 =	simm.s32 $0x15580  }
0xca: {  	[spmem:s1] =	stream.indirect.scatter.add.f32 [tilespmem:s30], [sflag:$0x4], $0x80, s20, s26, $0xb8;
	[tilespmem:$0x1E800] =	vst v63  }
0xcb: {  	_ =	swait.ge [sflag:s28], $0x4000  }
0xcc: {  	[sflag:s28] =	ssyncset.done $0x0  }
0xcd: {  	[sflag:s28] =	ssyncadd.s32 $0xFFFFC000  }
0xce: {  	_ =	swait.ge [sflag:s14], $0x4000  }
0xcf: {  	[sflag:s14] =	ssyncset.done $0x0  }
0xd0: {  	s19 =	simm.s32 $0x14280;
	[sflag:s14] =	ssyncadd.s32 $0xFFFFC000  }
0xd1: {  	[tilespmem:s30], [sflag:$0x2] =	stream.indirect.gather [hbm4b:s4+s26], $0x80, s19, s26, $0xb8;
	[tilespmem:$0x1E800] =	vst v63  }
0xd2: {  	s20 =	simm.s32 $0x15600  }
0xd3: {  	[spmem:s1] =	stream.indirect.scatter.add.f32 [tilespmem:s22], [sflag:$0x3], $0x80, s20, s26, $0xb8;
	[tilespmem:$0x1E800] =	vst v63  }
0xd4: {  	_ =	swait.ge [sflag:s31], $0x4000  }
0xd5: {  	s18 =	simm.s32 $0xFFFFBC00;
	[sflag:s31] =	ssyncset.done $0x0  }
.LBB2_7:
0xd6: {  	[sflag:s31] =	ssyncadd.s32 $0xFFFFC000;
	s19 =	smov.u32 s18;
	s18 =	sadd.s32 $0x400, s18  }
0xd7: {  	p1 =	sne.s32 s18, $0x0  }
0xd8: {  	_ =	swait.ge [sflag:s0], $0x4000  }
0xd9: {  	s19 =	sshra.s32 s19, $0x2;
	[sflag:s0] =	ssyncset.done $0x0  }
0xda: {  	s20 =	sadd.s32 $0x15400, s19;
	[sflag:s0] =	ssyncadd.s32 $0xFFFFC000  }
0xdb: {  	[tilespmem:s22], [sflag:$0x1] =	stream.indirect.gather [hbm4b:s4+s26], $0x80, s20, s26, $0xb8;
	[tilespmem:$0x1E800] =	vst v63  }
0xdc: {  	s20 =	sadd.s32 $0x16780, s19  }
0xdd: {  	[spmem:s1] =	stream.indirect.scatter.add.f32 [tilespmem:s30], [sflag:$0x4], $0x80, s20, s26, $0xb8;
	[tilespmem:$0x1E800] =	vst v63  }
0xde: {  	_ =	swait.ge [sflag:s28], $0x4000  }
0xdf: {  	[sflag:s28] =	ssyncset.done $0x0  }
0xe0: {  	[sflag:s28] =	ssyncadd.s32 $0xFFFFC000  }
0xe1: {  	_ =	swait.ge [sflag:s14], $0x4000  }
0xe2: {  	[sflag:s14] =	ssyncset.done $0x0  }
0xe3: {  	s20 =	sadd.s32 $0x15480, s19;
	[sflag:s14] =	ssyncadd.s32 $0xFFFFC000  }
0xe4: {  	[tilespmem:s30], [sflag:$0x2] =	stream.indirect.gather [hbm4b:s4+s26], $0x80, s20, s26, $0xb8;
	[tilespmem:$0x1E800] =	vst v63  }
.Ltmp5:
0xe5: {  	_ = 	snop;
	(pc) =	sbr.rel @p1 .LBB2_7-.Ltmp5, $4  }
0xe6: {  	s19 =	sadd.s32 $0x16800, s19  }
0xe7: {  	[spmem:s1] =	stream.indirect.scatter.add.f32 [tilespmem:s22], [sflag:$0x3], $0x80, s19, s26, $0xb8;
	[tilespmem:$0x1E800] =	vst v63  }
0xe8: {  	_ =	swait.ge [sflag:s31], $0x4000  }
0xe9: {  	[sflag:s31] =	ssyncset.done $0x0  }
0xea: {  	s18 =	sshra.s32 s18, $0x2  }
0xeb: {  	[sflag:s31] =	ssyncadd.s32 $0xFFFFC000;
	s18 =	sadd.s32 $0x16780, s18  }
0xec: {  	[spmem:s1] =	stream.indirect.scatter.add.f32 [tilespmem:s30], [sflag:$0x4], $0x80, s18, s26, $0xb8;
	[tilespmem:$0x1E800] =	vst v63  }
0xed: {  	_ =	swait.ge [sflag:s0], $0x4000  }
.Ltmp6:
0xee: {  	[sflag:s0] =	ssyncset.done $0x0;
	(pc) =	sbr.rel .LBB2_14-.Ltmp6, $4  }
0xef: {  	[sflag:s0] =	ssyncadd.s32 $0xFFFFC000  }
0xf0: {  	_ =	swait.ge [sflag:s14], $0x4000  }
0xf1: {  	[sflag:s14] =	ssyncset.done $0x0  }
0xf2: {  	s18 =	rddreg [dreg:$0x4];
	[sflag:s14] =	ssyncadd.s32 $0xFFFFC000  }
.LBB2_9:
0xf3: {  	s18 =	rddreg [dreg:$0x6]  }
0xf4: {  	[tilespmem:s24], [sflag:$0x5] =	stream.linear.gather [hbm4b:s18+s2], $0x1400, $0x38;
	[tilespmem:$0x1E800] =	vst v63  }
0xf5: {  	_ =	swait.ge [sflag:s23], $0x1400  }
0xf6: {  	[sflag:s23] =	ssyncset.done $0x0  }
0xf7: {  	s20 =	rddreg [dreg:$0x7];
	[sflag:s23] =	ssyncadd.s32 $0xFFFFEC00  }
0xf8: {  	[tilespmem:s25], [sflag:$0x5] =	stream.linear.gather [hbm4b:s20+s2], $0x1400, $0x38;
	[tilespmem:$0x1E800] =	vst v63  }
0xf9: {  	_ =	swait.ge [sflag:s23], $0x1400  }
0xfa: {  	[sflag:s23] =	ssyncset.done $0x0  }
0xfb: {  	[sflag:s23] =	ssyncadd.s32 $0xFFFFEC00  }
0xfc: {  	[tilespmem:s22], [sflag:$0x1] =	stream.indirect.gather [hbm4b:s4+s26], $0x80, s24, s26, $0xb8;
	[tilespmem:$0x1E800] =	vst v63  }
0xfd: {  	_ =	swait.ge [sflag:s28], $0x4000  }
0xfe: {  	[sflag:s28] =	ssyncset.done $0x0  }
0xff: {  	[sflag:s28] =	ssyncadd.s32 $0xFFFFC000  }
0x100: {  	[tilespmem:s30], [sflag:$0x2] =	stream.indirect.gather [hbm4b:s4+s26], $0x80, s29, s26, $0xb8;
	[tilespmem:$0x1E800] =	vst v63  }
0x101: {  	_ = 	snop  }
0x102: {  	[spmem:s1] =	stream.indirect.scatter.add.f32 [tilespmem:s22], [sflag:$0x3], $0x80, s25, s26, $0xb8;
	[tilespmem:$0x1E800] =	vst v63  }
0x103: {  	_ =	swait.ge [sflag:s31], $0x4000  }
0x104: {  	[sflag:s31] =	ssyncset.done $0x0  }
0x105: {  	[sflag:s31] =	ssyncadd.s32 $0xFFFFC000  }
0x106: {  	_ =	swait.ge [sflag:s0], $0x4000  }
0x107: {  	[sflag:s0] =	ssyncset.done $0x0  }
0x108: {  	[sflag:s0] =	ssyncadd.s32 $0xFFFFC000  }
0x109: {  	[tilespmem:s22], [sflag:$0x1] =	stream.indirect.gather [hbm4b:s4+s26], $0x80, s5, s26, $0xb8;
	[tilespmem:$0x1E800] =	vst v63  }
0x10a: {  	_ = 	snop  }
0x10b: {  	[spmem:s1] =	stream.indirect.scatter.add.f32 [tilespmem:s30], [sflag:$0x4], $0x80, s6, s26, $0xb8;
	[tilespmem:$0x1E800] =	vst v63  }
0x10c: {  	_ =	swait.ge [sflag:s28], $0x4000  }
0x10d: {  	[sflag:s28] =	ssyncset.done $0x0  }
0x10e: {  	[sflag:s28] =	ssyncadd.s32 $0xFFFFC000  }
0x10f: {  	_ =	swait.ge [sflag:s14], $0x4000  }
0x110: {  	[sflag:s14] =	ssyncset.done $0x0  }
0x111: {  	[sflag:s14] =	ssyncadd.s32 $0xFFFFC000  }
0x112: {  	[tilespmem:s30], [sflag:$0x2] =	stream.indirect.gather [hbm4b:s4+s26], $0x80, s15, s26, $0xb8;
	[tilespmem:$0x1E800] =	vst v63  }
0x113: {  	_ = 	snop  }
0x114: {  	[spmem:s1] =	stream.indirect.scatter.add.f32 [tilespmem:s22], [sflag:$0x3], $0x80, s16, s26, $0xb8;
	[tilespmem:$0x1E800] =	vst v63  }
0x115: {  	_ =	swait.ge [sflag:s31], $0x4000  }
0x116: {  	[sflag:s31] =	ssyncset.done $0x0  }
0x117: {  	[sflag:s31] =	ssyncadd.s32 $0xFFFFC000  }
0x118: {  	_ =	swait.ge [sflag:s0], $0x4000  }
0x119: {  	[sflag:s0] =	ssyncset.done $0x0  }
0x11a: {  	s19 =	simm.s32 $0x14200;
	[sflag:s0] =	ssyncadd.s32 $0xFFFFC000  }
0x11b: {  	[tilespmem:s22], [sflag:$0x1] =	stream.indirect.gather [hbm4b:s4+s26], $0x80, s19, s26, $0xb8;
	[tilespmem:$0x1E800] =	vst v63  }
0x11c: {  	s20 =	simm.s32 $0x15580  }
0x11d: {  	[spmem:s1] =	stream.indirect.scatter.add.f32 [tilespmem:s30], [sflag:$0x4], $0x80, s20, s26, $0xb8;
	[tilespmem:$0x1E800] =	vst v63  }
0x11e: {  	_ =	swait.ge [sflag:s28], $0x4000  }
0x11f: {  	[sflag:s28] =	ssyncset.done $0x0  }
0x120: {  	[sflag:s28] =	ssyncadd.s32 $0xFFFFC000  }
0x121: {  	_ =	swait.ge [sflag:s14], $0x4000  }
0x122: {  	[sflag:s14] =	ssyncset.done $0x0  }
0x123: {  	s19 =	simm.s32 $0x14280;
	[sflag:s14] =	ssyncadd.s32 $0xFFFFC000  }
0x124: {  	[tilespmem:s30], [sflag:$0x2] =	stream.indirect.gather [hbm4b:s4+s26], $0x80, s19, s26, $0xb8;
	[tilespmem:$0x1E800] =	vst v63  }
0x125: {  	s20 =	simm.s32 $0x15600  }
0x126: {  	[spmem:s1] =	stream.indirect.scatter.add.f32 [tilespmem:s22], [sflag:$0x3], $0x80, s20, s26, $0xb8;
	[tilespmem:$0x1E800] =	vst v63  }
0x127: {  	_ =	swait.ge [sflag:s31], $0x4000  }
0x128: {  	s18 =	simm.s32 $0xFFFFBC00;
	[sflag:s31] =	ssyncset.done $0x0  }
.LBB2_10:
0x129: {  	[sflag:s31] =	ssyncadd.s32 $0xFFFFC000;
	s19 =	smov.u32 s18;
	s18 =	sadd.s32 $0x400, s18  }
0x12a: {  	p1 =	sne.s32 s18, $0x0  }
0x12b: {  	_ =	swait.ge [sflag:s0], $0x4000  }
0x12c: {  	s19 =	sshra.s32 s19, $0x2;
	[sflag:s0] =	ssyncset.done $0x0  }
0x12d: {  	s20 =	sadd.s32 $0x15400, s19;
	[sflag:s0] =	ssyncadd.s32 $0xFFFFC000  }
0x12e: {  	[tilespmem:s22], [sflag:$0x1] =	stream.indirect.gather [hbm4b:s4+s26], $0x80, s20, s26, $0xb8;
	[tilespmem:$0x1E800] =	vst v63  }
0x12f: {  	s20 =	sadd.s32 $0x16780, s19  }
0x130: {  	[spmem:s1] =	stream.indirect.scatter.add.f32 [tilespmem:s30], [sflag:$0x4], $0x80, s20, s26, $0xb8;
	[tilespmem:$0x1E800] =	vst v63  }
0x131: {  	_ =	swait.ge [sflag:s28], $0x4000  }
0x132: {  	[sflag:s28] =	ssyncset.done $0x0  }
0x133: {  	[sflag:s28] =	ssyncadd.s32 $0xFFFFC000  }
0x134: {  	_ =	swait.ge [sflag:s14], $0x4000  }
0x135: {  	[sflag:s14] =	ssyncset.done $0x0  }
0x136: {  	s20 =	sadd.s32 $0x15480, s19;
	[sflag:s14] =	ssyncadd.s32 $0xFFFFC000  }
0x137: {  	[tilespmem:s30], [sflag:$0x2] =	stream.indirect.gather [hbm4b:s4+s26], $0x80, s20, s26, $0xb8;
	[tilespmem:$0x1E800] =	vst v63  }
.Ltmp7:
0x138: {  	_ = 	snop;
	(pc) =	sbr.rel @p1 .LBB2_10-.Ltmp7, $4  }
0x139: {  	s19 =	sadd.s32 $0x16800, s19  }
0x13a: {  	[spmem:s1] =	stream.indirect.scatter.add.f32 [tilespmem:s22], [sflag:$0x3], $0x80, s19, s26, $0xb8;
	[tilespmem:$0x1E800] =	vst v63  }
0x13b: {  	_ =	swait.ge [sflag:s31], $0x4000  }
0x13c: {  	[sflag:s31] =	ssyncset.done $0x0  }
0x13d: {  	s18 =	sshra.s32 s18, $0x2  }
0x13e: {  	[sflag:s31] =	ssyncadd.s32 $0xFFFFC000;
	s18 =	sadd.s32 $0x16780, s18  }
0x13f: {  	[spmem:s1] =	stream.indirect.scatter.add.f32 [tilespmem:s30], [sflag:$0x4], $0x80, s18, s26, $0xb8;
	[tilespmem:$0x1E800] =	vst v63  }
0x140: {  	_ =	swait.ge [sflag:s0], $0x4000  }
0x141: {  	[sflag:s0] =	ssyncset.done $0x0  }
0x142: {  	[sflag:s0] =	ssyncadd.s32 $0xFFFFC000  }
0x143: {  	_ =	swait.ge [sflag:s14], $0x4000  }
0x144: {  	[sflag:s14] =	ssyncset.done $0x0  }
0x145: {  	s19 =	rddreg [dreg:$0x8];
	[sflag:s14] =	ssyncadd.s32 $0xFFFFC000  }
0x146: {  	[tilespmem:s24], [sflag:$0x5] =	stream.linear.gather [hbm4b:s19+s2], $0x1400, $0x38;
	[tilespmem:$0x1E800] =	vst v63  }
0x147: {  	_ =	swait.ge [sflag:s23], $0x1400  }
0x148: {  	[sflag:s23] =	ssyncset.done $0x0  }
0x149: {  	s20 =	rddreg [dreg:$0x9];
	[sflag:s23] =	ssyncadd.s32 $0xFFFFEC00  }
0x14a: {  	[tilespmem:s25], [sflag:$0x5] =	stream.linear.gather [hbm4b:s20+s2], $0x1400, $0x38;
	[tilespmem:$0x1E800] =	vst v63  }
0x14b: {  	_ =	swait.ge [sflag:s23], $0x1400  }
0x14c: {  	[sflag:s23] =	ssyncset.done $0x0  }
0x14d: {  	[sflag:s23] =	ssyncadd.s32 $0xFFFFEC00  }
0x14e: {  	[tilespmem:s22], [sflag:$0x1] =	stream.indirect.gather [hbm4b:s4+s26], $0x80, s24, s26, $0xb8;
	[tilespmem:$0x1E800] =	vst v63  }
0x14f: {  	_ =	swait.ge [sflag:s28], $0x4000  }
0x150: {  	[sflag:s28] =	ssyncset.done $0x0  }
0x151: {  	[sflag:s28] =	ssyncadd.s32 $0xFFFFC000  }
0x152: {  	[tilespmem:s30], [sflag:$0x2] =	stream.indirect.gather [hbm4b:s4+s26], $0x80, s29, s26, $0xb8;
	[tilespmem:$0x1E800] =	vst v63  }
0x153: {  	_ = 	snop  }
0x154: {  	[spmem:s1] =	stream.indirect.scatter.add.f32 [tilespmem:s22], [sflag:$0x3], $0x80, s25, s26, $0xb8;
	[tilespmem:$0x1E800] =	vst v63  }
0x155: {  	_ =	swait.ge [sflag:s31], $0x4000  }
0x156: {  	[sflag:s31] =	ssyncset.done $0x0  }
0x157: {  	[sflag:s31] =	ssyncadd.s32 $0xFFFFC000  }
0x158: {  	_ =	swait.ge [sflag:s0], $0x4000  }
0x159: {  	[sflag:s0] =	ssyncset.done $0x0  }
0x15a: {  	[sflag:s0] =	ssyncadd.s32 $0xFFFFC000  }
0x15b: {  	[tilespmem:s22], [sflag:$0x1] =	stream.indirect.gather [hbm4b:s4+s26], $0x80, s5, s26, $0xb8;
	[tilespmem:$0x1E800] =	vst v63  }
0x15c: {  	_ = 	snop  }
0x15d: {  	[spmem:s1] =	stream.indirect.scatter.add.f32 [tilespmem:s30], [sflag:$0x4], $0x80, s6, s26, $0xb8;
	[tilespmem:$0x1E800] =	vst v63  }
0x15e: {  	_ =	swait.ge [sflag:s28], $0x4000  }
0x15f: {  	[sflag:s28] =	ssyncset.done $0x0  }
0x160: {  	[sflag:s28] =	ssyncadd.s32 $0xFFFFC000  }
0x161: {  	_ =	swait.ge [sflag:s14], $0x4000  }
0x162: {  	[sflag:s14] =	ssyncset.done $0x0  }
0x163: {  	[sflag:s14] =	ssyncadd.s32 $0xFFFFC000  }
0x164: {  	[tilespmem:s30], [sflag:$0x2] =	stream.indirect.gather [hbm4b:s4+s26], $0x80, s15, s26, $0xb8;
	[tilespmem:$0x1E800] =	vst v63  }
0x165: {  	_ = 	snop  }
0x166: {  	[spmem:s1] =	stream.indirect.scatter.add.f32 [tilespmem:s22], [sflag:$0x3], $0x80, s16, s26, $0xb8;
	[tilespmem:$0x1E800] =	vst v63  }
0x167: {  	_ =	swait.ge [sflag:s31], $0x4000  }
0x168: {  	[sflag:s31] =	ssyncset.done $0x0  }
0x169: {  	[sflag:s31] =	ssyncadd.s32 $0xFFFFC000  }
0x16a: {  	_ =	swait.ge [sflag:s0], $0x4000  }
0x16b: {  	[sflag:s0] =	ssyncset.done $0x0  }
0x16c: {  	s19 =	simm.s32 $0x14200;
	[sflag:s0] =	ssyncadd.s32 $0xFFFFC000  }
0x16d: {  	[tilespmem:s22], [sflag:$0x1] =	stream.indirect.gather [hbm4b:s4+s26], $0x80, s19, s26, $0xb8;
	[tilespmem:$0x1E800] =	vst v63  }
0x16e: {  	s20 =	simm.s32 $0x15580  }
0x16f: {  	[spmem:s1] =	stream.indirect.scatter.add.f32 [tilespmem:s30], [sflag:$0x4], $0x80, s20, s26, $0xb8;
	[tilespmem:$0x1E800] =	vst v63  }
0x170: {  	_ =	swait.ge [sflag:s28], $0x4000  }
0x171: {  	[sflag:s28] =	ssyncset.done $0x0  }
0x172: {  	[sflag:s28] =	ssyncadd.s32 $0xFFFFC000  }
0x173: {  	_ =	swait.ge [sflag:s14], $0x4000  }
0x174: {  	[sflag:s14] =	ssyncset.done $0x0  }
0x175: {  	s19 =	simm.s32 $0x14280;
	[sflag:s14] =	ssyncadd.s32 $0xFFFFC000  }
0x176: {  	[tilespmem:s30], [sflag:$0x2] =	stream.indirect.gather [hbm4b:s4+s26], $0x80, s19, s26, $0xb8;
	[tilespmem:$0x1E800] =	vst v63  }
0x177: {  	s20 =	simm.s32 $0x15600  }
0x178: {  	[spmem:s1] =	stream.indirect.scatter.add.f32 [tilespmem:s22], [sflag:$0x3], $0x80, s20, s26, $0xb8;
	[tilespmem:$0x1E800] =	vst v63  }
0x179: {  	_ =	swait.ge [sflag:s31], $0x4000  }
0x17a: {  	s18 =	simm.s32 $0xFFFFBC00;
	[sflag:s31] =	ssyncset.done $0x0  }
.LBB2_12:
0x17b: {  	[sflag:s31] =	ssyncadd.s32 $0xFFFFC000;
	s19 =	smov.u32 s18;
	s18 =	sadd.s32 $0x400, s18  }
0x17c: {  	p1 =	sne.s32 s18, $0x0  }
0x17d: {  	_ =	swait.ge [sflag:s0], $0x4000  }
0x17e: {  	s19 =	sshra.s32 s19, $0x2;
	[sflag:s0] =	ssyncset.done $0x0  }
0x17f: {  	s20 =	sadd.s32 $0x15400, s19;
	[sflag:s0] =	ssyncadd.s32 $0xFFFFC000  }
0x180: {  	[tilespmem:s22], [sflag:$0x1] =	stream.indirect.gather [hbm4b:s4+s26], $0x80, s20, s26, $0xb8;
	[tilespmem:$0x1E800] =	vst v63  }
0x181: {  	s20 =	sadd.s32 $0x16780, s19  }
0x182: {  	[spmem:s1] =	stream.indirect.scatter.add.f32 [tilespmem:s30], [sflag:$0x4], $0x80, s20, s26, $0xb8;
	[tilespmem:$0x1E800] =	vst v63  }
0x183: {  	_ =	swait.ge [sflag:s28], $0x4000  }
0x184: {  	[sflag:s28] =	ssyncset.done $0x0  }
0x185: {  	[sflag:s28] =	ssyncadd.s32 $0xFFFFC000  }
0x186: {  	_ =	swait.ge [sflag:s14], $0x4000  }
0x187: {  	[sflag:s14] =	ssyncset.done $0x0  }
0x188: {  	s20 =	sadd.s32 $0x15480, s19;
	[sflag:s14] =	ssyncadd.s32 $0xFFFFC000  }
0x189: {  	[tilespmem:s30], [sflag:$0x2] =	stream.indirect.gather [hbm4b:s4+s26], $0x80, s20, s26, $0xb8;
	[tilespmem:$0x1E800] =	vst v63  }
.Ltmp8:
0x18a: {  	_ = 	snop;
	(pc) =	sbr.rel @p1 .LBB2_12-.Ltmp8, $4  }
0x18b: {  	s19 =	sadd.s32 $0x16800, s19  }
0x18c: {  	[spmem:s1] =	stream.indirect.scatter.add.f32 [tilespmem:s22], [sflag:$0x3], $0x80, s19, s26, $0xb8;
	[tilespmem:$0x1E800] =	vst v63  }
0x18d: {  	_ =	swait.ge [sflag:s31], $0x4000  }
0x18e: {  	[sflag:s31] =	ssyncset.done $0x0  }
.Ltmp9:
0x18f: {  	_ = 	snop;
	(pc) =	sbr.rel .LBB2_13-.Ltmp9, $1  }
0x190: {  	_ =	sdelay $0x3  }
.LBB2_15:
0x191: {  	_ =	sfence.sel $0x180000  }
0x192: {  	[bflag:$0x0] =	sbarrier.arrive $0xFFFF  }
0x193: {  	_ =	strace $0x90000050  }
0x194: {  	[bflag:$0x2] =	sbarrier.arrive $0xFFFF  }
0x195: {  	p0 =	sne.s32 s3, $0x0;
	s0 =	rddreg [dreg:$0x3]  }
0x196: {  	s0 =	sadd.s32 @!p0 $0x100000, s0  }
0x197: {  	[sflag:s0] =	ssyncadd.tile.s32 @!p0 $0x1;
	_ =	shalt  }
.Lfunc_end2:
_tile_overlayer_lowered:
.L_overlay_start_2:
0x198: {  	(tag) =	ssettag $0x2  }
0x199: {  	s0 =	rddreg [dreg:$0x0];
	s2 =	stileid.u32  }
0x19a: {  	s1 =	rddreg [dreg:$0x1];
	p0 =	sne.s32 s2, $0x0  }
0x19b: {  	s3 =	rddreg [dreg:$0x2];
	[bflag:$0x3] =	sbarrier.arrive $0xFFFF;
	s2 =	simm.s32 @!p0 $0x1C05  }
0x19c: {  	[timem:s3], [sflag:s2] =	dma.local @!p0 [hbm:s0], s1  }
0x19d: {  	s0 =	simm.s32 @!p0 $0x5  }
0x19e: {  	_ =	swait.ge @!p0 [sflag:s0], s1  }
0x19f: {  	s1 =	ssub.s32 @!p0 $0x0, s1;
	[sflag:s0] =	ssyncset.done @!p0 $0x0  }
0x1a0: {  	[sflag:s0] =	ssyncadd.s32 @!p0 s1  }
0x1a1: {  	[bflag:$0x3] =	sbarrier.arrive $0xFFFF  }
0x1a2: {  	_ =	shalt  }

// kernel: kernel.25.cloned.1.call-start
scs
__scs_entry_jumppad:
0x0: {  	(pc) =	sbr.rel $0x88, $3  }
0x1: {  	(tag) =	ssettag $0x0;
	lr =	simm.s32 $0x1  }
0x2: {  	[smem:$0x3F95] =	sst lr;
	_ =	strace $0xD0000000  }
0x3: {  	_ = 	snop  }
0x4: {  	_ = 	snop  }
0x5: {  	_ = 	snop  }
0x6: {  	_ = 	snop  }
0x7: {  	_ = 	snop  }
__scs_overlays_trampoline_lowered:
0x8: {  	[smem:$0x3FA4] =	sst s0  }
0x9: {  	[smem:$0x3FA5] =	sst s1  }
0xa: {  	[smem:$0x3FA6] =	sst s2  }
0xb: {  	[smem:$0x3FA7] =	sst s3  }
0xc: {  	[smem:$0x3FA8] =	sst s4  }
0xd: {  	[smem:$0x3FA9] =	sst s5  }
0xe: {  	[smem:$0x3FAA] =	sst s6  }
0xf: {  	[smem:$0x3FAB] =	sst s7  }
0x10: {  	[smem:$0x3FAC] =	sst s8  }
0x11: {  	[smem:$0x3FAD] =	sst s9;
	s0 =	simm.s32 @!p0 $0x0  }
0x12: {  	s1 =	sld [smem:$0x3F93];
	s0 =	simm.s32 @p0 $0x1  }
0x13: {  	[smem:$0x3FAE] =	sst s0;
	s0 =	simm.s32 @!p1 $0x0  }
0x14: {  	s2 =	sld [smem:$0x3F92];
	s0 =	simm.s32 @p1 $0x1  }
0x15: {  	[smem:$0x3FAF] =	sst s0;
	s0 =	simm.s32 @!p2 $0x0  }
0x16: {  	s3 =	sld [smem:$0x3FDB];
	s0 =	simm.s32 @p2 $0x1  }
0x17: {  	s4 =	simm.s32 $0x1BF5;
	[smem:$0x3FB1] =	sst s0  }
0x18: {  	s0 =	sld [smem:$0x3F94];
	_ =	swait.ge [sflag:s4], $0x0  }
0x19: {  	s7 =	sld [smem:$0x3F95]  }
0x1a: {  	s8 =	sadd.s32 $0xFFFFE003, lr  }
0x1b: {  	s9 =	sadd.s32 $0xFFFFFEF7, lr;
	s5 =	simm.s32 $0xFFFFFFFF;
	p2 =	slt.u32 s8, $0xFFFFF086  }
0x1c: {  	p1 =	slt.u32 s9, $0xF7A;
	s5 =	simm.s32 @!p2 $0x0  }
0x1d: {  	s5 =	simm.s32 @p1 $0x1;
	p0 =	seq.s32 s7, s2  }
0x1e: {  	s7 =	smul.u32 @!p0 $0xF7A, s2;
	p2 =	seq.s32 @!p0 s5, $0x0  }
0x1f: {  	s9 =	smul.u32 $0xF7A, s1;
	s8 =	simm.s32 @!p0 $0x1BF5;
	p2 =	por !p2, p0  }
0x20: {  	[sflag:s8] =	ssyncset.s32 @!p0 $0xFFFFF086;
	s6 =	sadd.s32 @!p0 s3, s7;
	s7 =	simm.s32 @!p0 $0x108  }
0x21: {  	s3 =	sadd.s32 s3, s9;
	s6 =	sadd.s32 @!p0 $0x88, s6;
	s7 =	simm.s32 @p2 $0x1082  }
0x22: {  	[simem:s7], [sflag:s8] =	dma.local @!p0 [hbm:s6], $0xF7A  }
0x23: {  	s9 =	sor.u32 $0xD0000000, s2;
	s6 =	simm.s32 $0x108;
	_ =	swait.ge @!p0 [sflag:s8], $0x0  }
0x24: {  	s3 =	sadd.s32 $0x88, s3;
	s6 =	simm.s32 @!p1 $0x1082;
	[sflag:s4] =	ssyncset.s32 $0xFFFFF086  }
0x25: {  	[simem:s6], [sflag:s4] =	dma.local [hbm:s3], $0xF7A  }
0x26: {  	[smem:$0x3F95] =	sst s1;
	(tag) =	ssettag s2;
	_ =	strace s9  }
0x27: {  	s1 =	sld [smem:$0x3FA5]  }
0x28: {  	s2 =	sld [smem:$0x3FA6]  }
0x29: {  	s4 =	sld [smem:$0x3FA8]  }
0x2a: {  	p0 =	seq.s32 s5, $0x0;
	s5 =	sld [smem:$0x3FA9]  }
0x2b: {  	s6 =	sld [smem:$0x3FAA]  }
0x2c: {  	s7 =	sld [smem:$0x3FAB]  }
0x2d: {  	s3 =	simm.s32 $0x108;
	s8 =	sld [smem:$0x3FAC]  }
0x2e: {  	s3 =	simm.s32 @!p0 $0x1082;
	s9 =	sld [smem:$0x3FAD]  }
0x2f: {  	lr =	sadd.s32 s0, s3;
	s0 =	sld [smem:$0x3FA4]  }
0x30: {  	s3 =	sld [smem:$0x3FA7]  }
0x31: {  	[smem:$0x3FB0] =	sst s10  }
0x32: {  	s10 =	sld [smem:$0x3FAE];
	_ =	sdelay $0x3  }
0x33: {  	p0 =	seq.s32 s10, $0x1;
	s10 =	sld [smem:$0x3FB0];
	_ =	sdelay $0x3  }
0x34: {  	[smem:$0x3FB0] =	sst s10  }
0x35: {  	s10 =	sld [smem:$0x3FAF];
	_ =	sdelay $0x3  }
0x36: {  	p1 =	seq.s32 s10, $0x1;
	s10 =	sld [smem:$0x3FB0];
	_ =	sdelay $0x3  }
0x37: {  	[smem:$0x3FB0] =	sst s10  }
0x38: {  	s10 =	sld [smem:$0x3FB1]  }
0x39: {  	_ = 	snop;
	(pc) =	sbr.ind lr, $3  }
0x3a: {  	_ = 	snop  }
0x3b: {  	_ = 	snop  }
0x3c: {  	p2 =	seq.s32 s10, $0x1;
	s10 =	sld [smem:$0x3FB0]  }
0x3d: {  	_ =	shalt  }
0x3e: {  	_ =	shalt  }
0x3f: {  	_ =	shalt  }
0x40: {  	_ =	shalt  }
0x41: {  	_ =	shalt  }
0x42: {  	_ =	shalt  }
0x43: {  	_ =	shalt  }
0x44: {  	_ =	shalt  }
0x45: {  	_ =	shalt  }
0x46: {  	_ =	shalt  }
0x47: {  	_ =	shalt  }
0x48: {  	_ =	shalt  }
0x49: {  	_ =	shalt  }
0x4a: {  	_ =	shalt  }
0x4b: {  	_ =	shalt  }
0x4c: {  	_ =	shalt  }
0x4d: {  	_ =	shalt  }
0x4e: {  	_ =	shalt  }
0x4f: {  	_ =	shalt  }
0x50: {  	_ =	shalt  }
0x51: {  	_ =	shalt  }
0x52: {  	_ =	shalt  }
0x53: {  	_ =	shalt  }
0x54: {  	_ =	shalt  }
0x55: {  	_ =	shalt  }
0x56: {  	_ =	shalt  }
0x57: {  	_ =	shalt  }
0x58: {  	_ =	shalt  }
0x59: {  	_ =	shalt  }
0x5a: {  	_ =	shalt  }
0x5b: {  	_ =	shalt  }
0x5c: {  	_ =	shalt  }
0x5d: {  	_ =	shalt  }
0x5e: {  	_ =	shalt  }
0x5f: {  	_ =	shalt  }
0x60: {  	_ =	shalt  }
0x61: {  	_ =	shalt  }
0x62: {  	_ =	shalt  }
0x63: {  	_ =	shalt  }
0x64: {  	_ =	shalt  }
0x65: {  	_ =	shalt  }
0x66: {  	_ =	shalt  }
0x67: {  	_ =	shalt  }
0x68: {  	_ =	shalt  }
0x69: {  	_ =	shalt  }
0x6a: {  	_ =	shalt  }
0x6b: {  	_ =	shalt  }
0x6c: {  	_ =	shalt  }
0x6d: {  	_ =	shalt  }
0x6e: {  	_ =	shalt  }
0x6f: {  	_ =	shalt  }
0x70: {  	_ =	shalt  }
0x71: {  	_ =	shalt  }
0x72: {  	_ =	shalt  }
0x73: {  	_ =	shalt  }
0x74: {  	_ =	shalt  }
0x75: {  	_ =	shalt  }
0x76: {  	_ =	shalt  }
0x77: {  	_ =	shalt  }
0x78: {  	_ =	shalt  }
0x79: {  	_ =	shalt  }
0x7a: {  	_ =	shalt  }
0x7b: {  	_ =	shalt  }
0x7c: {  	_ =	shalt  }
0x7d: {  	_ =	shalt  }
0x7e: {  	_ =	shalt  }
0x7f: {  	_ =	shalt  }
0x80: {  	_ =	shalt  }
0x81: {  	_ =	shalt  }
0x82: {  	_ =	shalt  }
0x83: {  	_ =	shalt  }
0x84: {  	_ =	shalt  }
0x85: {  	_ =	shalt  }
0x86: {  	_ =	shalt  }
0x87: {  	_ =	shalt  }
.Lfunc_end0:
.L_simem_size_0:
called_computation.4_lowered:
.L_overlay_start_0:
0x88: {  	s2 =	sld [smem:$0x3FD9]  }
0x89: {  	s3 =	sld [smem:$0x3FFE];
	_ =	sdelay $0x1  }
0x8a: {  	s1 =	srdreg.scid  }
0x8b: {  	s0 =	sand.u32 $0x1, s1  }
0x8c: {  	s17 =	sshll.u32 s0, $0xA;
	s2 =	sadd.s32 s3, s2  }
0x8d: {  	s2 =	sadd.s32 s2, s17  }
0x8e: {  	[smem:$0x3FBC] =	sst s2  }
0x8f: {  	_ = 	snop  }
0x90: {  	s2 =	sld [smem:$0x3FD0];
	(tm) =	ssettm $0x1  }
0x91: {  	s18 =	sld [smem:$0x3FFB];
	_ =	sdelay $0x3  }
0x92: {  	_ =	strace s18  }
0x93: {  	s3 =	sld [smem:$0x3FFC];
	_ =	sdelay $0x3  }
0x94: {  	_ =	strace s3  }
0x95: {  	s3 =	sld [smem:$0x3FFD];
	_ =	sdelay $0x3  }
0x96: {  	_ =	strace s3  }
0x97: {  	_ =	strace $0x8FFFFFFF  }
0x98: {  	s19 =	sld [smem:$0x3FDB];
	_ =	sdelay $0x1  }
0x99: {  	s4 =	simm.s32 $_scs_section_size  }
0x9a: {  	s5 =	simm.s32 $_size__tile_overlayer_lowered;
	s6 =	simm.s32 $_tile_overlayer_lowered  }
0x9b: {  	s22 =	simm.s32 $0x1BFF;
	s21 =	sshll.u32 s6, $0x1;
	s3 =	sadd.s32 s4, s19  }
0x9c: {  	s7 =	simm.s32 $0x0;
	s20 =	sshll.u32 s5, $0x1;
	s5 =	sadd.s32 s21, s3  }
0x9d: {  	[timem:s7], [sflag:s22] =	dma.local [hbm:s5], s20  }
0x9e: {  	_ =	swait.ge [sflag:s22], s20  }
0x9f: {  	s4 =	ssub.s32 $0x0, s20;
	[sflag:s22] =	ssyncset.done $0x0  }
0xa0: {  	[sflag:s22] =	ssyncadd.s32 s4;
	_ =	sdelay $0x1  }
0xa1: {  	s23 =	simm.s32 $0x1B8B  }
0xa2: {  	_ =	swait.ge [sflag:s23], $0x1  }
0xa3: {  	[sflag:s23] =	ssyncset.done $0x0  }
0xa4: {  	s25 =	simm.s32 $0x1B8E;
	s24 =	sld [smem:$0x3FFE];
	[sflag:s23] =	ssyncadd.s32 $0xFFFFFFFF  }
0xa5: {  	s26 =	simm.s32 $execute0_lowered;
	[smem:$0x3FD2] =	sst s25  }
0xa6: {  	s5 =	sshll.u32 s26, $0x1;
	_ =	strace $0x80000052;
	[dreg:$0x1] =	wrdreg $0xFFFFFFFF  }
0xa7: {  	s28 =	simm.s32 $_size_execute0_lowered;
	s3 =	sadd.s32 s3, s5;
	[dreg:$0x0] =	wrdreg $0x0  }
0xa8: {  	s5 =	sshll.u32 s28, $0x1;
	[dreg:$0x2] =	wrdreg s3  }
0xa9: {  	[dreg:$0x3] =	wrdreg s5  }
0xaa: {  	[dreg:$0x4] =	wrdreg $0xC0  }
0xab: {  	_ =	task [dreg:s7], $0x5FFFF  }
0xac: {  	[dreg:$0x1] =	wrdreg $0xFFFFFFFF  }
0xad: {  	[dreg:$0x0] =	wrdreg $0x60  }
0xae: {  	[dreg:$0x2] =	wrdreg s24  }
0xaf: {  	[dreg:$0x3] =	wrdreg s2  }
0xb0: {  	[dreg:$0x4] =	wrdreg $0x0  }
0xb1: {  	[dreg:$0x5] =	wrdreg $0x9  }
0xb2: {  	_ =	task.clear_ibuf [dreg:s7], $0x6FFFF;
	_ =	strace $0x90000052  }
0xb3: {  	s29 =	simm.s32 $0x9;
	_ =	strace $0x80000054  }
0xb4: {  	_ =	swait.ge [sflag:s29], $0x1  }
0xb5: {  	[sflag:s29] =	ssyncadd.s32 $0xFFFFFFFF  }
0xb6: {  	_ =	strace $0x90000054  }
0xb7: {  	_ =	sfence  }
0xb8: {  	s30 =	sld [smem:$0x0];
	_ =	sdelay $0x2  }
0xb9: {  	s31 =	sshll.u32 s1, $0xD;
	s1 =	sshrl.u32 s1, $0x2  }
0xba: {  	s3 =	sand.u32 $0x4000, s31;
	s1 =	sadd.s32 s1, s30  }
0xbb: {  	s0 =	sor.u32 s3, s0;
	s1 =	sshll.u32 s1, $0x11  }
0xbc: {  	s0 =	sor.u32 s1, s0  }
0xbd: {  	s0 =	sadd.s32 $0x8F2B, s0  }
0xbe: {  	[sflag:s0] =	ssyncadd.remote.s32 $0x1  }
0xbf: {  	_ =	sfence.sel $0xFFFF  }
0xc0: {  	[dreg:$0x0] =	wrdreg $0xFFFFFFFF;
	(pc) =	sbr.abs _section_cstart, $3  }
0xc1: {  	[dreg:$0x1] =	wrdreg $0xFFFFFFFF  }
0xc2: {  	_ =	task.clear_ibuf [dreg:s7], $0x2FFFF;
	_ =	strace $0x9FFFFFFF  }
0xc3: {  	(tm) =	ssettm $0x7FFFFFFF  }
tec
execute0_lowered:
.L_overlay_start_1:
0x0: {  	(tag) =	ssettag $0x1  }
0x1: {  	s0 =	rddreg [dreg:$0x0]  }
0x2: {  	s5 =	rddreg [dreg:$0x1]  }
0x3: {  	s1 =	rddreg [dreg:$0x2];
	s2 =	simm.s32 $0x0;
	s6 =	srdreg.scid  }
0x4: {  	s3 =	stileid.u32;
	s28 =	simm.s32 $0x80;
	s29 =	simm.s32 $0x1  }
0x5: {  	s30 =	simm.s32 $0xA080;
	s31 =	simm.s32 $0xE800;
	[smem:$0x7FF] =	sst s2  }
0x6: {  	s4 =	sadd.s32 $0x11400, s0;
	s14 =	sadd.s32 $0x7400, s0;
	s7 =	smul.u32 $0x28000, s3  }
0x7: {  	s6 =	sand.u32 $0x1, s6;
	s8 =	sadd.s32 $0x61C00, s0;
	s9 =	smul.u32 $0xA000, s3  }
0x8: {  	s0 =	sadd.s32 $0x4DC00, s0;
	_ =	strace $0x80000053;
	[dreg:$0x4] =	wrdreg s8  }
0x9: {  	s20 =	smul.u32 $0x500, s3;
	s18 =	ssub.s32 $0x2, s6;
	[dreg:$0x5] =	wrdreg s0  }
0xa: {  	p0 =	sne.s32 s6, $0x0;
	s6 =	simm.s32 $0xA100;
	s19 =	sshrl.u32 s18, $0x1  }
0xb: {  	s7 =	sshrl.u32 s7, $0x2;
	s8 =	sshrl.u32 s9, $0x3;
	s15 =	sadd.s32 s9, s1  }
0xc: {  	s16 =	sadd.s32 $0x5000, s20;
	s17 =	sadd.s32 $0x5280, s20;
	s23 =	sadd.s32 s14, s20  }
0xd: {  	s24 =	sadd.s32 $0x280, s20;
	s0 =	ssub.s32 s18, s19;
	s7 =	sadd.s32 s7, s1  }
0xe: {  	s18 =	sadd.s32 s14, s16;
	s16 =	sadd.s32 s5, s16;
	s21 =	sadd.s32 s14, s17  }
0xf: {  	s22 =	sadd.s32 s5, s17;
	[dreg:$0xa] =	wrdreg s23;
	s25 =	sadd.s32 s14, s24  }
0x10: {  	s26 =	sadd.s32 s5, s24;
	s23 =	simm.s32 $0x5;
	[dreg:$0x6] =	wrdreg s18  }
0x11: {  	s24 =	simm.s32 $0xA000;
	s14 =	simm.s32 $0xB480;
	[dreg:$0x7] =	wrdreg s16  }
0x12: {  	s17 =	simm.s32 $0xB500;
	s9 =	smax.u32 s0, $0x1;
	[dreg:$0x8] =	wrdreg s21  }
0x13: {  	s10 =	sadd.s32 $0x2000, s7;
	s11 =	sadd.s32 $0x4000, s7;
	[dreg:$0x9] =	wrdreg s22  }
.Ltmp0:
0x14: {  	s12 =	sadd.s32 $0x6000, s7;
	[dreg:$0xc] =	wrdreg s25;
	(pc) =	sbr.rel .LBB2_1-.Ltmp0, $4  }
0x15: {  	s13 =	sadd.s32 $0x8000, s7;
	s0 =	sadd.s32 s5, s20;
	[dreg:$0xd] =	wrdreg s26  }
0x16: {  	s22 =	simm.s32 $0xC800;
	s25 =	sshrl.u32 s15, $0x3;
	s26 =	simm.s32 $0xB400  }
0x17: {  	s5 =	simm.s32 $0x3;
	s15 =	simm.s32 $0x4;
	s16 =	simm.s32 $0xA180  }
0x18: {  	v0 =	vimm.f32 $0.0e+00;
	s18 =	simm.s32 $0x0;
	[dreg:$0xb] =	wrdreg s0;
	s0 =	simm.s32 $0x2  }
.LBB2_13:
0x19: {  	s19 =	sshra.s32 s19, $0x2  }
0x1a: {  	[sflag:s0] =	ssyncadd.s32 $0xFFFFE000;
	s19 =	sadd.s32 $0xC780, s19  }
0x1b: {  	[spmem:s1] =	stream.indirect.scatter.add.f32 [tilespmem:s31], [sflag:$0x4], $0x40, s19, s28, $0xb8;
	[tilespmem:$0x10800] =	vst v63  }
0x1c: {  	_ =	swait.ge [sflag:s5], $0x2000  }
0x1d: {  	[sflag:s5] =	ssyncset.done $0x0  }
0x1e: {  	[sflag:s5] =	ssyncadd.s32 $0xFFFFE000  }
0x1f: {  	_ =	swait.ge [sflag:s15], $0x2000  }
0x20: {  	[sflag:s15] =	ssyncset.done $0x0  }
0x21: {  	s19 =	rddreg [dreg:$0x5];
	[sflag:s15] =	ssyncadd.s32 $0xFFFFE000  }
.LBB2_14:
0x22: {  	s18 =	sadd.s32 $0x1, s18  }
0x23: {  	s20 =	sshll.u32 s3, $0x6;
	s19 =	sadd.s32 s19, s8;
	p1 =	sne.s32 s18, s9  }
.Ltmp1:
0x24: {  	[bflag:$0x0] =	sbarrier.arrive $0xFFFF;
	s20 =	sor.u32 $0x1C05, s20;
	(pc) =	sbr.rel @!p1 .LBB2_15-.Ltmp1, $4  }
0x25: {  	[hbm:s19], [sflag:s20] =	dma.local [spmem:s25], $0x1400  }
0x26: {  	_ =	swait.ge [sflag:s23], $0x1400  }
0x27: {  	[sflag:s23] =	ssyncset.done $0x0  }
0x28: {  	[sflag:s23] =	ssyncadd.s32 $0xFFFFEC00  }
.LBB2_1:
0x29: {  	s20 =	simm.s32 $0x100;
	s19 =	simm.s32 $0x0  }
.LBB2_2:
0x2a: {  	p1 =	sne.s32 s20, $0x7F00;
	[tilespmem:s19+$0xC830] =	vst v0;
	s21 =	smov.u32 s20;
	s20 =	sadd.s32 $0x100, s20  }
.Ltmp2:
0x2b: {  	[tilespmem:s19+$0xC820] =	vst v0;
	(pc) =	sbr.rel @p1 .LBB2_2-.Ltmp2, $3  }
0x2c: {  	[tilespmem:s19+$0xC800] =	vst v0  }
0x2d: {  	[tilespmem:s19+$0xC810] =	vst v0;
	_ =	sdelay $0x1  }
0x2e: {  	s19 =	sshra.s32 s21, $0x2  }
0x2f: {  	[tilespmem:s19+$0xC830] =	vst v0  }
0x30: {  	[tilespmem:s19+$0xC820] =	vst v0  }
0x31: {  	[tilespmem:s19+$0xC800] =	vst v0  }
0x32: {  	[tilespmem:s19+$0xC810] =	vst v0  }
0x33: {  	[spmem:s7] =	stream.linear.scatter [tilespmem:s22], [sflag:$0x5], $0x2000, $0x38;
	[tilespmem:$0x10800] =	vst v63  }
0x34: {  	_ =	swait.ge [sflag:s23], $0x2000  }
0x35: {  	[sflag:s23] =	ssyncset.done $0x0  }
0x36: {  	[sflag:s23] =	ssyncadd.s32 $0xFFFFE000  }
0x37: {  	[spmem:s10] =	stream.linear.scatter [tilespmem:s22], [sflag:$0x5], $0x2000, $0x38;
	[tilespmem:$0x10800] =	vst v63  }
0x38: {  	_ =	swait.ge [sflag:s23], $0x2000  }
0x39: {  	[sflag:s23] =	ssyncset.done $0x0  }
0x3a: {  	[sflag:s23] =	ssyncadd.s32 $0xFFFFE000  }
0x3b: {  	[spmem:s11] =	stream.linear.scatter [tilespmem:s22], [sflag:$0x5], $0x2000, $0x38;
	[tilespmem:$0x10800] =	vst v63  }
0x3c: {  	_ =	swait.ge [sflag:s23], $0x2000  }
0x3d: {  	[sflag:s23] =	ssyncset.done $0x0  }
0x3e: {  	[sflag:s23] =	ssyncadd.s32 $0xFFFFE000  }
0x3f: {  	[spmem:s12] =	stream.linear.scatter [tilespmem:s22], [sflag:$0x5], $0x2000, $0x38;
	[tilespmem:$0x10800] =	vst v63  }
0x40: {  	_ =	swait.ge [sflag:s23], $0x2000  }
0x41: {  	[sflag:s23] =	ssyncset.done $0x0  }
0x42: {  	[sflag:s23] =	ssyncadd.s32 $0xFFFFE000  }
0x43: {  	[spmem:s13] =	stream.linear.scatter [tilespmem:s22], [sflag:$0x5], $0x2000, $0x38;
	[tilespmem:$0x10800] =	vst v63  }
.Ltmp3:
0x44: {  	_ =	swait.ge [sflag:s23], $0x2000;
	(pc) =	sbr.rel @p0 .LBB2_9-.Ltmp3, $3  }
0x45: {  	[sflag:s23] =	ssyncset.done $0x0  }
0x46: {  	[sflag:s23] =	ssyncadd.s32 $0xFFFFE000  }
0x47: {  	[bflag:$0x0] =	sbarrier.arrive $0xFFFF;
	_ =	sdelay $0x1  }
0x48: {  	s19 =	rddreg [dreg:$0xa]  }
0x49: {  	[tilespmem:s24], [sflag:$0x5] =	stream.linear.gather [hbm4b:s19+s2], $0x1400, $0x38;
	[tilespmem:$0x10800] =	vst v63  }
0x4a: {  	_ =	swait.ge [sflag:s23], $0x1400  }
0x4b: {  	[sflag:s23] =	ssyncset.done $0x0  }
0x4c: {  	s21 =	rddreg [dreg:$0xb];
	[sflag:s23] =	ssyncadd.s32 $0xFFFFEC00  }
0x4d: {  	[tilespmem:s26], [sflag:$0x5] =	stream.linear.gather [hbm4b:s21+s2], $0x1400, $0x38;
	[tilespmem:$0x10800] =	vst v63  }
0x4e: {  	_ =	swait.ge [sflag:s23], $0x1400  }
0x4f: {  	[sflag:s23] =	ssyncset.done $0x0  }
0x50: {  	[sflag:s23] =	ssyncadd.s32 $0xFFFFEC00  }
0x51: {  	[tilespmem:s22], [sflag:$0x1] =	stream.indirect.gather [hbm4b:s4+s28], $0x40, s24, s28, $0xb8;
	[tilespmem:$0x10800] =	vst v63  }
0x52: {  	_ =	swait.ge [sflag:s29], $0x2000  }
0x53: {  	[sflag:s29] =	ssyncset.done $0x0  }
0x54: {  	[sflag:s29] =	ssyncadd.s32 $0xFFFFE000  }
0x55: {  	[tilespmem:s31], [sflag:$0x2] =	stream.indirect.gather [hbm4b:s4+s28], $0x40, s30, s28, $0xb8;
	[tilespmem:$0x10800] =	vst v63  }
0x56: {  	_ = 	snop  }
0x57: {  	[spmem:s1] =	stream.indirect.scatter.add.f32 [tilespmem:s22], [sflag:$0x3], $0x40, s26, s28, $0xb8;
	[tilespmem:$0x10800] =	vst v63  }
0x58: {  	_ =	swait.ge [sflag:s0], $0x2000  }
0x59: {  	[sflag:s0] =	ssyncset.done $0x0  }
0x5a: {  	[sflag:s0] =	ssyncadd.s32 $0xFFFFE000  }
0x5b: {  	_ =	swait.ge [sflag:s5], $0x2000  }
0x5c: {  	[sflag:s5] =	ssyncset.done $0x0  }
0x5d: {  	[sflag:s5] =	ssyncadd.s32 $0xFFFFE000  }
0x5e: {  	[tilespmem:s22], [sflag:$0x1] =	stream.indirect.gather [hbm4b:s4+s28], $0x40, s6, s28, $0xb8;
	[tilespmem:$0x10800] =	vst v63  }
0x5f: {  	_ = 	snop  }
0x60: {  	[spmem:s1] =	stream.indirect.scatter.add.f32 [tilespmem:s31], [sflag:$0x4], $0x40, s14, s28, $0xb8;
	[tilespmem:$0x10800] =	vst v63  }
0x61: {  	_ =	swait.ge [sflag:s29], $0x2000  }
0x62: {  	[sflag:s29] =	ssyncset.done $0x0  }
0x63: {  	[sflag:s29] =	ssyncadd.s32 $0xFFFFE000  }
0x64: {  	_ =	swait.ge [sflag:s15], $0x2000  }
0x65: {  	[sflag:s15] =	ssyncset.done $0x0  }
0x66: {  	[sflag:s15] =	ssyncadd.s32 $0xFFFFE000  }
0x67: {  	[tilespmem:s31], [sflag:$0x2] =	stream.indirect.gather [hbm4b:s4+s28], $0x40, s16, s28, $0xb8;
	[tilespmem:$0x10800] =	vst v63  }
0x68: {  	_ = 	snop  }
0x69: {  	[spmem:s1] =	stream.indirect.scatter.add.f32 [tilespmem:s22], [sflag:$0x3], $0x40, s17, s28, $0xb8;
	[tilespmem:$0x10800] =	vst v63  }
0x6a: {  	_ =	swait.ge [sflag:s0], $0x2000  }
0x6b: {  	[sflag:s0] =	ssyncset.done $0x0  }
0x6c: {  	[sflag:s0] =	ssyncadd.s32 $0xFFFFE000  }
0x6d: {  	_ =	swait.ge [sflag:s5], $0x2000  }
0x6e: {  	[sflag:s5] =	ssyncset.done $0x0  }
0x6f: {  	s20 =	simm.s32 $0xA200;
	[sflag:s5] =	ssyncadd.s32 $0xFFFFE000  }
0x70: {  	[tilespmem:s22], [sflag:$0x1] =	stream.indirect.gather [hbm4b:s4+s28], $0x40, s20, s28, $0xb8;
	[tilespmem:$0x10800] =	vst v63  }
0x71: {  	s21 =	simm.s32 $0xB580  }
0x72: {  	[spmem:s1] =	stream.indirect.scatter.add.f32 [tilespmem:s31], [sflag:$0x4], $0x40, s21, s28, $0xb8;
	[tilespmem:$0x10800] =	vst v63  }
0x73: {  	_ =	swait.ge [sflag:s29], $0x2000  }
0x74: {  	[sflag:s29] =	ssyncset.done $0x0  }
0x75: {  	[sflag:s29] =	ssyncadd.s32 $0xFFFFE000  }
0x76: {  	_ =	swait.ge [sflag:s15], $0x2000  }
0x77: {  	[sflag:s15] =	ssyncset.done $0x0  }
0x78: {  	s20 =	simm.s32 $0xA280;
	[sflag:s15] =	ssyncadd.s32 $0xFFFFE000  }
0x79: {  	[tilespmem:s31], [sflag:$0x2] =	stream.indirect.gather [hbm4b:s4+s28], $0x40, s20, s28, $0xb8;
	[tilespmem:$0x10800] =	vst v63  }
0x7a: {  	s21 =	simm.s32 $0xB600  }
0x7b: {  	[spmem:s1] =	stream.indirect.scatter.add.f32 [tilespmem:s22], [sflag:$0x3], $0x40, s21, s28, $0xb8;
	[tilespmem:$0x10800] =	vst v63  }
0x7c: {  	_ =	swait.ge [sflag:s0], $0x2000  }
0x7d: {  	s19 =	simm.s32 $0xFFFFBC00;
	[sflag:s0] =	ssyncset.done $0x0  }
.LBB2_5:
0x7e: {  	[sflag:s0] =	ssyncadd.s32 $0xFFFFE000;
	s20 =	smov.u32 s19;
	s19 =	sadd.s32 $0x400, s19  }
0x7f: {  	p1 =	sne.s32 s19, $0x0  }
0x80: {  	_ =	swait.ge [sflag:s5], $0x2000  }
0x81: {  	s20 =	sshra.s32 s20, $0x2;
	[sflag:s5] =	ssyncset.done $0x0  }
0x82: {  	s21 =	sadd.s32 $0xB400, s20;
	[sflag:s5] =	ssyncadd.s32 $0xFFFFE000  }
0x83: {  	[tilespmem:s22], [sflag:$0x1] =	stream.indirect.gather [hbm4b:s4+s28], $0x40, s21, s28, $0xb8;
	[tilespmem:$0x10800] =	vst v63  }
0x84: {  	s21 =	sadd.s32 $0xC780, s20  }
0x85: {  	[spmem:s1] =	stream.indirect.scatter.add.f32 [tilespmem:s31], [sflag:$0x4], $0x40, s21, s28, $0xb8;
	[tilespmem:$0x10800] =	vst v63  }
0x86: {  	_ =	swait.ge [sflag:s29], $0x2000  }
0x87: {  	[sflag:s29] =	ssyncset.done $0x0  }
0x88: {  	[sflag:s29] =	ssyncadd.s32 $0xFFFFE000  }
0x89: {  	_ =	swait.ge [sflag:s15], $0x2000  }
0x8a: {  	[sflag:s15] =	ssyncset.done $0x0  }
0x8b: {  	s21 =	sadd.s32 $0xB480, s20;
	[sflag:s15] =	ssyncadd.s32 $0xFFFFE000  }
0x8c: {  	[tilespmem:s31], [sflag:$0x2] =	stream.indirect.gather [hbm4b:s4+s28], $0x40, s21, s28, $0xb8;
	[tilespmem:$0x10800] =	vst v63  }
.Ltmp4:
0x8d: {  	_ = 	snop;
	(pc) =	sbr.rel @p1 .LBB2_5-.Ltmp4, $4  }
0x8e: {  	s20 =	sadd.s32 $0xC800, s20  }
0x8f: {  	[spmem:s1] =	stream.indirect.scatter.add.f32 [tilespmem:s22], [sflag:$0x3], $0x40, s20, s28, $0xb8;
	[tilespmem:$0x10800] =	vst v63  }
0x90: {  	_ =	swait.ge [sflag:s0], $0x2000  }
0x91: {  	[sflag:s0] =	ssyncset.done $0x0  }
0x92: {  	s19 =	sshra.s32 s19, $0x2  }
0x93: {  	[sflag:s0] =	ssyncadd.s32 $0xFFFFE000;
	s19 =	sadd.s32 $0xC780, s19  }
0x94: {  	[spmem:s1] =	stream.indirect.scatter.add.f32 [tilespmem:s31], [sflag:$0x4], $0x40, s19, s28, $0xb8;
	[tilespmem:$0x10800] =	vst v63  }
0x95: {  	_ =	swait.ge [sflag:s5], $0x2000  }
0x96: {  	[sflag:s5] =	ssyncset.done $0x0  }
0x97: {  	[sflag:s5] =	ssyncadd.s32 $0xFFFFE000  }
0x98: {  	_ =	swait.ge [sflag:s15], $0x2000  }
0x99: {  	[sflag:s15] =	ssyncset.done $0x0  }
0x9a: {  	s20 =	rddreg [dreg:$0xc];
	[sflag:s15] =	ssyncadd.s32 $0xFFFFE000  }
0x9b: {  	[tilespmem:s24], [sflag:$0x5] =	stream.linear.gather [hbm4b:s20+s2], $0x1400, $0x38;
	[tilespmem:$0x10800] =	vst v63  }
0x9c: {  	_ =	swait.ge [sflag:s23], $0x1400  }
0x9d: {  	[sflag:s23] =	ssyncset.done $0x0  }
0x9e: {  	s21 =	rddreg [dreg:$0xd];
	[sflag:s23] =	ssyncadd.s32 $0xFFFFEC00  }
0x9f: {  	[tilespmem:s26], [sflag:$0x5] =	stream.linear.gather [hbm4b:s21+s2], $0x1400, $0x38;
	[tilespmem:$0x10800] =	vst v63  }
0xa0: {  	_ =	swait.ge [sflag:s23], $0x1400  }
0xa1: {  	[sflag:s23] =	ssyncset.done $0x0  }
0xa2: {  	[sflag:s23] =	ssyncadd.s32 $0xFFFFEC00  }
0xa3: {  	[tilespmem:s22], [sflag:$0x1] =	stream.indirect.gather [hbm4b:s4+s28], $0x40, s24, s28, $0xb8;
	[tilespmem:$0x10800] =	vst v63  }
0xa4: {  	_ =	swait.ge [sflag:s29], $0x2000  }
0xa5: {  	[sflag:s29] =	ssyncset.done $0x0  }
0xa6: {  	[sflag:s29] =	ssyncadd.s32 $0xFFFFE000  }
0xa7: {  	[tilespmem:s31], [sflag:$0x2] =	stream.indirect.gather [hbm4b:s4+s28], $0x40, s30, s28, $0xb8;
	[tilespmem:$0x10800] =	vst v63  }
0xa8: {  	_ = 	snop  }
0xa9: {  	[spmem:s1] =	stream.indirect.scatter.add.f32 [tilespmem:s22], [sflag:$0x3], $0x40, s26, s28, $0xb8;
	[tilespmem:$0x10800] =	vst v63  }
0xaa: {  	_ =	swait.ge [sflag:s0], $0x2000  }
0xab: {  	[sflag:s0] =	ssyncset.done $0x0  }
0xac: {  	[sflag:s0] =	ssyncadd.s32 $0xFFFFE000  }
0xad: {  	_ =	swait.ge [sflag:s5], $0x2000  }
0xae: {  	[sflag:s5] =	ssyncset.done $0x0  }
0xaf: {  	[sflag:s5] =	ssyncadd.s32 $0xFFFFE000  }
0xb0: {  	[tilespmem:s22], [sflag:$0x1] =	stream.indirect.gather [hbm4b:s4+s28], $0x40, s6, s28, $0xb8;
	[tilespmem:$0x10800] =	vst v63  }
0xb1: {  	_ = 	snop  }
0xb2: {  	[spmem:s1] =	stream.indirect.scatter.add.f32 [tilespmem:s31], [sflag:$0x4], $0x40, s14, s28, $0xb8;
	[tilespmem:$0x10800] =	vst v63  }
0xb3: {  	_ =	swait.ge [sflag:s29], $0x2000  }
0xb4: {  	[sflag:s29] =	ssyncset.done $0x0  }
0xb5: {  	[sflag:s29] =	ssyncadd.s32 $0xFFFFE000  }
0xb6: {  	_ =	swait.ge [sflag:s15], $0x2000  }
0xb7: {  	[sflag:s15] =	ssyncset.done $0x0  }
0xb8: {  	[sflag:s15] =	ssyncadd.s32 $0xFFFFE000  }
0xb9: {  	[tilespmem:s31], [sflag:$0x2] =	stream.indirect.gather [hbm4b:s4+s28], $0x40, s16, s28, $0xb8;
	[tilespmem:$0x10800] =	vst v63  }
0xba: {  	_ = 	snop  }
0xbb: {  	[spmem:s1] =	stream.indirect.scatter.add.f32 [tilespmem:s22], [sflag:$0x3], $0x40, s17, s28, $0xb8;
	[tilespmem:$0x10800] =	vst v63  }
0xbc: {  	_ =	swait.ge [sflag:s0], $0x2000  }
0xbd: {  	[sflag:s0] =	ssyncset.done $0x0  }
0xbe: {  	[sflag:s0] =	ssyncadd.s32 $0xFFFFE000  }
0xbf: {  	_ =	swait.ge [sflag:s5], $0x2000  }
0xc0: {  	[sflag:s5] =	ssyncset.done $0x0  }
0xc1: {  	s20 =	simm.s32 $0xA200;
	[sflag:s5] =	ssyncadd.s32 $0xFFFFE000  }
0xc2: {  	[tilespmem:s22], [sflag:$0x1] =	stream.indirect.gather [hbm4b:s4+s28], $0x40, s20, s28, $0xb8;
	[tilespmem:$0x10800] =	vst v63  }
0xc3: {  	s21 =	simm.s32 $0xB580  }
0xc4: {  	[spmem:s1] =	stream.indirect.scatter.add.f32 [tilespmem:s31], [sflag:$0x4], $0x40, s21, s28, $0xb8;
	[tilespmem:$0x10800] =	vst v63  }
0xc5: {  	_ =	swait.ge [sflag:s29], $0x2000  }
0xc6: {  	[sflag:s29] =	ssyncset.done $0x0  }
0xc7: {  	[sflag:s29] =	ssyncadd.s32 $0xFFFFE000  }
0xc8: {  	_ =	swait.ge [sflag:s15], $0x2000  }
0xc9: {  	[sflag:s15] =	ssyncset.done $0x0  }
0xca: {  	s20 =	simm.s32 $0xA280;
	[sflag:s15] =	ssyncadd.s32 $0xFFFFE000  }
0xcb: {  	[tilespmem:s31], [sflag:$0x2] =	stream.indirect.gather [hbm4b:s4+s28], $0x40, s20, s28, $0xb8;
	[tilespmem:$0x10800] =	vst v63  }
0xcc: {  	s21 =	simm.s32 $0xB600  }
0xcd: {  	[spmem:s1] =	stream.indirect.scatter.add.f32 [tilespmem:s22], [sflag:$0x3], $0x40, s21, s28, $0xb8;
	[tilespmem:$0x10800] =	vst v63  }
0xce: {  	_ =	swait.ge [sflag:s0], $0x2000  }
0xcf: {  	s19 =	simm.s32 $0xFFFFBC00;
	[sflag:s0] =	ssyncset.done $0x0  }
.LBB2_7:
0xd0: {  	[sflag:s0] =	ssyncadd.s32 $0xFFFFE000;
	s20 =	smov.u32 s19;
	s19 =	sadd.s32 $0x400, s19  }
0xd1: {  	p1 =	sne.s32 s19, $0x0  }
0xd2: {  	_ =	swait.ge [sflag:s5], $0x2000  }
0xd3: {  	s20 =	sshra.s32 s20, $0x2;
	[sflag:s5] =	ssyncset.done $0x0  }
0xd4: {  	s21 =	sadd.s32 $0xB400, s20;
	[sflag:s5] =	ssyncadd.s32 $0xFFFFE000  }
0xd5: {  	[tilespmem:s22], [sflag:$0x1] =	stream.indirect.gather [hbm4b:s4+s28], $0x40, s21, s28, $0xb8;
	[tilespmem:$0x10800] =	vst v63  }
0xd6: {  	s21 =	sadd.s32 $0xC780, s20  }
0xd7: {  	[spmem:s1] =	stream.indirect.scatter.add.f32 [tilespmem:s31], [sflag:$0x4], $0x40, s21, s28, $0xb8;
	[tilespmem:$0x10800] =	vst v63  }
0xd8: {  	_ =	swait.ge [sflag:s29], $0x2000  }
0xd9: {  	[sflag:s29] =	ssyncset.done $0x0  }
0xda: {  	[sflag:s29] =	ssyncadd.s32 $0xFFFFE000  }
0xdb: {  	_ =	swait.ge [sflag:s15], $0x2000  }
0xdc: {  	[sflag:s15] =	ssyncset.done $0x0  }
0xdd: {  	s21 =	sadd.s32 $0xB480, s20;
	[sflag:s15] =	ssyncadd.s32 $0xFFFFE000  }
0xde: {  	[tilespmem:s31], [sflag:$0x2] =	stream.indirect.gather [hbm4b:s4+s28], $0x40, s21, s28, $0xb8;
	[tilespmem:$0x10800] =	vst v63  }
.Ltmp5:
0xdf: {  	_ = 	snop;
	(pc) =	sbr.rel @p1 .LBB2_7-.Ltmp5, $4  }
0xe0: {  	s20 =	sadd.s32 $0xC800, s20  }
0xe1: {  	[spmem:s1] =	stream.indirect.scatter.add.f32 [tilespmem:s22], [sflag:$0x3], $0x40, s20, s28, $0xb8;
	[tilespmem:$0x10800] =	vst v63  }
0xe2: {  	_ =	swait.ge [sflag:s0], $0x2000  }
0xe3: {  	[sflag:s0] =	ssyncset.done $0x0  }
0xe4: {  	s19 =	sshra.s32 s19, $0x2  }
0xe5: {  	[sflag:s0] =	ssyncadd.s32 $0xFFFFE000;
	s19 =	sadd.s32 $0xC780, s19  }
0xe6: {  	[spmem:s1] =	stream.indirect.scatter.add.f32 [tilespmem:s31], [sflag:$0x4], $0x40, s19, s28, $0xb8;
	[tilespmem:$0x10800] =	vst v63  }
0xe7: {  	_ =	swait.ge [sflag:s5], $0x2000  }
.Ltmp6:
0xe8: {  	[sflag:s5] =	ssyncset.done $0x0;
	(pc) =	sbr.rel .LBB2_14-.Ltmp6, $4  }
0xe9: {  	[sflag:s5] =	ssyncadd.s32 $0xFFFFE000  }
0xea: {  	_ =	swait.ge [sflag:s15], $0x2000  }
0xeb: {  	[sflag:s15] =	ssyncset.done $0x0  }
0xec: {  	s19 =	rddreg [dreg:$0x4];
	[sflag:s15] =	ssyncadd.s32 $0xFFFFE000  }
.LBB2_9:
0xed: {  	s19 =	rddreg [dreg:$0x6]  }
0xee: {  	[tilespmem:s24], [sflag:$0x5] =	stream.linear.gather [hbm4b:s19+s2], $0x1400, $0x38;
	[tilespmem:$0x10800] =	vst v63  }
0xef: {  	_ =	swait.ge [sflag:s23], $0x1400  }
0xf0: {  	[sflag:s23] =	ssyncset.done $0x0  }
0xf1: {  	s21 =	rddreg [dreg:$0x7];
	[sflag:s23] =	ssyncadd.s32 $0xFFFFEC00  }
0xf2: {  	[tilespmem:s26], [sflag:$0x5] =	stream.linear.gather [hbm4b:s21+s2], $0x1400, $0x38;
	[tilespmem:$0x10800] =	vst v63  }
0xf3: {  	_ =	swait.ge [sflag:s23], $0x1400  }
0xf4: {  	[sflag:s23] =	ssyncset.done $0x0  }
0xf5: {  	[sflag:s23] =	ssyncadd.s32 $0xFFFFEC00  }
0xf6: {  	[tilespmem:s22], [sflag:$0x1] =	stream.indirect.gather [hbm4b:s4+s28], $0x40, s24, s28, $0xb8;
	[tilespmem:$0x10800] =	vst v63  }
0xf7: {  	_ =	swait.ge [sflag:s29], $0x2000  }
0xf8: {  	[sflag:s29] =	ssyncset.done $0x0  }
0xf9: {  	[sflag:s29] =	ssyncadd.s32 $0xFFFFE000  }
0xfa: {  	[tilespmem:s31], [sflag:$0x2] =	stream.indirect.gather [hbm4b:s4+s28], $0x40, s30, s28, $0xb8;
	[tilespmem:$0x10800] =	vst v63  }
0xfb: {  	_ = 	snop  }
0xfc: {  	[spmem:s1] =	stream.indirect.scatter.add.f32 [tilespmem:s22], [sflag:$0x3], $0x40, s26, s28, $0xb8;
	[tilespmem:$0x10800] =	vst v63  }
0xfd: {  	_ =	swait.ge [sflag:s0], $0x2000  }
0xfe: {  	[sflag:s0] =	ssyncset.done $0x0  }
0xff: {  	[sflag:s0] =	ssyncadd.s32 $0xFFFFE000  }
0x100: {  	_ =	swait.ge [sflag:s5], $0x2000  }
0x101: {  	[sflag:s5] =	ssyncset.done $0x0  }
0x102: {  	[sflag:s5] =	ssyncadd.s32 $0xFFFFE000  }
0x103: {  	[tilespmem:s22], [sflag:$0x1] =	stream.indirect.gather [hbm4b:s4+s28], $0x40, s6, s28, $0xb8;
	[tilespmem:$0x10800] =	vst v63  }
0x104: {  	_ = 	snop  }
0x105: {  	[spmem:s1] =	stream.indirect.scatter.add.f32 [tilespmem:s31], [sflag:$0x4], $0x40, s14, s28, $0xb8;
	[tilespmem:$0x10800] =	vst v63  }
0x106: {  	_ =	swait.ge [sflag:s29], $0x2000  }
0x107: {  	[sflag:s29] =	ssyncset.done $0x0  }
0x108: {  	[sflag:s29] =	ssyncadd.s32 $0xFFFFE000  }
0x109: {  	_ =	swait.ge [sflag:s15], $0x2000  }
0x10a: {  	[sflag:s15] =	ssyncset.done $0x0  }
0x10b: {  	[sflag:s15] =	ssyncadd.s32 $0xFFFFE000  }
0x10c: {  	[tilespmem:s31], [sflag:$0x2] =	stream.indirect.gather [hbm4b:s4+s28], $0x40, s16, s28, $0xb8;
	[tilespmem:$0x10800] =	vst v63  }
0x10d: {  	_ = 	snop  }
0x10e: {  	[spmem:s1] =	stream.indirect.scatter.add.f32 [tilespmem:s22], [sflag:$0x3], $0x40, s17, s28, $0xb8;
	[tilespmem:$0x10800] =	vst v63  }
0x10f: {  	_ =	swait.ge [sflag:s0], $0x2000  }
0x110: {  	[sflag:s0] =	ssyncset.done $0x0  }
0x111: {  	[sflag:s0] =	ssyncadd.s32 $0xFFFFE000  }
0x112: {  	_ =	swait.ge [sflag:s5], $0x2000  }
0x113: {  	[sflag:s5] =	ssyncset.done $0x0  }
0x114: {  	s20 =	simm.s32 $0xA200;
	[sflag:s5] =	ssyncadd.s32 $0xFFFFE000  }
0x115: {  	[tilespmem:s22], [sflag:$0x1] =	stream.indirect.gather [hbm4b:s4+s28], $0x40, s20, s28, $0xb8;
	[tilespmem:$0x10800] =	vst v63  }
0x116: {  	s21 =	simm.s32 $0xB580  }
0x117: {  	[spmem:s1] =	stream.indirect.scatter.add.f32 [tilespmem:s31], [sflag:$0x4], $0x40, s21, s28, $0xb8;
	[tilespmem:$0x10800] =	vst v63  }
0x118: {  	_ =	swait.ge [sflag:s29], $0x2000  }
0x119: {  	[sflag:s29] =	ssyncset.done $0x0  }
0x11a: {  	[sflag:s29] =	ssyncadd.s32 $0xFFFFE000  }
0x11b: {  	_ =	swait.ge [sflag:s15], $0x2000  }
0x11c: {  	[sflag:s15] =	ssyncset.done $0x0  }
0x11d: {  	s20 =	simm.s32 $0xA280;
	[sflag:s15] =	ssyncadd.s32 $0xFFFFE000  }
0x11e: {  	[tilespmem:s31], [sflag:$0x2] =	stream.indirect.gather [hbm4b:s4+s28], $0x40, s20, s28, $0xb8;
	[tilespmem:$0x10800] =	vst v63  }
0x11f: {  	s21 =	simm.s32 $0xB600  }
0x120: {  	[spmem:s1] =	stream.indirect.scatter.add.f32 [tilespmem:s22], [sflag:$0x3], $0x40, s21, s28, $0xb8;
	[tilespmem:$0x10800] =	vst v63  }
0x121: {  	_ =	swait.ge [sflag:s0], $0x2000  }
0x122: {  	s19 =	simm.s32 $0xFFFFBC00;
	[sflag:s0] =	ssyncset.done $0x0  }
.LBB2_10:
0x123: {  	[sflag:s0] =	ssyncadd.s32 $0xFFFFE000;
	s20 =	smov.u32 s19;
	s19 =	sadd.s32 $0x400, s19  }
0x124: {  	p1 =	sne.s32 s19, $0x0  }
0x125: {  	_ =	swait.ge [sflag:s5], $0x2000  }
0x126: {  	s20 =	sshra.s32 s20, $0x2;
	[sflag:s5] =	ssyncset.done $0x0  }
0x127: {  	s21 =	sadd.s32 $0xB400, s20;
	[sflag:s5] =	ssyncadd.s32 $0xFFFFE000  }
0x128: {  	[tilespmem:s22], [sflag:$0x1] =	stream.indirect.gather [hbm4b:s4+s28], $0x40, s21, s28, $0xb8;
	[tilespmem:$0x10800] =	vst v63  }
0x129: {  	s21 =	sadd.s32 $0xC780, s20  }
0x12a: {  	[spmem:s1] =	stream.indirect.scatter.add.f32 [tilespmem:s31], [sflag:$0x4], $0x40, s21, s28, $0xb8;
	[tilespmem:$0x10800] =	vst v63  }
0x12b: {  	_ =	swait.ge [sflag:s29], $0x2000  }
0x12c: {  	[sflag:s29] =	ssyncset.done $0x0  }
0x12d: {  	[sflag:s29] =	ssyncadd.s32 $0xFFFFE000  }
0x12e: {  	_ =	swait.ge [sflag:s15], $0x2000  }
0x12f: {  	[sflag:s15] =	ssyncset.done $0x0  }
0x130: {  	s21 =	sadd.s32 $0xB480, s20;
	[sflag:s15] =	ssyncadd.s32 $0xFFFFE000  }
0x131: {  	[tilespmem:s31], [sflag:$0x2] =	stream.indirect.gather [hbm4b:s4+s28], $0x40, s21, s28, $0xb8;
	[tilespmem:$0x10800] =	vst v63  }
.Ltmp7:
0x132: {  	_ = 	snop;
	(pc) =	sbr.rel @p1 .LBB2_10-.Ltmp7, $4  }
0x133: {  	s20 =	sadd.s32 $0xC800, s20  }
0x134: {  	[spmem:s1] =	stream.indirect.scatter.add.f32 [tilespmem:s22], [sflag:$0x3], $0x40, s20, s28, $0xb8;
	[tilespmem:$0x10800] =	vst v63  }
0x135: {  	_ =	swait.ge [sflag:s0], $0x2000  }
0x136: {  	[sflag:s0] =	ssyncset.done $0x0  }
0x137: {  	s19 =	sshra.s32 s19, $0x2  }
0x138: {  	[sflag:s0] =	ssyncadd.s32 $0xFFFFE000;
	s19 =	sadd.s32 $0xC780, s19  }
0x139: {  	[spmem:s1] =	stream.indirect.scatter.add.f32 [tilespmem:s31], [sflag:$0x4], $0x40, s19, s28, $0xb8;
	[tilespmem:$0x10800] =	vst v63  }
0x13a: {  	_ =	swait.ge [sflag:s5], $0x2000  }
0x13b: {  	[sflag:s5] =	ssyncset.done $0x0  }
0x13c: {  	[sflag:s5] =	ssyncadd.s32 $0xFFFFE000  }
0x13d: {  	_ =	swait.ge [sflag:s15], $0x2000  }
0x13e: {  	[sflag:s15] =	ssyncset.done $0x0  }
0x13f: {  	s20 =	rddreg [dreg:$0x8];
	[sflag:s15] =	ssyncadd.s32 $0xFFFFE000  }
0x140: {  	[tilespmem:s24], [sflag:$0x5] =	stream.linear.gather [hbm4b:s20+s2], $0x1400, $0x38;
	[tilespmem:$0x10800] =	vst v63  }
0x141: {  	_ =	swait.ge [sflag:s23], $0x1400  }
0x142: {  	[sflag:s23] =	ssyncset.done $0x0  }
0x143: {  	s21 =	rddreg [dreg:$0x9];
	[sflag:s23] =	ssyncadd.s32 $0xFFFFEC00  }
0x144: {  	[tilespmem:s26], [sflag:$0x5] =	stream.linear.gather [hbm4b:s21+s2], $0x1400, $0x38;
	[tilespmem:$0x10800] =	vst v63  }
0x145: {  	_ =	swait.ge [sflag:s23], $0x1400  }
0x146: {  	[sflag:s23] =	ssyncset.done $0x0  }
0x147: {  	[sflag:s23] =	ssyncadd.s32 $0xFFFFEC00  }
0x148: {  	[tilespmem:s22], [sflag:$0x1] =	stream.indirect.gather [hbm4b:s4+s28], $0x40, s24, s28, $0xb8;
	[tilespmem:$0x10800] =	vst v63  }
0x149: {  	_ =	swait.ge [sflag:s29], $0x2000  }
0x14a: {  	[sflag:s29] =	ssyncset.done $0x0  }
0x14b: {  	[sflag:s29] =	ssyncadd.s32 $0xFFFFE000  }
0x14c: {  	[tilespmem:s31], [sflag:$0x2] =	stream.indirect.gather [hbm4b:s4+s28], $0x40, s30, s28, $0xb8;
	[tilespmem:$0x10800] =	vst v63  }
0x14d: {  	_ = 	snop  }
0x14e: {  	[spmem:s1] =	stream.indirect.scatter.add.f32 [tilespmem:s22], [sflag:$0x3], $0x40, s26, s28, $0xb8;
	[tilespmem:$0x10800] =	vst v63  }
0x14f: {  	_ =	swait.ge [sflag:s0], $0x2000  }
0x150: {  	[sflag:s0] =	ssyncset.done $0x0  }
0x151: {  	[sflag:s0] =	ssyncadd.s32 $0xFFFFE000  }
0x152: {  	_ =	swait.ge [sflag:s5], $0x2000  }
0x153: {  	[sflag:s5] =	ssyncset.done $0x0  }
0x154: {  	[sflag:s5] =	ssyncadd.s32 $0xFFFFE000  }
0x155: {  	[tilespmem:s22], [sflag:$0x1] =	stream.indirect.gather [hbm4b:s4+s28], $0x40, s6, s28, $0xb8;
	[tilespmem:$0x10800] =	vst v63  }
0x156: {  	_ = 	snop  }
0x157: {  	[spmem:s1] =	stream.indirect.scatter.add.f32 [tilespmem:s31], [sflag:$0x4], $0x40, s14, s28, $0xb8;
	[tilespmem:$0x10800] =	vst v63  }
0x158: {  	_ =	swait.ge [sflag:s29], $0x2000  }
0x159: {  	[sflag:s29] =	ssyncset.done $0x0  }
0x15a: {  	[sflag:s29] =	ssyncadd.s32 $0xFFFFE000  }
0x15b: {  	_ =	swait.ge [sflag:s15], $0x2000  }
0x15c: {  	[sflag:s15] =	ssyncset.done $0x0  }
0x15d: {  	[sflag:s15] =	ssyncadd.s32 $0xFFFFE000  }
0x15e: {  	[tilespmem:s31], [sflag:$0x2] =	stream.indirect.gather [hbm4b:s4+s28], $0x40, s16, s28, $0xb8;
	[tilespmem:$0x10800] =	vst v63  }
0x15f: {  	_ = 	snop  }
0x160: {  	[spmem:s1] =	stream.indirect.scatter.add.f32 [tilespmem:s22], [sflag:$0x3], $0x40, s17, s28, $0xb8;
	[tilespmem:$0x10800] =	vst v63  }
0x161: {  	_ =	swait.ge [sflag:s0], $0x2000  }
0x162: {  	[sflag:s0] =	ssyncset.done $0x0  }
0x163: {  	[sflag:s0] =	ssyncadd.s32 $0xFFFFE000  }
0x164: {  	_ =	swait.ge [sflag:s5], $0x2000  }
0x165: {  	[sflag:s5] =	ssyncset.done $0x0  }
0x166: {  	s20 =	simm.s32 $0xA200;
	[sflag:s5] =	ssyncadd.s32 $0xFFFFE000  }
0x167: {  	[tilespmem:s22], [sflag:$0x1] =	stream.indirect.gather [hbm4b:s4+s28], $0x40, s20, s28, $0xb8;
	[tilespmem:$0x10800] =	vst v63  }
0x168: {  	s21 =	simm.s32 $0xB580  }
0x169: {  	[spmem:s1] =	stream.indirect.scatter.add.f32 [tilespmem:s31], [sflag:$0x4], $0x40, s21, s28, $0xb8;
	[tilespmem:$0x10800] =	vst v63  }
0x16a: {  	_ =	swait.ge [sflag:s29], $0x2000  }
0x16b: {  	[sflag:s29] =	ssyncset.done $0x0  }
0x16c: {  	[sflag:s29] =	ssyncadd.s32 $0xFFFFE000  }
0x16d: {  	_ =	swait.ge [sflag:s15], $0x2000  }
0x16e: {  	[sflag:s15] =	ssyncset.done $0x0  }
0x16f: {  	s20 =	simm.s32 $0xA280;
	[sflag:s15] =	ssyncadd.s32 $0xFFFFE000  }
0x170: {  	[tilespmem:s31], [sflag:$0x2] =	stream.indirect.gather [hbm4b:s4+s28], $0x40, s20, s28, $0xb8;
	[tilespmem:$0x10800] =	vst v63  }
0x171: {  	s21 =	simm.s32 $0xB600  }
0x172: {  	[spmem:s1] =	stream.indirect.scatter.add.f32 [tilespmem:s22], [sflag:$0x3], $0x40, s21, s28, $0xb8;
	[tilespmem:$0x10800] =	vst v63  }
0x173: {  	_ =	swait.ge [sflag:s0], $0x2000  }
0x174: {  	s19 =	simm.s32 $0xFFFFBC00;
	[sflag:s0] =	ssyncset.done $0x0  }
.LBB2_12:
0x175: {  	[sflag:s0] =	ssyncadd.s32 $0xFFFFE000;
	s20 =	smov.u32 s19;
	s19 =	sadd.s32 $0x400, s19  }
0x176: {  	p1 =	sne.s32 s19, $0x0  }
0x177: {  	_ =	swait.ge [sflag:s5], $0x2000  }
0x178: {  	s20 =	sshra.s32 s20, $0x2;
	[sflag:s5] =	ssyncset.done $0x0  }
0x179: {  	s21 =	sadd.s32 $0xB400, s20;
	[sflag:s5] =	ssyncadd.s32 $0xFFFFE000  }
0x17a: {  	[tilespmem:s22], [sflag:$0x1] =	stream.indirect.gather [hbm4b:s4+s28], $0x40, s21, s28, $0xb8;
	[tilespmem:$0x10800] =	vst v63  }
0x17b: {  	s21 =	sadd.s32 $0xC780, s20  }
0x17c: {  	[spmem:s1] =	stream.indirect.scatter.add.f32 [tilespmem:s31], [sflag:$0x4], $0x40, s21, s28, $0xb8;
	[tilespmem:$0x10800] =	vst v63  }
0x17d: {  	_ =	swait.ge [sflag:s29], $0x2000  }
0x17e: {  	[sflag:s29] =	ssyncset.done $0x0  }
0x17f: {  	[sflag:s29] =	ssyncadd.s32 $0xFFFFE000  }
0x180: {  	_ =	swait.ge [sflag:s15], $0x2000  }
0x181: {  	[sflag:s15] =	ssyncset.done $0x0  }
0x182: {  	s21 =	sadd.s32 $0xB480, s20;
	[sflag:s15] =	ssyncadd.s32 $0xFFFFE000  }
0x183: {  	[tilespmem:s31], [sflag:$0x2] =	stream.indirect.gather [hbm4b:s4+s28], $0x40, s21, s28, $0xb8;
	[tilespmem:$0x10800] =	vst v63  }
.Ltmp8:
0x184: {  	_ = 	snop;
	(pc) =	sbr.rel @p1 .LBB2_12-.Ltmp8, $4  }
0x185: {  	s20 =	sadd.s32 $0xC800, s20  }
0x186: {  	[spmem:s1] =	stream.indirect.scatter.add.f32 [tilespmem:s22], [sflag:$0x3], $0x40, s20, s28, $0xb8;
	[tilespmem:$0x10800] =	vst v63  }
0x187: {  	_ =	swait.ge [sflag:s0], $0x2000  }
0x188: {  	[sflag:s0] =	ssyncset.done $0x0  }
.Ltmp9:
0x189: {  	_ = 	snop;
	(pc) =	sbr.rel .LBB2_13-.Ltmp9, $1  }
0x18a: {  	_ =	sdelay $0x3  }
.LBB2_15:
0x18b: {  	_ =	sfence.sel $0x180000  }
0x18c: {  	[bflag:$0x0] =	sbarrier.arrive $0xFFFF  }
0x18d: {  	_ =	strace $0x90000053  }
0x18e: {  	[bflag:$0x2] =	sbarrier.arrive $0xFFFF  }
0x18f: {  	p0 =	sne.s32 s3, $0x0;
	s0 =	rddreg [dreg:$0x3]  }
0x190: {  	s0 =	sadd.s32 @!p0 $0x100000, s0  }
0x191: {  	[sflag:s0] =	ssyncadd.tile.s32 @!p0 $0x1;
	_ =	shalt  }
.Lfunc_end2:
_tile_overlayer_lowered:
.L_overlay_start_2:
0x192: {  	(tag) =	ssettag $0x2  }
0x193: {  	s0 =	rddreg [dreg:$0x0];
	s2 =	stileid.u32  }
0x194: {  	s1 =	rddreg [dreg:$0x1];
	p0 =	sne.s32 s2, $0x0  }
0x195: {  	s3 =	rddreg [dreg:$0x2];
	[bflag:$0x3] =	sbarrier.arrive $0xFFFF;
	s2 =	simm.s32 @!p0 $0x1C05  }
0x196: {  	[timem:s3], [sflag:s2] =	dma.local @!p0 [hbm:s0], s1  }
0x197: {  	s0 =	simm.s32 @!p0 $0x5  }
0x198: {  	_ =	swait.ge @!p0 [sflag:s0], s1  }
0x199: {  	s1 =	ssub.s32 @!p0 $0x0, s1;
	[sflag:s0] =	ssyncset.done @!p0 $0x0  }
0x19a: {  	[sflag:s0] =	ssyncadd.s32 @!p0 s1  }
0x19b: {  	[bflag:$0x3] =	sbarrier.arrive $0xFFFF  }
0x19c: {  	_ =	shalt  }

</sc_bundles>
